<compile_context>
chip_gen: v7x
topology: tpu7x:2x2x1
jax: 0.10.2.dev20260603
libtpu: 0.0.44.dev20260713+nightly
codegen_flags: <defaults>
</compile_context>

<pallas_src>
import functools

import jax
import jax.numpy as jnp
from jax import lax
from jax.experimental import pallas as pl
from jax.experimental.pallas import tpu as pltpu
from jax.experimental.pallas import tpu_sc as plsc

N_NODES = 10000
N_GRAPHS = 64
D_IN = 128
H1 = 128
H2 = 64
D_OUT = 10
N_EDGES = 320000

NC = 2
NS = 16
NW = NC * NS
CHUNK = 128
NCH_TOT = N_EDGES // CHUNK
BASE_CH = NCH_TOT // NW
EXTRA = NCH_TOT % NW
MAX_CH = BASE_CH + 1
HALF = 40
N_PAD = 10240
ROWS_PT = N_PAD // NS
NBUF1 = 2
NBUF2 = 4
RB = 2560
NB = N_PAD // RB


def _worker_range(wid):
    start = wid * BASE_CH + jnp.minimum(wid, EXTRA)
    nch = BASE_CH + jnp.where(wid < EXTRA, 1, 0)
    return start, nch


def _load_chunks(ei_hbm, comp, start, wid, buf):
    pltpu.sync_copy(ei_hbm.at[pl.ds(start, BASE_CH), comp],
                    buf.at[pl.ds(0, BASE_CH)])

    @pl.when(wid < EXTRA)
    def _():
        pltpu.sync_copy(ei_hbm.at[pl.ds(start + BASE_CH, 1), comp],
                        buf.at[pl.ds(BASE_CH, 1)])


def _sc_degree(dst_r):
    mesh = plsc.VectorSubcoreMesh(core_axis_name="c", subcore_axis_name="s")

    @functools.partial(
        pl.kernel,
        out_type=jax.ShapeDtypeStruct((NC, N_PAD), jnp.float32),
        mesh=mesh,
        scratch_types=[
            pltpu.VMEM((MAX_CH, CHUNK), jnp.int32),
            pltpu.VMEM((CHUNK,), jnp.float32),
            pltpu.VMEM((ROWS_PT,), jnp.float32),
            pltpu.VMEM_SHARED((N_PAD,), jnp.float32),
        ],
        compiler_params=pltpu.CompilerParams(use_tc_tiling_on_sc=False),
    )
    def deg_kernel(ei_hbm, out_hbm, idx_v, ones_v, stage_v, acc_sh):
        c = lax.axis_index("c")
        s = lax.axis_index("s")
        wid = s * NC + c
        start, nch = _worker_range(wid)

        def zfill(i, _):
            stage_v[pl.ds(i * 16, 16)] = jnp.zeros((16,), jnp.float32)
            return 0

        lax.fori_loop(0, ROWS_PT // 16, zfill, 0)

        def ofill(i, _):
            ones_v[pl.ds(i * 16, 16)] = jnp.ones((16,), jnp.float32)
            return 0

        lax.fori_loop(0, CHUNK // 16, ofill, 0)

        pltpu.sync_copy(stage_v, acc_sh.at[pl.ds(s * ROWS_PT, ROWS_PT)])
        _load_chunks(ei_hbm, 1, start, wid, idx_v)
        plsc.subcore_barrier()

        def edge_body(j, _):
            pltpu.sync_copy(ones_v, acc_sh.at[idx_v.at[j]], add=True)
            return 0

        lax.fori_loop(0, nch, edge_body, 0)
        plsc.subcore_barrier()
        pltpu.sync_copy(acc_sh.at[pl.ds(s * ROWS_PT, ROWS_PT)], stage_v)
        pltpu.sync_copy(stage_v, out_hbm.at[c, pl.ds(s * ROWS_PT, ROWS_PT)])

    return deg_kernel(dst_r)


def _sc_spmm(p, src_r, d, nbuf, out_width):
    mesh = plsc.VectorSubcoreMesh(core_axis_name="c", subcore_axis_name="s")

    @functools.partial(
        pl.kernel,
        out_type=jax.ShapeDtypeStruct((NC, N_PAD, out_width), jnp.float32),
        mesh=mesh,
        scratch_types=[
            pltpu.VMEM((MAX_CH, CHUNK), jnp.int32),
            pltpu.VMEM((HALF, CHUNK), jnp.int32),
            pltpu.VMEM((nbuf, CHUNK, d), jnp.float32),
            pltpu.VMEM_SHARED((N_PAD, d), jnp.float32),
            pltpu.SemaphoreType.DMA((nbuf,)),
        ],
        compiler_params=pltpu.CompilerParams(use_tc_tiling_on_sc=False),
    )
    def spmm_kernel(p_hbm, ei_hbm, out_hbm, sidx, didx, rows,
                    acc_sh, gsem):
        c = lax.axis_index("c")
        s = lax.axis_index("s")
        wid = s * NC + c
        start, nch = _worker_range(wid)

        def zrow(i, _):
            for q in range(d // 16):
                rows[0, i, pl.ds(q * 16, 16)] = jnp.zeros((16,), jnp.float32)
            return 0

        lax.fori_loop(0, CHUNK, zrow, 0)
        for t in range(ROWS_PT // CHUNK):
            pltpu.sync_copy(
                rows.at[0], acc_sh.at[pl.ds(s * ROWS_PT + t * CHUNK, CHUNK)])
        _load_chunks(ei_hbm, 0, start, wid, sidx)
        for b in range(nbuf):
            pltpu.async_copy(p_hbm.at[sidx.at[b]], rows.at[b], gsem.at[b])
        plsc.subcore_barrier()

        def gather_wait(j, b):
            pltpu.make_async_copy(
                p_hbm.at[sidx.at[j]], rows.at[b], gsem.at[b]).wait()

        def issue_ahead(j, b):
            @pl.when(j + nbuf < nch)
            def _():
                pltpu.async_copy(
                    p_hbm.at[sidx.at[j + nbuf]], rows.at[b], gsem.at[b])

        pltpu.sync_copy(ei_hbm.at[pl.ds(start, HALF), 1], didx)

        def body0(jj, _):
            for b in range(nbuf):
                j = jj * nbuf + b
                gather_wait(j, b)
                pltpu.sync_copy(rows.at[b], acc_sh.at[didx.at[j]], add=True)
                issue_ahead(j, b)
            return 0

        lax.fori_loop(0, HALF // nbuf, body0, 0)

        pltpu.sync_copy(ei_hbm.at[pl.ds(start + nch - HALF, HALF), 1], didx)

        def body1(j, _):
            b = lax.rem(j, nbuf)
            gather_wait(j, b)
            pltpu.sync_copy(
                rows.at[b], acc_sh.at[didx.at[j - (nch - HALF)]], add=True)
            issue_ahead(j, b)
            return 0

        lax.fori_loop(HALF, nch, body1, 0)

        plsc.subcore_barrier()
        for t in range(ROWS_PT // CHUNK):
            r0 = s * ROWS_PT + t * CHUNK
            pltpu.sync_copy(acc_sh.at[pl.ds(r0, CHUNK)], rows.at[0])
            if out_width == d:
                pltpu.sync_copy(rows.at[0], out_hbm.at[c, pl.ds(r0, CHUNK)])
            else:
                pltpu.sync_copy(
                    rows.at[0], out_hbm.at[c, pl.ds(r0, CHUNK), pl.ds(0, d)])

    return spmm_kernel(p, src_r)


def _tc_h1(x, W1):

    def body(x_ref, w_ref, h_ref):
        i = pl.program_id(0)
        h = jnp.dot(x_ref[...], w_ref[...], preferred_element_type=jnp.float32)
        rows = lax.broadcasted_iota(jnp.int32, (RB, 1), 0) + i * RB
        h_ref[...] = jnp.where(rows < N_NODES, h, 0.0)

    return pl.pallas_call(
        body,
        grid=(NB,),
        in_specs=[
            pl.BlockSpec((RB, D_IN), lambda i: (i, 0)),
            pl.BlockSpec((D_IN, H1), lambda i: (0, 0)),
        ],
        out_specs=pl.BlockSpec((RB, H1), lambda i: (i, 0)),
        out_shape=jax.ShapeDtypeStruct((N_PAD, H1), jnp.float32),
    )(x, W1)


def _tc_scale(h1, deg_parts):

    def body(h_ref, dp_ref, p_ref, dis_ref):
        deg = dp_ref[0] + dp_ref[1] + 1.0
        dis = jnp.reshape(lax.rsqrt(deg), (RB, 1))
        p_ref[...] = h_ref[...] * dis
        dis_ref[...] = dis

    return pl.pallas_call(
        body,
        grid=(NB,),
        in_specs=[
            pl.BlockSpec((RB, H1), lambda i: (i, 0)),
            pl.BlockSpec((NC, RB), lambda i: (0, i)),
        ],
        out_specs=[
            pl.BlockSpec((RB, H1), lambda i: (i, 0)),
            pl.BlockSpec((RB, 1), lambda i: (i, 0)),
        ],
        out_shape=[
            jax.ShapeDtypeStruct((N_PAD, H1), jnp.float32),
            jax.ShapeDtypeStruct((N_PAD, 1), jnp.float32),
        ],
    )(h1, deg_parts)


def _tc2(s1, p1, dis, b1, W2):

    def body(s_ref, p_ref, dis_ref, bias_ref, w_ref, o_ref):
        dis = dis_ref[...]
        t = jnp.maximum(
            dis * (s_ref[0] + s_ref[1] + p_ref[...]) + bias_ref[...], 0.0)
        o_ref[...] = dis * jnp.dot(
            t, w_ref[...], preferred_element_type=jnp.float32)

    return pl.pallas_call(
        body,
        grid=(NB,),
        in_specs=[
            pl.BlockSpec((NC, RB, H1), lambda i: (0, i, 0)),
            pl.BlockSpec((RB, H1), lambda i: (i, 0)),
            pl.BlockSpec((RB, 1), lambda i: (i, 0)),
            pl.BlockSpec((1, H1), lambda i: (0, 0)),
            pl.BlockSpec((H1, H2), lambda i: (0, 0)),
        ],
        out_specs=pl.BlockSpec((RB, H2), lambda i: (i, 0)),
        out_shape=jax.ShapeDtypeStruct((N_PAD, H2), jnp.float32),
    )(s1, p1, dis, b1, W2)


def _tc3(s2, p2, dis, b2, batch_row, Wfc, bfc):

    def body(s_ref, p_ref, dis_ref, bias_ref, bt_ref, wfc_ref, bfc_ref,
             o_ref, sums, cnts):
        i = pl.program_id(0)

        @pl.when(i == 0)
        def _():
            sums[...] = jnp.zeros_like(sums)
            cnts[...] = jnp.zeros_like(cnts)

        dis = dis_ref[...]
        sv = s_ref[...]
        t = jnp.maximum(
            dis * (sv[0, :, :H2] + sv[1, :, :H2] + p_ref[...])
            + bias_ref[...], 0.0)
        b = bt_ref[0]
        gid = lax.broadcasted_iota(jnp.int32, (N_GRAPHS, RB), 0)
        col = lax.broadcasted_iota(jnp.int32, (N_GRAPHS, RB), 1) + i * RB
        oh = ((b == gid) & (col < N_NODES)).astype(jnp.float32)
        sums[...] += lax.dot_general(
            oh, t, (((1,), (0,)), ((), ())),
            preferred_element_type=jnp.float32,
            precision=lax.Precision.HIGHEST)
        cnts[...] += lax.dot_general(
            oh, jnp.ones((RB, 1), jnp.float32), (((1,), (0,)), ((), ())),
            preferred_element_type=jnp.float32,
            precision=lax.Precision.HIGHEST)

        @pl.when(i == NB - 1)
        def _():
            g = sums[...] / jnp.maximum(cnts[...], 1.0)
            logits = jnp.dot(
                g, wfc_ref[...], preferred_element_type=jnp.float32,
                precision=lax.Precision.HIGHEST) + bfc_ref[...]
            m = jnp.max(logits, axis=1, keepdims=True)
            e = jnp.exp(logits - m)
            o_ref[...] = e / jnp.sum(e, axis=1, keepdims=True)

    return pl.pallas_call(
        body,
        grid=(NB,),
        in_specs=[
            pl.BlockSpec((NC, RB, 128), lambda i: (0, i, 0)),
            pl.BlockSpec((RB, H2), lambda i: (i, 0)),
            pl.BlockSpec((RB, 1), lambda i: (i, 0)),
            pl.BlockSpec((1, H2), lambda i: (0, 0)),
            pl.BlockSpec((1, 1, RB), lambda i: (0, 0, i)),
            pl.BlockSpec((H2, D_OUT), lambda i: (0, 0)),
            pl.BlockSpec((1, D_OUT), lambda i: (0, 0)),
        ],
        out_specs=pl.BlockSpec((N_GRAPHS, D_OUT), lambda i: (0, 0)),
        out_shape=jax.ShapeDtypeStruct((N_GRAPHS, D_OUT), jnp.float32),
        scratch_shapes=[
            pltpu.VMEM((N_GRAPHS, H2), jnp.float32),
            pltpu.VMEM((N_GRAPHS, 1), jnp.float32),
        ],
    )(s2, p2, dis, b2, batch_row, Wfc, bfc)


def kernel(x, edge_index, batch, W1, b1, W2, b2, Wfc, bfc):
    ei = jnp.transpose(
        edge_index.astype(jnp.int32).reshape(2, NCH_TOT, CHUNK), (1, 0, 2))
    batch_row = batch.astype(jnp.int32).reshape(1, 1, N_NODES)

    deg_parts = _sc_degree(ei)
    h1 = _tc_h1(x, W1)
    p1, dis = _tc_scale(h1, deg_parts)
    s1 = _sc_spmm(p1, ei, H1, NBUF1, H1)
    p2 = _tc2(s1, p1, dis, b1.reshape(1, H1), W2)
    s2 = _sc_spmm(p2, ei, H2, NBUF2, 128)
    return _tc3(s2, p2, dis, b2.reshape(1, H2), batch_row,
                Wfc, bfc.reshape(1, D_OUT))

# --- scband reference (transcript-rebuilt; emitter-appended) ---
"""Pipeline reference for scband-gnn-12695923327103 (READ-ONLY COPY).

The authoritative reference and input builder live on the scoring server;
editing this copy changes nothing except your own understanding.
"""

import jax, jax.numpy as jnp
import numpy as np

N_NODES = 10000
N_EDGES = 320000
D_IN = 128
H1 = 128
H2 = 64
D_OUT = 10
N_GRAPHS = 64


def gcn_conv(x, edge_index, W, b):
    N = x.shape[0]
    src = edge_index[0]
    dst = edge_index[1]
    # add self-loops (PyG GCNConv default)
    loop = jnp.arange(N, dtype=edge_index.dtype)
    src = jnp.concatenate([src, loop])
    dst = jnp.concatenate([dst, loop])
    h = x @ W
    deg = jnp.zeros((N,), dtype=x.dtype).at[dst].add(1.0)
    deg_inv_sqrt = jnp.where(deg > 0, deg ** -0.5, 0.0)
    norm = deg_inv_sqrt[src] * deg_inv_sqrt[dst]
    msg = h[src] * norm[:, None]
    out = jnp.zeros_like(h).at[dst].add(msg)
    return out + b


def global_mean_pool(x, batch, num_graphs):
    sums = jax.ops.segment_sum(x, batch, num_segments=num_graphs)
    cnts = jax.ops.segment_sum(jnp.ones((x.shape[0],), dtype=x.dtype), batch, num_segments=num_graphs)
    return sums / jnp.clip(cnts, 1.0)[:, None]


def setup_inputs(seed: int = 0) -> dict:
    key = jax.random.key(seed)
    ks = jax.random.split(key, 10)
    x = jax.random.normal(ks[0], (N_NODES, D_IN), dtype=jnp.float32)
    edge_index = jax.random.randint(ks[1], (2, N_EDGES), 0, N_NODES, dtype=jnp.int64 if jax.config.jax_enable_x64 else jnp.int32)
    batch = jnp.sort(jax.random.randint(ks[2], (N_NODES,), 0, N_GRAPHS))
    W1 = jax.random.normal(ks[3], (D_IN, H1), dtype=jnp.float32) * (1.0 / np.sqrt(D_IN))
    b1 = jnp.zeros((H1,), dtype=jnp.float32)
    W2 = jax.random.normal(ks[4], (H1, H2), dtype=jnp.float32) * (1.0 / np.sqrt(H1))
    b2 = jnp.zeros((H2,), dtype=jnp.float32)
    Wfc = jax.random.normal(ks[5], (H2, D_OUT), dtype=jnp.float32) * (1.0 / np.sqrt(H2))
    bfc = jnp.zeros((D_OUT,), dtype=jnp.float32)
    return {"x": x, "edge_index": edge_index, "batch": batch, "W1": W1, "b1": b1, "W2": W2, "b2": b2, "Wfc": Wfc, "bfc": bfc}


def reference(x, edge_index, batch, W1, b1, W2, b2, Wfc, bfc):
    h = jax.nn.relu(gcn_conv(x, edge_index, W1, b1))
    h = jax.nn.relu(gcn_conv(h, edge_index, W2, b2))
    g = global_mean_pool(h, batch, N_GRAPHS)
    logits = g @ Wfc + bfc
    return jax.nn.softmax(logits, axis=1)

if __name__ == "__main__":
    import jax
    _d = setup_inputs()
    print(jax.jit(kernel)(*tuple(_d.values())))

</pallas_src>

<mosaic_0001>
#map = affine_map<(d0, d1) -> (0, 0, 0)>
#map1 = affine_map<(d0, d1) -> (0, 0)>
module attributes {stable_mosaic.version = 14 : i64} {
  func.func @deg_kernel(%arg0: i32, %arg1: i32, %arg2: memref<2500x2x128xi32, #tpu.memory_space<hbm>>, %arg3: memref<2x10240xf32, #tpu.memory_space<hbm>>, %arg4: memref<79x128xi32, #tpu.memory_space<vmem>>, %arg5: memref<128xf32, #tpu.memory_space<vmem>>, %arg6: memref<640xf32, #tpu.memory_space<vmem>>, %arg7: memref<10240xf32, #tpu.memory_space<vmem_shared>>) attributes {dimension_semantics = [#tpu.dimension_semantics<core_parallel>, #tpu.dimension_semantics<subcore_parallel>], iteration_bounds = array<i64: 2, 16>, scalar_prefetch = 0 : i64, scratch_operands = 4 : i64, tpu.core_type = #tpu.core_type<sc_vector_subcore>, window_params = [{transform_indices = #map}, {transform_indices = #map1}]} {
    %mul3A = arith.constant 2 : i32
    %mul3A_0 = arith.muli %arg1, %mul3A : i32
    %add3A = arith.addi %mul3A_0, %arg0 : i32
    %mul3A_1 = arith.constant 78 : i32
    %mul3A_2 = arith.muli %add3A, %mul3A_1 : i32
    %min3A = arith.constant 4 : i32
    %min3A_3 = arith.minsi %add3A, %min3A : i32
    %add3A_4 = arith.addi %mul3A_2, %min3A_3 : i32
    %lt3A = arith.constant 4 : i32
    %lt3A_5 = arith.cmpi slt, %add3A, %lt3A : i32
    %jit3A = arith.constant 1 : i32
    %jit3A_6 = arith.constant 0 : i32
    %select_n3A = arith.select %lt3A_5, %jit3A, %jit3A_6 : i32
    %add3A_7 = arith.constant 78 : i32
    %add3A_8 = arith.addi %add3A_7, %select_n3A : i32
    %scan3A = arith.constant 0 : i32
    %scan3A_9 = arith.constant 0 : i32
    %scan3A_10 = arith.constant 40 : i32
    %scan3A_11 = arith.addi %scan3A_9, %scan3A_10 : i32
    %scan3A_12 = arith.constant 1 : i32
    %scan3A_13 = scf.for %scan3A_43 = %scan3A_9 to %scan3A_11 step %scan3A_12 iter_args(%scan3A_44 = %scan3A) -> (i32)  : i32 {
      %broadcast_in_dim3A = arith.constant 0.000000e+00 : f32
      %broadcast_in_dim3A_45 = vector.broadcast %broadcast_in_dim3A : f32 to vector<16xf32>
      %mul3A_46 = arith.constant 16 : i32
      %mul3A_47 = arith.muli %scan3A_43, %mul3A_46 : i32
      %swap3A = arith.index_cast %mul3A_47 : i32 to index
      %swap3A_48 = tpu.vector_load %arg6[%swap3A] {strides = array<i32>} : memref<640xf32, #tpu.memory_space<vmem>>, vector<16xf32>,
      %swap3A_49 = vector.shape_cast %swap3A_48 : vector<16xf32> to vector<16xf32>
      %swap3A_50 = vector.shape_cast %broadcast_in_dim3A_45 : vector<16xf32> to vector<16xf32>
      tpu.vector_store %arg6[%swap3A], %swap3A_50 {strides = array<i32>} : memref<640xf32, #tpu.memory_space<vmem>>, vector<16xf32>,
      %scan3A_51 = arith.constant 0 : i32
      scf.yield %scan3A_51 : i32
    }
    %scan3A_14 = arith.constant 40 : i32
    %scan3A_15 = arith.constant 0 : i32
    %scan3A_16 = arith.constant 0 : i32
    %scan3A_17 = arith.constant 8 : i32
    %scan3A_18 = arith.addi %scan3A_16, %scan3A_17 : i32
    %scan3A_19 = arith.constant 1 : i32
    %scan3A_20 = scf.for %scan3A_43 = %scan3A_16 to %scan3A_18 step %scan3A_19 iter_args(%scan3A_44 = %scan3A_15) -> (i32)  : i32 {
      %broadcast_in_dim3A = arith.constant 1.000000e+00 : f32
      %broadcast_in_dim3A_45 = vector.broadcast %broadcast_in_dim3A : f32 to vector<16xf32>
      %mul3A_46 = arith.constant 16 : i32
      %mul3A_47 = arith.muli %scan3A_43, %mul3A_46 : i32
      %swap3A = arith.index_cast %mul3A_47 : i32 to index
      %swap3A_48 = tpu.vector_load %arg5[%swap3A] {strides = array<i32>} : memref<128xf32, #tpu.memory_space<vmem>>, vector<16xf32>,
      %swap3A_49 = vector.shape_cast %swap3A_48 : vector<16xf32> to vector<16xf32>
      %swap3A_50 = vector.shape_cast %broadcast_in_dim3A_45 : vector<16xf32> to vector<16xf32>
      tpu.vector_store %arg5[%swap3A], %swap3A_50 {strides = array<i32>} : memref<128xf32, #tpu.memory_space<vmem>>, vector<16xf32>,
      %scan3A_51 = arith.constant 0 : i32
      scf.yield %scan3A_51 : i32
    }
    %scan3A_21 = arith.constant 8 : i32
    %mul3A_22 = arith.constant 640 : i32
    %mul3A_23 = arith.muli %arg1, %mul3A_22 : i32
    "tpu.region"() ({
      %run_scoped3A_43 = tpu.sem_alloc : memref<!tpu.dma_semaphore, #tpu.memory_space<semaphore_mem>>
      %dma_start3A = tpu.memref_slice %arg7[%mul3A_23] : memref<10240xf32, #tpu.memory_space<vmem_shared>> -> memref<640xf32, #tpu.memory_space<vmem_shared>>
      %dma_start3A_44 = tpu.memref_slice %arg7[%mul3A_23] : memref<10240xf32, #tpu.memory_space<vmem_shared>> -> memref<640xf32, #tpu.memory_space<vmem_shared>>
      tpu.enqueue_dma source(%arg6 : memref<640xf32, #tpu.memory_space<vmem>>) target(%dma_start3A_44 : memref<640xf32, #tpu.memory_space<vmem_shared>>) target_semaphore(%run_scoped3A_43 : memref<!tpu.dma_semaphore, #tpu.memory_space<semaphore_mem>>)
      %dma_wait3A = tpu.memref_slice %arg7[%mul3A_23] : memref<10240xf32, #tpu.memory_space<vmem_shared>> -> memref<640xf32, #tpu.memory_space<vmem_shared>>
      %dma_wait3A_45 = tpu.memref_slice %arg7[%mul3A_23] : memref<10240xf32, #tpu.memory_space<vmem_shared>> -> memref<640xf32, #tpu.memory_space<vmem_shared>>
      tpu.wait_dma2 semaphore(%run_scoped3A_43 : memref<!tpu.dma_semaphore, #tpu.memory_space<semaphore_mem>>) src(%arg6 : memref<640xf32, #tpu.memory_space<vmem>>) dst(%dma_wait3A_45 : memref<640xf32, #tpu.memory_space<vmem_shared>>)
      tpu.yield
    }) : () -> ()
    %run_scoped3A = arith.constant 1 : i32
    "tpu.region"() ({
      %run_scoped3A_43 = tpu.sem_alloc : memref<!tpu.dma_semaphore, #tpu.memory_space<semaphore_mem>>
      %dma_start3A = arith.constant 0 : i32
      %dma_start3A_44 = arith.constant 0 : i32
      %dma_start3A_45 = tpu.memref_slice %arg4[%dma_start3A, %dma_start3A_44] : memref<79x128xi32, #tpu.memory_space<vmem>> -> memref<78x128xi32, #tpu.memory_space<vmem>>
      %dma_start3A_46 = arith.constant 0 : i32
      %dma_start3A_47 = tpu.memref_slice %arg2[%add3A_4, %run_scoped3A, %dma_start3A_46] : memref<2500x2x128xi32, #tpu.memory_space<hbm>> -> memref<78x1x128xi32, #tpu.memory_space<hbm>>
      %dma_start3A_48 = tpu.memref_squeeze %dma_start3A_47 : memref<78x1x128xi32, #tpu.memory_space<hbm>> -> memref<78x128xi32, #tpu.memory_space<hbm>>
      %dma_start3A_49 = arith.constant 0 : i32
      %dma_start3A_50 = arith.constant 0 : i32
      %dma_start3A_51 = tpu.memref_slice %arg4[%dma_start3A_49, %dma_start3A_50] : memref<79x128xi32, #tpu.memory_space<vmem>> -> memref<78x128xi32, #tpu.memory_space<vmem>>
      %dma_start3A_52 = arith.constant 0 : i32
      %dma_start3A_53 = tpu.memref_slice %arg2[%add3A_4, %run_scoped3A, %dma_start3A_52] : memref<2500x2x128xi32, #tpu.memory_space<hbm>> -> memref<78x1x128xi32, #tpu.memory_space<hbm>>
      %dma_start3A_54 = tpu.memref_squeeze %dma_start3A_53 : memref<78x1x128xi32, #tpu.memory_space<hbm>> -> memref<78x128xi32, #tpu.memory_space<hbm>>
      tpu.enqueue_dma source(%dma_start3A_54 : memref<78x128xi32, #tpu.memory_space<hbm>>) target(%dma_start3A_51 : memref<78x128xi32, #tpu.memory_space<vmem>>) target_semaphore(%run_scoped3A_43 : memref<!tpu.dma_semaphore, #tpu.memory_space<semaphore_mem>>)
      %dma_wait3A = arith.constant 0 : i32
      %dma_wait3A_55 = arith.constant 0 : i32
      %dma_wait3A_56 = tpu.memref_slice %arg4[%dma_wait3A, %dma_wait3A_55] : memref<79x128xi32, #tpu.memory_space<vmem>> -> memref<78x128xi32, #tpu.memory_space<vmem>>
      %dma_wait3A_57 = arith.constant 0 : i32
      %dma_wait3A_58 = tpu.memref_slice %arg2[%add3A_4, %run_scoped3A, %dma_wait3A_57] : memref<2500x2x128xi32, #tpu.memory_space<hbm>> -> memref<78x1x128xi32, #tpu.memory_space<hbm>>
      %dma_wait3A_59 = tpu.memref_squeeze %dma_wait3A_58 : memref<78x1x128xi32, #tpu.memory_space<hbm>> -> memref<78x128xi32, #tpu.memory_space<hbm>>
      %dma_wait3A_60 = arith.constant 0 : i32
      %dma_wait3A_61 = arith.constant 0 : i32
      %dma_wait3A_62 = tpu.memref_slice %arg4[%dma_wait3A_60, %dma_wait3A_61] : memref<79x128xi32, #tpu.memory_space<vmem>> -> memref<78x128xi32, #tpu.memory_space<vmem>>
      %dma_wait3A_63 = arith.constant 0 : i32
      %dma_wait3A_64 = tpu.memref_slice %arg2[%add3A_4, %run_scoped3A, %dma_wait3A_63] : memref<2500x2x128xi32, #tpu.memory_space<hbm>> -> memref<78x1x128xi32, #tpu.memory_space<hbm>>
      %dma_wait3A_65 = tpu.memref_squeeze %dma_wait3A_64 : memref<78x1x128xi32, #tpu.memory_space<hbm>> -> memref<78x128xi32, #tpu.memory_space<hbm>>
      tpu.wait_dma2 semaphore(%run_scoped3A_43 : memref<!tpu.dma_semaphore, #tpu.memory_space<semaphore_mem>>) src(%dma_wait3A_65 : memref<78x128xi32, #tpu.memory_space<hbm>>) dst(%dma_wait3A_62 : memref<78x128xi32, #tpu.memory_space<vmem>>)
      tpu.yield
    }) : () -> ()
    %lt3A_24 = arith.constant 4 : i32
    %lt3A_25 = arith.cmpi slt, %add3A, %lt3A_24 : i32
    %convert_element_type3A = arith.extui %lt3A_25 : i1 to i32
    %cond3A = arith.constant 0 : i32
    %cond3A_26 = arith.cmpi ne, %convert_element_type3A, %cond3A : i32
    scf.if %cond3A_26 {
      %add3A_43 = arith.constant 78 : i32
      %add3A_44 = arith.addi %add3A_4, %add3A_43 : i32
      %run_scoped3A_45 = arith.constant 1 : i32
      "tpu.region"() ({
        %run_scoped3A_46 = tpu.sem_alloc : memref<!tpu.dma_semaphore, #tpu.memory_space<semaphore_mem>>
        %dma_start3A = arith.constant 78 : i32
        %dma_start3A_47 = arith.constant 0 : i32
        %dma_start3A_48 = tpu.memref_slice %arg4[%dma_start3A, %dma_start3A_47] : memref<79x128xi32, #tpu.memory_space<vmem>> -> memref<1x128xi32, #tpu.memory_space<vmem>>
        %dma_start3A_49 = arith.constant 0 : i32
        %dma_start3A_50 = tpu.memref_slice %arg2[%add3A_44, %run_scoped3A_45, %dma_start3A_49] : memref<2500x2x128xi32, #tpu.memory_space<hbm>> -> memref<1x1x128xi32, #tpu.memory_space<hbm>>
        %dma_start3A_51 = tpu.memref_squeeze %dma_start3A_50 : memref<1x1x128xi32, #tpu.memory_space<hbm>> -> memref<1x128xi32, #tpu.memory_space<hbm>>
        %dma_start3A_52 = arith.constant 78 : i32
        %dma_start3A_53 = arith.constant 0 : i32
        %dma_start3A_54 = tpu.memref_slice %arg4[%dma_start3A_52, %dma_start3A_53] : memref<79x128xi32, #tpu.memory_space<vmem>> -> memref<1x128xi32, #tpu.memory_space<vmem>>
        %dma_start3A_55 = arith.constant 0 : i32
        %dma_start3A_56 = tpu.memref_slice %arg2[%add3A_44, %run_scoped3A_45, %dma_start3A_55] : memref<2500x2x128xi32, #tpu.memory_space<hbm>> -> memref<1x1x128xi32, #tpu.memory_space<hbm>>
        %dma_start3A_57 = tpu.memref_squeeze %dma_start3A_56 : memref<1x1x128xi32, #tpu.memory_space<hbm>> -> memref<1x128xi32, #tpu.memory_space<hbm>>
        tpu.enqueue_dma source(%dma_start3A_57 : memref<1x128xi32, #tpu.memory_space<hbm>>) target(%dma_start3A_54 : memref<1x128xi32, #tpu.memory_space<vmem>>) target_semaphore(%run_scoped3A_46 : memref<!tpu.dma_semaphore, #tpu.memory_space<semaphore_mem>>)
        %dma_wait3A = arith.constant 78 : i32
        %dma_wait3A_58 = arith.constant 0 : i32
        %dma_wait3A_59 = tpu.memref_slice %arg4[%dma_wait3A, %dma_wait3A_58] : memref<79x128xi32, #tpu.memory_space<vmem>> -> memref<1x128xi32, #tpu.memory_space<vmem>>
        %dma_wait3A_60 = arith.constant 0 : i32
        %dma_wait3A_61 = tpu.memref_slice %arg2[%add3A_44, %run_scoped3A_45, %dma_wait3A_60] : memref<2500x2x128xi32, #tpu.memory_space<hbm>> -> memref<1x1x128xi32, #tpu.memory_space<hbm>>
        %dma_wait3A_62 = tpu.memref_squeeze %dma_wait3A_61 : memref<1x1x128xi32, #tpu.memory_space<hbm>> -> memref<1x128xi32, #tpu.memory_space<hbm>>
        %dma_wait3A_63 = arith.constant 78 : i32
        %dma_wait3A_64 = arith.constant 0 : i32
        %dma_wait3A_65 = tpu.memref_slice %arg4[%dma_wait3A_63, %dma_wait3A_64] : memref<79x128xi32, #tpu.memory_space<vmem>> -> memref<1x128xi32, #tpu.memory_space<vmem>>
        %dma_wait3A_66 = arith.constant 0 : i32
        %dma_wait3A_67 = tpu.memref_slice %arg2[%add3A_44, %run_scoped3A_45, %dma_wait3A_66] : memref<2500x2x128xi32, #tpu.memory_space<hbm>> -> memref<1x1x128xi32, #tpu.memory_space<hbm>>
        %dma_wait3A_68 = tpu.memref_squeeze %dma_wait3A_67 : memref<1x1x128xi32, #tpu.memory_space<hbm>> -> memref<1x128xi32, #tpu.memory_space<hbm>>
        tpu.wait_dma2 semaphore(%run_scoped3A_46 : memref<!tpu.dma_semaphore, #tpu.memory_space<semaphore_mem>>) src(%dma_wait3A_68 : memref<1x128xi32, #tpu.memory_space<hbm>>) dst(%dma_wait3A_65 : memref<1x128xi32, #tpu.memory_space<vmem>>)
        tpu.yield
      }) : () -> ()
    } else {
    }
    %barrier3A = arith.constant 0 : index
    tpu.barrier barrier_id(%barrier3A)
    %while3A = arith.constant 0 : i32
    %while3A_27 = arith.constant 0 : i32
    %while3A_28 = arith.subi %add3A_8, %while3A : i32
    %while3A_29 = arith.addi %while3A, %while3A_28 : i32
    %while3A_30 = arith.constant 1 : i32
    %while3A_31 = arith.divsi %while3A_28, %while3A_30 : i32
    %while3A_32 = arith.muli %while3A_31, %while3A_30 : i32
    %while3A_33 = arith.addi %while3A, %while3A_32 : i32
    %while3A_34 = arith.constant 1 : i32
    %while3A_35 = scf.for %while3A_43 = %while3A to %while3A_33 step %while3A_34 iter_args(%while3A_44 = %while3A_27) -> (i32)  : i32 {
      "tpu.region"() ({
        %run_scoped3A_46 = tpu.sem_alloc : memref<!tpu.dma_semaphore, #tpu.memory_space<semaphore_mem>>
        %dma_start3A = arith.constant 0 : i32
        %dma_start3A_47 = tpu.memref_slice %arg4[%while3A_43, %dma_start3A] : memref<79x128xi32, #tpu.memory_space<vmem>> -> memref<1x128xi32, #tpu.memory_space<vmem>>
        %dma_start3A_48 = tpu.memref_squeeze %dma_start3A_47 : memref<1x128xi32, #tpu.memory_space<vmem>> -> memref<128xi32, #tpu.memory_space<vmem>>
        %dma_start3A_49 = arith.constant 0 : i32
        %dma_start3A_50 = tpu.memref_slice %arg7[%dma_start3A_49] : memref<10240xf32, #tpu.memory_space<vmem_shared>> -> memref<10240xf32, #tpu.memory_space<vmem_shared>>
        tpu.enqueue_indirect_dma source(%arg5 : memref<128xf32, #tpu.memory_space<vmem>>) target(%dma_start3A_50 : memref<10240xf32, #tpu.memory_space<vmem_shared>>) offsets(%dma_start3A_48 : memref<128xi32, #tpu.memory_space<vmem>>) semaphore(%run_scoped3A_46 : memref<!tpu.dma_semaphore, #tpu.memory_space<semaphore_mem>>) {add = true}
        %dma_wait3A = arith.constant 0 : i32
        %dma_wait3A_51 = tpu.memref_slice %arg4[%while3A_43, %dma_wait3A] : memref<79x128xi32, #tpu.memory_space<vmem>> -> memref<1x128xi32, #tpu.memory_space<vmem>>
        %dma_wait3A_52 = tpu.memref_squeeze %dma_wait3A_51 : memref<1x128xi32, #tpu.memory_space<vmem>> -> memref<128xi32, #tpu.memory_space<vmem>>
        %dma_wait3A_53 = arith.constant 0 : i32
        %dma_wait3A_54 = tpu.memref_slice %arg7[%dma_wait3A_53] : memref<10240xf32, #tpu.memory_space<vmem_shared>> -> memref<10240xf32, #tpu.memory_space<vmem_shared>>
        tpu.wait_indirect_dma semaphore(%run_scoped3A_46 : memref<!tpu.dma_semaphore, #tpu.memory_space<semaphore_mem>>) src(%arg5 : memref<128xf32, #tpu.memory_space<vmem>>) dst(%dma_wait3A_54 : memref<10240xf32, #tpu.memory_space<vmem_shared>>)
        tpu.yield
      }) : () -> ()
      %while3A_45 = arith.constant 0 : i32
      scf.yield %while3A_45 : i32
    }
    %while3A_36 = arith.constant 1 : i32
    %while3A_37 = scf.for %while3A_43 = %while3A_33 to %while3A_29 step %while3A_36 iter_args(%while3A_44 = %while3A_35) -> (i32)  : i32 {
      "tpu.region"() ({
        %run_scoped3A_46 = tpu.sem_alloc : memref<!tpu.dma_semaphore, #tpu.memory_space<semaphore_mem>>
        %dma_start3A = arith.constant 0 : i32
        %dma_start3A_47 = tpu.memref_slice %arg4[%while3A_43, %dma_start3A] : memref<79x128xi32, #tpu.memory_space<vmem>> -> memref<1x128xi32, #tpu.memory_space<vmem>>
        %dma_start3A_48 = tpu.memref_squeeze %dma_start3A_47 : memref<1x128xi32, #tpu.memory_space<vmem>> -> memref<128xi32, #tpu.memory_space<vmem>>
        %dma_start3A_49 = arith.constant 0 : i32
        %dma_start3A_50 = tpu.memref_slice %arg7[%dma_start3A_49] : memref<10240xf32, #tpu.memory_space<vmem_shared>> -> memref<10240xf32, #tpu.memory_space<vmem_shared>>
        tpu.enqueue_indirect_dma source(%arg5 : memref<128xf32, #tpu.memory_space<vmem>>) target(%dma_start3A_50 : memref<10240xf32, #tpu.memory_space<vmem_shared>>) offsets(%dma_start3A_48 : memref<128xi32, #tpu.memory_space<vmem>>) semaphore(%run_scoped3A_46 : memref<!tpu.dma_semaphore, #tpu.memory_space<semaphore_mem>>) {add = true}
        %dma_wait3A = arith.constant 0 : i32
        %dma_wait3A_51 = tpu.memref_slice %arg4[%while3A_43, %dma_wait3A] : memref<79x128xi32, #tpu.memory_space<vmem>> -> memref<1x128xi32, #tpu.memory_space<vmem>>
        %dma_wait3A_52 = tpu.memref_squeeze %dma_wait3A_51 : memref<1x128xi32, #tpu.memory_space<vmem>> -> memref<128xi32, #tpu.memory_space<vmem>>
        %dma_wait3A_53 = arith.constant 0 : i32
        %dma_wait3A_54 = tpu.memref_slice %arg7[%dma_wait3A_53] : memref<10240xf32, #tpu.memory_space<vmem_shared>> -> memref<10240xf32, #tpu.memory_space<vmem_shared>>
        tpu.wait_indirect_dma semaphore(%run_scoped3A_46 : memref<!tpu.dma_semaphore, #tpu.memory_space<semaphore_mem>>) src(%arg5 : memref<128xf32, #tpu.memory_space<vmem>>) dst(%dma_wait3A_54 : memref<10240xf32, #tpu.memory_space<vmem_shared>>)
        tpu.yield
      }) : () -> ()
      %while3A_45 = arith.constant 0 : i32
      scf.yield %while3A_45 : i32
    }
    %barrier3A_38 = arith.constant 0 : index
    tpu.barrier barrier_id(%barrier3A_38)
    %mul3A_39 = arith.constant 640 : i32
    %mul3A_40 = arith.muli %arg1, %mul3A_39 : i32
    "tpu.region"() ({
      %run_scoped3A_43 = tpu.sem_alloc : memref<!tpu.dma_semaphore, #tpu.memory_space<semaphore_mem>>
      %dma_start3A = tpu.memref_slice %arg7[%mul3A_40] : memref<10240xf32, #tpu.memory_space<vmem_shared>> -> memref<640xf32, #tpu.memory_space<vmem_shared>>
      %dma_start3A_44 = tpu.memref_slice %arg7[%mul3A_40] : memref<10240xf32, #tpu.memory_space<vmem_shared>> -> memref<640xf32, #tpu.memory_space<vmem_shared>>
      tpu.enqueue_dma source(%dma_start3A_44 : memref<640xf32, #tpu.memory_space<vmem_shared>>) target(%arg6 : memref<640xf32, #tpu.memory_space<vmem>>) target_semaphore(%run_scoped3A_43 : memref<!tpu.dma_semaphore, #tpu.memory_space<semaphore_mem>>)
      %dma_wait3A = tpu.memref_slice %arg7[%mul3A_40] : memref<10240xf32, #tpu.memory_space<vmem_shared>> -> memref<640xf32, #tpu.memory_space<vmem_shared>>
      %dma_wait3A_45 = tpu.memref_slice %arg7[%mul3A_40] : memref<10240xf32, #tpu.memory_space<vmem_shared>> -> memref<640xf32, #tpu.memory_space<vmem_shared>>
      tpu.wait_dma2 semaphore(%run_scoped3A_43 : memref<!tpu.dma_semaphore, #tpu.memory_space<semaphore_mem>>) src(%dma_wait3A_45 : memref<640xf32, #tpu.memory_space<vmem_shared>>) dst(%arg6 : memref<640xf32, #tpu.memory_space<vmem>>)
      tpu.yield
    }) : () -> ()
    %mul3A_41 = arith.constant 640 : i32
    %mul3A_42 = arith.muli %arg1, %mul3A_41 : i32
    "tpu.region"() ({
      %run_scoped3A_43 = tpu.sem_alloc : memref<!tpu.dma_semaphore, #tpu.memory_space<semaphore_mem>>
      %dma_start3A = tpu.memref_slice %arg3[%arg0, %mul3A_42] : memref<2x10240xf32, #tpu.memory_space<hbm>> -> memref<1x640xf32, #tpu.memory_space<hbm>>
      %dma_start3A_44 = tpu.memref_squeeze %dma_start3A : memref<1x640xf32, #tpu.memory_space<hbm>> -> memref<640xf32, #tpu.memory_space<hbm>>
      %dma_start3A_45 = tpu.memref_slice %arg3[%arg0, %mul3A_42] : memref<2x10240xf32, #tpu.memory_space<hbm>> -> memref<1x640xf32, #tpu.memory_space<hbm>>
      %dma_start3A_46 = tpu.memref_squeeze %dma_start3A_45 : memref<1x640xf32, #tpu.memory_space<hbm>> -> memref<640xf32, #tpu.memory_space<hbm>>
      tpu.enqueue_dma source(%arg6 : memref<640xf32, #tpu.memory_space<vmem>>) target(%dma_start3A_46 : memref<640xf32, #tpu.memory_space<hbm>>) target_semaphore(%run_scoped3A_43 : memref<!tpu.dma_semaphore, #tpu.memory_space<semaphore_mem>>)
      %dma_wait3A = tpu.memref_slice %arg3[%arg0, %mul3A_42] : memref<2x10240xf32, #tpu.memory_space<hbm>> -> memref<1x640xf32, #tpu.memory_space<hbm>>
      %dma_wait3A_47 = tpu.memref_squeeze %dma_wait3A : memref<1x640xf32, #tpu.memory_space<hbm>> -> memref<640xf32, #tpu.memory_space<hbm>>
      %dma_wait3A_48 = tpu.memref_slice %arg3[%arg0, %mul3A_42] : memref<2x10240xf32, #tpu.memory_space<hbm>> -> memref<1x640xf32, #tpu.memory_space<hbm>>
      %dma_wait3A_49 = tpu.memref_squeeze %dma_wait3A_48 : memref<1x640xf32, #tpu.memory_space<hbm>> -> memref<640xf32, #tpu.memory_space<hbm>>
      tpu.wait_dma2 semaphore(%run_scoped3A_43 : memref<!tpu.dma_semaphore, #tpu.memory_space<semaphore_mem>>) src(%arg6 : memref<640xf32, #tpu.memory_space<vmem>>) dst(%dma_wait3A_49 : memref<640xf32, #tpu.memory_space<hbm>>)
      tpu.yield
    }) : () -> ()
    return
  }
}

#map = affine_map<(d0, d1) -> (0, 0)>
#map1 = affine_map<(d0, d1) -> (0, 0, 0)>
module attributes {stable_mosaic.version = 14 : i64} {
  func.func @spmm_kernel(%arg0: i32, %arg1: i32, %arg2: memref<10240x64xf32, #tpu.memory_space<hbm>>, %arg3: memref<2500x2x128xi32, #tpu.memory_space<hbm>>, %arg4: memref<2x10240x128xf32, #tpu.memory_space<hbm>>, %arg5: memref<79x128xi32, #tpu.memory_space<vmem>>, %arg6: memref<40x128xi32, #tpu.memory_space<vmem>>, %arg7: memref<4x128x64xf32, #tpu.memory_space<vmem>>, %arg8: memref<10240x64xf32, #tpu.memory_space<vmem_shared>>, %arg9: memref<4x!tpu.dma_semaphore, #tpu.memory_space<semaphore_mem>>) attributes {dimension_semantics = [#tpu.dimension_semantics<core_parallel>, #tpu.dimension_semantics<subcore_parallel>], iteration_bounds = array<i64: 2, 16>, scalar_prefetch = 0 : i64, scratch_operands = 5 : i64, tpu.core_type = #tpu.core_type<sc_vector_subcore>, window_params = [{transform_indices = #map}, {transform_indices = #map1}, {transform_indices = #map1}]} {
    %mul3A = arith.constant 2 : i32
    %mul3A_0 = arith.muli %arg1, %mul3A : i32
    %add3A = arith.addi %mul3A_0, %arg0 : i32
    %mul3A_1 = arith.constant 78 : i32
    %mul3A_2 = arith.muli %add3A, %mul3A_1 : i32
    %min3A = arith.constant 4 : i32
    %min3A_3 = arith.minsi %add3A, %min3A : i32
    %add3A_4 = arith.addi %mul3A_2, %min3A_3 : i32
    %lt3A = arith.constant 4 : i32
    %lt3A_5 = arith.cmpi slt, %add3A, %lt3A : i32
    %jit3A = arith.constant 1 : i32
    %jit3A_6 = arith.constant 0 : i32
    %select_n3A = arith.select %lt3A_5, %jit3A, %jit3A_6 : i32
    %add3A_7 = arith.constant 78 : i32
    %add3A_8 = arith.addi %add3A_7, %select_n3A : i32
    %scan3A = arith.constant 0 : i32
    %scan3A_9 = arith.constant 0 : i32
    %scan3A_10 = arith.constant 128 : i32
    %scan3A_11 = arith.addi %scan3A_9, %scan3A_10 : i32
    %scan3A_12 = arith.constant 1 : i32
    %scan3A_13 = scf.for %scan3A_155 = %scan3A_9 to %scan3A_11 step %scan3A_12 iter_args(%scan3A_156 = %scan3A) -> (i32)  : i32 {
      %broadcast_in_dim3A = arith.constant 0.000000e+00 : f32
      %broadcast_in_dim3A_157 = vector.broadcast %broadcast_in_dim3A : f32 to vector<16xf32>
      %swap3A = arith.constant 0 : i32
      %swap3A_158 = arith.index_cast %swap3A : i32 to index
      %swap3A_159 = arith.index_cast %scan3A_155 : i32 to index
      %swap3A_160 = arith.constant 0 : index
      %swap3A_161 = tpu.vector_load %arg7[%swap3A_158, %swap3A_159, %swap3A_160] {strides = array<i32>} : memref<4x128x64xf32, #tpu.memory_space<vmem>>, vector<1x1x16xf32>,
      %swap3A_162 = vector.shape_cast %swap3A_161 : vector<1x1x16xf32> to vector<16xf32>
      %swap3A_163 = vector.shape_cast %broadcast_in_dim3A_157 : vector<16xf32> to vector<1x1x16xf32>
      tpu.vector_store %arg7[%swap3A_158, %swap3A_159, %swap3A_160], %swap3A_163 {strides = array<i32>} : memref<4x128x64xf32, #tpu.memory_space<vmem>>, vector<1x1x16xf32>,
      %broadcast_in_dim3A_164 = arith.constant 0.000000e+00 : f32
      %broadcast_in_dim3A_165 = vector.broadcast %broadcast_in_dim3A_164 : f32 to vector<16xf32>
      %swap3A_166 = arith.constant 0 : i32
      %swap3A_167 = arith.index_cast %swap3A_166 : i32 to index
      %swap3A_168 = arith.index_cast %scan3A_155 : i32 to index
      %swap3A_169 = arith.constant 16 : index
      %swap3A_170 = tpu.vector_load %arg7[%swap3A_167, %swap3A_168, %swap3A_169] {strides = array<i32>} : memref<4x128x64xf32, #tpu.memory_space<vmem>>, vector<1x1x16xf32>,
      %swap3A_171 = vector.shape_cast %swap3A_170 : vector<1x1x16xf32> to vector<16xf32>
      %swap3A_172 = vector.shape_cast %broadcast_in_dim3A_165 : vector<16xf32> to vector<1x1x16xf32>
      tpu.vector_store %arg7[%swap3A_167, %swap3A_168, %swap3A_169], %swap3A_172 {strides = array<i32>} : memref<4x128x64xf32, #tpu.memory_space<vmem>>, vector<1x1x16xf32>,
      %broadcast_in_dim3A_173 = arith.constant 0.000000e+00 : f32
      %broadcast_in_dim3A_174 = vector.broadcast %broadcast_in_dim3A_173 : f32 to vector<16xf32>
      %swap3A_175 = arith.constant 0 : i32
      %swap3A_176 = arith.index_cast %swap3A_175 : i32 to index
      %swap3A_177 = arith.index_cast %scan3A_155 : i32 to index
      %swap3A_178 = arith.constant 32 : index
      %swap3A_179 = tpu.vector_load %arg7[%swap3A_176, %swap3A_177, %swap3A_178] {strides = array<i32>} : memref<4x128x64xf32, #tpu.memory_space<vmem>>, vector<1x1x16xf32>,
      %swap3A_180 = vector.shape_cast %swap3A_179 : vector<1x1x16xf32> to vector<16xf32>
      %swap3A_181 = vector.shape_cast %broadcast_in_dim3A_174 : vector<16xf32> to vector<1x1x16xf32>
      tpu.vector_store %arg7[%swap3A_176, %swap3A_177, %swap3A_178], %swap3A_181 {strides = array<i32>} : memref<4x128x64xf32, #tpu.memory_space<vmem>>, vector<1x1x16xf32>,
      %broadcast_in_dim3A_182 = arith.constant 0.000000e+00 : f32
      %broadcast_in_dim3A_183 = vector.broadcast %broadcast_in_dim3A_182 : f32 to vector<16xf32>
      %swap3A_184 = arith.constant 0 : i32
      %swap3A_185 = arith.index_cast %swap3A_184 : i32 to index
      %swap3A_186 = arith.index_cast %scan3A_155 : i32 to index
      %swap3A_187 = arith.constant 48 : index
      %swap3A_188 = tpu.vector_load %arg7[%swap3A_185, %swap3A_186, %swap3A_187] {strides = array<i32>} : memref<4x128x64xf32, #tpu.memory_space<vmem>>, vector<1x1x16xf32>,
      %swap3A_189 = vector.shape_cast %swap3A_188 : vector<1x1x16xf32> to vector<16xf32>
      %swap3A_190 = vector.shape_cast %broadcast_in_dim3A_183 : vector<16xf32> to vector<1x1x16xf32>
      tpu.vector_store %arg7[%swap3A_185, %swap3A_186, %swap3A_187], %swap3A_190 {strides = array<i32>} : memref<4x128x64xf32, #tpu.memory_space<vmem>>, vector<1x1x16xf32>,
      %scan3A_191 = arith.constant 0 : i32
      scf.yield %scan3A_191 : i32
    }
    %scan3A_14 = arith.constant 128 : i32
    %mul3A_15 = arith.constant 640 : i32
    %mul3A_16 = arith.muli %arg1, %mul3A_15 : i32
    %add3A_17 = arith.constant 0 : i32
    %add3A_18 = arith.addi %mul3A_16, %add3A_17 : i32
    %run_scoped3A = arith.constant 0 : i32
    "tpu.region"() ({
      %run_scoped3A_155 = tpu.sem_alloc : memref<!tpu.dma_semaphore, #tpu.memory_space<semaphore_mem>>
      %dma_start3A_156 = arith.constant 0 : i32
      %dma_start3A_157 = arith.constant 0 : i32
      %dma_start3A_158 = tpu.memref_slice %arg7[%run_scoped3A, %dma_start3A_156, %dma_start3A_157] : memref<4x128x64xf32, #tpu.memory_space<vmem>> -> memref<1x128x64xf32, #tpu.memory_space<vmem>>
      %dma_start3A_159 = tpu.memref_squeeze %dma_start3A_158 : memref<1x128x64xf32, #tpu.memory_space<vmem>> -> memref<128x64xf32, #tpu.memory_space<vmem>>
      %dma_start3A_160 = arith.constant 0 : i32
      %dma_start3A_161 = tpu.memref_slice %arg8[%add3A_18, %dma_start3A_160] : memref<10240x64xf32, #tpu.memory_space<vmem_shared>> -> memref<128x64xf32, #tpu.memory_space<vmem_shared>>
      %dma_start3A_162 = arith.constant 0 : i32
      %dma_start3A_163 = tpu.memref_slice %arg8[%add3A_18, %dma_start3A_162] : memref<10240x64xf32, #tpu.memory_space<vmem_shared>> -> memref<128x64xf32, #tpu.memory_space<vmem_shared>>
      %dma_start3A_164 = arith.constant 0 : i32
      %dma_start3A_165 = arith.constant 0 : i32
      %dma_start3A_166 = tpu.memref_slice %arg7[%run_scoped3A, %dma_start3A_164, %dma_start3A_165] : memref<4x128x64xf32, #tpu.memory_space<vmem>> -> memref<1x128x64xf32, #tpu.memory_space<vmem>>
      %dma_start3A_167 = tpu.memref_squeeze %dma_start3A_166 : memref<1x128x64xf32, #tpu.memory_space<vmem>> -> memref<128x64xf32, #tpu.memory_space<vmem>>
      tpu.enqueue_dma source(%dma_start3A_167 : memref<128x64xf32, #tpu.memory_space<vmem>>) target(%dma_start3A_163 : memref<128x64xf32, #tpu.memory_space<vmem_shared>>) target_semaphore(%run_scoped3A_155 : memref<!tpu.dma_semaphore, #tpu.memory_space<semaphore_mem>>)
      %dma_wait3A = arith.constant 0 : i32
      %dma_wait3A_168 = arith.constant 0 : i32
      %dma_wait3A_169 = tpu.memref_slice %arg7[%run_scoped3A, %dma_wait3A, %dma_wait3A_168] : memref<4x128x64xf32, #tpu.memory_space<vmem>> -> memref<1x128x64xf32, #tpu.memory_space<vmem>>
      %dma_wait3A_170 = tpu.memref_squeeze %dma_wait3A_169 : memref<1x128x64xf32, #tpu.memory_space<vmem>> -> memref<128x64xf32, #tpu.memory_space<vmem>>
      %dma_wait3A_171 = arith.constant 0 : i32
      %dma_wait3A_172 = tpu.memref_slice %arg8[%add3A_18, %dma_wait3A_171] : memref<10240x64xf32, #tpu.memory_space<vmem_shared>> -> memref<128x64xf32, #tpu.memory_space<vmem_shared>>
      %dma_wait3A_173 = arith.constant 0 : i32
      %dma_wait3A_174 = tpu.memref_slice %arg8[%add3A_18, %dma_wait3A_173] : memref<10240x64xf32, #tpu.memory_space<vmem_shared>> -> memref<128x64xf32, #tpu.memory_space<vmem_shared>>
      %dma_wait3A_175 = arith.constant 0 : i32
      %dma_wait3A_176 = arith.constant 0 : i32
      %dma_wait3A_177 = tpu.memref_slice %arg7[%run_scoped3A, %dma_wait3A_175, %dma_wait3A_176] : memref<4x128x64xf32, #tpu.memory_space<vmem>> -> memref<1x128x64xf32, #tpu.memory_space<vmem>>
      %dma_wait3A_178 = tpu.memref_squeeze %dma_wait3A_177 : memref<1x128x64xf32, #tpu.memory_space<vmem>> -> memref<128x64xf32, #tpu.memory_space<vmem>>
      tpu.wait_dma2 semaphore(%run_scoped3A_155 : memref<!tpu.dma_semaphore, #tpu.memory_space<semaphore_mem>>) src(%dma_wait3A_178 : memref<128x64xf32, #tpu.memory_space<vmem>>) dst(%dma_wait3A_174 : memref<128x64xf32, #tpu.memory_space<vmem_shared>>)
      tpu.yield
    }) : () -> ()
    %mul3A_19 = arith.constant 640 : i32
    %mul3A_20 = arith.muli %arg1, %mul3A_19 : i32
    %add3A_21 = arith.constant 128 : i32
    %add3A_22 = arith.addi %mul3A_20, %add3A_21 : i32
    %run_scoped3A_23 = arith.constant 0 : i32
    "tpu.region"() ({
      %run_scoped3A_155 = tpu.sem_alloc : memref<!tpu.dma_semaphore, #tpu.memory_space<semaphore_mem>>
      %dma_start3A_156 = arith.constant 0 : i32
      %dma_start3A_157 = arith.constant 0 : i32
      %dma_start3A_158 = tpu.memref_slice %arg7[%run_scoped3A_23, %dma_start3A_156, %dma_start3A_157] : memref<4x128x64xf32, #tpu.memory_space<vmem>> -> memref<1x128x64xf32, #tpu.memory_space<vmem>>
      %dma_start3A_159 = tpu.memref_squeeze %dma_start3A_158 : memref<1x128x64xf32, #tpu.memory_space<vmem>> -> memref<128x64xf32, #tpu.memory_space<vmem>>
      %dma_start3A_160 = arith.constant 0 : i32
      %dma_start3A_161 = tpu.memref_slice %arg8[%add3A_22, %dma_start3A_160] : memref<10240x64xf32, #tpu.memory_space<vmem_shared>> -> memref<128x64xf32, #tpu.memory_space<vmem_shared>>
      %dma_start3A_162 = arith.constant 0 : i32
      %dma_start3A_163 = tpu.memref_slice %arg8[%add3A_22, %dma_start3A_162] : memref<10240x64xf32, #tpu.memory_space<vmem_shared>> -> memref<128x64xf32, #tpu.memory_space<vmem_shared>>
      %dma_start3A_164 = arith.constant 0 : i32
      %dma_start3A_165 = arith.constant 0 : i32
      %dma_start3A_166 = tpu.memref_slice %arg7[%run_scoped3A_23, %dma_start3A_164, %dma_start3A_165] : memref<4x128x64xf32, #tpu.memory_space<vmem>> -> memref<1x128x64xf32, #tpu.memory_space<vmem>>
      %dma_start3A_167 = tpu.memref_squeeze %dma_start3A_166 : memref<1x128x64xf32, #tpu.memory_space<vmem>> -> memref<128x64xf32, #tpu.memory_space<vmem>>
      tpu.enqueue_dma source(%dma_start3A_167 : memref<128x64xf32, #tpu.memory_space<vmem>>) target(%dma_start3A_163 : memref<128x64xf32, #tpu.memory_space<vmem_shared>>) target_semaphore(%run_scoped3A_155 : memref<!tpu.dma_semaphore, #tpu.memory_space<semaphore_mem>>)
      %dma_wait3A = arith.constant 0 : i32
      %dma_wait3A_168 = arith.constant 0 : i32
      %dma_wait3A_169 = tpu.memref_slice %arg7[%run_scoped3A_23, %dma_wait3A, %dma_wait3A_168] : memref<4x128x64xf32, #tpu.memory_space<vmem>> -> memref<1x128x64xf32, #tpu.memory_space<vmem>>
      %dma_wait3A_170 = tpu.memref_squeeze %dma_wait3A_169 : memref<1x128x64xf32, #tpu.memory_space<vmem>> -> memref<128x64xf32, #tpu.memory_space<vmem>>
      %dma_wait3A_171 = arith.constant 0 : i32
      %dma_wait3A_172 = tpu.memref_slice %arg8[%add3A_22, %dma_wait3A_171] : memref<10240x64xf32, #tpu.memory_space<vmem_shared>> -> memref<128x64xf32, #tpu.memory_space<vmem_shared>>
      %dma_wait3A_173 = arith.constant 0 : i32
      %dma_wait3A_174 = tpu.memref_slice %arg8[%add3A_22, %dma_wait3A_173] : memref<10240x64xf32, #tpu.memory_space<vmem_shared>> -> memref<128x64xf32, #tpu.memory_space<vmem_shared>>
      %dma_wait3A_175 = arith.constant 0 : i32
      %dma_wait3A_176 = arith.constant 0 : i32
      %dma_wait3A_177 = tpu.memref_slice %arg7[%run_scoped3A_23, %dma_wait3A_175, %dma_wait3A_176] : memref<4x128x64xf32, #tpu.memory_space<vmem>> -> memref<1x128x64xf32, #tpu.memory_space<vmem>>
      %dma_wait3A_178 = tpu.memref_squeeze %dma_wait3A_177 : memref<1x128x64xf32, #tpu.memory_space<vmem>> -> memref<128x64xf32, #tpu.memory_space<vmem>>
      tpu.wait_dma2 semaphore(%run_scoped3A_155 : memref<!tpu.dma_semaphore, #tpu.memory_space<semaphore_mem>>) src(%dma_wait3A_178 : memref<128x64xf32, #tpu.memory_space<vmem>>) dst(%dma_wait3A_174 : memref<128x64xf32, #tpu.memory_space<vmem_shared>>)
      tpu.yield
    }) : () -> ()
    %mul3A_24 = arith.constant 640 : i32
    %mul3A_25 = arith.muli %arg1, %mul3A_24 : i32
    %add3A_26 = arith.constant 256 : i32
    %add3A_27 = arith.addi %mul3A_25, %add3A_26 : i32
    %run_scoped3A_28 = arith.constant 0 : i32
    "tpu.region"() ({
      %run_scoped3A_155 = tpu.sem_alloc : memref<!tpu.dma_semaphore, #tpu.memory_space<semaphore_mem>>
      %dma_start3A_156 = arith.constant 0 : i32
      %dma_start3A_157 = arith.constant 0 : i32
      %dma_start3A_158 = tpu.memref_slice %arg7[%run_scoped3A_28, %dma_start3A_156, %dma_start3A_157] : memref<4x128x64xf32, #tpu.memory_space<vmem>> -> memref<1x128x64xf32, #tpu.memory_space<vmem>>
      %dma_start3A_159 = tpu.memref_squeeze %dma_start3A_158 : memref<1x128x64xf32, #tpu.memory_space<vmem>> -> memref<128x64xf32, #tpu.memory_space<vmem>>
      %dma_start3A_160 = arith.constant 0 : i32
      %dma_start3A_161 = tpu.memref_slice %arg8[%add3A_27, %dma_start3A_160] : memref<10240x64xf32, #tpu.memory_space<vmem_shared>> -> memref<128x64xf32, #tpu.memory_space<vmem_shared>>
      %dma_start3A_162 = arith.constant 0 : i32
      %dma_start3A_163 = tpu.memref_slice %arg8[%add3A_27, %dma_start3A_162] : memref<10240x64xf32, #tpu.memory_space<vmem_shared>> -> memref<128x64xf32, #tpu.memory_space<vmem_shared>>
      %dma_start3A_164 = arith.constant 0 : i32
      %dma_start3A_165 = arith.constant 0 : i32
      %dma_start3A_166 = tpu.memref_slice %arg7[%run_scoped3A_28, %dma_start3A_164, %dma_start3A_165] : memref<4x128x64xf32, #tpu.memory_space<vmem>> -> memref<1x128x64xf32, #tpu.memory_space<vmem>>
      %dma_start3A_167 = tpu.memref_squeeze %dma_start3A_166 : memref<1x128x64xf32, #tpu.memory_space<vmem>> -> memref<128x64xf32, #tpu.memory_space<vmem>>
      tpu.enqueue_dma source(%dma_start3A_167 : memref<128x64xf32, #tpu.memory_space<vmem>>) target(%dma_start3A_163 : memref<128x64xf32, #tpu.memory_space<vmem_shared>>) target_semaphore(%run_scoped3A_155 : memref<!tpu.dma_semaphore, #tpu.memory_space<semaphore_mem>>)
      %dma_wait3A = arith.constant 0 : i32
      %dma_wait3A_168 = arith.constant 0 : i32
      %dma_wait3A_169 = tpu.memref_slice %arg7[%run_scoped3A_28, %dma_wait3A, %dma_wait3A_168] : memref<4x128x64xf32, #tpu.memory_space<vmem>> -> memref<1x128x64xf32, #tpu.memory_space<vmem>>
      %dma_wait3A_170 = tpu.memref_squeeze %dma_wait3A_169 : memref<1x128x64xf32, #tpu.memory_space<vmem>> -> memref<128x64xf32, #tpu.memory_space<vmem>>
      %dma_wait3A_171 = arith.constant 0 : i32
      %dma_wait3A_172 = tpu.memref_slice %arg8[%add3A_27, %dma_wait3A_171] : memref<10240x64xf32, #tpu.memory_space<vmem_shared>> -> memref<128x64xf32, #tpu.memory_space<vmem_shared>>
      %dma_wait3A_173 = arith.constant 0 : i32
      %dma_wait3A_174 = tpu.memref_slice %arg8[%add3A_27, %dma_wait3A_173] : memref<10240x64xf32, #tpu.memory_space<vmem_shared>> -> memref<128x64xf32, #tpu.memory_space<vmem_shared>>
      %dma_wait3A_175 = arith.constant 0 : i32
      %dma_wait3A_176 = arith.constant 0 : i32
      %dma_wait3A_177 = tpu.memref_slice %arg7[%run_scoped3A_28, %dma_wait3A_175, %dma_wait3A_176] : memref<4x128x64xf32, #tpu.memory_space<vmem>> -> memref<1x128x64xf32, #tpu.memory_space<vmem>>
      %dma_wait3A_178 = tpu.memref_squeeze %dma_wait3A_177 : memref<1x128x64xf32, #tpu.memory_space<vmem>> -> memref<128x64xf32, #tpu.memory_space<vmem>>
      tpu.wait_dma2 semaphore(%run_scoped3A_155 : memref<!tpu.dma_semaphore, #tpu.memory_space<semaphore_mem>>) src(%dma_wait3A_178 : memref<128x64xf32, #tpu.memory_space<vmem>>) dst(%dma_wait3A_174 : memref<128x64xf32, #tpu.memory_space<vmem_shared>>)
      tpu.yield
    }) : () -> ()
    %mul3A_29 = arith.constant 640 : i32
    %mul3A_30 = arith.muli %arg1, %mul3A_29 : i32
    %add3A_31 = arith.constant 384 : i32
    %add3A_32 = arith.addi %mul3A_30, %add3A_31 : i32
    %run_scoped3A_33 = arith.constant 0 : i32
    "tpu.region"() ({
      %run_scoped3A_155 = tpu.sem_alloc : memref<!tpu.dma_semaphore, #tpu.memory_space<semaphore_mem>>
      %dma_start3A_156 = arith.constant 0 : i32
      %dma_start3A_157 = arith.constant 0 : i32
      %dma_start3A_158 = tpu.memref_slice %arg7[%run_scoped3A_33, %dma_start3A_156, %dma_start3A_157] : memref<4x128x64xf32, #tpu.memory_space<vmem>> -> memref<1x128x64xf32, #tpu.memory_space<vmem>>
      %dma_start3A_159 = tpu.memref_squeeze %dma_start3A_158 : memref<1x128x64xf32, #tpu.memory_space<vmem>> -> memref<128x64xf32, #tpu.memory_space<vmem>>
      %dma_start3A_160 = arith.constant 0 : i32
      %dma_start3A_161 = tpu.memref_slice %arg8[%add3A_32, %dma_start3A_160] : memref<10240x64xf32, #tpu.memory_space<vmem_shared>> -> memref<128x64xf32, #tpu.memory_space<vmem_shared>>
      %dma_start3A_162 = arith.constant 0 : i32
      %dma_start3A_163 = tpu.memref_slice %arg8[%add3A_32, %dma_start3A_162] : memref<10240x64xf32, #tpu.memory_space<vmem_shared>> -> memref<128x64xf32, #tpu.memory_space<vmem_shared>>
      %dma_start3A_164 = arith.constant 0 : i32
      %dma_start3A_165 = arith.constant 0 : i32
      %dma_start3A_166 = tpu.memref_slice %arg7[%run_scoped3A_33, %dma_start3A_164, %dma_start3A_165] : memref<4x128x64xf32, #tpu.memory_space<vmem>> -> memref<1x128x64xf32, #tpu.memory_space<vmem>>
      %dma_start3A_167 = tpu.memref_squeeze %dma_start3A_166 : memref<1x128x64xf32, #tpu.memory_space<vmem>> -> memref<128x64xf32, #tpu.memory_space<vmem>>
      tpu.enqueue_dma source(%dma_start3A_167 : memref<128x64xf32, #tpu.memory_space<vmem>>) target(%dma_start3A_163 : memref<128x64xf32, #tpu.memory_space<vmem_shared>>) target_semaphore(%run_scoped3A_155 : memref<!tpu.dma_semaphore, #tpu.memory_space<semaphore_mem>>)
      %dma_wait3A = arith.constant 0 : i32
      %dma_wait3A_168 = arith.constant 0 : i32
      %dma_wait3A_169 = tpu.memref_slice %arg7[%run_scoped3A_33, %dma_wait3A, %dma_wait3A_168] : memref<4x128x64xf32, #tpu.memory_space<vmem>> -> memref<1x128x64xf32, #tpu.memory_space<vmem>>
      %dma_wait3A_170 = tpu.memref_squeeze %dma_wait3A_169 : memref<1x128x64xf32, #tpu.memory_space<vmem>> -> memref<128x64xf32, #tpu.memory_space<vmem>>
      %dma_wait3A_171 = arith.constant 0 : i32
      %dma_wait3A_172 = tpu.memref_slice %arg8[%add3A_32, %dma_wait3A_171] : memref<10240x64xf32, #tpu.memory_space<vmem_shared>> -> memref<128x64xf32, #tpu.memory_space<vmem_shared>>
      %dma_wait3A_173 = arith.constant 0 : i32
      %dma_wait3A_174 = tpu.memref_slice %arg8[%add3A_32, %dma_wait3A_173] : memref<10240x64xf32, #tpu.memory_space<vmem_shared>> -> memref<128x64xf32, #tpu.memory_space<vmem_shared>>
      %dma_wait3A_175 = arith.constant 0 : i32
      %dma_wait3A_176 = arith.constant 0 : i32
      %dma_wait3A_177 = tpu.memref_slice %arg7[%run_scoped3A_33, %dma_wait3A_175, %dma_wait3A_176] : memref<4x128x64xf32, #tpu.memory_space<vmem>> -> memref<1x128x64xf32, #tpu.memory_space<vmem>>
      %dma_wait3A_178 = tpu.memref_squeeze %dma_wait3A_177 : memref<1x128x64xf32, #tpu.memory_space<vmem>> -> memref<128x64xf32, #tpu.memory_space<vmem>>
      tpu.wait_dma2 semaphore(%run_scoped3A_155 : memref<!tpu.dma_semaphore, #tpu.memory_space<semaphore_mem>>) src(%dma_wait3A_178 : memref<128x64xf32, #tpu.memory_space<vmem>>) dst(%dma_wait3A_174 : memref<128x64xf32, #tpu.memory_space<vmem_shared>>)
      tpu.yield
    }) : () -> ()
    %mul3A_34 = arith.constant 640 : i32
    %mul3A_35 = arith.muli %arg1, %mul3A_34 : i32
    %add3A_36 = arith.constant 512 : i32
    %add3A_37 = arith.addi %mul3A_35, %add3A_36 : i32
    %run_scoped3A_38 = arith.constant 0 : i32
    "tpu.region"() ({
      %run_scoped3A_155 = tpu.sem_alloc : memref<!tpu.dma_semaphore, #tpu.memory_space<semaphore_mem>>
      %dma_start3A_156 = arith.constant 0 : i32
      %dma_start3A_157 = arith.constant 0 : i32
      %dma_start3A_158 = tpu.memref_slice %arg7[%run_scoped3A_38, %dma_start3A_156, %dma_start3A_157] : memref<4x128x64xf32, #tpu.memory_space<vmem>> -> memref<1x128x64xf32, #tpu.memory_space<vmem>>
      %dma_start3A_159 = tpu.memref_squeeze %dma_start3A_158 : memref<1x128x64xf32, #tpu.memory_space<vmem>> -> memref<128x64xf32, #tpu.memory_space<vmem>>
      %dma_start3A_160 = arith.constant 0 : i32
      %dma_start3A_161 = tpu.memref_slice %arg8[%add3A_37, %dma_start3A_160] : memref<10240x64xf32, #tpu.memory_space<vmem_shared>> -> memref<128x64xf32, #tpu.memory_space<vmem_shared>>
      %dma_start3A_162 = arith.constant 0 : i32
      %dma_start3A_163 = tpu.memref_slice %arg8[%add3A_37, %dma_start3A_162] : memref<10240x64xf32, #tpu.memory_space<vmem_shared>> -> memref<128x64xf32, #tpu.memory_space<vmem_shared>>
      %dma_start3A_164 = arith.constant 0 : i32
      %dma_start3A_165 = arith.constant 0 : i32
      %dma_start3A_166 = tpu.memref_slice %arg7[%run_scoped3A_38, %dma_start3A_164, %dma_start3A_165] : memref<4x128x64xf32, #tpu.memory_space<vmem>> -> memref<1x128x64xf32, #tpu.memory_space<vmem>>
      %dma_start3A_167 = tpu.memref_squeeze %dma_start3A_166 : memref<1x128x64xf32, #tpu.memory_space<vmem>> -> memref<128x64xf32, #tpu.memory_space<vmem>>
      tpu.enqueue_dma source(%dma_start3A_167 : memref<128x64xf32, #tpu.memory_space<vmem>>) target(%dma_start3A_163 : memref<128x64xf32, #tpu.memory_space<vmem_shared>>) target_semaphore(%run_scoped3A_155 : memref<!tpu.dma_semaphore, #tpu.memory_space<semaphore_mem>>)
      %dma_wait3A = arith.constant 0 : i32
      %dma_wait3A_168 = arith.constant 0 : i32
      %dma_wait3A_169 = tpu.memref_slice %arg7[%run_scoped3A_38, %dma_wait3A, %dma_wait3A_168] : memref<4x128x64xf32, #tpu.memory_space<vmem>> -> memref<1x128x64xf32, #tpu.memory_space<vmem>>
      %dma_wait3A_170 = tpu.memref_squeeze %dma_wait3A_169 : memref<1x128x64xf32, #tpu.memory_space<vmem>> -> memref<128x64xf32, #tpu.memory_space<vmem>>
      %dma_wait3A_171 = arith.constant 0 : i32
      %dma_wait3A_172 = tpu.memref_slice %arg8[%add3A_37, %dma_wait3A_171] : memref<10240x64xf32, #tpu.memory_space<vmem_shared>> -> memref<128x64xf32, #tpu.memory_space<vmem_shared>>
      %dma_wait3A_173 = arith.constant 0 : i32
      %dma_wait3A_174 = tpu.memref_slice %arg8[%add3A_37, %dma_wait3A_173] : memref<10240x64xf32, #tpu.memory_space<vmem_shared>> -> memref<128x64xf32, #tpu.memory_space<vmem_shared>>
      %dma_wait3A_175 = arith.constant 0 : i32
      %dma_wait3A_176 = arith.constant 0 : i32
      %dma_wait3A_177 = tpu.memref_slice %arg7[%run_scoped3A_38, %dma_wait3A_175, %dma_wait3A_176] : memref<4x128x64xf32, #tpu.memory_space<vmem>> -> memref<1x128x64xf32, #tpu.memory_space<vmem>>
      %dma_wait3A_178 = tpu.memref_squeeze %dma_wait3A_177 : memref<1x128x64xf32, #tpu.memory_space<vmem>> -> memref<128x64xf32, #tpu.memory_space<vmem>>
      tpu.wait_dma2 semaphore(%run_scoped3A_155 : memref<!tpu.dma_semaphore, #tpu.memory_space<semaphore_mem>>) src(%dma_wait3A_178 : memref<128x64xf32, #tpu.memory_space<vmem>>) dst(%dma_wait3A_174 : memref<128x64xf32, #tpu.memory_space<vmem_shared>>)
      tpu.yield
    }) : () -> ()
    %run_scoped3A_39 = arith.constant 0 : i32
    "tpu.region"() ({
      %run_scoped3A_155 = tpu.sem_alloc : memref<!tpu.dma_semaphore, #tpu.memory_space<semaphore_mem>>
      %dma_start3A_156 = arith.constant 0 : i32
      %dma_start3A_157 = arith.constant 0 : i32
      %dma_start3A_158 = tpu.memref_slice %arg5[%dma_start3A_156, %dma_start3A_157] : memref<79x128xi32, #tpu.memory_space<vmem>> -> memref<78x128xi32, #tpu.memory_space<vmem>>
      %dma_start3A_159 = arith.constant 0 : i32
      %dma_start3A_160 = tpu.memref_slice %arg3[%add3A_4, %run_scoped3A_39, %dma_start3A_159] : memref<2500x2x128xi32, #tpu.memory_space<hbm>> -> memref<78x1x128xi32, #tpu.memory_space<hbm>>
      %dma_start3A_161 = tpu.memref_squeeze %dma_start3A_160 : memref<78x1x128xi32, #tpu.memory_space<hbm>> -> memref<78x128xi32, #tpu.memory_space<hbm>>
      %dma_start3A_162 = arith.constant 0 : i32
      %dma_start3A_163 = arith.constant 0 : i32
      %dma_start3A_164 = tpu.memref_slice %arg5[%dma_start3A_162, %dma_start3A_163] : memref<79x128xi32, #tpu.memory_space<vmem>> -> memref<78x128xi32, #tpu.memory_space<vmem>>
      %dma_start3A_165 = arith.constant 0 : i32
      %dma_start3A_166 = tpu.memref_slice %arg3[%add3A_4, %run_scoped3A_39, %dma_start3A_165] : memref<2500x2x128xi32, #tpu.memory_space<hbm>> -> memref<78x1x128xi32, #tpu.memory_space<hbm>>
      %dma_start3A_167 = tpu.memref_squeeze %dma_start3A_166 : memref<78x1x128xi32, #tpu.memory_space<hbm>> -> memref<78x128xi32, #tpu.memory_space<hbm>>
      tpu.enqueue_dma source(%dma_start3A_167 : memref<78x128xi32, #tpu.memory_space<hbm>>) target(%dma_start3A_164 : memref<78x128xi32, #tpu.memory_space<vmem>>) target_semaphore(%run_scoped3A_155 : memref<!tpu.dma_semaphore, #tpu.memory_space<semaphore_mem>>)
      %dma_wait3A = arith.constant 0 : i32
      %dma_wait3A_168 = arith.constant 0 : i32
      %dma_wait3A_169 = tpu.memref_slice %arg5[%dma_wait3A, %dma_wait3A_168] : memref<79x128xi32, #tpu.memory_space<vmem>> -> memref<78x128xi32, #tpu.memory_space<vmem>>
      %dma_wait3A_170 = arith.constant 0 : i32
      %dma_wait3A_171 = tpu.memref_slice %arg3[%add3A_4, %run_scoped3A_39, %dma_wait3A_170] : memref<2500x2x128xi32, #tpu.memory_space<hbm>> -> memref<78x1x128xi32, #tpu.memory_space<hbm>>
      %dma_wait3A_172 = tpu.memref_squeeze %dma_wait3A_171 : memref<78x1x128xi32, #tpu.memory_space<hbm>> -> memref<78x128xi32, #tpu.memory_space<hbm>>
      %dma_wait3A_173 = arith.constant 0 : i32
      %dma_wait3A_174 = arith.constant 0 : i32
      %dma_wait3A_175 = tpu.memref_slice %arg5[%dma_wait3A_173, %dma_wait3A_174] : memref<79x128xi32, #tpu.memory_space<vmem>> -> memref<78x128xi32, #tpu.memory_space<vmem>>
      %dma_wait3A_176 = arith.constant 0 : i32
      %dma_wait3A_177 = tpu.memref_slice %arg3[%add3A_4, %run_scoped3A_39, %dma_wait3A_176] : memref<2500x2x128xi32, #tpu.memory_space<hbm>> -> memref<78x1x128xi32, #tpu.memory_space<hbm>>
      %dma_wait3A_178 = tpu.memref_squeeze %dma_wait3A_177 : memref<78x1x128xi32, #tpu.memory_space<hbm>> -> memref<78x128xi32, #tpu.memory_space<hbm>>
      tpu.wait_dma2 semaphore(%run_scoped3A_155 : memref<!tpu.dma_semaphore, #tpu.memory_space<semaphore_mem>>) src(%dma_wait3A_178 : memref<78x128xi32, #tpu.memory_space<hbm>>) dst(%dma_wait3A_175 : memref<78x128xi32, #tpu.memory_space<vmem>>)
      tpu.yield
    }) : () -> ()
    %lt3A_40 = arith.constant 4 : i32
    %lt3A_41 = arith.cmpi slt, %add3A, %lt3A_40 : i32
    %convert_element_type3A = arith.extui %lt3A_41 : i1 to i32
    %cond3A = arith.constant 0 : i32
    %cond3A_42 = arith.cmpi ne, %convert_element_type3A, %cond3A : i32
    scf.if %cond3A_42 {
      %add3A_155 = arith.constant 78 : i32
      %add3A_156 = arith.addi %add3A_4, %add3A_155 : i32
      %run_scoped3A_157 = arith.constant 0 : i32
      "tpu.region"() ({
        %run_scoped3A_158 = tpu.sem_alloc : memref<!tpu.dma_semaphore, #tpu.memory_space<semaphore_mem>>
        %dma_start3A_159 = arith.constant 78 : i32
        %dma_start3A_160 = arith.constant 0 : i32
        %dma_start3A_161 = tpu.memref_slice %arg5[%dma_start3A_159, %dma_start3A_160] : memref<79x128xi32, #tpu.memory_space<vmem>> -> memref<1x128xi32, #tpu.memory_space<vmem>>
        %dma_start3A_162 = arith.constant 0 : i32
        %dma_start3A_163 = tpu.memref_slice %arg3[%add3A_156, %run_scoped3A_157, %dma_start3A_162] : memref<2500x2x128xi32, #tpu.memory_space<hbm>> -> memref<1x1x128xi32, #tpu.memory_space<hbm>>
        %dma_start3A_164 = tpu.memref_squeeze %dma_start3A_163 : memref<1x1x128xi32, #tpu.memory_space<hbm>> -> memref<1x128xi32, #tpu.memory_space<hbm>>
        %dma_start3A_165 = arith.constant 78 : i32
        %dma_start3A_166 = arith.constant 0 : i32
        %dma_start3A_167 = tpu.memref_slice %arg5[%dma_start3A_165, %dma_start3A_166] : memref<79x128xi32, #tpu.memory_space<vmem>> -> memref<1x128xi32, #tpu.memory_space<vmem>>
        %dma_start3A_168 = arith.constant 0 : i32
        %dma_start3A_169 = tpu.memref_slice %arg3[%add3A_156, %run_scoped3A_157, %dma_start3A_168] : memref<2500x2x128xi32, #tpu.memory_space<hbm>> -> memref<1x1x128xi32, #tpu.memory_space<hbm>>
        %dma_start3A_170 = tpu.memref_squeeze %dma_start3A_169 : memref<1x1x128xi32, #tpu.memory_space<hbm>> -> memref<1x128xi32, #tpu.memory_space<hbm>>
        tpu.enqueue_dma source(%dma_start3A_170 : memref<1x128xi32, #tpu.memory_space<hbm>>) target(%dma_start3A_167 : memref<1x128xi32, #tpu.memory_space<vmem>>) target_semaphore(%run_scoped3A_158 : memref<!tpu.dma_semaphore, #tpu.memory_space<semaphore_mem>>)
        %dma_wait3A = arith.constant 78 : i32
        %dma_wait3A_171 = arith.constant 0 : i32
        %dma_wait3A_172 = tpu.memref_slice %arg5[%dma_wait3A, %dma_wait3A_171] : memref<79x128xi32, #tpu.memory_space<vmem>> -> memref<1x128xi32, #tpu.memory_space<vmem>>
        %dma_wait3A_173 = arith.constant 0 : i32
        %dma_wait3A_174 = tpu.memref_slice %arg3[%add3A_156, %run_scoped3A_157, %dma_wait3A_173] : memref<2500x2x128xi32, #tpu.memory_space<hbm>> -> memref<1x1x128xi32, #tpu.memory_space<hbm>>
        %dma_wait3A_175 = tpu.memref_squeeze %dma_wait3A_174 : memref<1x1x128xi32, #tpu.memory_space<hbm>> -> memref<1x128xi32, #tpu.memory_space<hbm>>
        %dma_wait3A_176 = arith.constant 78 : i32
        %dma_wait3A_177 = arith.constant 0 : i32
        %dma_wait3A_178 = tpu.memref_slice %arg5[%dma_wait3A_176, %dma_wait3A_177] : memref<79x128xi32, #tpu.memory_space<vmem>> -> memref<1x128xi32, #tpu.memory_space<vmem>>
        %dma_wait3A_179 = arith.constant 0 : i32
        %dma_wait3A_180 = tpu.memref_slice %arg3[%add3A_156, %run_scoped3A_157, %dma_wait3A_179] : memref<2500x2x128xi32, #tpu.memory_space<hbm>> -> memref<1x1x128xi32, #tpu.memory_space<hbm>>
        %dma_wait3A_181 = tpu.memref_squeeze %dma_wait3A_180 : memref<1x1x128xi32, #tpu.memory_space<hbm>> -> memref<1x128xi32, #tpu.memory_space<hbm>>
        tpu.wait_dma2 semaphore(%run_scoped3A_158 : memref<!tpu.dma_semaphore, #tpu.memory_space<semaphore_mem>>) src(%dma_wait3A_181 : memref<1x128xi32, #tpu.memory_space<hbm>>) dst(%dma_wait3A_178 : memref<1x128xi32, #tpu.memory_space<vmem>>)
        tpu.yield
      }) : () -> ()
    } else {
    }
    %dma_start3A = arith.constant 0 : i32
    %dma_start3A_43 = arith.constant 0 : i32
    %dma_start3A_44 = arith.constant 0 : i32
    %dma_start3A_45 = arith.constant 0 : i32
    %dma_start3A_46 = arith.constant 0 : i32
    %dma_start3A_47 = tpu.memref_slice %arg7[%dma_start3A_43, %dma_start3A_45, %dma_start3A_46] : memref<4x128x64xf32, #tpu.memory_space<vmem>> -> memref<1x128x64xf32, #tpu.memory_space<vmem>>
    %dma_start3A_48 = tpu.memref_squeeze %dma_start3A_47 : memref<1x128x64xf32, #tpu.memory_space<vmem>> -> memref<128x64xf32, #tpu.memory_space<vmem>>
    %dma_start3A_49 = arith.constant 0 : i32
    %dma_start3A_50 = tpu.memref_slice %arg5[%dma_start3A, %dma_start3A_49] : memref<79x128xi32, #tpu.memory_space<vmem>> -> memref<1x128xi32, #tpu.memory_space<vmem>>
    %dma_start3A_51 = tpu.memref_squeeze %dma_start3A_50 : memref<1x128xi32, #tpu.memory_space<vmem>> -> memref<128xi32, #tpu.memory_space<vmem>>
    %dma_start3A_52 = arith.constant 0 : i32
    %dma_start3A_53 = arith.constant 0 : i32
    %dma_start3A_54 = tpu.memref_slice %arg2[%dma_start3A_52, %dma_start3A_53] : memref<10240x64xf32, #tpu.memory_space<hbm>> -> memref<10240x64xf32, #tpu.memory_space<hbm>>
    %dma_start3A_55 = tpu.memref_slice %arg9[%dma_start3A_44] : memref<4x!tpu.dma_semaphore, #tpu.memory_space<semaphore_mem>> -> memref<1x!tpu.dma_semaphore, #tpu.memory_space<semaphore_mem>>
    %dma_start3A_56 = tpu.memref_squeeze %dma_start3A_55 : memref<1x!tpu.dma_semaphore, #tpu.memory_space<semaphore_mem>> -> memref<!tpu.dma_semaphore, #tpu.memory_space<semaphore_mem>>
    tpu.enqueue_indirect_dma source(%dma_start3A_54 : memref<10240x64xf32, #tpu.memory_space<hbm>>) target(%dma_start3A_48 : memref<128x64xf32, #tpu.memory_space<vmem>>) offsets(%dma_start3A_51 : memref<128xi32, #tpu.memory_space<vmem>>) semaphore(%dma_start3A_56 : memref<!tpu.dma_semaphore, #tpu.memory_space<semaphore_mem>>)
    %dma_start3A_57 = arith.constant 1 : i32
    %dma_start3A_58 = arith.constant 1 : i32
    %dma_start3A_59 = arith.constant 1 : i32
    %dma_start3A_60 = arith.constant 0 : i32
    %dma_start3A_61 = arith.constant 0 : i32
    %dma_start3A_62 = tpu.memref_slice %arg7[%dma_start3A_58, %dma_start3A_60, %dma_start3A_61] : memref<4x128x64xf32, #tpu.memory_space<vmem>> -> memref<1x128x64xf32, #tpu.memory_space<vmem>>
    %dma_start3A_63 = tpu.memref_squeeze %dma_start3A_62 : memref<1x128x64xf32, #tpu.memory_space<vmem>> -> memref<128x64xf32, #tpu.memory_space<vmem>>
    %dma_start3A_64 = arith.constant 0 : i32
    %dma_start3A_65 = tpu.memref_slice %arg5[%dma_start3A_57, %dma_start3A_64] : memref<79x128xi32, #tpu.memory_space<vmem>> -> memref<1x128xi32, #tpu.memory_space<vmem>>
    %dma_start3A_66 = tpu.memref_squeeze %dma_start3A_65 : memref<1x128xi32, #tpu.memory_space<vmem>> -> memref<128xi32, #tpu.memory_space<vmem>>
    %dma_start3A_67 = arith.constant 0 : i32
    %dma_start3A_68 = arith.constant 0 : i32
    %dma_start3A_69 = tpu.memref_slice %arg2[%dma_start3A_67, %dma_start3A_68] : memref<10240x64xf32, #tpu.memory_space<hbm>> -> memref<10240x64xf32, #tpu.memory_space<hbm>>
    %dma_start3A_70 = tpu.memref_slice %arg9[%dma_start3A_59] : memref<4x!tpu.dma_semaphore, #tpu.memory_space<semaphore_mem>> -> memref<1x!tpu.dma_semaphore, #tpu.memory_space<semaphore_mem>>
    %dma_start3A_71 = tpu.memref_squeeze %dma_start3A_70 : memref<1x!tpu.dma_semaphore, #tpu.memory_space<semaphore_mem>> -> memref<!tpu.dma_semaphore, #tpu.memory_space<semaphore_mem>>
    tpu.enqueue_indirect_dma source(%dma_start3A_69 : memref<10240x64xf32, #tpu.memory_space<hbm>>) target(%dma_start3A_63 : memref<128x64xf32, #tpu.memory_space<vmem>>) offsets(%dma_start3A_66 : memref<128xi32, #tpu.memory_space<vmem>>) semaphore(%dma_start3A_71 : memref<!tpu.dma_semaphore, #tpu.memory_space<semaphore_mem>>)
    %dma_start3A_72 = arith.constant 2 : i32
    %dma_start3A_73 = arith.constant 2 : i32
    %dma_start3A_74 = arith.constant 2 : i32
    %dma_start3A_75 = arith.constant 0 : i32
    %dma_start3A_76 = arith.constant 0 : i32
    %dma_start3A_77 = tpu.memref_slice %arg7[%dma_start3A_73, %dma_start3A_75, %dma_start3A_76] : memref<4x128x64xf32, #tpu.memory_space<vmem>> -> memref<1x128x64xf32, #tpu.memory_space<vmem>>
    %dma_start3A_78 = tpu.memref_squeeze %dma_start3A_77 : memref<1x128x64xf32, #tpu.memory_space<vmem>> -> memref<128x64xf32, #tpu.memory_space<vmem>>
    %dma_start3A_79 = arith.constant 0 : i32
    %dma_start3A_80 = tpu.memref_slice %arg5[%dma_start3A_72, %dma_start3A_79] : memref<79x128xi32, #tpu.memory_space<vmem>> -> memref<1x128xi32, #tpu.memory_space<vmem>>
    %dma_start3A_81 = tpu.memref_squeeze %dma_start3A_80 : memref<1x128xi32, #tpu.memory_space<vmem>> -> memref<128xi32, #tpu.memory_space<vmem>>
    %dma_start3A_82 = arith.constant 0 : i32
    %dma_start3A_83 = arith.constant 0 : i32
    %dma_start3A_84 = tpu.memref_slice %arg2[%dma_start3A_82, %dma_start3A_83] : memref<10240x64xf32, #tpu.memory_space<hbm>> -> memref<10240x64xf32, #tpu.memory_space<hbm>>
    %dma_start3A_85 = tpu.memref_slice %arg9[%dma_start3A_74] : memref<4x!tpu.dma_semaphore, #tpu.memory_space<semaphore_mem>> -> memref<1x!tpu.dma_semaphore, #tpu.memory_space<semaphore_mem>>
    %dma_start3A_86 = tpu.memref_squeeze %dma_start3A_85 : memref<1x!tpu.dma_semaphore, #tpu.memory_space<semaphore_mem>> -> memref<!tpu.dma_semaphore, #tpu.memory_space<semaphore_mem>>
    tpu.enqueue_indirect_dma source(%dma_start3A_84 : memref<10240x64xf32, #tpu.memory_space<hbm>>) target(%dma_start3A_78 : memref<128x64xf32, #tpu.memory_space<vmem>>) offsets(%dma_start3A_81 : memref<128xi32, #tpu.memory_space<vmem>>) semaphore(%dma_start3A_86 : memref<!tpu.dma_semaphore, #tpu.memory_space<semaphore_mem>>)
    %dma_start3A_87 = arith.constant 3 : i32
    %dma_start3A_88 = arith.constant 3 : i32
    %dma_start3A_89 = arith.constant 3 : i32
    %dma_start3A_90 = arith.constant 0 : i32
    %dma_start3A_91 = arith.constant 0 : i32
    %dma_start3A_92 = tpu.memref_slice %arg7[%dma_start3A_88, %dma_start3A_90, %dma_start3A_91] : memref<4x128x64xf32, #tpu.memory_space<vmem>> -> memref<1x128x64xf32, #tpu.memory_space<vmem>>
    %dma_start3A_93 = tpu.memref_squeeze %dma_start3A_92 : memref<1x128x64xf32, #tpu.memory_space<vmem>> -> memref<128x64xf32, #tpu.memory_space<vmem>>
    %dma_start3A_94 = arith.constant 0 : i32
    %dma_start3A_95 = tpu.memref_slice %arg5[%dma_start3A_87, %dma_start3A_94] : memref<79x128xi32, #tpu.memory_space<vmem>> -> memref<1x128xi32, #tpu.memory_space<vmem>>
    %dma_start3A_96 = tpu.memref_squeeze %dma_start3A_95 : memref<1x128xi32, #tpu.memory_space<vmem>> -> memref<128xi32, #tpu.memory_space<vmem>>
    %dma_start3A_97 = arith.constant 0 : i32
    %dma_start3A_98 = arith.constant 0 : i32
    %dma_start3A_99 = tpu.memref_slice %arg2[%dma_start3A_97, %dma_start3A_98] : memref<10240x64xf32, #tpu.memory_space<hbm>> -> memref<10240x64xf32, #tpu.memory_space<hbm>>
    %dma_start3A_100 = tpu.memref_slice %arg9[%dma_start3A_89] : memref<4x!tpu.dma_semaphore, #tpu.memory_space<semaphore_mem>> -> memref<1x!tpu.dma_semaphore, #tpu.memory_space<semaphore_mem>>
    %dma_start3A_101 = tpu.memref_squeeze %dma_start3A_100 : memref<1x!tpu.dma_semaphore, #tpu.memory_space<semaphore_mem>> -> memref<!tpu.dma_semaphore, #tpu.memory_space<semaphore_mem>>
    tpu.enqueue_indirect_dma source(%dma_start3A_99 : memref<10240x64xf32, #tpu.memory_space<hbm>>) target(%dma_start3A_93 : memref<128x64xf32, #tpu.memory_space<vmem>>) offsets(%dma_start3A_96 : memref<128xi32, #tpu.memory_space<vmem>>) semaphore(%dma_start3A_101 : memref<!tpu.dma_semaphore, #tpu.memory_space<semaphore_mem>>)
    %barrier3A = arith.constant 0 : index
    tpu.barrier barrier_id(%barrier3A)
    %run_scoped3A_102 = arith.constant 1 : i32
    "tpu.region"() ({
      %run_scoped3A_155 = tpu.sem_alloc : memref<!tpu.dma_semaphore, #tpu.memory_space<semaphore_mem>>
      %dma_start3A_156 = arith.constant 0 : i32
      %dma_start3A_157 = tpu.memref_slice %arg3[%add3A_4, %run_scoped3A_102, %dma_start3A_156] : memref<2500x2x128xi32, #tpu.memory_space<hbm>> -> memref<40x1x128xi32, #tpu.memory_space<hbm>>
      %dma_start3A_158 = tpu.memref_squeeze %dma_start3A_157 : memref<40x1x128xi32, #tpu.memory_space<hbm>> -> memref<40x128xi32, #tpu.memory_space<hbm>>
      %dma_start3A_159 = arith.constant 0 : i32
      %dma_start3A_160 = tpu.memref_slice %arg3[%add3A_4, %run_scoped3A_102, %dma_start3A_159] : memref<2500x2x128xi32, #tpu.memory_space<hbm>> -> memref<40x1x128xi32, #tpu.memory_space<hbm>>
      %dma_start3A_161 = tpu.memref_squeeze %dma_start3A_160 : memref<40x1x128xi32, #tpu.memory_space<hbm>> -> memref<40x128xi32, #tpu.memory_space<hbm>>
      tpu.enqueue_dma source(%dma_start3A_161 : memref<40x128xi32, #tpu.memory_space<hbm>>) target(%arg6 : memref<40x128xi32, #tpu.memory_space<vmem>>) target_semaphore(%run_scoped3A_155 : memref<!tpu.dma_semaphore, #tpu.memory_space<semaphore_mem>>)
      %dma_wait3A = arith.constant 0 : i32
      %dma_wait3A_162 = tpu.memref_slice %arg3[%add3A_4, %run_scoped3A_102, %dma_wait3A] : memref<2500x2x128xi32, #tpu.memory_space<hbm>> -> memref<40x1x128xi32, #tpu.memory_space<hbm>>
      %dma_wait3A_163 = tpu.memref_squeeze %dma_wait3A_162 : memref<40x1x128xi32, #tpu.memory_space<hbm>> -> memref<40x128xi32, #tpu.memory_space<hbm>>
      %dma_wait3A_164 = arith.constant 0 : i32
      %dma_wait3A_165 = tpu.memref_slice %arg3[%add3A_4, %run_scoped3A_102, %dma_wait3A_164] : memref<2500x2x128xi32, #tpu.memory_space<hbm>> -> memref<40x1x128xi32, #tpu.memory_space<hbm>>
      %dma_wait3A_166 = tpu.memref_squeeze %dma_wait3A_165 : memref<40x1x128xi32, #tpu.memory_space<hbm>> -> memref<40x128xi32, #tpu.memory_space<hbm>>
      tpu.wait_dma2 semaphore(%run_scoped3A_155 : memref<!tpu.dma_semaphore, #tpu.memory_space<semaphore_mem>>) src(%dma_wait3A_166 : memref<40x128xi32, #tpu.memory_space<hbm>>) dst(%arg6 : memref<40x128xi32, #tpu.memory_space<vmem>>)
      tpu.yield
    }) : () -> ()
    %scan3A_103 = arith.constant 0 : i32
    %scan3A_104 = arith.constant 0 : i32
    %scan3A_105 = arith.constant 10 : i32
    %scan3A_106 = arith.addi %scan3A_104, %scan3A_105 : i32
    %scan3A_107 = arith.constant 1 : i32
    %scan3A_108 = scf.for %scan3A_155 = %scan3A_104 to %scan3A_106 step %scan3A_107 iter_args(%scan3A_156 = %scan3A_103) -> (i32)  : i32 {
      %mul3A_157 = arith.constant 4 : i32
      %mul3A_158 = arith.muli %scan3A_155, %mul3A_157 : i32
      %add3A_159 = arith.constant 0 : i32
      %add3A_160 = arith.addi %mul3A_158, %add3A_159 : i32
      %dma_wait3A = arith.constant 0 : i32
      %dma_wait3A_161 = arith.constant 0 : i32
      %dma_wait3A_162 = arith.constant 0 : i32
      %dma_wait3A_163 = arith.constant 0 : i32
      %dma_wait3A_164 = tpu.memref_slice %arg7[%dma_wait3A, %dma_wait3A_162, %dma_wait3A_163] : memref<4x128x64xf32, #tpu.memory_space<vmem>> -> memref<1x128x64xf32, #tpu.memory_space<vmem>>
      %dma_wait3A_165 = tpu.memref_squeeze %dma_wait3A_164 : memref<1x128x64xf32, #tpu.memory_space<vmem>> -> memref<128x64xf32, #tpu.memory_space<vmem>>
      %dma_wait3A_166 = arith.constant 0 : i32
      %dma_wait3A_167 = tpu.memref_slice %arg5[%add3A_160, %dma_wait3A_166] : memref<79x128xi32, #tpu.memory_space<vmem>> -> memref<1x128xi32, #tpu.memory_space<vmem>>
      %dma_wait3A_168 = tpu.memref_squeeze %dma_wait3A_167 : memref<1x128xi32, #tpu.memory_space<vmem>> -> memref<128xi32, #tpu.memory_space<vmem>>
      %dma_wait3A_169 = arith.constant 0 : i32
      %dma_wait3A_170 = arith.constant 0 : i32
      %dma_wait3A_171 = tpu.memref_slice %arg2[%dma_wait3A_169, %dma_wait3A_170] : memref<10240x64xf32, #tpu.memory_space<hbm>> -> memref<10240x64xf32, #tpu.memory_space<hbm>>
      %dma_wait3A_172 = tpu.memref_slice %arg9[%dma_wait3A_161] : memref<4x!tpu.dma_semaphore, #tpu.memory_space<semaphore_mem>> -> memref<1x!tpu.dma_semaphore, #tpu.memory_space<semaphore_mem>>
      %dma_wait3A_173 = tpu.memref_squeeze %dma_wait3A_172 : memref<1x!tpu.dma_semaphore, #tpu.memory_space<semaphore_mem>> -> memref<!tpu.dma_semaphore, #tpu.memory_space<semaphore_mem>>
      tpu.wait_indirect_dma semaphore(%dma_wait3A_173 : memref<!tpu.dma_semaphore, #tpu.memory_space<semaphore_mem>>) src(%dma_wait3A_171 : memref<10240x64xf32, #tpu.memory_space<hbm>>) dst(%dma_wait3A_165 : memref<128x64xf32, #tpu.memory_space<vmem>>)
      %run_scoped3A_174 = arith.constant 0 : i32
      "tpu.region"() ({
        %run_scoped3A_257 = tpu.sem_alloc : memref<!tpu.dma_semaphore, #tpu.memory_space<semaphore_mem>>
        %dma_start3A_258 = arith.constant 0 : i32
        %dma_start3A_259 = arith.constant 0 : i32
        %dma_start3A_260 = tpu.memref_slice %arg7[%run_scoped3A_174, %dma_start3A_258, %dma_start3A_259] : memref<4x128x64xf32, #tpu.memory_space<vmem>> -> memref<1x128x64xf32, #tpu.memory_space<vmem>>
        %dma_start3A_261 = tpu.memref_squeeze %dma_start3A_260 : memref<1x128x64xf32, #tpu.memory_space<vmem>> -> memref<128x64xf32, #tpu.memory_space<vmem>>
        %dma_start3A_262 = arith.constant 0 : i32
        %dma_start3A_263 = tpu.memref_slice %arg6[%add3A_160, %dma_start3A_262] : memref<40x128xi32, #tpu.memory_space<vmem>> -> memref<1x128xi32, #tpu.memory_space<vmem>>
        %dma_start3A_264 = tpu.memref_squeeze %dma_start3A_263 : memref<1x128xi32, #tpu.memory_space<vmem>> -> memref<128xi32, #tpu.memory_space<vmem>>
        %dma_start3A_265 = arith.constant 0 : i32
        %dma_start3A_266 = arith.constant 0 : i32
        %dma_start3A_267 = tpu.memref_slice %arg8[%dma_start3A_265, %dma_start3A_266] : memref<10240x64xf32, #tpu.memory_space<vmem_shared>> -> memref<10240x64xf32, #tpu.memory_space<vmem_shared>>
        tpu.enqueue_indirect_dma source(%dma_start3A_261 : memref<128x64xf32, #tpu.memory_space<vmem>>) target(%dma_start3A_267 : memref<10240x64xf32, #tpu.memory_space<vmem_shared>>) offsets(%dma_start3A_264 : memref<128xi32, #tpu.memory_space<vmem>>) semaphore(%run_scoped3A_257 : memref<!tpu.dma_semaphore, #tpu.memory_space<semaphore_mem>>) {add = true}
        %dma_wait3A_268 = arith.constant 0 : i32
        %dma_wait3A_269 = arith.constant 0 : i32
        %dma_wait3A_270 = tpu.memref_slice %arg7[%run_scoped3A_174, %dma_wait3A_268, %dma_wait3A_269] : memref<4x128x64xf32, #tpu.memory_space<vmem>> -> memref<1x128x64xf32, #tpu.memory_space<vmem>>
        %dma_wait3A_271 = tpu.memref_squeeze %dma_wait3A_270 : memref<1x128x64xf32, #tpu.memory_space<vmem>> -> memref<128x64xf32, #tpu.memory_space<vmem>>
        %dma_wait3A_272 = arith.constant 0 : i32
        %dma_wait3A_273 = tpu.memref_slice %arg6[%add3A_160, %dma_wait3A_272] : memref<40x128xi32, #tpu.memory_space<vmem>> -> memref<1x128xi32, #tpu.memory_space<vmem>>
        %dma_wait3A_274 = tpu.memref_squeeze %dma_wait3A_273 : memref<1x128xi32, #tpu.memory_space<vmem>> -> memref<128xi32, #tpu.memory_space<vmem>>
        %dma_wait3A_275 = arith.constant 0 : i32
        %dma_wait3A_276 = arith.constant 0 : i32
        %dma_wait3A_277 = tpu.memref_slice %arg8[%dma_wait3A_275, %dma_wait3A_276] : memref<10240x64xf32, #tpu.memory_space<vmem_shared>> -> memref<10240x64xf32, #tpu.memory_space<vmem_shared>>
        tpu.wait_indirect_dma semaphore(%run_scoped3A_257 : memref<!tpu.dma_semaphore, #tpu.memory_space<semaphore_mem>>) src(%dma_wait3A_271 : memref<128x64xf32, #tpu.memory_space<vmem>>) dst(%dma_wait3A_277 : memref<10240x64xf32, #tpu.memory_space<vmem_shared>>)
        tpu.yield
      }) : () -> ()
      %add3A_175 = arith.constant 4 : i32
      %add3A_176 = arith.addi %add3A_160, %add3A_175 : i32
      %lt3A_177 = arith.cmpi slt, %add3A_176, %add3A_8 : i32
      %convert_element_type3A_178 = arith.extui %lt3A_177 : i1 to i32
      %cond3A_179 = arith.constant 0 : i32
      %cond3A_180 = arith.cmpi ne, %convert_element_type3A_178, %cond3A_179 : i32
      scf.if %cond3A_180 {
        %add3A_257 = arith.constant 4 : i32
        %add3A_258 = arith.addi %add3A_160, %add3A_257 : i32
        %dma_start3A_259 = arith.constant 0 : i32
        %dma_start3A_260 = arith.constant 0 : i32
        %dma_start3A_261 = arith.constant 0 : i32
        %dma_start3A_262 = arith.constant 0 : i32
        %dma_start3A_263 = tpu.memref_slice %arg7[%dma_start3A_259, %dma_start3A_261, %dma_start3A_262] : memref<4x128x64xf32, #tpu.memory_space<vmem>> -> memref<1x128x64xf32, #tpu.memory_space<vmem>>
        %dma_start3A_264 = tpu.memref_squeeze %dma_start3A_263 : memref<1x128x64xf32, #tpu.memory_space<vmem>> -> memref<128x64xf32, #tpu.memory_space<vmem>>
        %dma_start3A_265 = arith.constant 0 : i32
        %dma_start3A_266 = tpu.memref_slice %arg5[%add3A_258, %dma_start3A_265] : memref<79x128xi32, #tpu.memory_space<vmem>> -> memref<1x128xi32, #tpu.memory_space<vmem>>
        %dma_start3A_267 = tpu.memref_squeeze %dma_start3A_266 : memref<1x128xi32, #tpu.memory_space<vmem>> -> memref<128xi32, #tpu.memory_space<vmem>>
        %dma_start3A_268 = arith.constant 0 : i32
        %dma_start3A_269 = arith.constant 0 : i32
        %dma_start3A_270 = tpu.memref_slice %arg2[%dma_start3A_268, %dma_start3A_269] : memref<10240x64xf32, #tpu.memory_space<hbm>> -> memref<10240x64xf32, #tpu.memory_space<hbm>>
        %dma_start3A_271 = tpu.memref_slice %arg9[%dma_start3A_260] : memref<4x!tpu.dma_semaphore, #tpu.memory_space<semaphore_mem>> -> memref<1x!tpu.dma_semaphore, #tpu.memory_space<semaphore_mem>>
        %dma_start3A_272 = tpu.memref_squeeze %dma_start3A_271 : memref<1x!tpu.dma_semaphore, #tpu.memory_space<semaphore_mem>> -> memref<!tpu.dma_semaphore, #tpu.memory_space<semaphore_mem>>
        tpu.enqueue_indirect_dma source(%dma_start3A_270 : memref<10240x64xf32, #tpu.memory_space<hbm>>) target(%dma_start3A_264 : memref<128x64xf32, #tpu.memory_space<vmem>>) offsets(%dma_start3A_267 : memref<128xi32, #tpu.memory_space<vmem>>) semaphore(%dma_start3A_272 : memref<!tpu.dma_semaphore, #tpu.memory_space<semaphore_mem>>)
      } else {
      }
      %mul3A_181 = arith.constant 4 : i32
      %mul3A_182 = arith.muli %scan3A_155, %mul3A_181 : i32
      %add3A_183 = arith.constant 1 : i32
      %add3A_184 = arith.addi %mul3A_182, %add3A_183 : i32
      %dma_wait3A_185 = arith.constant 1 : i32
      %dma_wait3A_186 = arith.constant 1 : i32
      %dma_wait3A_187 = arith.constant 0 : i32
      %dma_wait3A_188 = arith.constant 0 : i32
      %dma_wait3A_189 = tpu.memref_slice %arg7[%dma_wait3A_185, %dma_wait3A_187, %dma_wait3A_188] : memref<4x128x64xf32, #tpu.memory_space<vmem>> -> memref<1x128x64xf32, #tpu.memory_space<vmem>>
      %dma_wait3A_190 = tpu.memref_squeeze %dma_wait3A_189 : memref<1x128x64xf32, #tpu.memory_space<vmem>> -> memref<128x64xf32, #tpu.memory_space<vmem>>
      %dma_wait3A_191 = arith.constant 0 : i32
      %dma_wait3A_192 = tpu.memref_slice %arg5[%add3A_184, %dma_wait3A_191] : memref<79x128xi32, #tpu.memory_space<vmem>> -> memref<1x128xi32, #tpu.memory_space<vmem>>
      %dma_wait3A_193 = tpu.memref_squeeze %dma_wait3A_192 : memref<1x128xi32, #tpu.memory_space<vmem>> -> memref<128xi32, #tpu.memory_space<vmem>>
      %dma_wait3A_194 = arith.constant 0 : i32
      %dma_wait3A_195 = arith.constant 0 : i32
      %dma_wait3A_196 = tpu.memref_slice %arg2[%dma_wait3A_194, %dma_wait3A_195] : memref<10240x64xf32, #tpu.memory_space<hbm>> -> memref<10240x64xf32, #tpu.memory_space<hbm>>
      %dma_wait3A_197 = tpu.memref_slice %arg9[%dma_wait3A_186] : memref<4x!tpu.dma_semaphore, #tpu.memory_space<semaphore_mem>> -> memref<1x!tpu.dma_semaphore, #tpu.memory_space<semaphore_mem>>
      %dma_wait3A_198 = tpu.memref_squeeze %dma_wait3A_197 : memref<1x!tpu.dma_semaphore, #tpu.memory_space<semaphore_mem>> -> memref<!tpu.dma_semaphore, #tpu.memory_space<semaphore_mem>>
      tpu.wait_indirect_dma semaphore(%dma_wait3A_198 : memref<!tpu.dma_semaphore, #tpu.memory_space<semaphore_mem>>) src(%dma_wait3A_196 : memref<10240x64xf32, #tpu.memory_space<hbm>>) dst(%dma_wait3A_190 : memref<128x64xf32, #tpu.memory_space<vmem>>)
      %run_scoped3A_199 = arith.constant 1 : i32
      "tpu.region"() ({
        %run_scoped3A_257 = tpu.sem_alloc : memref<!tpu.dma_semaphore, #tpu.memory_space<semaphore_mem>>
        %dma_start3A_258 = arith.constant 0 : i32
        %dma_start3A_259 = arith.constant 0 : i32
        %dma_start3A_260 = tpu.memref_slice %arg7[%run_scoped3A_199, %dma_start3A_258, %dma_start3A_259] : memref<4x128x64xf32, #tpu.memory_space<vmem>> -> memref<1x128x64xf32, #tpu.memory_space<vmem>>
        %dma_start3A_261 = tpu.memref_squeeze %dma_start3A_260 : memref<1x128x64xf32, #tpu.memory_space<vmem>> -> memref<128x64xf32, #tpu.memory_space<vmem>>
        %dma_start3A_262 = arith.constant 0 : i32
        %dma_start3A_263 = tpu.memref_slice %arg6[%add3A_184, %dma_start3A_262] : memref<40x128xi32, #tpu.memory_space<vmem>> -> memref<1x128xi32, #tpu.memory_space<vmem>>
        %dma_start3A_264 = tpu.memref_squeeze %dma_start3A_263 : memref<1x128xi32, #tpu.memory_space<vmem>> -> memref<128xi32, #tpu.memory_space<vmem>>
        %dma_start3A_265 = arith.constant 0 : i32
        %dma_start3A_266 = arith.constant 0 : i32
        %dma_start3A_267 = tpu.memref_slice %arg8[%dma_start3A_265, %dma_start3A_266] : memref<10240x64xf32, #tpu.memory_space<vmem_shared>> -> memref<10240x64xf32, #tpu.memory_space<vmem_shared>>
        tpu.enqueue_indirect_dma source(%dma_start3A_261 : memref<128x64xf32, #tpu.memory_space<vmem>>) target(%dma_start3A_267 : memref<10240x64xf32, #tpu.memory_space<vmem_shared>>) offsets(%dma_start3A_264 : memref<128xi32, #tpu.memory_space<vmem>>) semaphore(%run_scoped3A_257 : memref<!tpu.dma_semaphore, #tpu.memory_space<semaphore_mem>>) {add = true}
        %dma_wait3A_268 = arith.constant 0 : i32
        %dma_wait3A_269 = arith.constant 0 : i32
        %dma_wait3A_270 = tpu.memref_slice %arg7[%run_scoped3A_199, %dma_wait3A_268, %dma_wait3A_269] : memref<4x128x64xf32, #tpu.memory_space<vmem>> -> memref<1x128x64xf32, #tpu.memory_space<vmem>>
        %dma_wait3A_271 = tpu.memref_squeeze %dma_wait3A_270 : memref<1x128x64xf32, #tpu.memory_space<vmem>> -> memref<128x64xf32, #tpu.memory_space<vmem>>
        %dma_wait3A_272 = arith.constant 0 : i32
        %dma_wait3A_273 = tpu.memref_slice %arg6[%add3A_184, %dma_wait3A_272] : memref<40x128xi32, #tpu.memory_space<vmem>> -> memref<1x128xi32, #tpu.memory_space<vmem>>
        %dma_wait3A_274 = tpu.memref_squeeze %dma_wait3A_273 : memref<1x128xi32, #tpu.memory_space<vmem>> -> memref<128xi32, #tpu.memory_space<vmem>>
        %dma_wait3A_275 = arith.constant 0 : i32
        %dma_wait3A_276 = arith.constant 0 : i32
        %dma_wait3A_277 = tpu.memref_slice %arg8[%dma_wait3A_275, %dma_wait3A_276] : memref<10240x64xf32, #tpu.memory_space<vmem_shared>> -> memref<10240x64xf32, #tpu.memory_space<vmem_shared>>
        tpu.wait_indirect_dma semaphore(%run_scoped3A_257 : memref<!tpu.dma_semaphore, #tpu.memory_space<semaphore_mem>>) src(%dma_wait3A_271 : memref<128x64xf32, #tpu.memory_space<vmem>>) dst(%dma_wait3A_277 : memref<10240x64xf32, #tpu.memory_space<vmem_shared>>)
        tpu.yield
      }) : () -> ()
      %add3A_200 = arith.constant 4 : i32
      %add3A_201 = arith.addi %add3A_184, %add3A_200 : i32
      %lt3A_202 = arith.cmpi slt, %add3A_201, %add3A_8 : i32
      %convert_element_type3A_203 = arith.extui %lt3A_202 : i1 to i32
      %cond3A_204 = arith.constant 0 : i32
      %cond3A_205 = arith.cmpi ne, %convert_element_type3A_203, %cond3A_204 : i32
      scf.if %cond3A_205 {
        %add3A_257 = arith.constant 4 : i32
        %add3A_258 = arith.addi %add3A_184, %add3A_257 : i32
        %dma_start3A_259 = arith.constant 1 : i32
        %dma_start3A_260 = arith.constant 1 : i32
        %dma_start3A_261 = arith.constant 0 : i32
        %dma_start3A_262 = arith.constant 0 : i32
        %dma_start3A_263 = tpu.memref_slice %arg7[%dma_start3A_259, %dma_start3A_261, %dma_start3A_262] : memref<4x128x64xf32, #tpu.memory_space<vmem>> -> memref<1x128x64xf32, #tpu.memory_space<vmem>>
        %dma_start3A_264 = tpu.memref_squeeze %dma_start3A_263 : memref<1x128x64xf32, #tpu.memory_space<vmem>> -> memref<128x64xf32, #tpu.memory_space<vmem>>
        %dma_start3A_265 = arith.constant 0 : i32
        %dma_start3A_266 = tpu.memref_slice %arg5[%add3A_258, %dma_start3A_265] : memref<79x128xi32, #tpu.memory_space<vmem>> -> memref<1x128xi32, #tpu.memory_space<vmem>>
        %dma_start3A_267 = tpu.memref_squeeze %dma_start3A_266 : memref<1x128xi32, #tpu.memory_space<vmem>> -> memref<128xi32, #tpu.memory_space<vmem>>
        %dma_start3A_268 = arith.constant 0 : i32
        %dma_start3A_269 = arith.constant 0 : i32
        %dma_start3A_270 = tpu.memref_slice %arg2[%dma_start3A_268, %dma_start3A_269] : memref<10240x64xf32, #tpu.memory_space<hbm>> -> memref<10240x64xf32, #tpu.memory_space<hbm>>
        %dma_start3A_271 = tpu.memref_slice %arg9[%dma_start3A_260] : memref<4x!tpu.dma_semaphore, #tpu.memory_space<semaphore_mem>> -> memref<1x!tpu.dma_semaphore, #tpu.memory_space<semaphore_mem>>
        %dma_start3A_272 = tpu.memref_squeeze %dma_start3A_271 : memref<1x!tpu.dma_semaphore, #tpu.memory_space<semaphore_mem>> -> memref<!tpu.dma_semaphore, #tpu.memory_space<semaphore_mem>>
        tpu.enqueue_indirect_dma source(%dma_start3A_270 : memref<10240x64xf32, #tpu.memory_space<hbm>>) target(%dma_start3A_264 : memref<128x64xf32, #tpu.memory_space<vmem>>) offsets(%dma_start3A_267 : memref<128xi32, #tpu.memory_space<vmem>>) semaphore(%dma_start3A_272 : memref<!tpu.dma_semaphore, #tpu.memory_space<semaphore_mem>>)
      } else {
      }
      %mul3A_206 = arith.constant 4 : i32
      %mul3A_207 = arith.muli %scan3A_155, %mul3A_206 : i32
      %add3A_208 = arith.constant 2 : i32
      %add3A_209 = arith.addi %mul3A_207, %add3A_208 : i32
      %dma_wait3A_210 = arith.constant 2 : i32
      %dma_wait3A_211 = arith.constant 2 : i32
      %dma_wait3A_212 = arith.constant 0 : i32
      %dma_wait3A_213 = arith.constant 0 : i32
      %dma_wait3A_214 = tpu.memref_slice %arg7[%dma_wait3A_210, %dma_wait3A_212, %dma_wait3A_213] : memref<4x128x64xf32, #tpu.memory_space<vmem>> -> memref<1x128x64xf32, #tpu.memory_space<vmem>>
      %dma_wait3A_215 = tpu.memref_squeeze %dma_wait3A_214 : memref<1x128x64xf32, #tpu.memory_space<vmem>> -> memref<128x64xf32, #tpu.memory_space<vmem>>
      %dma_wait3A_216 = arith.constant 0 : i32
      %dma_wait3A_217 = tpu.memref_slice %arg5[%add3A_209, %dma_wait3A_216] : memref<79x128xi32, #tpu.memory_space<vmem>> -> memref<1x128xi32, #tpu.memory_space<vmem>>
      %dma_wait3A_218 = tpu.memref_squeeze %dma_wait3A_217 : memref<1x128xi32, #tpu.memory_space<vmem>> -> memref<128xi32, #tpu.memory_space<vmem>>
      %dma_wait3A_219 = arith.constant 0 : i32
      %dma_wait3A_220 = arith.constant 0 : i32
      %dma_wait3A_221 = tpu.memref_slice %arg2[%dma_wait3A_219, %dma_wait3A_220] : memref<10240x64xf32, #tpu.memory_space<hbm>> -> memref<10240x64xf32, #tpu.memory_space<hbm>>
      %dma_wait3A_222 = tpu.memref_slice %arg9[%dma_wait3A_211] : memref<4x!tpu.dma_semaphore, #tpu.memory_space<semaphore_mem>> -> memref<1x!tpu.dma_semaphore, #tpu.memory_space<semaphore_mem>>
      %dma_wait3A_223 = tpu.memref_squeeze %dma_wait3A_222 : memref<1x!tpu.dma_semaphore, #tpu.memory_space<semaphore_mem>> -> memref<!tpu.dma_semaphore, #tpu.memory_space<semaphore_mem>>
      tpu.wait_indirect_dma semaphore(%dma_wait3A_223 : memref<!tpu.dma_semaphore, #tpu.memory_space<semaphore_mem>>) src(%dma_wait3A_221 : memref<10240x64xf32, #tpu.memory_space<hbm>>) dst(%dma_wait3A_215 : memref<128x64xf32, #tpu.memory_space<vmem>>)
      %run_scoped3A_224 = arith.constant 2 : i32
      "tpu.region"() ({
        %run_scoped3A_257 = tpu.sem_alloc : memref<!tpu.dma_semaphore, #tpu.memory_space<semaphore_mem>>
        %dma_start3A_258 = arith.constant 0 : i32
        %dma_start3A_259 = arith.constant 0 : i32
        %dma_start3A_260 = tpu.memref_slice %arg7[%run_scoped3A_224, %dma_start3A_258, %dma_start3A_259] : memref<4x128x64xf32, #tpu.memory_space<vmem>> -> memref<1x128x64xf32, #tpu.memory_space<vmem>>
        %dma_start3A_261 = tpu.memref_squeeze %dma_start3A_260 : memref<1x128x64xf32, #tpu.memory_space<vmem>> -> memref<128x64xf32, #tpu.memory_space<vmem>>
        %dma_start3A_262 = arith.constant 0 : i32
        %dma_start3A_263 = tpu.memref_slice %arg6[%add3A_209, %dma_start3A_262] : memref<40x128xi32, #tpu.memory_space<vmem>> -> memref<1x128xi32, #tpu.memory_space<vmem>>
        %dma_start3A_264 = tpu.memref_squeeze %dma_start3A_263 : memref<1x128xi32, #tpu.memory_space<vmem>> -> memref<128xi32, #tpu.memory_space<vmem>>
        %dma_start3A_265 = arith.constant 0 : i32
        %dma_start3A_266 = arith.constant 0 : i32
        %dma_start3A_267 = tpu.memref_slice %arg8[%dma_start3A_265, %dma_start3A_266] : memref<10240x64xf32, #tpu.memory_space<vmem_shared>> -> memref<10240x64xf32, #tpu.memory_space<vmem_shared>>
        tpu.enqueue_indirect_dma source(%dma_start3A_261 : memref<128x64xf32, #tpu.memory_space<vmem>>) target(%dma_start3A_267 : memref<10240x64xf32, #tpu.memory_space<vmem_shared>>) offsets(%dma_start3A_264 : memref<128xi32, #tpu.memory_space<vmem>>) semaphore(%run_scoped3A_257 : memref<!tpu.dma_semaphore, #tpu.memory_space<semaphore_mem>>) {add = true}
        %dma_wait3A_268 = arith.constant 0 : i32
        %dma_wait3A_269 = arith.constant 0 : i32
        %dma_wait3A_270 = tpu.memref_slice %arg7[%run_scoped3A_224, %dma_wait3A_268, %dma_wait3A_269] : memref<4x128x64xf32, #tpu.memory_space<vmem>> -> memref<1x128x64xf32, #tpu.memory_space<vmem>>
        %dma_wait3A_271 = tpu.memref_squeeze %dma_wait3A_270 : memref<1x128x64xf32, #tpu.memory_space<vmem>> -> memref<128x64xf32, #tpu.memory_space<vmem>>
        %dma_wait3A_272 = arith.constant 0 : i32
        %dma_wait3A_273 = tpu.memref_slice %arg6[%add3A_209, %dma_wait3A_272] : memref<40x128xi32, #tpu.memory_space<vmem>> -> memref<1x128xi32, #tpu.memory_space<vmem>>
        %dma_wait3A_274 = tpu.memref_squeeze %dma_wait3A_273 : memref<1x128xi32, #tpu.memory_space<vmem>> -> memref<128xi32, #tpu.memory_space<vmem>>
        %dma_wait3A_275 = arith.constant 0 : i32
        %dma_wait3A_276 = arith.constant 0 : i32
        %dma_wait3A_277 = tpu.memref_slice %arg8[%dma_wait3A_275, %dma_wait3A_276] : memref<10240x64xf32, #tpu.memory_space<vmem_shared>> -> memref<10240x64xf32, #tpu.memory_space<vmem_shared>>
        tpu.wait_indirect_dma semaphore(%run_scoped3A_257 : memref<!tpu.dma_semaphore, #tpu.memory_space<semaphore_mem>>) src(%dma_wait3A_271 : memref<128x64xf32, #tpu.memory_space<vmem>>) dst(%dma_wait3A_277 : memref<10240x64xf32, #tpu.memory_space<vmem_shared>>)
        tpu.yield
      }) : () -> ()
      %add3A_225 = arith.constant 4 : i32
      %add3A_226 = arith.addi %add3A_209, %add3A_225 : i32
      %lt3A_227 = arith.cmpi slt, %add3A_226, %add3A_8 : i32
      %convert_element_type3A_228 = arith.extui %lt3A_227 : i1 to i32
      %cond3A_229 = arith.constant 0 : i32
      %cond3A_230 = arith.cmpi ne, %convert_element_type3A_228, %cond3A_229 : i32
      scf.if %cond3A_230 {
        %add3A_257 = arith.constant 4 : i32
        %add3A_258 = arith.addi %add3A_209, %add3A_257 : i32
        %dma_start3A_259 = arith.constant 2 : i32
        %dma_start3A_260 = arith.constant 2 : i32
        %dma_start3A_261 = arith.constant 0 : i32
        %dma_start3A_262 = arith.constant 0 : i32
        %dma_start3A_263 = tpu.memref_slice %arg7[%dma_start3A_259, %dma_start3A_261, %dma_start3A_262] : memref<4x128x64xf32, #tpu.memory_space<vmem>> -> memref<1x128x64xf32, #tpu.memory_space<vmem>>
        %dma_start3A_264 = tpu.memref_squeeze %dma_start3A_263 : memref<1x128x64xf32, #tpu.memory_space<vmem>> -> memref<128x64xf32, #tpu.memory_space<vmem>>
        %dma_start3A_265 = arith.constant 0 : i32
        %dma_start3A_266 = tpu.memref_slice %arg5[%add3A_258, %dma_start3A_265] : memref<79x128xi32, #tpu.memory_space<vmem>> -> memref<1x128xi32, #tpu.memory_space<vmem>>
        %dma_start3A_267 = tpu.memref_squeeze %dma_start3A_266 : memref<1x128xi32, #tpu.memory_space<vmem>> -> memref<128xi32, #tpu.memory_space<vmem>>
        %dma_start3A_268 = arith.constant 0 : i32
        %dma_start3A_269 = arith.constant 0 : i32
        %dma_start3A_270 = tpu.memref_slice %arg2[%dma_start3A_268, %dma_start3A_269] : memref<10240x64xf32, #tpu.memory_space<hbm>> -> memref<10240x64xf32, #tpu.memory_space<hbm>>
        %dma_start3A_271 = tpu.memref_slice %arg9[%dma_start3A_260] : memref<4x!tpu.dma_semaphore, #tpu.memory_space<semaphore_mem>> -> memref<1x!tpu.dma_semaphore, #tpu.memory_space<semaphore_mem>>
        %dma_start3A_272 = tpu.memref_squeeze %dma_start3A_271 : memref<1x!tpu.dma_semaphore, #tpu.memory_space<semaphore_mem>> -> memref<!tpu.dma_semaphore, #tpu.memory_space<semaphore_mem>>
        tpu.enqueue_indirect_dma source(%dma_start3A_270 : memref<10240x64xf32, #tpu.memory_space<hbm>>) target(%dma_start3A_264 : memref<128x64xf32, #tpu.memory_space<vmem>>) offsets(%dma_start3A_267 : memref<128xi32, #tpu.memory_space<vmem>>) semaphore(%dma_start3A_272 : memref<!tpu.dma_semaphore, #tpu.memory_space<semaphore_mem>>)
      } else {
      }
      %mul3A_231 = arith.constant 4 : i32
      %mul3A_232 = arith.muli %scan3A_155, %mul3A_231 : i32
      %add3A_233 = arith.constant 3 : i32
      %add3A_234 = arith.addi %mul3A_232, %add3A_233 : i32
      %dma_wait3A_235 = arith.constant 3 : i32
      %dma_wait3A_236 = arith.constant 3 : i32
      %dma_wait3A_237 = arith.constant 0 : i32
      %dma_wait3A_238 = arith.constant 0 : i32
      %dma_wait3A_239 = tpu.memref_slice %arg7[%dma_wait3A_235, %dma_wait3A_237, %dma_wait3A_238] : memref<4x128x64xf32, #tpu.memory_space<vmem>> -> memref<1x128x64xf32, #tpu.memory_space<vmem>>
      %dma_wait3A_240 = tpu.memref_squeeze %dma_wait3A_239 : memref<1x128x64xf32, #tpu.memory_space<vmem>> -> memref<128x64xf32, #tpu.memory_space<vmem>>
      %dma_wait3A_241 = arith.constant 0 : i32
      %dma_wait3A_242 = tpu.memref_slice %arg5[%add3A_234, %dma_wait3A_241] : memref<79x128xi32, #tpu.memory_space<vmem>> -> memref<1x128xi32, #tpu.memory_space<vmem>>
      %dma_wait3A_243 = tpu.memref_squeeze %dma_wait3A_242 : memref<1x128xi32, #tpu.memory_space<vmem>> -> memref<128xi32, #tpu.memory_space<vmem>>
      %dma_wait3A_244 = arith.constant 0 : i32
      %dma_wait3A_245 = arith.constant 0 : i32
      %dma_wait3A_246 = tpu.memref_slice %arg2[%dma_wait3A_244, %dma_wait3A_245] : memref<10240x64xf32, #tpu.memory_space<hbm>> -> memref<10240x64xf32, #tpu.memory_space<hbm>>
      %dma_wait3A_247 = tpu.memref_slice %arg9[%dma_wait3A_236] : memref<4x!tpu.dma_semaphore, #tpu.memory_space<semaphore_mem>> -> memref<1x!tpu.dma_semaphore, #tpu.memory_space<semaphore_mem>>
      %dma_wait3A_248 = tpu.memref_squeeze %dma_wait3A_247 : memref<1x!tpu.dma_semaphore, #tpu.memory_space<semaphore_mem>> -> memref<!tpu.dma_semaphore, #tpu.memory_space<semaphore_mem>>
      tpu.wait_indirect_dma semaphore(%dma_wait3A_248 : memref<!tpu.dma_semaphore, #tpu.memory_space<semaphore_mem>>) src(%dma_wait3A_246 : memref<10240x64xf32, #tpu.memory_space<hbm>>) dst(%dma_wait3A_240 : memref<128x64xf32, #tpu.memory_space<vmem>>)
      %run_scoped3A_249 = arith.constant 3 : i32
      "tpu.region"() ({
        %run_scoped3A_257 = tpu.sem_alloc : memref<!tpu.dma_semaphore, #tpu.memory_space<semaphore_mem>>
        %dma_start3A_258 = arith.constant 0 : i32
        %dma_start3A_259 = arith.constant 0 : i32
        %dma_start3A_260 = tpu.memref_slice %arg7[%run_scoped3A_249, %dma_start3A_258, %dma_start3A_259] : memref<4x128x64xf32, #tpu.memory_space<vmem>> -> memref<1x128x64xf32, #tpu.memory_space<vmem>>
        %dma_start3A_261 = tpu.memref_squeeze %dma_start3A_260 : memref<1x128x64xf32, #tpu.memory_space<vmem>> -> memref<128x64xf32, #tpu.memory_space<vmem>>
        %dma_start3A_262 = arith.constant 0 : i32
        %dma_start3A_263 = tpu.memref_slice %arg6[%add3A_234, %dma_start3A_262] : memref<40x128xi32, #tpu.memory_space<vmem>> -> memref<1x128xi32, #tpu.memory_space<vmem>>
        %dma_start3A_264 = tpu.memref_squeeze %dma_start3A_263 : memref<1x128xi32, #tpu.memory_space<vmem>> -> memref<128xi32, #tpu.memory_space<vmem>>
        %dma_start3A_265 = arith.constant 0 : i32
        %dma_start3A_266 = arith.constant 0 : i32
        %dma_start3A_267 = tpu.memref_slice %arg8[%dma_start3A_265, %dma_start3A_266] : memref<10240x64xf32, #tpu.memory_space<vmem_shared>> -> memref<10240x64xf32, #tpu.memory_space<vmem_shared>>
        tpu.enqueue_indirect_dma source(%dma_start3A_261 : memref<128x64xf32, #tpu.memory_space<vmem>>) target(%dma_start3A_267 : memref<10240x64xf32, #tpu.memory_space<vmem_shared>>) offsets(%dma_start3A_264 : memref<128xi32, #tpu.memory_space<vmem>>) semaphore(%run_scoped3A_257 : memref<!tpu.dma_semaphore, #tpu.memory_space<semaphore_mem>>) {add = true}
        %dma_wait3A_268 = arith.constant 0 : i32
        %dma_wait3A_269 = arith.constant 0 : i32
        %dma_wait3A_270 = tpu.memref_slice %arg7[%run_scoped3A_249, %dma_wait3A_268, %dma_wait3A_269] : memref<4x128x64xf32, #tpu.memory_space<vmem>> -> memref<1x128x64xf32, #tpu.memory_space<vmem>>
        %dma_wait3A_271 = tpu.memref_squeeze %dma_wait3A_270 : memref<1x128x64xf32, #tpu.memory_space<vmem>> -> memref<128x64xf32, #tpu.memory_space<vmem>>
        %dma_wait3A_272 = arith.constant 0 : i32
        %dma_wait3A_273 = tpu.memref_slice %arg6[%add3A_234, %dma_wait3A_272] : memref<40x128xi32, #tpu.memory_space<vmem>> -> memref<1x128xi32, #tpu.memory_space<vmem>>
        %dma_wait3A_274 = tpu.memref_squeeze %dma_wait3A_273 : memref<1x128xi32, #tpu.memory_space<vmem>> -> memref<128xi32, #tpu.memory_space<vmem>>
        %dma_wait3A_275 = arith.constant 0 : i32
        %dma_wait3A_276 = arith.constant 0 : i32
        %dma_wait3A_277 = tpu.memref_slice %arg8[%dma_wait3A_275, %dma_wait3A_276] : memref<10240x64xf32, #tpu.memory_space<vmem_shared>> -> memref<10240x64xf32, #tpu.memory_space<vmem_shared>>
        tpu.wait_indirect_dma semaphore(%run_scoped3A_257 : memref<!tpu.dma_semaphore, #tpu.memory_space<semaphore_mem>>) src(%dma_wait3A_271 : memref<128x64xf32, #tpu.memory_space<vmem>>) dst(%dma_wait3A_277 : memref<10240x64xf32, #tpu.memory_space<vmem_shared>>)
        tpu.yield
      }) : () -> ()
      %add3A_250 = arith.constant 4 : i32
      %add3A_251 = arith.addi %add3A_234, %add3A_250 : i32
      %lt3A_252 = arith.cmpi slt, %add3A_251, %add3A_8 : i32
      %convert_element_type3A_253 = arith.extui %lt3A_252 : i1 to i32
      %cond3A_254 = arith.constant 0 : i32
      %cond3A_255 = arith.cmpi ne, %convert_element_type3A_253, %cond3A_254 : i32
      scf.if %cond3A_255 {
        %add3A_257 = arith.constant 4 : i32
        %add3A_258 = arith.addi %add3A_234, %add3A_257 : i32
        %dma_start3A_259 = arith.constant 3 : i32
        %dma_start3A_260 = arith.constant 3 : i32
        %dma_start3A_261 = arith.constant 0 : i32
        %dma_start3A_262 = arith.constant 0 : i32
        %dma_start3A_263 = tpu.memref_slice %arg7[%dma_start3A_259, %dma_start3A_261, %dma_start3A_262] : memref<4x128x64xf32, #tpu.memory_space<vmem>> -> memref<1x128x64xf32, #tpu.memory_space<vmem>>
        %dma_start3A_264 = tpu.memref_squeeze %dma_start3A_263 : memref<1x128x64xf32, #tpu.memory_space<vmem>> -> memref<128x64xf32, #tpu.memory_space<vmem>>
        %dma_start3A_265 = arith.constant 0 : i32
        %dma_start3A_266 = tpu.memref_slice %arg5[%add3A_258, %dma_start3A_265] : memref<79x128xi32, #tpu.memory_space<vmem>> -> memref<1x128xi32, #tpu.memory_space<vmem>>
        %dma_start3A_267 = tpu.memref_squeeze %dma_start3A_266 : memref<1x128xi32, #tpu.memory_space<vmem>> -> memref<128xi32, #tpu.memory_space<vmem>>
        %dma_start3A_268 = arith.constant 0 : i32
        %dma_start3A_269 = arith.constant 0 : i32
        %dma_start3A_270 = tpu.memref_slice %arg2[%dma_start3A_268, %dma_start3A_269] : memref<10240x64xf32, #tpu.memory_space<hbm>> -> memref<10240x64xf32, #tpu.memory_space<hbm>>
        %dma_start3A_271 = tpu.memref_slice %arg9[%dma_start3A_260] : memref<4x!tpu.dma_semaphore, #tpu.memory_space<semaphore_mem>> -> memref<1x!tpu.dma_semaphore, #tpu.memory_space<semaphore_mem>>
        %dma_start3A_272 = tpu.memref_squeeze %dma_start3A_271 : memref<1x!tpu.dma_semaphore, #tpu.memory_space<semaphore_mem>> -> memref<!tpu.dma_semaphore, #tpu.memory_space<semaphore_mem>>
        tpu.enqueue_indirect_dma source(%dma_start3A_270 : memref<10240x64xf32, #tpu.memory_space<hbm>>) target(%dma_start3A_264 : memref<128x64xf32, #tpu.memory_space<vmem>>) offsets(%dma_start3A_267 : memref<128xi32, #tpu.memory_space<vmem>>) semaphore(%dma_start3A_272 : memref<!tpu.dma_semaphore, #tpu.memory_space<semaphore_mem>>)
      } else {
      }
      %scan3A_256 = arith.constant 0 : i32
      scf.yield %scan3A_256 : i32
    }
    %scan3A_109 = arith.constant 10 : i32
    %add3A_110 = arith.addi %add3A_4, %add3A_8 : i32
    %sub3A = arith.constant 40 : i32
    %sub3A_111 = arith.subi %add3A_110, %sub3A : i32
    %run_scoped3A_112 = arith.constant 1 : i32
    "tpu.region"() ({
      %run_scoped3A_155 = tpu.sem_alloc : memref<!tpu.dma_semaphore, #tpu.memory_space<semaphore_mem>>
      %dma_start3A_156 = arith.constant 0 : i32
      %dma_start3A_157 = tpu.memref_slice %arg3[%sub3A_111, %run_scoped3A_112, %dma_start3A_156] : memref<2500x2x128xi32, #tpu.memory_space<hbm>> -> memref<40x1x128xi32, #tpu.memory_space<hbm>>
      %dma_start3A_158 = tpu.memref_squeeze %dma_start3A_157 : memref<40x1x128xi32, #tpu.memory_space<hbm>> -> memref<40x128xi32, #tpu.memory_space<hbm>>
      %dma_start3A_159 = arith.constant 0 : i32
      %dma_start3A_160 = tpu.memref_slice %arg3[%sub3A_111, %run_scoped3A_112, %dma_start3A_159] : memref<2500x2x128xi32, #tpu.memory_space<hbm>> -> memref<40x1x128xi32, #tpu.memory_space<hbm>>
      %dma_start3A_161 = tpu.memref_squeeze %dma_start3A_160 : memref<40x1x128xi32, #tpu.memory_space<hbm>> -> memref<40x128xi32, #tpu.memory_space<hbm>>
      tpu.enqueue_dma source(%dma_start3A_161 : memref<40x128xi32, #tpu.memory_space<hbm>>) target(%arg6 : memref<40x128xi32, #tpu.memory_space<vmem>>) target_semaphore(%run_scoped3A_155 : memref<!tpu.dma_semaphore, #tpu.memory_space<semaphore_mem>>)
      %dma_wait3A = arith.constant 0 : i32
      %dma_wait3A_162 = tpu.memref_slice %arg3[%sub3A_111, %run_scoped3A_112, %dma_wait3A] : memref<2500x2x128xi32, #tpu.memory_space<hbm>> -> memref<40x1x128xi32, #tpu.memory_space<hbm>>
      %dma_wait3A_163 = tpu.memref_squeeze %dma_wait3A_162 : memref<40x1x128xi32, #tpu.memory_space<hbm>> -> memref<40x128xi32, #tpu.memory_space<hbm>>
      %dma_wait3A_164 = arith.constant 0 : i32
      %dma_wait3A_165 = tpu.memref_slice %arg3[%sub3A_111, %run_scoped3A_112, %dma_wait3A_164] : memref<2500x2x128xi32, #tpu.memory_space<hbm>> -> memref<40x1x128xi32, #tpu.memory_space<hbm>>
      %dma_wait3A_166 = tpu.memref_squeeze %dma_wait3A_165 : memref<40x1x128xi32, #tpu.memory_space<hbm>> -> memref<40x128xi32, #tpu.memory_space<hbm>>
      tpu.wait_dma2 semaphore(%run_scoped3A_155 : memref<!tpu.dma_semaphore, #tpu.memory_space<semaphore_mem>>) src(%dma_wait3A_166 : memref<40x128xi32, #tpu.memory_space<hbm>>) dst(%arg6 : memref<40x128xi32, #tpu.memory_space<vmem>>)
      tpu.yield
    }) : () -> ()
    %while3A = arith.constant 40 : i32
    %while3A_113 = arith.constant 0 : i32
    %while3A_114 = arith.subi %add3A_8, %while3A : i32
    %while3A_115 = arith.addi %while3A, %while3A_114 : i32
    %while3A_116 = arith.constant 1 : i32
    %while3A_117 = arith.divsi %while3A_114, %while3A_116 : i32
    %while3A_118 = arith.muli %while3A_117, %while3A_116 : i32
    %while3A_119 = arith.addi %while3A, %while3A_118 : i32
    %while3A_120 = arith.constant 1 : i32
    %while3A_121 = scf.for %while3A_155 = %while3A to %while3A_119 step %while3A_120 iter_args(%while3A_156 = %while3A_113) -> (i32)  : i32 {
      %rem3A = arith.constant 4 : i32
      %rem3A_157 = arith.remsi %while3A_155, %rem3A : i32
      %dma_wait3A = arith.constant 0 : i32
      %dma_wait3A_158 = arith.constant 0 : i32
      %dma_wait3A_159 = tpu.memref_slice %arg7[%rem3A_157, %dma_wait3A, %dma_wait3A_158] : memref<4x128x64xf32, #tpu.memory_space<vmem>> -> memref<1x128x64xf32, #tpu.memory_space<vmem>>
      %dma_wait3A_160 = tpu.memref_squeeze %dma_wait3A_159 : memref<1x128x64xf32, #tpu.memory_space<vmem>> -> memref<128x64xf32, #tpu.memory_space<vmem>>
      %dma_wait3A_161 = arith.constant 0 : i32
      %dma_wait3A_162 = tpu.memref_slice %arg5[%while3A_155, %dma_wait3A_161] : memref<79x128xi32, #tpu.memory_space<vmem>> -> memref<1x128xi32, #tpu.memory_space<vmem>>
      %dma_wait3A_163 = tpu.memref_squeeze %dma_wait3A_162 : memref<1x128xi32, #tpu.memory_space<vmem>> -> memref<128xi32, #tpu.memory_space<vmem>>
      %dma_wait3A_164 = arith.constant 0 : i32
      %dma_wait3A_165 = arith.constant 0 : i32
      %dma_wait3A_166 = tpu.memref_slice %arg2[%dma_wait3A_164, %dma_wait3A_165] : memref<10240x64xf32, #tpu.memory_space<hbm>> -> memref<10240x64xf32, #tpu.memory_space<hbm>>
      %dma_wait3A_167 = tpu.memref_slice %arg9[%rem3A_157] : memref<4x!tpu.dma_semaphore, #tpu.memory_space<semaphore_mem>> -> memref<1x!tpu.dma_semaphore, #tpu.memory_space<semaphore_mem>>
      %dma_wait3A_168 = tpu.memref_squeeze %dma_wait3A_167 : memref<1x!tpu.dma_semaphore, #tpu.memory_space<semaphore_mem>> -> memref<!tpu.dma_semaphore, #tpu.memory_space<semaphore_mem>>
      tpu.wait_indirect_dma semaphore(%dma_wait3A_168 : memref<!tpu.dma_semaphore, #tpu.memory_space<semaphore_mem>>) src(%dma_wait3A_166 : memref<10240x64xf32, #tpu.memory_space<hbm>>) dst(%dma_wait3A_160 : memref<128x64xf32, #tpu.memory_space<vmem>>)
      %sub3A_169 = arith.constant 40 : i32
      %sub3A_170 = arith.subi %add3A_8, %sub3A_169 : i32
      %sub3A_171 = arith.subi %while3A_155, %sub3A_170 : i32
      "tpu.region"() ({
        %run_scoped3A_179 = tpu.sem_alloc : memref<!tpu.dma_semaphore, #tpu.memory_space<semaphore_mem>>
        %dma_start3A_180 = arith.constant 0 : i32
        %dma_start3A_181 = arith.constant 0 : i32
        %dma_start3A_182 = tpu.memref_slice %arg7[%rem3A_157, %dma_start3A_180, %dma_start3A_181] : memref<4x128x64xf32, #tpu.memory_space<vmem>> -> memref<1x128x64xf32, #tpu.memory_space<vmem>>
        %dma_start3A_183 = tpu.memref_squeeze %dma_start3A_182 : memref<1x128x64xf32, #tpu.memory_space<vmem>> -> memref<128x64xf32, #tpu.memory_space<vmem>>
        %dma_start3A_184 = arith.constant 0 : i32
        %dma_start3A_185 = tpu.memref_slice %arg6[%sub3A_171, %dma_start3A_184] : memref<40x128xi32, #tpu.memory_space<vmem>> -> memref<1x128xi32, #tpu.memory_space<vmem>>
        %dma_start3A_186 = tpu.memref_squeeze %dma_start3A_185 : memref<1x128xi32, #tpu.memory_space<vmem>> -> memref<128xi32, #tpu.memory_space<vmem>>
        %dma_start3A_187 = arith.constant 0 : i32
        %dma_start3A_188 = arith.constant 0 : i32
        %dma_start3A_189 = tpu.memref_slice %arg8[%dma_start3A_187, %dma_start3A_188] : memref<10240x64xf32, #tpu.memory_space<vmem_shared>> -> memref<10240x64xf32, #tpu.memory_space<vmem_shared>>
        tpu.enqueue_indirect_dma source(%dma_start3A_183 : memref<128x64xf32, #tpu.memory_space<vmem>>) target(%dma_start3A_189 : memref<10240x64xf32, #tpu.memory_space<vmem_shared>>) offsets(%dma_start3A_186 : memref<128xi32, #tpu.memory_space<vmem>>) semaphore(%run_scoped3A_179 : memref<!tpu.dma_semaphore, #tpu.memory_space<semaphore_mem>>) {add = true}
        %dma_wait3A_190 = arith.constant 0 : i32
        %dma_wait3A_191 = arith.constant 0 : i32
        %dma_wait3A_192 = tpu.memref_slice %arg7[%rem3A_157, %dma_wait3A_190, %dma_wait3A_191] : memref<4x128x64xf32, #tpu.memory_space<vmem>> -> memref<1x128x64xf32, #tpu.memory_space<vmem>>
        %dma_wait3A_193 = tpu.memref_squeeze %dma_wait3A_192 : memref<1x128x64xf32, #tpu.memory_space<vmem>> -> memref<128x64xf32, #tpu.memory_space<vmem>>
        %dma_wait3A_194 = arith.constant 0 : i32
        %dma_wait3A_195 = tpu.memref_slice %arg6[%sub3A_171, %dma_wait3A_194] : memref<40x128xi32, #tpu.memory_space<vmem>> -> memref<1x128xi32, #tpu.memory_space<vmem>>
        %dma_wait3A_196 = tpu.memref_squeeze %dma_wait3A_195 : memref<1x128xi32, #tpu.memory_space<vmem>> -> memref<128xi32, #tpu.memory_space<vmem>>
        %dma_wait3A_197 = arith.constant 0 : i32
        %dma_wait3A_198 = arith.constant 0 : i32
        %dma_wait3A_199 = tpu.memref_slice %arg8[%dma_wait3A_197, %dma_wait3A_198] : memref<10240x64xf32, #tpu.memory_space<vmem_shared>> -> memref<10240x64xf32, #tpu.memory_space<vmem_shared>>
        tpu.wait_indirect_dma semaphore(%run_scoped3A_179 : memref<!tpu.dma_semaphore, #tpu.memory_space<semaphore_mem>>) src(%dma_wait3A_193 : memref<128x64xf32, #tpu.memory_space<vmem>>) dst(%dma_wait3A_199 : memref<10240x64xf32, #tpu.memory_space<vmem_shared>>)
        tpu.yield
      }) : () -> ()
      %add3A_172 = arith.constant 4 : i32
      %add3A_173 = arith.addi %while3A_155, %add3A_172 : i32
      %lt3A_174 = arith.cmpi slt, %add3A_173, %add3A_8 : i32
      %convert_element_type3A_175 = arith.extui %lt3A_174 : i1 to i32
      %cond3A_176 = arith.constant 0 : i32
      %cond3A_177 = arith.cmpi ne, %convert_element_type3A_175, %cond3A_176 : i32
      scf.if %cond3A_177 {
        %add3A_179 = arith.constant 4 : i32
        %add3A_180 = arith.addi %while3A_155, %add3A_179 : i32
        %dma_start3A_181 = arith.constant 0 : i32
        %dma_start3A_182 = arith.constant 0 : i32
        %dma_start3A_183 = tpu.memref_slice %arg7[%rem3A_157, %dma_start3A_181, %dma_start3A_182] : memref<4x128x64xf32, #tpu.memory_space<vmem>> -> memref<1x128x64xf32, #tpu.memory_space<vmem>>
        %dma_start3A_184 = tpu.memref_squeeze %dma_start3A_183 : memref<1x128x64xf32, #tpu.memory_space<vmem>> -> memref<128x64xf32, #tpu.memory_space<vmem>>
        %dma_start3A_185 = arith.constant 0 : i32
        %dma_start3A_186 = tpu.memref_slice %arg5[%add3A_180, %dma_start3A_185] : memref<79x128xi32, #tpu.memory_space<vmem>> -> memref<1x128xi32, #tpu.memory_space<vmem>>
        %dma_start3A_187 = tpu.memref_squeeze %dma_start3A_186 : memref<1x128xi32, #tpu.memory_space<vmem>> -> memref<128xi32, #tpu.memory_space<vmem>>
        %dma_start3A_188 = arith.constant 0 : i32
        %dma_start3A_189 = arith.constant 0 : i32
        %dma_start3A_190 = tpu.memref_slice %arg2[%dma_start3A_188, %dma_start3A_189] : memref<10240x64xf32, #tpu.memory_space<hbm>> -> memref<10240x64xf32, #tpu.memory_space<hbm>>
        %dma_start3A_191 = tpu.memref_slice %arg9[%rem3A_157] : memref<4x!tpu.dma_semaphore, #tpu.memory_space<semaphore_mem>> -> memref<1x!tpu.dma_semaphore, #tpu.memory_space<semaphore_mem>>
        %dma_start3A_192 = tpu.memref_squeeze %dma_start3A_191 : memref<1x!tpu.dma_semaphore, #tpu.memory_space<semaphore_mem>> -> memref<!tpu.dma_semaphore, #tpu.memory_space<semaphore_mem>>
        tpu.enqueue_indirect_dma source(%dma_start3A_190 : memref<10240x64xf32, #tpu.memory_space<hbm>>) target(%dma_start3A_184 : memref<128x64xf32, #tpu.memory_space<vmem>>) offsets(%dma_start3A_187 : memref<128xi32, #tpu.memory_space<vmem>>) semaphore(%dma_start3A_192 : memref<!tpu.dma_semaphore, #tpu.memory_space<semaphore_mem>>)
      } else {
      }
      %while3A_178 = arith.constant 0 : i32
      scf.yield %while3A_178 : i32
    }
    %while3A_122 = arith.constant 1 : i32
    %while3A_123 = scf.for %while3A_155 = %while3A_119 to %while3A_115 step %while3A_122 iter_args(%while3A_156 = %while3A_121) -> (i32)  : i32 {
      %rem3A = arith.constant 4 : i32
      %rem3A_157 = arith.remsi %while3A_155, %rem3A : i32
      %dma_wait3A = arith.constant 0 : i32
      %dma_wait3A_158 = arith.constant 0 : i32
      %dma_wait3A_159 = tpu.memref_slice %arg7[%rem3A_157, %dma_wait3A, %dma_wait3A_158] : memref<4x128x64xf32, #tpu.memory_space<vmem>> -> memref<1x128x64xf32, #tpu.memory_space<vmem>>
      %dma_wait3A_160 = tpu.memref_squeeze %dma_wait3A_159 : memref<1x128x64xf32, #tpu.memory_space<vmem>> -> memref<128x64xf32, #tpu.memory_space<vmem>>
      %dma_wait3A_161 = arith.constant 0 : i32
      %dma_wait3A_162 = tpu.memref_slice %arg5[%while3A_155, %dma_wait3A_161] : memref<79x128xi32, #tpu.memory_space<vmem>> -> memref<1x128xi32, #tpu.memory_space<vmem>>
      %dma_wait3A_163 = tpu.memref_squeeze %dma_wait3A_162 : memref<1x128xi32, #tpu.memory_space<vmem>> -> memref<128xi32, #tpu.memory_space<vmem>>
      %dma_wait3A_164 = arith.constant 0 : i32
      %dma_wait3A_165 = arith.constant 0 : i32
      %dma_wait3A_166 = tpu.memref_slice %arg2[%dma_wait3A_164, %dma_wait3A_165] : memref<10240x64xf32, #tpu.memory_space<hbm>> -> memref<10240x64xf32, #tpu.memory_space<hbm>>
      %dma_wait3A_167 = tpu.memref_slice %arg9[%rem3A_157] : memref<4x!tpu.dma_semaphore, #tpu.memory_space<semaphore_mem>> -> memref<1x!tpu.dma_semaphore, #tpu.memory_space<semaphore_mem>>
      %dma_wait3A_168 = tpu.memref_squeeze %dma_wait3A_167 : memref<1x!tpu.dma_semaphore, #tpu.memory_space<semaphore_mem>> -> memref<!tpu.dma_semaphore, #tpu.memory_space<semaphore_mem>>
      tpu.wait_indirect_dma semaphore(%dma_wait3A_168 : memref<!tpu.dma_semaphore, #tpu.memory_space<semaphore_mem>>) src(%dma_wait3A_166 : memref<10240x64xf32, #tpu.memory_space<hbm>>) dst(%dma_wait3A_160 : memref<128x64xf32, #tpu.memory_space<vmem>>)
      %sub3A_169 = arith.constant 40 : i32
      %sub3A_170 = arith.subi %add3A_8, %sub3A_169 : i32
      %sub3A_171 = arith.subi %while3A_155, %sub3A_170 : i32
      "tpu.region"() ({
        %run_scoped3A_179 = tpu.sem_alloc : memref<!tpu.dma_semaphore, #tpu.memory_space<semaphore_mem>>
        %dma_start3A_180 = arith.constant 0 : i32
        %dma_start3A_181 = arith.constant 0 : i32
        %dma_start3A_182 = tpu.memref_slice %arg7[%rem3A_157, %dma_start3A_180, %dma_start3A_181] : memref<4x128x64xf32, #tpu.memory_space<vmem>> -> memref<1x128x64xf32, #tpu.memory_space<vmem>>
        %dma_start3A_183 = tpu.memref_squeeze %dma_start3A_182 : memref<1x128x64xf32, #tpu.memory_space<vmem>> -> memref<128x64xf32, #tpu.memory_space<vmem>>
        %dma_start3A_184 = arith.constant 0 : i32
        %dma_start3A_185 = tpu.memref_slice %arg6[%sub3A_171, %dma_start3A_184] : memref<40x128xi32, #tpu.memory_space<vmem>> -> memref<1x128xi32, #tpu.memory_space<vmem>>
        %dma_start3A_186 = tpu.memref_squeeze %dma_start3A_185 : memref<1x128xi32, #tpu.memory_space<vmem>> -> memref<128xi32, #tpu.memory_space<vmem>>
        %dma_start3A_187 = arith.constant 0 : i32
        %dma_start3A_188 = arith.constant 0 : i32
        %dma_start3A_189 = tpu.memref_slice %arg8[%dma_start3A_187, %dma_start3A_188] : memref<10240x64xf32, #tpu.memory_space<vmem_shared>> -> memref<10240x64xf32, #tpu.memory_space<vmem_shared>>
        tpu.enqueue_indirect_dma source(%dma_start3A_183 : memref<128x64xf32, #tpu.memory_space<vmem>>) target(%dma_start3A_189 : memref<10240x64xf32, #tpu.memory_space<vmem_shared>>) offsets(%dma_start3A_186 : memref<128xi32, #tpu.memory_space<vmem>>) semaphore(%run_scoped3A_179 : memref<!tpu.dma_semaphore, #tpu.memory_space<semaphore_mem>>) {add = true}
        %dma_wait3A_190 = arith.constant 0 : i32
        %dma_wait3A_191 = arith.constant 0 : i32
        %dma_wait3A_192 = tpu.memref_slice %arg7[%rem3A_157, %dma_wait3A_190, %dma_wait3A_191] : memref<4x128x64xf32, #tpu.memory_space<vmem>> -> memref<1x128x64xf32, #tpu.memory_space<vmem>>
        %dma_wait3A_193 = tpu.memref_squeeze %dma_wait3A_192 : memref<1x128x64xf32, #tpu.memory_space<vmem>> -> memref<128x64xf32, #tpu.memory_space<vmem>>
        %dma_wait3A_194 = arith.constant 0 : i32
        %dma_wait3A_195 = tpu.memref_slice %arg6[%sub3A_171, %dma_wait3A_194] : memref<40x128xi32, #tpu.memory_space<vmem>> -> memref<1x128xi32, #tpu.memory_space<vmem>>
        %dma_wait3A_196 = tpu.memref_squeeze %dma_wait3A_195 : memref<1x128xi32, #tpu.memory_space<vmem>> -> memref<128xi32, #tpu.memory_space<vmem>>
        %dma_wait3A_197 = arith.constant 0 : i32
        %dma_wait3A_198 = arith.constant 0 : i32
        %dma_wait3A_199 = tpu.memref_slice %arg8[%dma_wait3A_197, %dma_wait3A_198] : memref<10240x64xf32, #tpu.memory_space<vmem_shared>> -> memref<10240x64xf32, #tpu.memory_space<vmem_shared>>
        tpu.wait_indirect_dma semaphore(%run_scoped3A_179 : memref<!tpu.dma_semaphore, #tpu.memory_space<semaphore_mem>>) src(%dma_wait3A_193 : memref<128x64xf32, #tpu.memory_space<vmem>>) dst(%dma_wait3A_199 : memref<10240x64xf32, #tpu.memory_space<vmem_shared>>)
        tpu.yield
      }) : () -> ()
      %add3A_172 = arith.constant 4 : i32
      %add3A_173 = arith.addi %while3A_155, %add3A_172 : i32
      %lt3A_174 = arith.cmpi slt, %add3A_173, %add3A_8 : i32
      %convert_element_type3A_175 = arith.extui %lt3A_174 : i1 to i32
      %cond3A_176 = arith.constant 0 : i32
      %cond3A_177 = arith.cmpi ne, %convert_element_type3A_175, %cond3A_176 : i32
      scf.if %cond3A_177 {
        %add3A_179 = arith.constant 4 : i32
        %add3A_180 = arith.addi %while3A_155, %add3A_179 : i32
        %dma_start3A_181 = arith.constant 0 : i32
        %dma_start3A_182 = arith.constant 0 : i32
        %dma_start3A_183 = tpu.memref_slice %arg7[%rem3A_157, %dma_start3A_181, %dma_start3A_182] : memref<4x128x64xf32, #tpu.memory_space<vmem>> -> memref<1x128x64xf32, #tpu.memory_space<vmem>>
        %dma_start3A_184 = tpu.memref_squeeze %dma_start3A_183 : memref<1x128x64xf32, #tpu.memory_space<vmem>> -> memref<128x64xf32, #tpu.memory_space<vmem>>
        %dma_start3A_185 = arith.constant 0 : i32
        %dma_start3A_186 = tpu.memref_slice %arg5[%add3A_180, %dma_start3A_185] : memref<79x128xi32, #tpu.memory_space<vmem>> -> memref<1x128xi32, #tpu.memory_space<vmem>>
        %dma_start3A_187 = tpu.memref_squeeze %dma_start3A_186 : memref<1x128xi32, #tpu.memory_space<vmem>> -> memref<128xi32, #tpu.memory_space<vmem>>
        %dma_start3A_188 = arith.constant 0 : i32
        %dma_start3A_189 = arith.constant 0 : i32
        %dma_start3A_190 = tpu.memref_slice %arg2[%dma_start3A_188, %dma_start3A_189] : memref<10240x64xf32, #tpu.memory_space<hbm>> -> memref<10240x64xf32, #tpu.memory_space<hbm>>
        %dma_start3A_191 = tpu.memref_slice %arg9[%rem3A_157] : memref<4x!tpu.dma_semaphore, #tpu.memory_space<semaphore_mem>> -> memref<1x!tpu.dma_semaphore, #tpu.memory_space<semaphore_mem>>
        %dma_start3A_192 = tpu.memref_squeeze %dma_start3A_191 : memref<1x!tpu.dma_semaphore, #tpu.memory_space<semaphore_mem>> -> memref<!tpu.dma_semaphore, #tpu.memory_space<semaphore_mem>>
        tpu.enqueue_indirect_dma source(%dma_start3A_190 : memref<10240x64xf32, #tpu.memory_space<hbm>>) target(%dma_start3A_184 : memref<128x64xf32, #tpu.memory_space<vmem>>) offsets(%dma_start3A_187 : memref<128xi32, #tpu.memory_space<vmem>>) semaphore(%dma_start3A_192 : memref<!tpu.dma_semaphore, #tpu.memory_space<semaphore_mem>>)
      } else {
      }
      %while3A_178 = arith.constant 0 : i32
      scf.yield %while3A_178 : i32
    }
    %barrier3A_124 = arith.constant 0 : index
    tpu.barrier barrier_id(%barrier3A_124)
    %mul3A_125 = arith.constant 640 : i32
    %mul3A_126 = arith.muli %arg1, %mul3A_125 : i32
    %add3A_127 = arith.constant 0 : i32
    %add3A_128 = arith.addi %mul3A_126, %add3A_127 : i32
    %run_scoped3A_129 = arith.constant 0 : i32
    "tpu.region"() ({
      %run_scoped3A_155 = tpu.sem_alloc : memref<!tpu.dma_semaphore, #tpu.memory_space<semaphore_mem>>
      %dma_start3A_156 = arith.constant 0 : i32
      %dma_start3A_157 = arith.constant 0 : i32
      %dma_start3A_158 = tpu.memref_slice %arg7[%run_scoped3A_129, %dma_start3A_156, %dma_start3A_157] : memref<4x128x64xf32, #tpu.memory_space<vmem>> -> memref<1x128x64xf32, #tpu.memory_space<vmem>>
      %dma_start3A_159 = tpu.memref_squeeze %dma_start3A_158 : memref<1x128x64xf32, #tpu.memory_space<vmem>> -> memref<128x64xf32, #tpu.memory_space<vmem>>
      %dma_start3A_160 = arith.constant 0 : i32
      %dma_start3A_161 = tpu.memref_slice %arg8[%add3A_128, %dma_start3A_160] : memref<10240x64xf32, #tpu.memory_space<vmem_shared>> -> memref<128x64xf32, #tpu.memory_space<vmem_shared>>
      %dma_start3A_162 = arith.constant 0 : i32
      %dma_start3A_163 = arith.constant 0 : i32
      %dma_start3A_164 = tpu.memref_slice %arg7[%run_scoped3A_129, %dma_start3A_162, %dma_start3A_163] : memref<4x128x64xf32, #tpu.memory_space<vmem>> -> memref<1x128x64xf32, #tpu.memory_space<vmem>>
      %dma_start3A_165 = tpu.memref_squeeze %dma_start3A_164 : memref<1x128x64xf32, #tpu.memory_space<vmem>> -> memref<128x64xf32, #tpu.memory_space<vmem>>
      %dma_start3A_166 = arith.constant 0 : i32
      %dma_start3A_167 = tpu.memref_slice %arg8[%add3A_128, %dma_start3A_166] : memref<10240x64xf32, #tpu.memory_space<vmem_shared>> -> memref<128x64xf32, #tpu.memory_space<vmem_shared>>
      tpu.enqueue_dma source(%dma_start3A_167 : memref<128x64xf32, #tpu.memory_space<vmem_shared>>) target(%dma_start3A_165 : memref<128x64xf32, #tpu.memory_space<vmem>>) target_semaphore(%run_scoped3A_155 : memref<!tpu.dma_semaphore, #tpu.memory_space<semaphore_mem>>)
      %dma_wait3A = arith.constant 0 : i32
      %dma_wait3A_168 = arith.constant 0 : i32
      %dma_wait3A_169 = tpu.memref_slice %arg7[%run_scoped3A_129, %dma_wait3A, %dma_wait3A_168] : memref<4x128x64xf32, #tpu.memory_space<vmem>> -> memref<1x128x64xf32, #tpu.memory_space<vmem>>
      %dma_wait3A_170 = tpu.memref_squeeze %dma_wait3A_169 : memref<1x128x64xf32, #tpu.memory_space<vmem>> -> memref<128x64xf32, #tpu.memory_space<vmem>>
      %dma_wait3A_171 = arith.constant 0 : i32
      %dma_wait3A_172 = tpu.memref_slice %arg8[%add3A_128, %dma_wait3A_171] : memref<10240x64xf32, #tpu.memory_space<vmem_shared>> -> memref<128x64xf32, #tpu.memory_space<vmem_shared>>
      %dma_wait3A_173 = arith.constant 0 : i32
      %dma_wait3A_174 = arith.constant 0 : i32
      %dma_wait3A_175 = tpu.memref_slice %arg7[%run_scoped3A_129, %dma_wait3A_173, %dma_wait3A_174] : memref<4x128x64xf32, #tpu.memory_space<vmem>> -> memref<1x128x64xf32, #tpu.memory_space<vmem>>
      %dma_wait3A_176 = tpu.memref_squeeze %dma_wait3A_175 : memref<1x128x64xf32, #tpu.memory_space<vmem>> -> memref<128x64xf32, #tpu.memory_space<vmem>>
      %dma_wait3A_177 = arith.constant 0 : i32
      %dma_wait3A_178 = tpu.memref_slice %arg8[%add3A_128, %dma_wait3A_177] : memref<10240x64xf32, #tpu.memory_space<vmem_shared>> -> memref<128x64xf32, #tpu.memory_space<vmem_shared>>
      tpu.wait_dma2 semaphore(%run_scoped3A_155 : memref<!tpu.dma_semaphore, #tpu.memory_space<semaphore_mem>>) src(%dma_wait3A_178 : memref<128x64xf32, #tpu.memory_space<vmem_shared>>) dst(%dma_wait3A_176 : memref<128x64xf32, #tpu.memory_space<vmem>>)
      tpu.yield
    }) : () -> ()
    %run_scoped3A_130 = arith.constant 0 : i32
    "tpu.region"() ({
      %run_scoped3A_155 = tpu.sem_alloc : memref<!tpu.dma_semaphore, #tpu.memory_space<semaphore_mem>>
      %dma_start3A_156 = arith.constant 0 : i32
      %dma_start3A_157 = arith.constant 0 : i32
      %dma_start3A_158 = tpu.memref_slice %arg7[%run_scoped3A_130, %dma_start3A_156, %dma_start3A_157] : memref<4x128x64xf32, #tpu.memory_space<vmem>> -> memref<1x128x64xf32, #tpu.memory_space<vmem>>
      %dma_start3A_159 = tpu.memref_squeeze %dma_start3A_158 : memref<1x128x64xf32, #tpu.memory_space<vmem>> -> memref<128x64xf32, #tpu.memory_space<vmem>>
      %dma_start3A_160 = arith.constant 0 : i32
      %dma_start3A_161 = tpu.memref_slice %arg4[%arg0, %add3A_128, %dma_start3A_160] : memref<2x10240x128xf32, #tpu.memory_space<hbm>> -> memref<1x128x64xf32, #tpu.memory_space<hbm>>
      %dma_start3A_162 = tpu.memref_squeeze %dma_start3A_161 : memref<1x128x64xf32, #tpu.memory_space<hbm>> -> memref<128x64xf32, #tpu.memory_space<hbm>>
      %dma_start3A_163 = arith.constant 0 : i32
      %dma_start3A_164 = tpu.memref_slice %arg4[%arg0, %add3A_128, %dma_start3A_163] : memref<2x10240x128xf32, #tpu.memory_space<hbm>> -> memref<1x128x64xf32, #tpu.memory_space<hbm>>
      %dma_start3A_165 = tpu.memref_squeeze %dma_start3A_164 : memref<1x128x64xf32, #tpu.memory_space<hbm>> -> memref<128x64xf32, #tpu.memory_space<hbm>>
      %dma_start3A_166 = arith.constant 0 : i32
      %dma_start3A_167 = arith.constant 0 : i32
      %dma_start3A_168 = tpu.memref_slice %arg7[%run_scoped3A_130, %dma_start3A_166, %dma_start3A_167] : memref<4x128x64xf32, #tpu.memory_space<vmem>> -> memref<1x128x64xf32, #tpu.memory_space<vmem>>
      %dma_start3A_169 = tpu.memref_squeeze %dma_start3A_168 : memref<1x128x64xf32, #tpu.memory_space<vmem>> -> memref<128x64xf32, #tpu.memory_space<vmem>>
      tpu.enqueue_dma source(%dma_start3A_169 : memref<128x64xf32, #tpu.memory_space<vmem>>) target(%dma_start3A_165 : memref<128x64xf32, #tpu.memory_space<hbm>>) target_semaphore(%run_scoped3A_155 : memref<!tpu.dma_semaphore, #tpu.memory_space<semaphore_mem>>)
      %dma_wait3A = arith.constant 0 : i32
      %dma_wait3A_170 = arith.constant 0 : i32
      %dma_wait3A_171 = tpu.memref_slice %arg7[%run_scoped3A_130, %dma_wait3A, %dma_wait3A_170] : memref<4x128x64xf32, #tpu.memory_space<vmem>> -> memref<1x128x64xf32, #tpu.memory_space<vmem>>
      %dma_wait3A_172 = tpu.memref_squeeze %dma_wait3A_171 : memref<1x128x64xf32, #tpu.memory_space<vmem>> -> memref<128x64xf32, #tpu.memory_space<vmem>>
      %dma_wait3A_173 = arith.constant 0 : i32
      %dma_wait3A_174 = tpu.memref_slice %arg4[%arg0, %add3A_128, %dma_wait3A_173] : memref<2x10240x128xf32, #tpu.memory_space<hbm>> -> memref<1x128x64xf32, #tpu.memory_space<hbm>>
      %dma_wait3A_175 = tpu.memref_squeeze %dma_wait3A_174 : memref<1x128x64xf32, #tpu.memory_space<hbm>> -> memref<128x64xf32, #tpu.memory_space<hbm>>
      %dma_wait3A_176 = arith.constant 0 : i32
      %dma_wait3A_177 = tpu.memref_slice %arg4[%arg0, %add3A_128, %dma_wait3A_176] : memref<2x10240x128xf32, #tpu.memory_space<hbm>> -> memref<1x128x64xf32, #tpu.memory_space<hbm>>
      %dma_wait3A_178 = tpu.memref_squeeze %dma_wait3A_177 : memref<1x128x64xf32, #tpu.memory_space<hbm>> -> memref<128x64xf32, #tpu.memory_space<hbm>>
      %dma_wait3A_179 = arith.constant 0 : i32
      %dma_wait3A_180 = arith.constant 0 : i32
      %dma_wait3A_181 = tpu.memref_slice %arg7[%run_scoped3A_130, %dma_wait3A_179, %dma_wait3A_180] : memref<4x128x64xf32, #tpu.memory_space<vmem>> -> memref<1x128x64xf32, #tpu.memory_space<vmem>>
      %dma_wait3A_182 = tpu.memref_squeeze %dma_wait3A_181 : memref<1x128x64xf32, #tpu.memory_space<vmem>> -> memref<128x64xf32, #tpu.memory_space<vmem>>
      tpu.wait_dma2 semaphore(%run_scoped3A_155 : memref<!tpu.dma_semaphore, #tpu.memory_space<semaphore_mem>>) src(%dma_wait3A_182 : memref<128x64xf32, #tpu.memory_space<vmem>>) dst(%dma_wait3A_178 : memref<128x64xf32, #tpu.memory_space<hbm>>)
      tpu.yield
    }) : () -> ()
    %mul3A_131 = arith.constant 640 : i32
    %mul3A_132 = arith.muli %arg1, %mul3A_131 : i32
    %add3A_133 = arith.constant 128 : i32
    %add3A_134 = arith.addi %mul3A_132, %add3A_133 : i32
    %run_scoped3A_135 = arith.constant 0 : i32
    "tpu.region"() ({
      %run_scoped3A_155 = tpu.sem_alloc : memref<!tpu.dma_semaphore, #tpu.memory_space<semaphore_mem>>
      %dma_start3A_156 = arith.constant 0 : i32
      %dma_start3A_157 = arith.constant 0 : i32
      %dma_start3A_158 = tpu.memref_slice %arg7[%run_scoped3A_135, %dma_start3A_156, %dma_start3A_157] : memref<4x128x64xf32, #tpu.memory_space<vmem>> -> memref<1x128x64xf32, #tpu.memory_space<vmem>>
      %dma_start3A_159 = tpu.memref_squeeze %dma_start3A_158 : memref<1x128x64xf32, #tpu.memory_space<vmem>> -> memref<128x64xf32, #tpu.memory_space<vmem>>
      %dma_start3A_160 = arith.constant 0 : i32
      %dma_start3A_161 = tpu.memref_slice %arg8[%add3A_134, %dma_start3A_160] : memref<10240x64xf32, #tpu.memory_space<vmem_shared>> -> memref<128x64xf32, #tpu.memory_space<vmem_shared>>
      %dma_start3A_162 = arith.constant 0 : i32
      %dma_start3A_163 = arith.constant 0 : i32
      %dma_start3A_164 = tpu.memref_slice %arg7[%run_scoped3A_135, %dma_start3A_162, %dma_start3A_163] : memref<4x128x64xf32, #tpu.memory_space<vmem>> -> memref<1x128x64xf32, #tpu.memory_space<vmem>>
      %dma_start3A_165 = tpu.memref_squeeze %dma_start3A_164 : memref<1x128x64xf32, #tpu.memory_space<vmem>> -> memref<128x64xf32, #tpu.memory_space<vmem>>
      %dma_start3A_166 = arith.constant 0 : i32
      %dma_start3A_167 = tpu.memref_slice %arg8[%add3A_134, %dma_start3A_166] : memref<10240x64xf32, #tpu.memory_space<vmem_shared>> -> memref<128x64xf32, #tpu.memory_space<vmem_shared>>
      tpu.enqueue_dma source(%dma_start3A_167 : memref<128x64xf32, #tpu.memory_space<vmem_shared>>) target(%dma_start3A_165 : memref<128x64xf32, #tpu.memory_space<vmem>>) target_semaphore(%run_scoped3A_155 : memref<!tpu.dma_semaphore, #tpu.memory_space<semaphore_mem>>)
      %dma_wait3A = arith.constant 0 : i32
      %dma_wait3A_168 = arith.constant 0 : i32
      %dma_wait3A_169 = tpu.memref_slice %arg7[%run_scoped3A_135, %dma_wait3A, %dma_wait3A_168] : memref<4x128x64xf32, #tpu.memory_space<vmem>> -> memref<1x128x64xf32, #tpu.memory_space<vmem>>
      %dma_wait3A_170 = tpu.memref_squeeze %dma_wait3A_169 : memref<1x128x64xf32, #tpu.memory_space<vmem>> -> memref<128x64xf32, #tpu.memory_space<vmem>>
      %dma_wait3A_171 = arith.constant 0 : i32
      %dma_wait3A_172 = tpu.memref_slice %arg8[%add3A_134, %dma_wait3A_171] : memref<10240x64xf32, #tpu.memory_space<vmem_shared>> -> memref<128x64xf32, #tpu.memory_space<vmem_shared>>
      %dma_wait3A_173 = arith.constant 0 : i32
      %dma_wait3A_174 = arith.constant 0 : i32
      %dma_wait3A_175 = tpu.memref_slice %arg7[%run_scoped3A_135, %dma_wait3A_173, %dma_wait3A_174] : memref<4x128x64xf32, #tpu.memory_space<vmem>> -> memref<1x128x64xf32, #tpu.memory_space<vmem>>
      %dma_wait3A_176 = tpu.memref_squeeze %dma_wait3A_175 : memref<1x128x64xf32, #tpu.memory_space<vmem>> -> memref<128x64xf32, #tpu.memory_space<vmem>>
      %dma_wait3A_177 = arith.constant 0 : i32
      %dma_wait3A_178 = tpu.memref_slice %arg8[%add3A_134, %dma_wait3A_177] : memref<10240x64xf32, #tpu.memory_space<vmem_shared>> -> memref<128x64xf32, #tpu.memory_space<vmem_shared>>
      tpu.wait_dma2 semaphore(%run_scoped3A_155 : memref<!tpu.dma_semaphore, #tpu.memory_space<semaphore_mem>>) src(%dma_wait3A_178 : memref<128x64xf32, #tpu.memory_space<vmem_shared>>) dst(%dma_wait3A_176 : memref<128x64xf32, #tpu.memory_space<vmem>>)
      tpu.yield
    }) : () -> ()
    %run_scoped3A_136 = arith.constant 0 : i32
    "tpu.region"() ({
      %run_scoped3A_155 = tpu.sem_alloc : memref<!tpu.dma_semaphore, #tpu.memory_space<semaphore_mem>>
      %dma_start3A_156 = arith.constant 0 : i32
      %dma_start3A_157 = arith.constant 0 : i32
      %dma_start3A_158 = tpu.memref_slice %arg7[%run_scoped3A_136, %dma_start3A_156, %dma_start3A_157] : memref<4x128x64xf32, #tpu.memory_space<vmem>> -> memref<1x128x64xf32, #tpu.memory_space<vmem>>
      %dma_start3A_159 = tpu.memref_squeeze %dma_start3A_158 : memref<1x128x64xf32, #tpu.memory_space<vmem>> -> memref<128x64xf32, #tpu.memory_space<vmem>>
      %dma_start3A_160 = arith.constant 0 : i32
      %dma_start3A_161 = tpu.memref_slice %arg4[%arg0, %add3A_134, %dma_start3A_160] : memref<2x10240x128xf32, #tpu.memory_space<hbm>> -> memref<1x128x64xf32, #tpu.memory_space<hbm>>
      %dma_start3A_162 = tpu.memref_squeeze %dma_start3A_161 : memref<1x128x64xf32, #tpu.memory_space<hbm>> -> memref<128x64xf32, #tpu.memory_space<hbm>>
      %dma_start3A_163 = arith.constant 0 : i32
      %dma_start3A_164 = tpu.memref_slice %arg4[%arg0, %add3A_134, %dma_start3A_163] : memref<2x10240x128xf32, #tpu.memory_space<hbm>> -> memref<1x128x64xf32, #tpu.memory_space<hbm>>
      %dma_start3A_165 = tpu.memref_squeeze %dma_start3A_164 : memref<1x128x64xf32, #tpu.memory_space<hbm>> -> memref<128x64xf32, #tpu.memory_space<hbm>>
      %dma_start3A_166 = arith.constant 0 : i32
      %dma_start3A_167 = arith.constant 0 : i32
      %dma_start3A_168 = tpu.memref_slice %arg7[%run_scoped3A_136, %dma_start3A_166, %dma_start3A_167] : memref<4x128x64xf32, #tpu.memory_space<vmem>> -> memref<1x128x64xf32, #tpu.memory_space<vmem>>
      %dma_start3A_169 = tpu.memref_squeeze %dma_start3A_168 : memref<1x128x64xf32, #tpu.memory_space<vmem>> -> memref<128x64xf32, #tpu.memory_space<vmem>>
      tpu.enqueue_dma source(%dma_start3A_169 : memref<128x64xf32, #tpu.memory_space<vmem>>) target(%dma_start3A_165 : memref<128x64xf32, #tpu.memory_space<hbm>>) target_semaphore(%run_scoped3A_155 : memref<!tpu.dma_semaphore, #tpu.memory_space<semaphore_mem>>)
      %dma_wait3A = arith.constant 0 : i32
      %dma_wait3A_170 = arith.constant 0 : i32
      %dma_wait3A_171 = tpu.memref_slice %arg7[%run_scoped3A_136, %dma_wait3A, %dma_wait3A_170] : memref<4x128x64xf32, #tpu.memory_space<vmem>> -> memref<1x128x64xf32, #tpu.memory_space<vmem>>
      %dma_wait3A_172 = tpu.memref_squeeze %dma_wait3A_171 : memref<1x128x64xf32, #tpu.memory_space<vmem>> -> memref<128x64xf32, #tpu.memory_space<vmem>>
      %dma_wait3A_173 = arith.constant 0 : i32
      %dma_wait3A_174 = tpu.memref_slice %arg4[%arg0, %add3A_134, %dma_wait3A_173] : memref<2x10240x128xf32, #tpu.memory_space<hbm>> -> memref<1x128x64xf32, #tpu.memory_space<hbm>>
      %dma_wait3A_175 = tpu.memref_squeeze %dma_wait3A_174 : memref<1x128x64xf32, #tpu.memory_space<hbm>> -> memref<128x64xf32, #tpu.memory_space<hbm>>
      %dma_wait3A_176 = arith.constant 0 : i32
      %dma_wait3A_177 = tpu.memref_slice %arg4[%arg0, %add3A_134, %dma_wait3A_176] : memref<2x10240x128xf32, #tpu.memory_space<hbm>> -> memref<1x128x64xf32, #tpu.memory_space<hbm>>
      %dma_wait3A_178 = tpu.memref_squeeze %dma_wait3A_177 : memref<1x128x64xf32, #tpu.memory_space<hbm>> -> memref<128x64xf32, #tpu.memory_space<hbm>>
      %dma_wait3A_179 = arith.constant 0 : i32
      %dma_wait3A_180 = arith.constant 0 : i32
      %dma_wait3A_181 = tpu.memref_slice %arg7[%run_scoped3A_136, %dma_wait3A_179, %dma_wait3A_180] : memref<4x128x64xf32, #tpu.memory_space<vmem>> -> memref<1x128x64xf32, #tpu.memory_space<vmem>>
      %dma_wait3A_182 = tpu.memref_squeeze %dma_wait3A_181 : memref<1x128x64xf32, #tpu.memory_space<vmem>> -> memref<128x64xf32, #tpu.memory_space<vmem>>
      tpu.wait_dma2 semaphore(%run_scoped3A_155 : memref<!tpu.dma_semaphore, #tpu.memory_space<semaphore_mem>>) src(%dma_wait3A_182 : memref<128x64xf32, #tpu.memory_space<vmem>>) dst(%dma_wait3A_178 : memref<128x64xf32, #tpu.memory_space<hbm>>)
      tpu.yield
    }) : () -> ()
    %mul3A_137 = arith.constant 640 : i32
    %mul3A_138 = arith.muli %arg1, %mul3A_137 : i32
    %add3A_139 = arith.constant 256 : i32
    %add3A_140 = arith.addi %mul3A_138, %add3A_139 : i32
    %run_scoped3A_141 = arith.constant 0 : i32
    "tpu.region"() ({
      %run_scoped3A_155 = tpu.sem_alloc : memref<!tpu.dma_semaphore, #tpu.memory_space<semaphore_mem>>
      %dma_start3A_156 = arith.constant 0 : i32
      %dma_start3A_157 = arith.constant 0 : i32
      %dma_start3A_158 = tpu.memref_slice %arg7[%run_scoped3A_141, %dma_start3A_156, %dma_start3A_157] : memref<4x128x64xf32, #tpu.memory_space<vmem>> -> memref<1x128x64xf32, #tpu.memory_space<vmem>>
      %dma_start3A_159 = tpu.memref_squeeze %dma_start3A_158 : memref<1x128x64xf32, #tpu.memory_space<vmem>> -> memref<128x64xf32, #tpu.memory_space<vmem>>
      %dma_start3A_160 = arith.constant 0 : i32
      %dma_start3A_161 = tpu.memref_slice %arg8[%add3A_140, %dma_start3A_160] : memref<10240x64xf32, #tpu.memory_space<vmem_shared>> -> memref<128x64xf32, #tpu.memory_space<vmem_shared>>
      %dma_start3A_162 = arith.constant 0 : i32
      %dma_start3A_163 = arith.constant 0 : i32
      %dma_start3A_164 = tpu.memref_slice %arg7[%run_scoped3A_141, %dma_start3A_162, %dma_start3A_163] : memref<4x128x64xf32, #tpu.memory_space<vmem>> -> memref<1x128x64xf32, #tpu.memory_space<vmem>>
      %dma_start3A_165 = tpu.memref_squeeze %dma_start3A_164 : memref<1x128x64xf32, #tpu.memory_space<vmem>> -> memref<128x64xf32, #tpu.memory_space<vmem>>
      %dma_start3A_166 = arith.constant 0 : i32
      %dma_start3A_167 = tpu.memref_slice %arg8[%add3A_140, %dma_start3A_166] : memref<10240x64xf32, #tpu.memory_space<vmem_shared>> -> memref<128x64xf32, #tpu.memory_space<vmem_shared>>
      tpu.enqueue_dma source(%dma_start3A_167 : memref<128x64xf32, #tpu.memory_space<vmem_shared>>) target(%dma_start3A_165 : memref<128x64xf32, #tpu.memory_space<vmem>>) target_semaphore(%run_scoped3A_155 : memref<!tpu.dma_semaphore, #tpu.memory_space<semaphore_mem>>)
      %dma_wait3A = arith.constant 0 : i32
      %dma_wait3A_168 = arith.constant 0 : i32
      %dma_wait3A_169 = tpu.memref_slice %arg7[%run_scoped3A_141, %dma_wait3A, %dma_wait3A_168] : memref<4x128x64xf32, #tpu.memory_space<vmem>> -> memref<1x128x64xf32, #tpu.memory_space<vmem>>
      %dma_wait3A_170 = tpu.memref_squeeze %dma_wait3A_169 : memref<1x128x64xf32, #tpu.memory_space<vmem>> -> memref<128x64xf32, #tpu.memory_space<vmem>>
      %dma_wait3A_171 = arith.constant 0 : i32
      %dma_wait3A_172 = tpu.memref_slice %arg8[%add3A_140, %dma_wait3A_171] : memref<10240x64xf32, #tpu.memory_space<vmem_shared>> -> memref<128x64xf32, #tpu.memory_space<vmem_shared>>
      %dma_wait3A_173 = arith.constant 0 : i32
      %dma_wait3A_174 = arith.constant 0 : i32
      %dma_wait3A_175 = tpu.memref_slice %arg7[%run_scoped3A_141, %dma_wait3A_173, %dma_wait3A_174] : memref<4x128x64xf32, #tpu.memory_space<vmem>> -> memref<1x128x64xf32, #tpu.memory_space<vmem>>
      %dma_wait3A_176 = tpu.memref_squeeze %dma_wait3A_175 : memref<1x128x64xf32, #tpu.memory_space<vmem>> -> memref<128x64xf32, #tpu.memory_space<vmem>>
      %dma_wait3A_177 = arith.constant 0 : i32
      %dma_wait3A_178 = tpu.memref_slice %arg8[%add3A_140, %dma_wait3A_177] : memref<10240x64xf32, #tpu.memory_space<vmem_shared>> -> memref<128x64xf32, #tpu.memory_space<vmem_shared>>
      tpu.wait_dma2 semaphore(%run_scoped3A_155 : memref<!tpu.dma_semaphore, #tpu.memory_space<semaphore_mem>>) src(%dma_wait3A_178 : memref<128x64xf32, #tpu.memory_space<vmem_shared>>) dst(%dma_wait3A_176 : memref<128x64xf32, #tpu.memory_space<vmem>>)
      tpu.yield
    }) : () -> ()
    %run_scoped3A_142 = arith.constant 0 : i32
    "tpu.region"() ({
      %run_scoped3A_155 = tpu.sem_alloc : memref<!tpu.dma_semaphore, #tpu.memory_space<semaphore_mem>>
      %dma_start3A_156 = arith.constant 0 : i32
      %dma_start3A_157 = arith.constant 0 : i32
      %dma_start3A_158 = tpu.memref_slice %arg7[%run_scoped3A_142, %dma_start3A_156, %dma_start3A_157] : memref<4x128x64xf32, #tpu.memory_space<vmem>> -> memref<1x128x64xf32, #tpu.memory_space<vmem>>
      %dma_start3A_159 = tpu.memref_squeeze %dma_start3A_158 : memref<1x128x64xf32, #tpu.memory_space<vmem>> -> memref<128x64xf32, #tpu.memory_space<vmem>>
      %dma_start3A_160 = arith.constant 0 : i32
      %dma_start3A_161 = tpu.memref_slice %arg4[%arg0, %add3A_140, %dma_start3A_160] : memref<2x10240x128xf32, #tpu.memory_space<hbm>> -> memref<1x128x64xf32, #tpu.memory_space<hbm>>
      %dma_start3A_162 = tpu.memref_squeeze %dma_start3A_161 : memref<1x128x64xf32, #tpu.memory_space<hbm>> -> memref<128x64xf32, #tpu.memory_space<hbm>>
      %dma_start3A_163 = arith.constant 0 : i32
      %dma_start3A_164 = tpu.memref_slice %arg4[%arg0, %add3A_140, %dma_start3A_163] : memref<2x10240x128xf32, #tpu.memory_space<hbm>> -> memref<1x128x64xf32, #tpu.memory_space<hbm>>
      %dma_start3A_165 = tpu.memref_squeeze %dma_start3A_164 : memref<1x128x64xf32, #tpu.memory_space<hbm>> -> memref<128x64xf32, #tpu.memory_space<hbm>>
      %dma_start3A_166 = arith.constant 0 : i32
      %dma_start3A_167 = arith.constant 0 : i32
      %dma_start3A_168 = tpu.memref_slice %arg7[%run_scoped3A_142, %dma_start3A_166, %dma_start3A_167] : memref<4x128x64xf32, #tpu.memory_space<vmem>> -> memref<1x128x64xf32, #tpu.memory_space<vmem>>
      %dma_start3A_169 = tpu.memref_squeeze %dma_start3A_168 : memref<1x128x64xf32, #tpu.memory_space<vmem>> -> memref<128x64xf32, #tpu.memory_space<vmem>>
      tpu.enqueue_dma source(%dma_start3A_169 : memref<128x64xf32, #tpu.memory_space<vmem>>) target(%dma_start3A_165 : memref<128x64xf32, #tpu.memory_space<hbm>>) target_semaphore(%run_scoped3A_155 : memref<!tpu.dma_semaphore, #tpu.memory_space<semaphore_mem>>)
      %dma_wait3A = arith.constant 0 : i32
      %dma_wait3A_170 = arith.constant 0 : i32
      %dma_wait3A_171 = tpu.memref_slice %arg7[%run_scoped3A_142, %dma_wait3A, %dma_wait3A_170] : memref<4x128x64xf32, #tpu.memory_space<vmem>> -> memref<1x128x64xf32, #tpu.memory_space<vmem>>
      %dma_wait3A_172 = tpu.memref_squeeze %dma_wait3A_171 : memref<1x128x64xf32, #tpu.memory_space<vmem>> -> memref<128x64xf32, #tpu.memory_space<vmem>>
      %dma_wait3A_173 = arith.constant 0 : i32
      %dma_wait3A_174 = tpu.memref_slice %arg4[%arg0, %add3A_140, %dma_wait3A_173] : memref<2x10240x128xf32, #tpu.memory_space<hbm>> -> memref<1x128x64xf32, #tpu.memory_space<hbm>>
      %dma_wait3A_175 = tpu.memref_squeeze %dma_wait3A_174 : memref<1x128x64xf32, #tpu.memory_space<hbm>> -> memref<128x64xf32, #tpu.memory_space<hbm>>
      %dma_wait3A_176 = arith.constant 0 : i32
      %dma_wait3A_177 = tpu.memref_slice %arg4[%arg0, %add3A_140, %dma_wait3A_176] : memref<2x10240x128xf32, #tpu.memory_space<hbm>> -> memref<1x128x64xf32, #tpu.memory_space<hbm>>
      %dma_wait3A_178 = tpu.memref_squeeze %dma_wait3A_177 : memref<1x128x64xf32, #tpu.memory_space<hbm>> -> memref<128x64xf32, #tpu.memory_space<hbm>>
      %dma_wait3A_179 = arith.constant 0 : i32
      %dma_wait3A_180 = arith.constant 0 : i32
      %dma_wait3A_181 = tpu.memref_slice %arg7[%run_scoped3A_142, %dma_wait3A_179, %dma_wait3A_180] : memref<4x128x64xf32, #tpu.memory_space<vmem>> -> memref<1x128x64xf32, #tpu.memory_space<vmem>>
      %dma_wait3A_182 = tpu.memref_squeeze %dma_wait3A_181 : memref<1x128x64xf32, #tpu.memory_space<vmem>> -> memref<128x64xf32, #tpu.memory_space<vmem>>
      tpu.wait_dma2 semaphore(%run_scoped3A_155 : memref<!tpu.dma_semaphore, #tpu.memory_space<semaphore_mem>>) src(%dma_wait3A_182 : memref<128x64xf32, #tpu.memory_space<vmem>>) dst(%dma_wait3A_178 : memref<128x64xf32, #tpu.memory_space<hbm>>)
      tpu.yield
    }) : () -> ()
    %mul3A_143 = arith.constant 640 : i32
    %mul3A_144 = arith.muli %arg1, %mul3A_143 : i32
    %add3A_145 = arith.constant 384 : i32
    %add3A_146 = arith.addi %mul3A_144, %add3A_145 : i32
    %run_scoped3A_147 = arith.constant 0 : i32
    "tpu.region"() ({
      %run_scoped3A_155 = tpu.sem_alloc : memref<!tpu.dma_semaphore, #tpu.memory_space<semaphore_mem>>
      %dma_start3A_156 = arith.constant 0 : i32
      %dma_start3A_157 = arith.constant 0 : i32
      %dma_start3A_158 = tpu.memref_slice %arg7[%run_scoped3A_147, %dma_start3A_156, %dma_start3A_157] : memref<4x128x64xf32, #tpu.memory_space<vmem>> -> memref<1x128x64xf32, #tpu.memory_space<vmem>>
      %dma_start3A_159 = tpu.memref_squeeze %dma_start3A_158 : memref<1x128x64xf32, #tpu.memory_space<vmem>> -> memref<128x64xf32, #tpu.memory_space<vmem>>
      %dma_start3A_160 = arith.constant 0 : i32
      %dma_start3A_161 = tpu.memref_slice %arg8[%add3A_146, %dma_start3A_160] : memref<10240x64xf32, #tpu.memory_space<vmem_shared>> -> memref<128x64xf32, #tpu.memory_space<vmem_shared>>
      %dma_start3A_162 = arith.constant 0 : i32
      %dma_start3A_163 = arith.constant 0 : i32
      %dma_start3A_164 = tpu.memref_slice %arg7[%run_scoped3A_147, %dma_start3A_162, %dma_start3A_163] : memref<4x128x64xf32, #tpu.memory_space<vmem>> -> memref<1x128x64xf32, #tpu.memory_space<vmem>>
      %dma_start3A_165 = tpu.memref_squeeze %dma_start3A_164 : memref<1x128x64xf32, #tpu.memory_space<vmem>> -> memref<128x64xf32, #tpu.memory_space<vmem>>
      %dma_start3A_166 = arith.constant 0 : i32
      %dma_start3A_167 = tpu.memref_slice %arg8[%add3A_146, %dma_start3A_166] : memref<10240x64xf32, #tpu.memory_space<vmem_shared>> -> memref<128x64xf32, #tpu.memory_space<vmem_shared>>
      tpu.enqueue_dma source(%dma_start3A_167 : memref<128x64xf32, #tpu.memory_space<vmem_shared>>) target(%dma_start3A_165 : memref<128x64xf32, #tpu.memory_space<vmem>>) target_semaphore(%run_scoped3A_155 : memref<!tpu.dma_semaphore, #tpu.memory_space<semaphore_mem>>)
      %dma_wait3A = arith.constant 0 : i32
      %dma_wait3A_168 = arith.constant 0 : i32
      %dma_wait3A_169 = tpu.memref_slice %arg7[%run_scoped3A_147, %dma_wait3A, %dma_wait3A_168] : memref<4x128x64xf32, #tpu.memory_space<vmem>> -> memref<1x128x64xf32, #tpu.memory_space<vmem>>
      %dma_wait3A_170 = tpu.memref_squeeze %dma_wait3A_169 : memref<1x128x64xf32, #tpu.memory_space<vmem>> -> memref<128x64xf32, #tpu.memory_space<vmem>>
      %dma_wait3A_171 = arith.constant 0 : i32
      %dma_wait3A_172 = tpu.memref_slice %arg8[%add3A_146, %dma_wait3A_171] : memref<10240x64xf32, #tpu.memory_space<vmem_shared>> -> memref<128x64xf32, #tpu.memory_space<vmem_shared>>
      %dma_wait3A_173 = arith.constant 0 : i32
      %dma_wait3A_174 = arith.constant 0 : i32
      %dma_wait3A_175 = tpu.memref_slice %arg7[%run_scoped3A_147, %dma_wait3A_173, %dma_wait3A_174] : memref<4x128x64xf32, #tpu.memory_space<vmem>> -> memref<1x128x64xf32, #tpu.memory_space<vmem>>
      %dma_wait3A_176 = tpu.memref_squeeze %dma_wait3A_175 : memref<1x128x64xf32, #tpu.memory_space<vmem>> -> memref<128x64xf32, #tpu.memory_space<vmem>>
      %dma_wait3A_177 = arith.constant 0 : i32
      %dma_wait3A_178 = tpu.memref_slice %arg8[%add3A_146, %dma_wait3A_177] : memref<10240x64xf32, #tpu.memory_space<vmem_shared>> -> memref<128x64xf32, #tpu.memory_space<vmem_shared>>
      tpu.wait_dma2 semaphore(%run_scoped3A_155 : memref<!tpu.dma_semaphore, #tpu.memory_space<semaphore_mem>>) src(%dma_wait3A_178 : memref<128x64xf32, #tpu.memory_space<vmem_shared>>) dst(%dma_wait3A_176 : memref<128x64xf32, #tpu.memory_space<vmem>>)
      tpu.yield
    }) : () -> ()
    %run_scoped3A_148 = arith.constant 0 : i32
    "tpu.region"() ({
      %run_scoped3A_155 = tpu.sem_alloc : memref<!tpu.dma_semaphore, #tpu.memory_space<semaphore_mem>>
      %dma_start3A_156 = arith.constant 0 : i32
      %dma_start3A_157 = arith.constant 0 : i32
      %dma_start3A_158 = tpu.memref_slice %arg7[%run_scoped3A_148, %dma_start3A_156, %dma_start3A_157] : memref<4x128x64xf32, #tpu.memory_space<vmem>> -> memref<1x128x64xf32, #tpu.memory_space<vmem>>
      %dma_start3A_159 = tpu.memref_squeeze %dma_start3A_158 : memref<1x128x64xf32, #tpu.memory_space<vmem>> -> memref<128x64xf32, #tpu.memory_space<vmem>>
      %dma_start3A_160 = arith.constant 0 : i32
      %dma_start3A_161 = tpu.memref_slice %arg4[%arg0, %add3A_146, %dma_start3A_160] : memref<2x10240x128xf32, #tpu.memory_space<hbm>> -> memref<1x128x64xf32, #tpu.memory_space<hbm>>
      %dma_start3A_162 = tpu.memref_squeeze %dma_start3A_161 : memref<1x128x64xf32, #tpu.memory_space<hbm>> -> memref<128x64xf32, #tpu.memory_space<hbm>>
      %dma_start3A_163 = arith.constant 0 : i32
      %dma_start3A_164 = tpu.memref_slice %arg4[%arg0, %add3A_146, %dma_start3A_163] : memref<2x10240x128xf32, #tpu.memory_space<hbm>> -> memref<1x128x64xf32, #tpu.memory_space<hbm>>
      %dma_start3A_165 = tpu.memref_squeeze %dma_start3A_164 : memref<1x128x64xf32, #tpu.memory_space<hbm>> -> memref<128x64xf32, #tpu.memory_space<hbm>>
      %dma_start3A_166 = arith.constant 0 : i32
      %dma_start3A_167 = arith.constant 0 : i32
      %dma_start3A_168 = tpu.memref_slice %arg7[%run_scoped3A_148, %dma_start3A_166, %dma_start3A_167] : memref<4x128x64xf32, #tpu.memory_space<vmem>> -> memref<1x128x64xf32, #tpu.memory_space<vmem>>
      %dma_start3A_169 = tpu.memref_squeeze %dma_start3A_168 : memref<1x128x64xf32, #tpu.memory_space<vmem>> -> memref<128x64xf32, #tpu.memory_space<vmem>>
      tpu.enqueue_dma source(%dma_start3A_169 : memref<128x64xf32, #tpu.memory_space<vmem>>) target(%dma_start3A_165 : memref<128x64xf32, #tpu.memory_space<hbm>>) target_semaphore(%run_scoped3A_155 : memref<!tpu.dma_semaphore, #tpu.memory_space<semaphore_mem>>)
      %dma_wait3A = arith.constant 0 : i32
      %dma_wait3A_170 = arith.constant 0 : i32
      %dma_wait3A_171 = tpu.memref_slice %arg7[%run_scoped3A_148, %dma_wait3A, %dma_wait3A_170] : memref<4x128x64xf32, #tpu.memory_space<vmem>> -> memref<1x128x64xf32, #tpu.memory_space<vmem>>
      %dma_wait3A_172 = tpu.memref_squeeze %dma_wait3A_171 : memref<1x128x64xf32, #tpu.memory_space<vmem>> -> memref<128x64xf32, #tpu.memory_space<vmem>>
      %dma_wait3A_173 = arith.constant 0 : i32
      %dma_wait3A_174 = tpu.memref_slice %arg4[%arg0, %add3A_146, %dma_wait3A_173] : memref<2x10240x128xf32, #tpu.memory_space<hbm>> -> memref<1x128x64xf32, #tpu.memory_space<hbm>>
      %dma_wait3A_175 = tpu.memref_squeeze %dma_wait3A_174 : memref<1x128x64xf32, #tpu.memory_space<hbm>> -> memref<128x64xf32, #tpu.memory_space<hbm>>
      %dma_wait3A_176 = arith.constant 0 : i32
      %dma_wait3A_177 = tpu.memref_slice %arg4[%arg0, %add3A_146, %dma_wait3A_176] : memref<2x10240x128xf32, #tpu.memory_space<hbm>> -> memref<1x128x64xf32, #tpu.memory_space<hbm>>
      %dma_wait3A_178 = tpu.memref_squeeze %dma_wait3A_177 : memref<1x128x64xf32, #tpu.memory_space<hbm>> -> memref<128x64xf32, #tpu.memory_space<hbm>>
      %dma_wait3A_179 = arith.constant 0 : i32
      %dma_wait3A_180 = arith.constant 0 : i32
      %dma_wait3A_181 = tpu.memref_slice %arg7[%run_scoped3A_148, %dma_wait3A_179, %dma_wait3A_180] : memref<4x128x64xf32, #tpu.memory_space<vmem>> -> memref<1x128x64xf32, #tpu.memory_space<vmem>>
      %dma_wait3A_182 = tpu.memref_squeeze %dma_wait3A_181 : memref<1x128x64xf32, #tpu.memory_space<vmem>> -> memref<128x64xf32, #tpu.memory_space<vmem>>
      tpu.wait_dma2 semaphore(%run_scoped3A_155 : memref<!tpu.dma_semaphore, #tpu.memory_space<semaphore_mem>>) src(%dma_wait3A_182 : memref<128x64xf32, #tpu.memory_space<vmem>>) dst(%dma_wait3A_178 : memref<128x64xf32, #tpu.memory_space<hbm>>)
      tpu.yield
    }) : () -> ()
    %mul3A_149 = arith.constant 640 : i32
    %mul3A_150 = arith.muli %arg1, %mul3A_149 : i32
    %add3A_151 = arith.constant 512 : i32
    %add3A_152 = arith.addi %mul3A_150, %add3A_151 : i32
    %run_scoped3A_153 = arith.constant 0 : i32
    "tpu.region"() ({
      %run_scoped3A_155 = tpu.sem_alloc : memref<!tpu.dma_semaphore, #tpu.memory_space<semaphore_mem>>
      %dma_start3A_156 = arith.constant 0 : i32
      %dma_start3A_157 = arith.constant 0 : i32
      %dma_start3A_158 = tpu.memref_slice %arg7[%run_scoped3A_153, %dma_start3A_156, %dma_start3A_157] : memref<4x128x64xf32, #tpu.memory_space<vmem>> -> memref<1x128x64xf32, #tpu.memory_space<vmem>>
      %dma_start3A_159 = tpu.memref_squeeze %dma_start3A_158 : memref<1x128x64xf32, #tpu.memory_space<vmem>> -> memref<128x64xf32, #tpu.memory_space<vmem>>
      %dma_start3A_160 = arith.constant 0 : i32
      %dma_start3A_161 = tpu.memref_slice %arg8[%add3A_152, %dma_start3A_160] : memref<10240x64xf32, #tpu.memory_space<vmem_shared>> -> memref<128x64xf32, #tpu.memory_space<vmem_shared>>
      %dma_start3A_162 = arith.constant 0 : i32
      %dma_start3A_163 = arith.constant 0 : i32
      %dma_start3A_164 = tpu.memref_slice %arg7[%run_scoped3A_153, %dma_start3A_162, %dma_start3A_163] : memref<4x128x64xf32, #tpu.memory_space<vmem>> -> memref<1x128x64xf32, #tpu.memory_space<vmem>>
      %dma_start3A_165 = tpu.memref_squeeze %dma_start3A_164 : memref<1x128x64xf32, #tpu.memory_space<vmem>> -> memref<128x64xf32, #tpu.memory_space<vmem>>
      %dma_start3A_166 = arith.constant 0 : i32
      %dma_start3A_167 = tpu.memref_slice %arg8[%add3A_152, %dma_start3A_166] : memref<10240x64xf32, #tpu.memory_space<vmem_shared>> -> memref<128x64xf32, #tpu.memory_space<vmem_shared>>
      tpu.enqueue_dma source(%dma_start3A_167 : memref<128x64xf32, #tpu.memory_space<vmem_shared>>) target(%dma_start3A_165 : memref<128x64xf32, #tpu.memory_space<vmem>>) target_semaphore(%run_scoped3A_155 : memref<!tpu.dma_semaphore, #tpu.memory_space<semaphore_mem>>)
      %dma_wait3A = arith.constant 0 : i32
      %dma_wait3A_168 = arith.constant 0 : i32
      %dma_wait3A_169 = tpu.memref_slice %arg7[%run_scoped3A_153, %dma_wait3A, %dma_wait3A_168] : memref<4x128x64xf32, #tpu.memory_space<vmem>> -> memref<1x128x64xf32, #tpu.memory_space<vmem>>
      %dma_wait3A_170 = tpu.memref_squeeze %dma_wait3A_169 : memref<1x128x64xf32, #tpu.memory_space<vmem>> -> memref<128x64xf32, #tpu.memory_space<vmem>>
      %dma_wait3A_171 = arith.constant 0 : i32
      %dma_wait3A_172 = tpu.memref_slice %arg8[%add3A_152, %dma_wait3A_171] : memref<10240x64xf32, #tpu.memory_space<vmem_shared>> -> memref<128x64xf32, #tpu.memory_space<vmem_shared>>
      %dma_wait3A_173 = arith.constant 0 : i32
      %dma_wait3A_174 = arith.constant 0 : i32
      %dma_wait3A_175 = tpu.memref_slice %arg7[%run_scoped3A_153, %dma_wait3A_173, %dma_wait3A_174] : memref<4x128x64xf32, #tpu.memory_space<vmem>> -> memref<1x128x64xf32, #tpu.memory_space<vmem>>
      %dma_wait3A_176 = tpu.memref_squeeze %dma_wait3A_175 : memref<1x128x64xf32, #tpu.memory_space<vmem>> -> memref<128x64xf32, #tpu.memory_space<vmem>>
      %dma_wait3A_177 = arith.constant 0 : i32
      %dma_wait3A_178 = tpu.memref_slice %arg8[%add3A_152, %dma_wait3A_177] : memref<10240x64xf32, #tpu.memory_space<vmem_shared>> -> memref<128x64xf32, #tpu.memory_space<vmem_shared>>
      tpu.wait_dma2 semaphore(%run_scoped3A_155 : memref<!tpu.dma_semaphore, #tpu.memory_space<semaphore_mem>>) src(%dma_wait3A_178 : memref<128x64xf32, #tpu.memory_space<vmem_shared>>) dst(%dma_wait3A_176 : memref<128x64xf32, #tpu.memory_space<vmem>>)
      tpu.yield
    }) : () -> ()
    %run_scoped3A_154 = arith.constant 0 : i32
    "tpu.region"() ({
      %run_scoped3A_155 = tpu.sem_alloc : memref<!tpu.dma_semaphore, #tpu.memory_space<semaphore_mem>>
      %dma_start3A_156 = arith.constant 0 : i32
      %dma_start3A_157 = arith.constant 0 : i32
      %dma_start3A_158 = tpu.memref_slice %arg7[%run_scoped3A_154, %dma_start3A_156, %dma_start3A_157] : memref<4x128x64xf32, #tpu.memory_space<vmem>> -> memref<1x128x64xf32, #tpu.memory_space<vmem>>
      %dma_start3A_159 = tpu.memref_squeeze %dma_start3A_158 : memref<1x128x64xf32, #tpu.memory_space<vmem>> -> memref<128x64xf32, #tpu.memory_space<vmem>>
      %dma_start3A_160 = arith.constant 0 : i32
      %dma_start3A_161 = tpu.memref_slice %arg4[%arg0, %add3A_152, %dma_start3A_160] : memref<2x10240x128xf32, #tpu.memory_space<hbm>> -> memref<1x128x64xf32, #tpu.memory_space<hbm>>
      %dma_start3A_162 = tpu.memref_squeeze %dma_start3A_161 : memref<1x128x64xf32, #tpu.memory_space<hbm>> -> memref<128x64xf32, #tpu.memory_space<hbm>>
      %dma_start3A_163 = arith.constant 0 : i32
      %dma_start3A_164 = tpu.memref_slice %arg4[%arg0, %add3A_152, %dma_start3A_163] : memref<2x10240x128xf32, #tpu.memory_space<hbm>> -> memref<1x128x64xf32, #tpu.memory_space<hbm>>
      %dma_start3A_165 = tpu.memref_squeeze %dma_start3A_164 : memref<1x128x64xf32, #tpu.memory_space<hbm>> -> memref<128x64xf32, #tpu.memory_space<hbm>>
      %dma_start3A_166 = arith.constant 0 : i32
      %dma_start3A_167 = arith.constant 0 : i32
      %dma_start3A_168 = tpu.memref_slice %arg7[%run_scoped3A_154, %dma_start3A_166, %dma_start3A_167] : memref<4x128x64xf32, #tpu.memory_space<vmem>> -> memref<1x128x64xf32, #tpu.memory_space<vmem>>
      %dma_start3A_169 = tpu.memref_squeeze %dma_start3A_168 : memref<1x128x64xf32, #tpu.memory_space<vmem>> -> memref<128x64xf32, #tpu.memory_space<vmem>>
      tpu.enqueue_dma source(%dma_start3A_169 : memref<128x64xf32, #tpu.memory_space<vmem>>) target(%dma_start3A_165 : memref<128x64xf32, #tpu.memory_space<hbm>>) target_semaphore(%run_scoped3A_155 : memref<!tpu.dma_semaphore, #tpu.memory_space<semaphore_mem>>)
      %dma_wait3A = arith.constant 0 : i32
      %dma_wait3A_170 = arith.constant 0 : i32
      %dma_wait3A_171 = tpu.memref_slice %arg7[%run_scoped3A_154, %dma_wait3A, %dma_wait3A_170] : memref<4x128x64xf32, #tpu.memory_space<vmem>> -> memref<1x128x64xf32, #tpu.memory_space<vmem>>
      %dma_wait3A_172 = tpu.memref_squeeze %dma_wait3A_171 : memref<1x128x64xf32, #tpu.memory_space<vmem>> -> memref<128x64xf32, #tpu.memory_space<vmem>>
      %dma_wait3A_173 = arith.constant 0 : i32
      %dma_wait3A_174 = tpu.memref_slice %arg4[%arg0, %add3A_152, %dma_wait3A_173] : memref<2x10240x128xf32, #tpu.memory_space<hbm>> -> memref<1x128x64xf32, #tpu.memory_space<hbm>>
      %dma_wait3A_175 = tpu.memref_squeeze %dma_wait3A_174 : memref<1x128x64xf32, #tpu.memory_space<hbm>> -> memref<128x64xf32, #tpu.memory_space<hbm>>
      %dma_wait3A_176 = arith.constant 0 : i32
      %dma_wait3A_177 = tpu.memref_slice %arg4[%arg0, %add3A_152, %dma_wait3A_176] : memref<2x10240x128xf32, #tpu.memory_space<hbm>> -> memref<1x128x64xf32, #tpu.memory_space<hbm>>
      %dma_wait3A_178 = tpu.memref_squeeze %dma_wait3A_177 : memref<1x128x64xf32, #tpu.memory_space<hbm>> -> memref<128x64xf32, #tpu.memory_space<hbm>>
      %dma_wait3A_179 = arith.constant 0 : i32
      %dma_wait3A_180 = arith.constant 0 : i32
      %dma_wait3A_181 = tpu.memref_slice %arg7[%run_scoped3A_154, %dma_wait3A_179, %dma_wait3A_180] : memref<4x128x64xf32, #tpu.memory_space<vmem>> -> memref<1x128x64xf32, #tpu.memory_space<vmem>>
      %dma_wait3A_182 = tpu.memref_squeeze %dma_wait3A_181 : memref<1x128x64xf32, #tpu.memory_space<vmem>> -> memref<128x64xf32, #tpu.memory_space<vmem>>
      tpu.wait_dma2 semaphore(%run_scoped3A_155 : memref<!tpu.dma_semaphore, #tpu.memory_space<semaphore_mem>>) src(%dma_wait3A_182 : memref<128x64xf32, #tpu.memory_space<vmem>>) dst(%dma_wait3A_178 : memref<128x64xf32, #tpu.memory_space<hbm>>)
      tpu.yield
    }) : () -> ()
    return
  }
}

#map = affine_map<(d0, d1) -> (0, 0)>
#map1 = affine_map<(d0, d1) -> (0, 0, 0)>
module attributes {stable_mosaic.version = 14 : i64} {
  func.func @spmm_kernel(%arg0: i32, %arg1: i32, %arg2: memref<10240x128xf32, #tpu.memory_space<hbm>>, %arg3: memref<2500x2x128xi32, #tpu.memory_space<hbm>>, %arg4: memref<2x10240x128xf32, #tpu.memory_space<hbm>>, %arg5: memref<79x128xi32, #tpu.memory_space<vmem>>, %arg6: memref<40x128xi32, #tpu.memory_space<vmem>>, %arg7: memref<2x128x128xf32, #tpu.memory_space<vmem>>, %arg8: memref<10240x128xf32, #tpu.memory_space<vmem_shared>>, %arg9: memref<2x!tpu.dma_semaphore, #tpu.memory_space<semaphore_mem>>) attributes {dimension_semantics = [#tpu.dimension_semantics<core_parallel>, #tpu.dimension_semantics<subcore_parallel>], iteration_bounds = array<i64: 2, 16>, scalar_prefetch = 0 : i64, scratch_operands = 5 : i64, tpu.core_type = #tpu.core_type<sc_vector_subcore>, window_params = [{transform_indices = #map}, {transform_indices = #map1}, {transform_indices = #map1}]} {
    %mul3A = arith.constant 2 : i32
    %mul3A_0 = arith.muli %arg1, %mul3A : i32
    %add3A = arith.addi %mul3A_0, %arg0 : i32
    %mul3A_1 = arith.constant 78 : i32
    %mul3A_2 = arith.muli %add3A, %mul3A_1 : i32
    %min3A = arith.constant 4 : i32
    %min3A_3 = arith.minsi %add3A, %min3A : i32
    %add3A_4 = arith.addi %mul3A_2, %min3A_3 : i32
    %lt3A = arith.constant 4 : i32
    %lt3A_5 = arith.cmpi slt, %add3A, %lt3A : i32
    %jit3A = arith.constant 1 : i32
    %jit3A_6 = arith.constant 0 : i32
    %select_n3A = arith.select %lt3A_5, %jit3A, %jit3A_6 : i32
    %add3A_7 = arith.constant 78 : i32
    %add3A_8 = arith.addi %add3A_7, %select_n3A : i32
    %scan3A = arith.constant 0 : i32
    %scan3A_9 = arith.constant 0 : i32
    %scan3A_10 = arith.constant 128 : i32
    %scan3A_11 = arith.addi %scan3A_9, %scan3A_10 : i32
    %scan3A_12 = arith.constant 1 : i32
    %scan3A_13 = scf.for %scan3A_125 = %scan3A_9 to %scan3A_11 step %scan3A_12 iter_args(%scan3A_126 = %scan3A) -> (i32)  : i32 {
      %broadcast_in_dim3A = arith.constant 0.000000e+00 : f32
      %broadcast_in_dim3A_127 = vector.broadcast %broadcast_in_dim3A : f32 to vector<16xf32>
      %swap3A = arith.constant 0 : i32
      %swap3A_128 = arith.index_cast %swap3A : i32 to index
      %swap3A_129 = arith.index_cast %scan3A_125 : i32 to index
      %swap3A_130 = arith.constant 0 : index
      %swap3A_131 = tpu.vector_load %arg7[%swap3A_128, %swap3A_129, %swap3A_130] {strides = array<i32>} : memref<2x128x128xf32, #tpu.memory_space<vmem>>, vector<1x1x16xf32>,
      %swap3A_132 = vector.shape_cast %swap3A_131 : vector<1x1x16xf32> to vector<16xf32>
      %swap3A_133 = vector.shape_cast %broadcast_in_dim3A_127 : vector<16xf32> to vector<1x1x16xf32>
      tpu.vector_store %arg7[%swap3A_128, %swap3A_129, %swap3A_130], %swap3A_133 {strides = array<i32>} : memref<2x128x128xf32, #tpu.memory_space<vmem>>, vector<1x1x16xf32>,
      %broadcast_in_dim3A_134 = arith.constant 0.000000e+00 : f32
      %broadcast_in_dim3A_135 = vector.broadcast %broadcast_in_dim3A_134 : f32 to vector<16xf32>
      %swap3A_136 = arith.constant 0 : i32
      %swap3A_137 = arith.index_cast %swap3A_136 : i32 to index
      %swap3A_138 = arith.index_cast %scan3A_125 : i32 to index
      %swap3A_139 = arith.constant 16 : index
      %swap3A_140 = tpu.vector_load %arg7[%swap3A_137, %swap3A_138, %swap3A_139] {strides = array<i32>} : memref<2x128x128xf32, #tpu.memory_space<vmem>>, vector<1x1x16xf32>,
      %swap3A_141 = vector.shape_cast %swap3A_140 : vector<1x1x16xf32> to vector<16xf32>
      %swap3A_142 = vector.shape_cast %broadcast_in_dim3A_135 : vector<16xf32> to vector<1x1x16xf32>
      tpu.vector_store %arg7[%swap3A_137, %swap3A_138, %swap3A_139], %swap3A_142 {strides = array<i32>} : memref<2x128x128xf32, #tpu.memory_space<vmem>>, vector<1x1x16xf32>,
      %broadcast_in_dim3A_143 = arith.constant 0.000000e+00 : f32
      %broadcast_in_dim3A_144 = vector.broadcast %broadcast_in_dim3A_143 : f32 to vector<16xf32>
      %swap3A_145 = arith.constant 0 : i32
      %swap3A_146 = arith.index_cast %swap3A_145 : i32 to index
      %swap3A_147 = arith.index_cast %scan3A_125 : i32 to index
      %swap3A_148 = arith.constant 32 : index
      %swap3A_149 = tpu.vector_load %arg7[%swap3A_146, %swap3A_147, %swap3A_148] {strides = array<i32>} : memref<2x128x128xf32, #tpu.memory_space<vmem>>, vector<1x1x16xf32>,
      %swap3A_150 = vector.shape_cast %swap3A_149 : vector<1x1x16xf32> to vector<16xf32>
      %swap3A_151 = vector.shape_cast %broadcast_in_dim3A_144 : vector<16xf32> to vector<1x1x16xf32>
      tpu.vector_store %arg7[%swap3A_146, %swap3A_147, %swap3A_148], %swap3A_151 {strides = array<i32>} : memref<2x128x128xf32, #tpu.memory_space<vmem>>, vector<1x1x16xf32>,
      %broadcast_in_dim3A_152 = arith.constant 0.000000e+00 : f32
      %broadcast_in_dim3A_153 = vector.broadcast %broadcast_in_dim3A_152 : f32 to vector<16xf32>
      %swap3A_154 = arith.constant 0 : i32
      %swap3A_155 = arith.index_cast %swap3A_154 : i32 to index
      %swap3A_156 = arith.index_cast %scan3A_125 : i32 to index
      %swap3A_157 = arith.constant 48 : index
      %swap3A_158 = tpu.vector_load %arg7[%swap3A_155, %swap3A_156, %swap3A_157] {strides = array<i32>} : memref<2x128x128xf32, #tpu.memory_space<vmem>>, vector<1x1x16xf32>,
      %swap3A_159 = vector.shape_cast %swap3A_158 : vector<1x1x16xf32> to vector<16xf32>
      %swap3A_160 = vector.shape_cast %broadcast_in_dim3A_153 : vector<16xf32> to vector<1x1x16xf32>
      tpu.vector_store %arg7[%swap3A_155, %swap3A_156, %swap3A_157], %swap3A_160 {strides = array<i32>} : memref<2x128x128xf32, #tpu.memory_space<vmem>>, vector<1x1x16xf32>,
      %broadcast_in_dim3A_161 = arith.constant 0.000000e+00 : f32
      %broadcast_in_dim3A_162 = vector.broadcast %broadcast_in_dim3A_161 : f32 to vector<16xf32>
      %swap3A_163 = arith.constant 0 : i32
      %swap3A_164 = arith.index_cast %swap3A_163 : i32 to index
      %swap3A_165 = arith.index_cast %scan3A_125 : i32 to index
      %swap3A_166 = arith.constant 64 : index
      %swap3A_167 = tpu.vector_load %arg7[%swap3A_164, %swap3A_165, %swap3A_166] {strides = array<i32>} : memref<2x128x128xf32, #tpu.memory_space<vmem>>, vector<1x1x16xf32>,
      %swap3A_168 = vector.shape_cast %swap3A_167 : vector<1x1x16xf32> to vector<16xf32>
      %swap3A_169 = vector.shape_cast %broadcast_in_dim3A_162 : vector<16xf32> to vector<1x1x16xf32>
      tpu.vector_store %arg7[%swap3A_164, %swap3A_165, %swap3A_166], %swap3A_169 {strides = array<i32>} : memref<2x128x128xf32, #tpu.memory_space<vmem>>, vector<1x1x16xf32>,
      %broadcast_in_dim3A_170 = arith.constant 0.000000e+00 : f32
      %broadcast_in_dim3A_171 = vector.broadcast %broadcast_in_dim3A_170 : f32 to vector<16xf32>
      %swap3A_172 = arith.constant 0 : i32
      %swap3A_173 = arith.index_cast %swap3A_172 : i32 to index
      %swap3A_174 = arith.index_cast %scan3A_125 : i32 to index
      %swap3A_175 = arith.constant 80 : index
      %swap3A_176 = tpu.vector_load %arg7[%swap3A_173, %swap3A_174, %swap3A_175] {strides = array<i32>} : memref<2x128x128xf32, #tpu.memory_space<vmem>>, vector<1x1x16xf32>,
      %swap3A_177 = vector.shape_cast %swap3A_176 : vector<1x1x16xf32> to vector<16xf32>
      %swap3A_178 = vector.shape_cast %broadcast_in_dim3A_171 : vector<16xf32> to vector<1x1x16xf32>
      tpu.vector_store %arg7[%swap3A_173, %swap3A_174, %swap3A_175], %swap3A_178 {strides = array<i32>} : memref<2x128x128xf32, #tpu.memory_space<vmem>>, vector<1x1x16xf32>,
      %broadcast_in_dim3A_179 = arith.constant 0.000000e+00 : f32
      %broadcast_in_dim3A_180 = vector.broadcast %broadcast_in_dim3A_179 : f32 to vector<16xf32>
      %swap3A_181 = arith.constant 0 : i32
      %swap3A_182 = arith.index_cast %swap3A_181 : i32 to index
      %swap3A_183 = arith.index_cast %scan3A_125 : i32 to index
      %swap3A_184 = arith.constant 96 : index
      %swap3A_185 = tpu.vector_load %arg7[%swap3A_182, %swap3A_183, %swap3A_184] {strides = array<i32>} : memref<2x128x128xf32, #tpu.memory_space<vmem>>, vector<1x1x16xf32>,
      %swap3A_186 = vector.shape_cast %swap3A_185 : vector<1x1x16xf32> to vector<16xf32>
      %swap3A_187 = vector.shape_cast %broadcast_in_dim3A_180 : vector<16xf32> to vector<1x1x16xf32>
      tpu.vector_store %arg7[%swap3A_182, %swap3A_183, %swap3A_184], %swap3A_187 {strides = array<i32>} : memref<2x128x128xf32, #tpu.memory_space<vmem>>, vector<1x1x16xf32>,
      %broadcast_in_dim3A_188 = arith.constant 0.000000e+00 : f32
      %broadcast_in_dim3A_189 = vector.broadcast %broadcast_in_dim3A_188 : f32 to vector<16xf32>
      %swap3A_190 = arith.constant 0 : i32
      %swap3A_191 = arith.index_cast %swap3A_190 : i32 to index
      %swap3A_192 = arith.index_cast %scan3A_125 : i32 to index
      %swap3A_193 = arith.constant 112 : index
      %swap3A_194 = tpu.vector_load %arg7[%swap3A_191, %swap3A_192, %swap3A_193] {strides = array<i32>} : memref<2x128x128xf32, #tpu.memory_space<vmem>>, vector<1x1x16xf32>,
      %swap3A_195 = vector.shape_cast %swap3A_194 : vector<1x1x16xf32> to vector<16xf32>
      %swap3A_196 = vector.shape_cast %broadcast_in_dim3A_189 : vector<16xf32> to vector<1x1x16xf32>
      tpu.vector_store %arg7[%swap3A_191, %swap3A_192, %swap3A_193], %swap3A_196 {strides = array<i32>} : memref<2x128x128xf32, #tpu.memory_space<vmem>>, vector<1x1x16xf32>,
      %scan3A_197 = arith.constant 0 : i32
      scf.yield %scan3A_197 : i32
    }
    %scan3A_14 = arith.constant 128 : i32
    %mul3A_15 = arith.constant 640 : i32
    %mul3A_16 = arith.muli %arg1, %mul3A_15 : i32
    %add3A_17 = arith.constant 0 : i32
    %add3A_18 = arith.addi %mul3A_16, %add3A_17 : i32
    %run_scoped3A = arith.constant 0 : i32
    "tpu.region"() ({
      %run_scoped3A_125 = tpu.sem_alloc : memref<!tpu.dma_semaphore, #tpu.memory_space<semaphore_mem>>
      %dma_start3A_126 = arith.constant 0 : i32
      %dma_start3A_127 = arith.constant 0 : i32
      %dma_start3A_128 = tpu.memref_slice %arg7[%run_scoped3A, %dma_start3A_126, %dma_start3A_127] : memref<2x128x128xf32, #tpu.memory_space<vmem>> -> memref<1x128x128xf32, #tpu.memory_space<vmem>>
      %dma_start3A_129 = tpu.memref_squeeze %dma_start3A_128 : memref<1x128x128xf32, #tpu.memory_space<vmem>> -> memref<128x128xf32, #tpu.memory_space<vmem>>
      %dma_start3A_130 = arith.constant 0 : i32
      %dma_start3A_131 = tpu.memref_slice %arg8[%add3A_18, %dma_start3A_130] : memref<10240x128xf32, #tpu.memory_space<vmem_shared>> -> memref<128x128xf32, #tpu.memory_space<vmem_shared>>
      %dma_start3A_132 = arith.constant 0 : i32
      %dma_start3A_133 = tpu.memref_slice %arg8[%add3A_18, %dma_start3A_132] : memref<10240x128xf32, #tpu.memory_space<vmem_shared>> -> memref<128x128xf32, #tpu.memory_space<vmem_shared>>
      %dma_start3A_134 = arith.constant 0 : i32
      %dma_start3A_135 = arith.constant 0 : i32
      %dma_start3A_136 = tpu.memref_slice %arg7[%run_scoped3A, %dma_start3A_134, %dma_start3A_135] : memref<2x128x128xf32, #tpu.memory_space<vmem>> -> memref<1x128x128xf32, #tpu.memory_space<vmem>>
      %dma_start3A_137 = tpu.memref_squeeze %dma_start3A_136 : memref<1x128x128xf32, #tpu.memory_space<vmem>> -> memref<128x128xf32, #tpu.memory_space<vmem>>
      tpu.enqueue_dma source(%dma_start3A_137 : memref<128x128xf32, #tpu.memory_space<vmem>>) target(%dma_start3A_133 : memref<128x128xf32, #tpu.memory_space<vmem_shared>>) target_semaphore(%run_scoped3A_125 : memref<!tpu.dma_semaphore, #tpu.memory_space<semaphore_mem>>)
      %dma_wait3A = arith.constant 0 : i32
      %dma_wait3A_138 = arith.constant 0 : i32
      %dma_wait3A_139 = tpu.memref_slice %arg7[%run_scoped3A, %dma_wait3A, %dma_wait3A_138] : memref<2x128x128xf32, #tpu.memory_space<vmem>> -> memref<1x128x128xf32, #tpu.memory_space<vmem>>
      %dma_wait3A_140 = tpu.memref_squeeze %dma_wait3A_139 : memref<1x128x128xf32, #tpu.memory_space<vmem>> -> memref<128x128xf32, #tpu.memory_space<vmem>>
      %dma_wait3A_141 = arith.constant 0 : i32
      %dma_wait3A_142 = tpu.memref_slice %arg8[%add3A_18, %dma_wait3A_141] : memref<10240x128xf32, #tpu.memory_space<vmem_shared>> -> memref<128x128xf32, #tpu.memory_space<vmem_shared>>
      %dma_wait3A_143 = arith.constant 0 : i32
      %dma_wait3A_144 = tpu.memref_slice %arg8[%add3A_18, %dma_wait3A_143] : memref<10240x128xf32, #tpu.memory_space<vmem_shared>> -> memref<128x128xf32, #tpu.memory_space<vmem_shared>>
      %dma_wait3A_145 = arith.constant 0 : i32
      %dma_wait3A_146 = arith.constant 0 : i32
      %dma_wait3A_147 = tpu.memref_slice %arg7[%run_scoped3A, %dma_wait3A_145, %dma_wait3A_146] : memref<2x128x128xf32, #tpu.memory_space<vmem>> -> memref<1x128x128xf32, #tpu.memory_space<vmem>>
      %dma_wait3A_148 = tpu.memref_squeeze %dma_wait3A_147 : memref<1x128x128xf32, #tpu.memory_space<vmem>> -> memref<128x128xf32, #tpu.memory_space<vmem>>
      tpu.wait_dma2 semaphore(%run_scoped3A_125 : memref<!tpu.dma_semaphore, #tpu.memory_space<semaphore_mem>>) src(%dma_wait3A_148 : memref<128x128xf32, #tpu.memory_space<vmem>>) dst(%dma_wait3A_144 : memref<128x128xf32, #tpu.memory_space<vmem_shared>>)
      tpu.yield
    }) : () -> ()
    %mul3A_19 = arith.constant 640 : i32
    %mul3A_20 = arith.muli %arg1, %mul3A_19 : i32
    %add3A_21 = arith.constant 128 : i32
    %add3A_22 = arith.addi %mul3A_20, %add3A_21 : i32
    %run_scoped3A_23 = arith.constant 0 : i32
    "tpu.region"() ({
      %run_scoped3A_125 = tpu.sem_alloc : memref<!tpu.dma_semaphore, #tpu.memory_space<semaphore_mem>>
      %dma_start3A_126 = arith.constant 0 : i32
      %dma_start3A_127 = arith.constant 0 : i32
      %dma_start3A_128 = tpu.memref_slice %arg7[%run_scoped3A_23, %dma_start3A_126, %dma_start3A_127] : memref<2x128x128xf32, #tpu.memory_space<vmem>> -> memref<1x128x128xf32, #tpu.memory_space<vmem>>
      %dma_start3A_129 = tpu.memref_squeeze %dma_start3A_128 : memref<1x128x128xf32, #tpu.memory_space<vmem>> -> memref<128x128xf32, #tpu.memory_space<vmem>>
      %dma_start3A_130 = arith.constant 0 : i32
      %dma_start3A_131 = tpu.memref_slice %arg8[%add3A_22, %dma_start3A_130] : memref<10240x128xf32, #tpu.memory_space<vmem_shared>> -> memref<128x128xf32, #tpu.memory_space<vmem_shared>>
      %dma_start3A_132 = arith.constant 0 : i32
      %dma_start3A_133 = tpu.memref_slice %arg8[%add3A_22, %dma_start3A_132] : memref<10240x128xf32, #tpu.memory_space<vmem_shared>> -> memref<128x128xf32, #tpu.memory_space<vmem_shared>>
      %dma_start3A_134 = arith.constant 0 : i32
      %dma_start3A_135 = arith.constant 0 : i32
      %dma_start3A_136 = tpu.memref_slice %arg7[%run_scoped3A_23, %dma_start3A_134, %dma_start3A_135] : memref<2x128x128xf32, #tpu.memory_space<vmem>> -> memref<1x128x128xf32, #tpu.memory_space<vmem>>
      %dma_start3A_137 = tpu.memref_squeeze %dma_start3A_136 : memref<1x128x128xf32, #tpu.memory_space<vmem>> -> memref<128x128xf32, #tpu.memory_space<vmem>>
      tpu.enqueue_dma source(%dma_start3A_137 : memref<128x128xf32, #tpu.memory_space<vmem>>) target(%dma_start3A_133 : memref<128x128xf32, #tpu.memory_space<vmem_shared>>) target_semaphore(%run_scoped3A_125 : memref<!tpu.dma_semaphore, #tpu.memory_space<semaphore_mem>>)
      %dma_wait3A = arith.constant 0 : i32
      %dma_wait3A_138 = arith.constant 0 : i32
      %dma_wait3A_139 = tpu.memref_slice %arg7[%run_scoped3A_23, %dma_wait3A, %dma_wait3A_138] : memref<2x128x128xf32, #tpu.memory_space<vmem>> -> memref<1x128x128xf32, #tpu.memory_space<vmem>>
      %dma_wait3A_140 = tpu.memref_squeeze %dma_wait3A_139 : memref<1x128x128xf32, #tpu.memory_space<vmem>> -> memref<128x128xf32, #tpu.memory_space<vmem>>
      %dma_wait3A_141 = arith.constant 0 : i32
      %dma_wait3A_142 = tpu.memref_slice %arg8[%add3A_22, %dma_wait3A_141] : memref<10240x128xf32, #tpu.memory_space<vmem_shared>> -> memref<128x128xf32, #tpu.memory_space<vmem_shared>>
      %dma_wait3A_143 = arith.constant 0 : i32
      %dma_wait3A_144 = tpu.memref_slice %arg8[%add3A_22, %dma_wait3A_143] : memref<10240x128xf32, #tpu.memory_space<vmem_shared>> -> memref<128x128xf32, #tpu.memory_space<vmem_shared>>
      %dma_wait3A_145 = arith.constant 0 : i32
      %dma_wait3A_146 = arith.constant 0 : i32
      %dma_wait3A_147 = tpu.memref_slice %arg7[%run_scoped3A_23, %dma_wait3A_145, %dma_wait3A_146] : memref<2x128x128xf32, #tpu.memory_space<vmem>> -> memref<1x128x128xf32, #tpu.memory_space<vmem>>
      %dma_wait3A_148 = tpu.memref_squeeze %dma_wait3A_147 : memref<1x128x128xf32, #tpu.memory_space<vmem>> -> memref<128x128xf32, #tpu.memory_space<vmem>>
      tpu.wait_dma2 semaphore(%run_scoped3A_125 : memref<!tpu.dma_semaphore, #tpu.memory_space<semaphore_mem>>) src(%dma_wait3A_148 : memref<128x128xf32, #tpu.memory_space<vmem>>) dst(%dma_wait3A_144 : memref<128x128xf32, #tpu.memory_space<vmem_shared>>)
      tpu.yield
    }) : () -> ()
    %mul3A_24 = arith.constant 640 : i32
    %mul3A_25 = arith.muli %arg1, %mul3A_24 : i32
    %add3A_26 = arith.constant 256 : i32
    %add3A_27 = arith.addi %mul3A_25, %add3A_26 : i32
    %run_scoped3A_28 = arith.constant 0 : i32
    "tpu.region"() ({
      %run_scoped3A_125 = tpu.sem_alloc : memref<!tpu.dma_semaphore, #tpu.memory_space<semaphore_mem>>
      %dma_start3A_126 = arith.constant 0 : i32
      %dma_start3A_127 = arith.constant 0 : i32
      %dma_start3A_128 = tpu.memref_slice %arg7[%run_scoped3A_28, %dma_start3A_126, %dma_start3A_127] : memref<2x128x128xf32, #tpu.memory_space<vmem>> -> memref<1x128x128xf32, #tpu.memory_space<vmem>>
      %dma_start3A_129 = tpu.memref_squeeze %dma_start3A_128 : memref<1x128x128xf32, #tpu.memory_space<vmem>> -> memref<128x128xf32, #tpu.memory_space<vmem>>
      %dma_start3A_130 = arith.constant 0 : i32
      %dma_start3A_131 = tpu.memref_slice %arg8[%add3A_27, %dma_start3A_130] : memref<10240x128xf32, #tpu.memory_space<vmem_shared>> -> memref<128x128xf32, #tpu.memory_space<vmem_shared>>
      %dma_start3A_132 = arith.constant 0 : i32
      %dma_start3A_133 = tpu.memref_slice %arg8[%add3A_27, %dma_start3A_132] : memref<10240x128xf32, #tpu.memory_space<vmem_shared>> -> memref<128x128xf32, #tpu.memory_space<vmem_shared>>
      %dma_start3A_134 = arith.constant 0 : i32
      %dma_start3A_135 = arith.constant 0 : i32
      %dma_start3A_136 = tpu.memref_slice %arg7[%run_scoped3A_28, %dma_start3A_134, %dma_start3A_135] : memref<2x128x128xf32, #tpu.memory_space<vmem>> -> memref<1x128x128xf32, #tpu.memory_space<vmem>>
      %dma_start3A_137 = tpu.memref_squeeze %dma_start3A_136 : memref<1x128x128xf32, #tpu.memory_space<vmem>> -> memref<128x128xf32, #tpu.memory_space<vmem>>
      tpu.enqueue_dma source(%dma_start3A_137 : memref<128x128xf32, #tpu.memory_space<vmem>>) target(%dma_start3A_133 : memref<128x128xf32, #tpu.memory_space<vmem_shared>>) target_semaphore(%run_scoped3A_125 : memref<!tpu.dma_semaphore, #tpu.memory_space<semaphore_mem>>)
      %dma_wait3A = arith.constant 0 : i32
      %dma_wait3A_138 = arith.constant 0 : i32
      %dma_wait3A_139 = tpu.memref_slice %arg7[%run_scoped3A_28, %dma_wait3A, %dma_wait3A_138] : memref<2x128x128xf32, #tpu.memory_space<vmem>> -> memref<1x128x128xf32, #tpu.memory_space<vmem>>
      %dma_wait3A_140 = tpu.memref_squeeze %dma_wait3A_139 : memref<1x128x128xf32, #tpu.memory_space<vmem>> -> memref<128x128xf32, #tpu.memory_space<vmem>>
      %dma_wait3A_141 = arith.constant 0 : i32
      %dma_wait3A_142 = tpu.memref_slice %arg8[%add3A_27, %dma_wait3A_141] : memref<10240x128xf32, #tpu.memory_space<vmem_shared>> -> memref<128x128xf32, #tpu.memory_space<vmem_shared>>
      %dma_wait3A_143 = arith.constant 0 : i32
      %dma_wait3A_144 = tpu.memref_slice %arg8[%add3A_27, %dma_wait3A_143] : memref<10240x128xf32, #tpu.memory_space<vmem_shared>> -> memref<128x128xf32, #tpu.memory_space<vmem_shared>>
      %dma_wait3A_145 = arith.constant 0 : i32
      %dma_wait3A_146 = arith.constant 0 : i32
      %dma_wait3A_147 = tpu.memref_slice %arg7[%run_scoped3A_28, %dma_wait3A_145, %dma_wait3A_146] : memref<2x128x128xf32, #tpu.memory_space<vmem>> -> memref<1x128x128xf32, #tpu.memory_space<vmem>>
      %dma_wait3A_148 = tpu.memref_squeeze %dma_wait3A_147 : memref<1x128x128xf32, #tpu.memory_space<vmem>> -> memref<128x128xf32, #tpu.memory_space<vmem>>
      tpu.wait_dma2 semaphore(%run_scoped3A_125 : memref<!tpu.dma_semaphore, #tpu.memory_space<semaphore_mem>>) src(%dma_wait3A_148 : memref<128x128xf32, #tpu.memory_space<vmem>>) dst(%dma_wait3A_144 : memref<128x128xf32, #tpu.memory_space<vmem_shared>>)
      tpu.yield
    }) : () -> ()
    %mul3A_29 = arith.constant 640 : i32
    %mul3A_30 = arith.muli %arg1, %mul3A_29 : i32
    %add3A_31 = arith.constant 384 : i32
    %add3A_32 = arith.addi %mul3A_30, %add3A_31 : i32
    %run_scoped3A_33 = arith.constant 0 : i32
    "tpu.region"() ({
      %run_scoped3A_125 = tpu.sem_alloc : memref<!tpu.dma_semaphore, #tpu.memory_space<semaphore_mem>>
      %dma_start3A_126 = arith.constant 0 : i32
      %dma_start3A_127 = arith.constant 0 : i32
      %dma_start3A_128 = tpu.memref_slice %arg7[%run_scoped3A_33, %dma_start3A_126, %dma_start3A_127] : memref<2x128x128xf32, #tpu.memory_space<vmem>> -> memref<1x128x128xf32, #tpu.memory_space<vmem>>
      %dma_start3A_129 = tpu.memref_squeeze %dma_start3A_128 : memref<1x128x128xf32, #tpu.memory_space<vmem>> -> memref<128x128xf32, #tpu.memory_space<vmem>>
      %dma_start3A_130 = arith.constant 0 : i32
      %dma_start3A_131 = tpu.memref_slice %arg8[%add3A_32, %dma_start3A_130] : memref<10240x128xf32, #tpu.memory_space<vmem_shared>> -> memref<128x128xf32, #tpu.memory_space<vmem_shared>>
      %dma_start3A_132 = arith.constant 0 : i32
      %dma_start3A_133 = tpu.memref_slice %arg8[%add3A_32, %dma_start3A_132] : memref<10240x128xf32, #tpu.memory_space<vmem_shared>> -> memref<128x128xf32, #tpu.memory_space<vmem_shared>>
      %dma_start3A_134 = arith.constant 0 : i32
      %dma_start3A_135 = arith.constant 0 : i32
      %dma_start3A_136 = tpu.memref_slice %arg7[%run_scoped3A_33, %dma_start3A_134, %dma_start3A_135] : memref<2x128x128xf32, #tpu.memory_space<vmem>> -> memref<1x128x128xf32, #tpu.memory_space<vmem>>
      %dma_start3A_137 = tpu.memref_squeeze %dma_start3A_136 : memref<1x128x128xf32, #tpu.memory_space<vmem>> -> memref<128x128xf32, #tpu.memory_space<vmem>>
      tpu.enqueue_dma source(%dma_start3A_137 : memref<128x128xf32, #tpu.memory_space<vmem>>) target(%dma_start3A_133 : memref<128x128xf32, #tpu.memory_space<vmem_shared>>) target_semaphore(%run_scoped3A_125 : memref<!tpu.dma_semaphore, #tpu.memory_space<semaphore_mem>>)
      %dma_wait3A = arith.constant 0 : i32
      %dma_wait3A_138 = arith.constant 0 : i32
      %dma_wait3A_139 = tpu.memref_slice %arg7[%run_scoped3A_33, %dma_wait3A, %dma_wait3A_138] : memref<2x128x128xf32, #tpu.memory_space<vmem>> -> memref<1x128x128xf32, #tpu.memory_space<vmem>>
      %dma_wait3A_140 = tpu.memref_squeeze %dma_wait3A_139 : memref<1x128x128xf32, #tpu.memory_space<vmem>> -> memref<128x128xf32, #tpu.memory_space<vmem>>
      %dma_wait3A_141 = arith.constant 0 : i32
      %dma_wait3A_142 = tpu.memref_slice %arg8[%add3A_32, %dma_wait3A_141] : memref<10240x128xf32, #tpu.memory_space<vmem_shared>> -> memref<128x128xf32, #tpu.memory_space<vmem_shared>>
      %dma_wait3A_143 = arith.constant 0 : i32
      %dma_wait3A_144 = tpu.memref_slice %arg8[%add3A_32, %dma_wait3A_143] : memref<10240x128xf32, #tpu.memory_space<vmem_shared>> -> memref<128x128xf32, #tpu.memory_space<vmem_shared>>
      %dma_wait3A_145 = arith.constant 0 : i32
      %dma_wait3A_146 = arith.constant 0 : i32
      %dma_wait3A_147 = tpu.memref_slice %arg7[%run_scoped3A_33, %dma_wait3A_145, %dma_wait3A_146] : memref<2x128x128xf32, #tpu.memory_space<vmem>> -> memref<1x128x128xf32, #tpu.memory_space<vmem>>
      %dma_wait3A_148 = tpu.memref_squeeze %dma_wait3A_147 : memref<1x128x128xf32, #tpu.memory_space<vmem>> -> memref<128x128xf32, #tpu.memory_space<vmem>>
      tpu.wait_dma2 semaphore(%run_scoped3A_125 : memref<!tpu.dma_semaphore, #tpu.memory_space<semaphore_mem>>) src(%dma_wait3A_148 : memref<128x128xf32, #tpu.memory_space<vmem>>) dst(%dma_wait3A_144 : memref<128x128xf32, #tpu.memory_space<vmem_shared>>)
      tpu.yield
    }) : () -> ()
    %mul3A_34 = arith.constant 640 : i32
    %mul3A_35 = arith.muli %arg1, %mul3A_34 : i32
    %add3A_36 = arith.constant 512 : i32
    %add3A_37 = arith.addi %mul3A_35, %add3A_36 : i32
    %run_scoped3A_38 = arith.constant 0 : i32
    "tpu.region"() ({
      %run_scoped3A_125 = tpu.sem_alloc : memref<!tpu.dma_semaphore, #tpu.memory_space<semaphore_mem>>
      %dma_start3A_126 = arith.constant 0 : i32
      %dma_start3A_127 = arith.constant 0 : i32
      %dma_start3A_128 = tpu.memref_slice %arg7[%run_scoped3A_38, %dma_start3A_126, %dma_start3A_127] : memref<2x128x128xf32, #tpu.memory_space<vmem>> -> memref<1x128x128xf32, #tpu.memory_space<vmem>>
      %dma_start3A_129 = tpu.memref_squeeze %dma_start3A_128 : memref<1x128x128xf32, #tpu.memory_space<vmem>> -> memref<128x128xf32, #tpu.memory_space<vmem>>
      %dma_start3A_130 = arith.constant 0 : i32
      %dma_start3A_131 = tpu.memref_slice %arg8[%add3A_37, %dma_start3A_130] : memref<10240x128xf32, #tpu.memory_space<vmem_shared>> -> memref<128x128xf32, #tpu.memory_space<vmem_shared>>
      %dma_start3A_132 = arith.constant 0 : i32
      %dma_start3A_133 = tpu.memref_slice %arg8[%add3A_37, %dma_start3A_132] : memref<10240x128xf32, #tpu.memory_space<vmem_shared>> -> memref<128x128xf32, #tpu.memory_space<vmem_shared>>
      %dma_start3A_134 = arith.constant 0 : i32
      %dma_start3A_135 = arith.constant 0 : i32
      %dma_start3A_136 = tpu.memref_slice %arg7[%run_scoped3A_38, %dma_start3A_134, %dma_start3A_135] : memref<2x128x128xf32, #tpu.memory_space<vmem>> -> memref<1x128x128xf32, #tpu.memory_space<vmem>>
      %dma_start3A_137 = tpu.memref_squeeze %dma_start3A_136 : memref<1x128x128xf32, #tpu.memory_space<vmem>> -> memref<128x128xf32, #tpu.memory_space<vmem>>
      tpu.enqueue_dma source(%dma_start3A_137 : memref<128x128xf32, #tpu.memory_space<vmem>>) target(%dma_start3A_133 : memref<128x128xf32, #tpu.memory_space<vmem_shared>>) target_semaphore(%run_scoped3A_125 : memref<!tpu.dma_semaphore, #tpu.memory_space<semaphore_mem>>)
      %dma_wait3A = arith.constant 0 : i32
      %dma_wait3A_138 = arith.constant 0 : i32
      %dma_wait3A_139 = tpu.memref_slice %arg7[%run_scoped3A_38, %dma_wait3A, %dma_wait3A_138] : memref<2x128x128xf32, #tpu.memory_space<vmem>> -> memref<1x128x128xf32, #tpu.memory_space<vmem>>
      %dma_wait3A_140 = tpu.memref_squeeze %dma_wait3A_139 : memref<1x128x128xf32, #tpu.memory_space<vmem>> -> memref<128x128xf32, #tpu.memory_space<vmem>>
      %dma_wait3A_141 = arith.constant 0 : i32
      %dma_wait3A_142 = tpu.memref_slice %arg8[%add3A_37, %dma_wait3A_141] : memref<10240x128xf32, #tpu.memory_space<vmem_shared>> -> memref<128x128xf32, #tpu.memory_space<vmem_shared>>
      %dma_wait3A_143 = arith.constant 0 : i32
      %dma_wait3A_144 = tpu.memref_slice %arg8[%add3A_37, %dma_wait3A_143] : memref<10240x128xf32, #tpu.memory_space<vmem_shared>> -> memref<128x128xf32, #tpu.memory_space<vmem_shared>>
      %dma_wait3A_145 = arith.constant 0 : i32
      %dma_wait3A_146 = arith.constant 0 : i32
      %dma_wait3A_147 = tpu.memref_slice %arg7[%run_scoped3A_38, %dma_wait3A_145, %dma_wait3A_146] : memref<2x128x128xf32, #tpu.memory_space<vmem>> -> memref<1x128x128xf32, #tpu.memory_space<vmem>>
      %dma_wait3A_148 = tpu.memref_squeeze %dma_wait3A_147 : memref<1x128x128xf32, #tpu.memory_space<vmem>> -> memref<128x128xf32, #tpu.memory_space<vmem>>
      tpu.wait_dma2 semaphore(%run_scoped3A_125 : memref<!tpu.dma_semaphore, #tpu.memory_space<semaphore_mem>>) src(%dma_wait3A_148 : memref<128x128xf32, #tpu.memory_space<vmem>>) dst(%dma_wait3A_144 : memref<128x128xf32, #tpu.memory_space<vmem_shared>>)
      tpu.yield
    }) : () -> ()
    %run_scoped3A_39 = arith.constant 0 : i32
    "tpu.region"() ({
      %run_scoped3A_125 = tpu.sem_alloc : memref<!tpu.dma_semaphore, #tpu.memory_space<semaphore_mem>>
      %dma_start3A_126 = arith.constant 0 : i32
      %dma_start3A_127 = arith.constant 0 : i32
      %dma_start3A_128 = tpu.memref_slice %arg5[%dma_start3A_126, %dma_start3A_127] : memref<79x128xi32, #tpu.memory_space<vmem>> -> memref<78x128xi32, #tpu.memory_space<vmem>>
      %dma_start3A_129 = arith.constant 0 : i32
      %dma_start3A_130 = tpu.memref_slice %arg3[%add3A_4, %run_scoped3A_39, %dma_start3A_129] : memref<2500x2x128xi32, #tpu.memory_space<hbm>> -> memref<78x1x128xi32, #tpu.memory_space<hbm>>
      %dma_start3A_131 = tpu.memref_squeeze %dma_start3A_130 : memref<78x1x128xi32, #tpu.memory_space<hbm>> -> memref<78x128xi32, #tpu.memory_space<hbm>>
      %dma_start3A_132 = arith.constant 0 : i32
      %dma_start3A_133 = arith.constant 0 : i32
      %dma_start3A_134 = tpu.memref_slice %arg5[%dma_start3A_132, %dma_start3A_133] : memref<79x128xi32, #tpu.memory_space<vmem>> -> memref<78x128xi32, #tpu.memory_space<vmem>>
      %dma_start3A_135 = arith.constant 0 : i32
      %dma_start3A_136 = tpu.memref_slice %arg3[%add3A_4, %run_scoped3A_39, %dma_start3A_135] : memref<2500x2x128xi32, #tpu.memory_space<hbm>> -> memref<78x1x128xi32, #tpu.memory_space<hbm>>
      %dma_start3A_137 = tpu.memref_squeeze %dma_start3A_136 : memref<78x1x128xi32, #tpu.memory_space<hbm>> -> memref<78x128xi32, #tpu.memory_space<hbm>>
      tpu.enqueue_dma source(%dma_start3A_137 : memref<78x128xi32, #tpu.memory_space<hbm>>) target(%dma_start3A_134 : memref<78x128xi32, #tpu.memory_space<vmem>>) target_semaphore(%run_scoped3A_125 : memref<!tpu.dma_semaphore, #tpu.memory_space<semaphore_mem>>)
      %dma_wait3A = arith.constant 0 : i32
      %dma_wait3A_138 = arith.constant 0 : i32
      %dma_wait3A_139 = tpu.memref_slice %arg5[%dma_wait3A, %dma_wait3A_138] : memref<79x128xi32, #tpu.memory_space<vmem>> -> memref<78x128xi32, #tpu.memory_space<vmem>>
      %dma_wait3A_140 = arith.constant 0 : i32
      %dma_wait3A_141 = tpu.memref_slice %arg3[%add3A_4, %run_scoped3A_39, %dma_wait3A_140] : memref<2500x2x128xi32, #tpu.memory_space<hbm>> -> memref<78x1x128xi32, #tpu.memory_space<hbm>>
      %dma_wait3A_142 = tpu.memref_squeeze %dma_wait3A_141 : memref<78x1x128xi32, #tpu.memory_space<hbm>> -> memref<78x128xi32, #tpu.memory_space<hbm>>
      %dma_wait3A_143 = arith.constant 0 : i32
      %dma_wait3A_144 = arith.constant 0 : i32
      %dma_wait3A_145 = tpu.memref_slice %arg5[%dma_wait3A_143, %dma_wait3A_144] : memref<79x128xi32, #tpu.memory_space<vmem>> -> memref<78x128xi32, #tpu.memory_space<vmem>>
      %dma_wait3A_146 = arith.constant 0 : i32
      %dma_wait3A_147 = tpu.memref_slice %arg3[%add3A_4, %run_scoped3A_39, %dma_wait3A_146] : memref<2500x2x128xi32, #tpu.memory_space<hbm>> -> memref<78x1x128xi32, #tpu.memory_space<hbm>>
      %dma_wait3A_148 = tpu.memref_squeeze %dma_wait3A_147 : memref<78x1x128xi32, #tpu.memory_space<hbm>> -> memref<78x128xi32, #tpu.memory_space<hbm>>
      tpu.wait_dma2 semaphore(%run_scoped3A_125 : memref<!tpu.dma_semaphore, #tpu.memory_space<semaphore_mem>>) src(%dma_wait3A_148 : memref<78x128xi32, #tpu.memory_space<hbm>>) dst(%dma_wait3A_145 : memref<78x128xi32, #tpu.memory_space<vmem>>)
      tpu.yield
    }) : () -> ()
    %lt3A_40 = arith.constant 4 : i32
    %lt3A_41 = arith.cmpi slt, %add3A, %lt3A_40 : i32
    %convert_element_type3A = arith.extui %lt3A_41 : i1 to i32
    %cond3A = arith.constant 0 : i32
    %cond3A_42 = arith.cmpi ne, %convert_element_type3A, %cond3A : i32
    scf.if %cond3A_42 {
      %add3A_125 = arith.constant 78 : i32
      %add3A_126 = arith.addi %add3A_4, %add3A_125 : i32
      %run_scoped3A_127 = arith.constant 0 : i32
      "tpu.region"() ({
        %run_scoped3A_128 = tpu.sem_alloc : memref<!tpu.dma_semaphore, #tpu.memory_space<semaphore_mem>>
        %dma_start3A_129 = arith.constant 78 : i32
        %dma_start3A_130 = arith.constant 0 : i32
        %dma_start3A_131 = tpu.memref_slice %arg5[%dma_start3A_129, %dma_start3A_130] : memref<79x128xi32, #tpu.memory_space<vmem>> -> memref<1x128xi32, #tpu.memory_space<vmem>>
        %dma_start3A_132 = arith.constant 0 : i32
        %dma_start3A_133 = tpu.memref_slice %arg3[%add3A_126, %run_scoped3A_127, %dma_start3A_132] : memref<2500x2x128xi32, #tpu.memory_space<hbm>> -> memref<1x1x128xi32, #tpu.memory_space<hbm>>
        %dma_start3A_134 = tpu.memref_squeeze %dma_start3A_133 : memref<1x1x128xi32, #tpu.memory_space<hbm>> -> memref<1x128xi32, #tpu.memory_space<hbm>>
        %dma_start3A_135 = arith.constant 78 : i32
        %dma_start3A_136 = arith.constant 0 : i32
        %dma_start3A_137 = tpu.memref_slice %arg5[%dma_start3A_135, %dma_start3A_136] : memref<79x128xi32, #tpu.memory_space<vmem>> -> memref<1x128xi32, #tpu.memory_space<vmem>>
        %dma_start3A_138 = arith.constant 0 : i32
        %dma_start3A_139 = tpu.memref_slice %arg3[%add3A_126, %run_scoped3A_127, %dma_start3A_138] : memref<2500x2x128xi32, #tpu.memory_space<hbm>> -> memref<1x1x128xi32, #tpu.memory_space<hbm>>
        %dma_start3A_140 = tpu.memref_squeeze %dma_start3A_139 : memref<1x1x128xi32, #tpu.memory_space<hbm>> -> memref<1x128xi32, #tpu.memory_space<hbm>>
        tpu.enqueue_dma source(%dma_start3A_140 : memref<1x128xi32, #tpu.memory_space<hbm>>) target(%dma_start3A_137 : memref<1x128xi32, #tpu.memory_space<vmem>>) target_semaphore(%run_scoped3A_128 : memref<!tpu.dma_semaphore, #tpu.memory_space<semaphore_mem>>)
        %dma_wait3A = arith.constant 78 : i32
        %dma_wait3A_141 = arith.constant 0 : i32
        %dma_wait3A_142 = tpu.memref_slice %arg5[%dma_wait3A, %dma_wait3A_141] : memref<79x128xi32, #tpu.memory_space<vmem>> -> memref<1x128xi32, #tpu.memory_space<vmem>>
        %dma_wait3A_143 = arith.constant 0 : i32
        %dma_wait3A_144 = tpu.memref_slice %arg3[%add3A_126, %run_scoped3A_127, %dma_wait3A_143] : memref<2500x2x128xi32, #tpu.memory_space<hbm>> -> memref<1x1x128xi32, #tpu.memory_space<hbm>>
        %dma_wait3A_145 = tpu.memref_squeeze %dma_wait3A_144 : memref<1x1x128xi32, #tpu.memory_space<hbm>> -> memref<1x128xi32, #tpu.memory_space<hbm>>
        %dma_wait3A_146 = arith.constant 78 : i32
        %dma_wait3A_147 = arith.constant 0 : i32
        %dma_wait3A_148 = tpu.memref_slice %arg5[%dma_wait3A_146, %dma_wait3A_147] : memref<79x128xi32, #tpu.memory_space<vmem>> -> memref<1x128xi32, #tpu.memory_space<vmem>>
        %dma_wait3A_149 = arith.constant 0 : i32
        %dma_wait3A_150 = tpu.memref_slice %arg3[%add3A_126, %run_scoped3A_127, %dma_wait3A_149] : memref<2500x2x128xi32, #tpu.memory_space<hbm>> -> memref<1x1x128xi32, #tpu.memory_space<hbm>>
        %dma_wait3A_151 = tpu.memref_squeeze %dma_wait3A_150 : memref<1x1x128xi32, #tpu.memory_space<hbm>> -> memref<1x128xi32, #tpu.memory_space<hbm>>
        tpu.wait_dma2 semaphore(%run_scoped3A_128 : memref<!tpu.dma_semaphore, #tpu.memory_space<semaphore_mem>>) src(%dma_wait3A_151 : memref<1x128xi32, #tpu.memory_space<hbm>>) dst(%dma_wait3A_148 : memref<1x128xi32, #tpu.memory_space<vmem>>)
        tpu.yield
      }) : () -> ()
    } else {
    }
    %dma_start3A = arith.constant 0 : i32
    %dma_start3A_43 = arith.constant 0 : i32
    %dma_start3A_44 = arith.constant 0 : i32
    %dma_start3A_45 = arith.constant 0 : i32
    %dma_start3A_46 = arith.constant 0 : i32
    %dma_start3A_47 = tpu.memref_slice %arg7[%dma_start3A_43, %dma_start3A_45, %dma_start3A_46] : memref<2x128x128xf32, #tpu.memory_space<vmem>> -> memref<1x128x128xf32, #tpu.memory_space<vmem>>
    %dma_start3A_48 = tpu.memref_squeeze %dma_start3A_47 : memref<1x128x128xf32, #tpu.memory_space<vmem>> -> memref<128x128xf32, #tpu.memory_space<vmem>>
    %dma_start3A_49 = arith.constant 0 : i32
    %dma_start3A_50 = tpu.memref_slice %arg5[%dma_start3A, %dma_start3A_49] : memref<79x128xi32, #tpu.memory_space<vmem>> -> memref<1x128xi32, #tpu.memory_space<vmem>>
    %dma_start3A_51 = tpu.memref_squeeze %dma_start3A_50 : memref<1x128xi32, #tpu.memory_space<vmem>> -> memref<128xi32, #tpu.memory_space<vmem>>
    %dma_start3A_52 = arith.constant 0 : i32
    %dma_start3A_53 = arith.constant 0 : i32
    %dma_start3A_54 = tpu.memref_slice %arg2[%dma_start3A_52, %dma_start3A_53] : memref<10240x128xf32, #tpu.memory_space<hbm>> -> memref<10240x128xf32, #tpu.memory_space<hbm>>
    %dma_start3A_55 = tpu.memref_slice %arg9[%dma_start3A_44] : memref<2x!tpu.dma_semaphore, #tpu.memory_space<semaphore_mem>> -> memref<1x!tpu.dma_semaphore, #tpu.memory_space<semaphore_mem>>
    %dma_start3A_56 = tpu.memref_squeeze %dma_start3A_55 : memref<1x!tpu.dma_semaphore, #tpu.memory_space<semaphore_mem>> -> memref<!tpu.dma_semaphore, #tpu.memory_space<semaphore_mem>>
    tpu.enqueue_indirect_dma source(%dma_start3A_54 : memref<10240x128xf32, #tpu.memory_space<hbm>>) target(%dma_start3A_48 : memref<128x128xf32, #tpu.memory_space<vmem>>) offsets(%dma_start3A_51 : memref<128xi32, #tpu.memory_space<vmem>>) semaphore(%dma_start3A_56 : memref<!tpu.dma_semaphore, #tpu.memory_space<semaphore_mem>>)
    %dma_start3A_57 = arith.constant 1 : i32
    %dma_start3A_58 = arith.constant 1 : i32
    %dma_start3A_59 = arith.constant 1 : i32
    %dma_start3A_60 = arith.constant 0 : i32
    %dma_start3A_61 = arith.constant 0 : i32
    %dma_start3A_62 = tpu.memref_slice %arg7[%dma_start3A_58, %dma_start3A_60, %dma_start3A_61] : memref<2x128x128xf32, #tpu.memory_space<vmem>> -> memref<1x128x128xf32, #tpu.memory_space<vmem>>
    %dma_start3A_63 = tpu.memref_squeeze %dma_start3A_62 : memref<1x128x128xf32, #tpu.memory_space<vmem>> -> memref<128x128xf32, #tpu.memory_space<vmem>>
    %dma_start3A_64 = arith.constant 0 : i32
    %dma_start3A_65 = tpu.memref_slice %arg5[%dma_start3A_57, %dma_start3A_64] : memref<79x128xi32, #tpu.memory_space<vmem>> -> memref<1x128xi32, #tpu.memory_space<vmem>>
    %dma_start3A_66 = tpu.memref_squeeze %dma_start3A_65 : memref<1x128xi32, #tpu.memory_space<vmem>> -> memref<128xi32, #tpu.memory_space<vmem>>
    %dma_start3A_67 = arith.constant 0 : i32
    %dma_start3A_68 = arith.constant 0 : i32
    %dma_start3A_69 = tpu.memref_slice %arg2[%dma_start3A_67, %dma_start3A_68] : memref<10240x128xf32, #tpu.memory_space<hbm>> -> memref<10240x128xf32, #tpu.memory_space<hbm>>
    %dma_start3A_70 = tpu.memref_slice %arg9[%dma_start3A_59] : memref<2x!tpu.dma_semaphore, #tpu.memory_space<semaphore_mem>> -> memref<1x!tpu.dma_semaphore, #tpu.memory_space<semaphore_mem>>
    %dma_start3A_71 = tpu.memref_squeeze %dma_start3A_70 : memref<1x!tpu.dma_semaphore, #tpu.memory_space<semaphore_mem>> -> memref<!tpu.dma_semaphore, #tpu.memory_space<semaphore_mem>>
    tpu.enqueue_indirect_dma source(%dma_start3A_69 : memref<10240x128xf32, #tpu.memory_space<hbm>>) target(%dma_start3A_63 : memref<128x128xf32, #tpu.memory_space<vmem>>) offsets(%dma_start3A_66 : memref<128xi32, #tpu.memory_space<vmem>>) semaphore(%dma_start3A_71 : memref<!tpu.dma_semaphore, #tpu.memory_space<semaphore_mem>>)
    %barrier3A = arith.constant 0 : index
    tpu.barrier barrier_id(%barrier3A)
    %run_scoped3A_72 = arith.constant 1 : i32
    "tpu.region"() ({
      %run_scoped3A_125 = tpu.sem_alloc : memref<!tpu.dma_semaphore, #tpu.memory_space<semaphore_mem>>
      %dma_start3A_126 = arith.constant 0 : i32
      %dma_start3A_127 = tpu.memref_slice %arg3[%add3A_4, %run_scoped3A_72, %dma_start3A_126] : memref<2500x2x128xi32, #tpu.memory_space<hbm>> -> memref<40x1x128xi32, #tpu.memory_space<hbm>>
      %dma_start3A_128 = tpu.memref_squeeze %dma_start3A_127 : memref<40x1x128xi32, #tpu.memory_space<hbm>> -> memref<40x128xi32, #tpu.memory_space<hbm>>
      %dma_start3A_129 = arith.constant 0 : i32
      %dma_start3A_130 = tpu.memref_slice %arg3[%add3A_4, %run_scoped3A_72, %dma_start3A_129] : memref<2500x2x128xi32, #tpu.memory_space<hbm>> -> memref<40x1x128xi32, #tpu.memory_space<hbm>>
      %dma_start3A_131 = tpu.memref_squeeze %dma_start3A_130 : memref<40x1x128xi32, #tpu.memory_space<hbm>> -> memref<40x128xi32, #tpu.memory_space<hbm>>
      tpu.enqueue_dma source(%dma_start3A_131 : memref<40x128xi32, #tpu.memory_space<hbm>>) target(%arg6 : memref<40x128xi32, #tpu.memory_space<vmem>>) target_semaphore(%run_scoped3A_125 : memref<!tpu.dma_semaphore, #tpu.memory_space<semaphore_mem>>)
      %dma_wait3A = arith.constant 0 : i32
      %dma_wait3A_132 = tpu.memref_slice %arg3[%add3A_4, %run_scoped3A_72, %dma_wait3A] : memref<2500x2x128xi32, #tpu.memory_space<hbm>> -> memref<40x1x128xi32, #tpu.memory_space<hbm>>
      %dma_wait3A_133 = tpu.memref_squeeze %dma_wait3A_132 : memref<40x1x128xi32, #tpu.memory_space<hbm>> -> memref<40x128xi32, #tpu.memory_space<hbm>>
      %dma_wait3A_134 = arith.constant 0 : i32
      %dma_wait3A_135 = tpu.memref_slice %arg3[%add3A_4, %run_scoped3A_72, %dma_wait3A_134] : memref<2500x2x128xi32, #tpu.memory_space<hbm>> -> memref<40x1x128xi32, #tpu.memory_space<hbm>>
      %dma_wait3A_136 = tpu.memref_squeeze %dma_wait3A_135 : memref<40x1x128xi32, #tpu.memory_space<hbm>> -> memref<40x128xi32, #tpu.memory_space<hbm>>
      tpu.wait_dma2 semaphore(%run_scoped3A_125 : memref<!tpu.dma_semaphore, #tpu.memory_space<semaphore_mem>>) src(%dma_wait3A_136 : memref<40x128xi32, #tpu.memory_space<hbm>>) dst(%arg6 : memref<40x128xi32, #tpu.memory_space<vmem>>)
      tpu.yield
    }) : () -> ()
    %scan3A_73 = arith.constant 0 : i32
    %scan3A_74 = arith.constant 0 : i32
    %scan3A_75 = arith.constant 20 : i32
    %scan3A_76 = arith.addi %scan3A_74, %scan3A_75 : i32
    %scan3A_77 = arith.constant 1 : i32
    %scan3A_78 = scf.for %scan3A_125 = %scan3A_74 to %scan3A_76 step %scan3A_77 iter_args(%scan3A_126 = %scan3A_73) -> (i32)  : i32 {
      %mul3A_127 = arith.constant 2 : i32
      %mul3A_128 = arith.muli %scan3A_125, %mul3A_127 : i32
      %add3A_129 = arith.constant 0 : i32
      %add3A_130 = arith.addi %mul3A_128, %add3A_129 : i32
      %dma_wait3A = arith.constant 0 : i32
      %dma_wait3A_131 = arith.constant 0 : i32
      %dma_wait3A_132 = arith.constant 0 : i32
      %dma_wait3A_133 = arith.constant 0 : i32
      %dma_wait3A_134 = tpu.memref_slice %arg7[%dma_wait3A, %dma_wait3A_132, %dma_wait3A_133] : memref<2x128x128xf32, #tpu.memory_space<vmem>> -> memref<1x128x128xf32, #tpu.memory_space<vmem>>
      %dma_wait3A_135 = tpu.memref_squeeze %dma_wait3A_134 : memref<1x128x128xf32, #tpu.memory_space<vmem>> -> memref<128x128xf32, #tpu.memory_space<vmem>>
      %dma_wait3A_136 = arith.constant 0 : i32
      %dma_wait3A_137 = tpu.memref_slice %arg5[%add3A_130, %dma_wait3A_136] : memref<79x128xi32, #tpu.memory_space<vmem>> -> memref<1x128xi32, #tpu.memory_space<vmem>>
      %dma_wait3A_138 = tpu.memref_squeeze %dma_wait3A_137 : memref<1x128xi32, #tpu.memory_space<vmem>> -> memref<128xi32, #tpu.memory_space<vmem>>
      %dma_wait3A_139 = arith.constant 0 : i32
      %dma_wait3A_140 = arith.constant 0 : i32
      %dma_wait3A_141 = tpu.memref_slice %arg2[%dma_wait3A_139, %dma_wait3A_140] : memref<10240x128xf32, #tpu.memory_space<hbm>> -> memref<10240x128xf32, #tpu.memory_space<hbm>>
      %dma_wait3A_142 = tpu.memref_slice %arg9[%dma_wait3A_131] : memref<2x!tpu.dma_semaphore, #tpu.memory_space<semaphore_mem>> -> memref<1x!tpu.dma_semaphore, #tpu.memory_space<semaphore_mem>>
      %dma_wait3A_143 = tpu.memref_squeeze %dma_wait3A_142 : memref<1x!tpu.dma_semaphore, #tpu.memory_space<semaphore_mem>> -> memref<!tpu.dma_semaphore, #tpu.memory_space<semaphore_mem>>
      tpu.wait_indirect_dma semaphore(%dma_wait3A_143 : memref<!tpu.dma_semaphore, #tpu.memory_space<semaphore_mem>>) src(%dma_wait3A_141 : memref<10240x128xf32, #tpu.memory_space<hbm>>) dst(%dma_wait3A_135 : memref<128x128xf32, #tpu.memory_space<vmem>>)
      %run_scoped3A_144 = arith.constant 0 : i32
      "tpu.region"() ({
        %run_scoped3A_177 = tpu.sem_alloc : memref<!tpu.dma_semaphore, #tpu.memory_space<semaphore_mem>>
        %dma_start3A_178 = arith.constant 0 : i32
        %dma_start3A_179 = arith.constant 0 : i32
        %dma_start3A_180 = tpu.memref_slice %arg7[%run_scoped3A_144, %dma_start3A_178, %dma_start3A_179] : memref<2x128x128xf32, #tpu.memory_space<vmem>> -> memref<1x128x128xf32, #tpu.memory_space<vmem>>
        %dma_start3A_181 = tpu.memref_squeeze %dma_start3A_180 : memref<1x128x128xf32, #tpu.memory_space<vmem>> -> memref<128x128xf32, #tpu.memory_space<vmem>>
        %dma_start3A_182 = arith.constant 0 : i32
        %dma_start3A_183 = tpu.memref_slice %arg6[%add3A_130, %dma_start3A_182] : memref<40x128xi32, #tpu.memory_space<vmem>> -> memref<1x128xi32, #tpu.memory_space<vmem>>
        %dma_start3A_184 = tpu.memref_squeeze %dma_start3A_183 : memref<1x128xi32, #tpu.memory_space<vmem>> -> memref<128xi32, #tpu.memory_space<vmem>>
        %dma_start3A_185 = arith.constant 0 : i32
        %dma_start3A_186 = arith.constant 0 : i32
        %dma_start3A_187 = tpu.memref_slice %arg8[%dma_start3A_185, %dma_start3A_186] : memref<10240x128xf32, #tpu.memory_space<vmem_shared>> -> memref<10240x128xf32, #tpu.memory_space<vmem_shared>>
        tpu.enqueue_indirect_dma source(%dma_start3A_181 : memref<128x128xf32, #tpu.memory_space<vmem>>) target(%dma_start3A_187 : memref<10240x128xf32, #tpu.memory_space<vmem_shared>>) offsets(%dma_start3A_184 : memref<128xi32, #tpu.memory_space<vmem>>) semaphore(%run_scoped3A_177 : memref<!tpu.dma_semaphore, #tpu.memory_space<semaphore_mem>>) {add = true}
        %dma_wait3A_188 = arith.constant 0 : i32
        %dma_wait3A_189 = arith.constant 0 : i32
        %dma_wait3A_190 = tpu.memref_slice %arg7[%run_scoped3A_144, %dma_wait3A_188, %dma_wait3A_189] : memref<2x128x128xf32, #tpu.memory_space<vmem>> -> memref<1x128x128xf32, #tpu.memory_space<vmem>>
        %dma_wait3A_191 = tpu.memref_squeeze %dma_wait3A_190 : memref<1x128x128xf32, #tpu.memory_space<vmem>> -> memref<128x128xf32, #tpu.memory_space<vmem>>
        %dma_wait3A_192 = arith.constant 0 : i32
        %dma_wait3A_193 = tpu.memref_slice %arg6[%add3A_130, %dma_wait3A_192] : memref<40x128xi32, #tpu.memory_space<vmem>> -> memref<1x128xi32, #tpu.memory_space<vmem>>
        %dma_wait3A_194 = tpu.memref_squeeze %dma_wait3A_193 : memref<1x128xi32, #tpu.memory_space<vmem>> -> memref<128xi32, #tpu.memory_space<vmem>>
        %dma_wait3A_195 = arith.constant 0 : i32
        %dma_wait3A_196 = arith.constant 0 : i32
        %dma_wait3A_197 = tpu.memref_slice %arg8[%dma_wait3A_195, %dma_wait3A_196] : memref<10240x128xf32, #tpu.memory_space<vmem_shared>> -> memref<10240x128xf32, #tpu.memory_space<vmem_shared>>
        tpu.wait_indirect_dma semaphore(%run_scoped3A_177 : memref<!tpu.dma_semaphore, #tpu.memory_space<semaphore_mem>>) src(%dma_wait3A_191 : memref<128x128xf32, #tpu.memory_space<vmem>>) dst(%dma_wait3A_197 : memref<10240x128xf32, #tpu.memory_space<vmem_shared>>)
        tpu.yield
      }) : () -> ()
      %add3A_145 = arith.constant 2 : i32
      %add3A_146 = arith.addi %add3A_130, %add3A_145 : i32
      %lt3A_147 = arith.cmpi slt, %add3A_146, %add3A_8 : i32
      %convert_element_type3A_148 = arith.extui %lt3A_147 : i1 to i32
      %cond3A_149 = arith.constant 0 : i32
      %cond3A_150 = arith.cmpi ne, %convert_element_type3A_148, %cond3A_149 : i32
      scf.if %cond3A_150 {
        %add3A_177 = arith.constant 2 : i32
        %add3A_178 = arith.addi %add3A_130, %add3A_177 : i32
        %dma_start3A_179 = arith.constant 0 : i32
        %dma_start3A_180 = arith.constant 0 : i32
        %dma_start3A_181 = arith.constant 0 : i32
        %dma_start3A_182 = arith.constant 0 : i32
        %dma_start3A_183 = tpu.memref_slice %arg7[%dma_start3A_179, %dma_start3A_181, %dma_start3A_182] : memref<2x128x128xf32, #tpu.memory_space<vmem>> -> memref<1x128x128xf32, #tpu.memory_space<vmem>>
        %dma_start3A_184 = tpu.memref_squeeze %dma_start3A_183 : memref<1x128x128xf32, #tpu.memory_space<vmem>> -> memref<128x128xf32, #tpu.memory_space<vmem>>
        %dma_start3A_185 = arith.constant 0 : i32
        %dma_start3A_186 = tpu.memref_slice %arg5[%add3A_178, %dma_start3A_185] : memref<79x128xi32, #tpu.memory_space<vmem>> -> memref<1x128xi32, #tpu.memory_space<vmem>>
        %dma_start3A_187 = tpu.memref_squeeze %dma_start3A_186 : memref<1x128xi32, #tpu.memory_space<vmem>> -> memref<128xi32, #tpu.memory_space<vmem>>
        %dma_start3A_188 = arith.constant 0 : i32
        %dma_start3A_189 = arith.constant 0 : i32
        %dma_start3A_190 = tpu.memref_slice %arg2[%dma_start3A_188, %dma_start3A_189] : memref<10240x128xf32, #tpu.memory_space<hbm>> -> memref<10240x128xf32, #tpu.memory_space<hbm>>
        %dma_start3A_191 = tpu.memref_slice %arg9[%dma_start3A_180] : memref<2x!tpu.dma_semaphore, #tpu.memory_space<semaphore_mem>> -> memref<1x!tpu.dma_semaphore, #tpu.memory_space<semaphore_mem>>
        %dma_start3A_192 = tpu.memref_squeeze %dma_start3A_191 : memref<1x!tpu.dma_semaphore, #tpu.memory_space<semaphore_mem>> -> memref<!tpu.dma_semaphore, #tpu.memory_space<semaphore_mem>>
        tpu.enqueue_indirect_dma source(%dma_start3A_190 : memref<10240x128xf32, #tpu.memory_space<hbm>>) target(%dma_start3A_184 : memref<128x128xf32, #tpu.memory_space<vmem>>) offsets(%dma_start3A_187 : memref<128xi32, #tpu.memory_space<vmem>>) semaphore(%dma_start3A_192 : memref<!tpu.dma_semaphore, #tpu.memory_space<semaphore_mem>>)
      } else {
      }
      %mul3A_151 = arith.constant 2 : i32
      %mul3A_152 = arith.muli %scan3A_125, %mul3A_151 : i32
      %add3A_153 = arith.constant 1 : i32
      %add3A_154 = arith.addi %mul3A_152, %add3A_153 : i32
      %dma_wait3A_155 = arith.constant 1 : i32
      %dma_wait3A_156 = arith.constant 1 : i32
      %dma_wait3A_157 = arith.constant 0 : i32
      %dma_wait3A_158 = arith.constant 0 : i32
      %dma_wait3A_159 = tpu.memref_slice %arg7[%dma_wait3A_155, %dma_wait3A_157, %dma_wait3A_158] : memref<2x128x128xf32, #tpu.memory_space<vmem>> -> memref<1x128x128xf32, #tpu.memory_space<vmem>>
      %dma_wait3A_160 = tpu.memref_squeeze %dma_wait3A_159 : memref<1x128x128xf32, #tpu.memory_space<vmem>> -> memref<128x128xf32, #tpu.memory_space<vmem>>
      %dma_wait3A_161 = arith.constant 0 : i32
      %dma_wait3A_162 = tpu.memref_slice %arg5[%add3A_154, %dma_wait3A_161] : memref<79x128xi32, #tpu.memory_space<vmem>> -> memref<1x128xi32, #tpu.memory_space<vmem>>
      %dma_wait3A_163 = tpu.memref_squeeze %dma_wait3A_162 : memref<1x128xi32, #tpu.memory_space<vmem>> -> memref<128xi32, #tpu.memory_space<vmem>>
      %dma_wait3A_164 = arith.constant 0 : i32
      %dma_wait3A_165 = arith.constant 0 : i32
      %dma_wait3A_166 = tpu.memref_slice %arg2[%dma_wait3A_164, %dma_wait3A_165] : memref<10240x128xf32, #tpu.memory_space<hbm>> -> memref<10240x128xf32, #tpu.memory_space<hbm>>
      %dma_wait3A_167 = tpu.memref_slice %arg9[%dma_wait3A_156] : memref<2x!tpu.dma_semaphore, #tpu.memory_space<semaphore_mem>> -> memref<1x!tpu.dma_semaphore, #tpu.memory_space<semaphore_mem>>
      %dma_wait3A_168 = tpu.memref_squeeze %dma_wait3A_167 : memref<1x!tpu.dma_semaphore, #tpu.memory_space<semaphore_mem>> -> memref<!tpu.dma_semaphore, #tpu.memory_space<semaphore_mem>>
      tpu.wait_indirect_dma semaphore(%dma_wait3A_168 : memref<!tpu.dma_semaphore, #tpu.memory_space<semaphore_mem>>) src(%dma_wait3A_166 : memref<10240x128xf32, #tpu.memory_space<hbm>>) dst(%dma_wait3A_160 : memref<128x128xf32, #tpu.memory_space<vmem>>)
      %run_scoped3A_169 = arith.constant 1 : i32
      "tpu.region"() ({
        %run_scoped3A_177 = tpu.sem_alloc : memref<!tpu.dma_semaphore, #tpu.memory_space<semaphore_mem>>
        %dma_start3A_178 = arith.constant 0 : i32
        %dma_start3A_179 = arith.constant 0 : i32
        %dma_start3A_180 = tpu.memref_slice %arg7[%run_scoped3A_169, %dma_start3A_178, %dma_start3A_179] : memref<2x128x128xf32, #tpu.memory_space<vmem>> -> memref<1x128x128xf32, #tpu.memory_space<vmem>>
        %dma_start3A_181 = tpu.memref_squeeze %dma_start3A_180 : memref<1x128x128xf32, #tpu.memory_space<vmem>> -> memref<128x128xf32, #tpu.memory_space<vmem>>
        %dma_start3A_182 = arith.constant 0 : i32
        %dma_start3A_183 = tpu.memref_slice %arg6[%add3A_154, %dma_start3A_182] : memref<40x128xi32, #tpu.memory_space<vmem>> -> memref<1x128xi32, #tpu.memory_space<vmem>>
        %dma_start3A_184 = tpu.memref_squeeze %dma_start3A_183 : memref<1x128xi32, #tpu.memory_space<vmem>> -> memref<128xi32, #tpu.memory_space<vmem>>
        %dma_start3A_185 = arith.constant 0 : i32
        %dma_start3A_186 = arith.constant 0 : i32
        %dma_start3A_187 = tpu.memref_slice %arg8[%dma_start3A_185, %dma_start3A_186] : memref<10240x128xf32, #tpu.memory_space<vmem_shared>> -> memref<10240x128xf32, #tpu.memory_space<vmem_shared>>
        tpu.enqueue_indirect_dma source(%dma_start3A_181 : memref<128x128xf32, #tpu.memory_space<vmem>>) target(%dma_start3A_187 : memref<10240x128xf32, #tpu.memory_space<vmem_shared>>) offsets(%dma_start3A_184 : memref<128xi32, #tpu.memory_space<vmem>>) semaphore(%run_scoped3A_177 : memref<!tpu.dma_semaphore, #tpu.memory_space<semaphore_mem>>) {add = true}
        %dma_wait3A_188 = arith.constant 0 : i32
        %dma_wait3A_189 = arith.constant 0 : i32
        %dma_wait3A_190 = tpu.memref_slice %arg7[%run_scoped3A_169, %dma_wait3A_188, %dma_wait3A_189] : memref<2x128x128xf32, #tpu.memory_space<vmem>> -> memref<1x128x128xf32, #tpu.memory_space<vmem>>
        %dma_wait3A_191 = tpu.memref_squeeze %dma_wait3A_190 : memref<1x128x128xf32, #tpu.memory_space<vmem>> -> memref<128x128xf32, #tpu.memory_space<vmem>>
        %dma_wait3A_192 = arith.constant 0 : i32
        %dma_wait3A_193 = tpu.memref_slice %arg6[%add3A_154, %dma_wait3A_192] : memref<40x128xi32, #tpu.memory_space<vmem>> -> memref<1x128xi32, #tpu.memory_space<vmem>>
        %dma_wait3A_194 = tpu.memref_squeeze %dma_wait3A_193 : memref<1x128xi32, #tpu.memory_space<vmem>> -> memref<128xi32, #tpu.memory_space<vmem>>
        %dma_wait3A_195 = arith.constant 0 : i32
        %dma_wait3A_196 = arith.constant 0 : i32
        %dma_wait3A_197 = tpu.memref_slice %arg8[%dma_wait3A_195, %dma_wait3A_196] : memref<10240x128xf32, #tpu.memory_space<vmem_shared>> -> memref<10240x128xf32, #tpu.memory_space<vmem_shared>>
        tpu.wait_indirect_dma semaphore(%run_scoped3A_177 : memref<!tpu.dma_semaphore, #tpu.memory_space<semaphore_mem>>) src(%dma_wait3A_191 : memref<128x128xf32, #tpu.memory_space<vmem>>) dst(%dma_wait3A_197 : memref<10240x128xf32, #tpu.memory_space<vmem_shared>>)
        tpu.yield
      }) : () -> ()
      %add3A_170 = arith.constant 2 : i32
      %add3A_171 = arith.addi %add3A_154, %add3A_170 : i32
      %lt3A_172 = arith.cmpi slt, %add3A_171, %add3A_8 : i32
      %convert_element_type3A_173 = arith.extui %lt3A_172 : i1 to i32
      %cond3A_174 = arith.constant 0 : i32
      %cond3A_175 = arith.cmpi ne, %convert_element_type3A_173, %cond3A_174 : i32
      scf.if %cond3A_175 {
        %add3A_177 = arith.constant 2 : i32
        %add3A_178 = arith.addi %add3A_154, %add3A_177 : i32
        %dma_start3A_179 = arith.constant 1 : i32
        %dma_start3A_180 = arith.constant 1 : i32
        %dma_start3A_181 = arith.constant 0 : i32
        %dma_start3A_182 = arith.constant 0 : i32
        %dma_start3A_183 = tpu.memref_slice %arg7[%dma_start3A_179, %dma_start3A_181, %dma_start3A_182] : memref<2x128x128xf32, #tpu.memory_space<vmem>> -> memref<1x128x128xf32, #tpu.memory_space<vmem>>
        %dma_start3A_184 = tpu.memref_squeeze %dma_start3A_183 : memref<1x128x128xf32, #tpu.memory_space<vmem>> -> memref<128x128xf32, #tpu.memory_space<vmem>>
        %dma_start3A_185 = arith.constant 0 : i32
        %dma_start3A_186 = tpu.memref_slice %arg5[%add3A_178, %dma_start3A_185] : memref<79x128xi32, #tpu.memory_space<vmem>> -> memref<1x128xi32, #tpu.memory_space<vmem>>
        %dma_start3A_187 = tpu.memref_squeeze %dma_start3A_186 : memref<1x128xi32, #tpu.memory_space<vmem>> -> memref<128xi32, #tpu.memory_space<vmem>>
        %dma_start3A_188 = arith.constant 0 : i32
        %dma_start3A_189 = arith.constant 0 : i32
        %dma_start3A_190 = tpu.memref_slice %arg2[%dma_start3A_188, %dma_start3A_189] : memref<10240x128xf32, #tpu.memory_space<hbm>> -> memref<10240x128xf32, #tpu.memory_space<hbm>>
        %dma_start3A_191 = tpu.memref_slice %arg9[%dma_start3A_180] : memref<2x!tpu.dma_semaphore, #tpu.memory_space<semaphore_mem>> -> memref<1x!tpu.dma_semaphore, #tpu.memory_space<semaphore_mem>>
        %dma_start3A_192 = tpu.memref_squeeze %dma_start3A_191 : memref<1x!tpu.dma_semaphore, #tpu.memory_space<semaphore_mem>> -> memref<!tpu.dma_semaphore, #tpu.memory_space<semaphore_mem>>
        tpu.enqueue_indirect_dma source(%dma_start3A_190 : memref<10240x128xf32, #tpu.memory_space<hbm>>) target(%dma_start3A_184 : memref<128x128xf32, #tpu.memory_space<vmem>>) offsets(%dma_start3A_187 : memref<128xi32, #tpu.memory_space<vmem>>) semaphore(%dma_start3A_192 : memref<!tpu.dma_semaphore, #tpu.memory_space<semaphore_mem>>)
      } else {
      }
      %scan3A_176 = arith.constant 0 : i32
      scf.yield %scan3A_176 : i32
    }
    %scan3A_79 = arith.constant 20 : i32
    %add3A_80 = arith.addi %add3A_4, %add3A_8 : i32
    %sub3A = arith.constant 40 : i32
    %sub3A_81 = arith.subi %add3A_80, %sub3A : i32
    %run_scoped3A_82 = arith.constant 1 : i32
    "tpu.region"() ({
      %run_scoped3A_125 = tpu.sem_alloc : memref<!tpu.dma_semaphore, #tpu.memory_space<semaphore_mem>>
      %dma_start3A_126 = arith.constant 0 : i32
      %dma_start3A_127 = tpu.memref_slice %arg3[%sub3A_81, %run_scoped3A_82, %dma_start3A_126] : memref<2500x2x128xi32, #tpu.memory_space<hbm>> -> memref<40x1x128xi32, #tpu.memory_space<hbm>>
      %dma_start3A_128 = tpu.memref_squeeze %dma_start3A_127 : memref<40x1x128xi32, #tpu.memory_space<hbm>> -> memref<40x128xi32, #tpu.memory_space<hbm>>
      %dma_start3A_129 = arith.constant 0 : i32
      %dma_start3A_130 = tpu.memref_slice %arg3[%sub3A_81, %run_scoped3A_82, %dma_start3A_129] : memref<2500x2x128xi32, #tpu.memory_space<hbm>> -> memref<40x1x128xi32, #tpu.memory_space<hbm>>
      %dma_start3A_131 = tpu.memref_squeeze %dma_start3A_130 : memref<40x1x128xi32, #tpu.memory_space<hbm>> -> memref<40x128xi32, #tpu.memory_space<hbm>>
      tpu.enqueue_dma source(%dma_start3A_131 : memref<40x128xi32, #tpu.memory_space<hbm>>) target(%arg6 : memref<40x128xi32, #tpu.memory_space<vmem>>) target_semaphore(%run_scoped3A_125 : memref<!tpu.dma_semaphore, #tpu.memory_space<semaphore_mem>>)
      %dma_wait3A = arith.constant 0 : i32
      %dma_wait3A_132 = tpu.memref_slice %arg3[%sub3A_81, %run_scoped3A_82, %dma_wait3A] : memref<2500x2x128xi32, #tpu.memory_space<hbm>> -> memref<40x1x128xi32, #tpu.memory_space<hbm>>
      %dma_wait3A_133 = tpu.memref_squeeze %dma_wait3A_132 : memref<40x1x128xi32, #tpu.memory_space<hbm>> -> memref<40x128xi32, #tpu.memory_space<hbm>>
      %dma_wait3A_134 = arith.constant 0 : i32
      %dma_wait3A_135 = tpu.memref_slice %arg3[%sub3A_81, %run_scoped3A_82, %dma_wait3A_134] : memref<2500x2x128xi32, #tpu.memory_space<hbm>> -> memref<40x1x128xi32, #tpu.memory_space<hbm>>
      %dma_wait3A_136 = tpu.memref_squeeze %dma_wait3A_135 : memref<40x1x128xi32, #tpu.memory_space<hbm>> -> memref<40x128xi32, #tpu.memory_space<hbm>>
      tpu.wait_dma2 semaphore(%run_scoped3A_125 : memref<!tpu.dma_semaphore, #tpu.memory_space<semaphore_mem>>) src(%dma_wait3A_136 : memref<40x128xi32, #tpu.memory_space<hbm>>) dst(%arg6 : memref<40x128xi32, #tpu.memory_space<vmem>>)
      tpu.yield
    }) : () -> ()
    %while3A = arith.constant 40 : i32
    %while3A_83 = arith.constant 0 : i32
    %while3A_84 = arith.subi %add3A_8, %while3A : i32
    %while3A_85 = arith.addi %while3A, %while3A_84 : i32
    %while3A_86 = arith.constant 1 : i32
    %while3A_87 = arith.divsi %while3A_84, %while3A_86 : i32
    %while3A_88 = arith.muli %while3A_87, %while3A_86 : i32
    %while3A_89 = arith.addi %while3A, %while3A_88 : i32
    %while3A_90 = arith.constant 1 : i32
    %while3A_91 = scf.for %while3A_125 = %while3A to %while3A_89 step %while3A_90 iter_args(%while3A_126 = %while3A_83) -> (i32)  : i32 {
      %rem3A = arith.constant 2 : i32
      %rem3A_127 = arith.remsi %while3A_125, %rem3A : i32
      %dma_wait3A = arith.constant 0 : i32
      %dma_wait3A_128 = arith.constant 0 : i32
      %dma_wait3A_129 = tpu.memref_slice %arg7[%rem3A_127, %dma_wait3A, %dma_wait3A_128] : memref<2x128x128xf32, #tpu.memory_space<vmem>> -> memref<1x128x128xf32, #tpu.memory_space<vmem>>
      %dma_wait3A_130 = tpu.memref_squeeze %dma_wait3A_129 : memref<1x128x128xf32, #tpu.memory_space<vmem>> -> memref<128x128xf32, #tpu.memory_space<vmem>>
      %dma_wait3A_131 = arith.constant 0 : i32
      %dma_wait3A_132 = tpu.memref_slice %arg5[%while3A_125, %dma_wait3A_131] : memref<79x128xi32, #tpu.memory_space<vmem>> -> memref<1x128xi32, #tpu.memory_space<vmem>>
      %dma_wait3A_133 = tpu.memref_squeeze %dma_wait3A_132 : memref<1x128xi32, #tpu.memory_space<vmem>> -> memref<128xi32, #tpu.memory_space<vmem>>
      %dma_wait3A_134 = arith.constant 0 : i32
      %dma_wait3A_135 = arith.constant 0 : i32
      %dma_wait3A_136 = tpu.memref_slice %arg2[%dma_wait3A_134, %dma_wait3A_135] : memref<10240x128xf32, #tpu.memory_space<hbm>> -> memref<10240x128xf32, #tpu.memory_space<hbm>>
      %dma_wait3A_137 = tpu.memref_slice %arg9[%rem3A_127] : memref<2x!tpu.dma_semaphore, #tpu.memory_space<semaphore_mem>> -> memref<1x!tpu.dma_semaphore, #tpu.memory_space<semaphore_mem>>
      %dma_wait3A_138 = tpu.memref_squeeze %dma_wait3A_137 : memref<1x!tpu.dma_semaphore, #tpu.memory_space<semaphore_mem>> -> memref<!tpu.dma_semaphore, #tpu.memory_space<semaphore_mem>>
      tpu.wait_indirect_dma semaphore(%dma_wait3A_138 : memref<!tpu.dma_semaphore, #tpu.memory_space<semaphore_mem>>) src(%dma_wait3A_136 : memref<10240x128xf32, #tpu.memory_space<hbm>>) dst(%dma_wait3A_130 : memref<128x128xf32, #tpu.memory_space<vmem>>)
      %sub3A_139 = arith.constant 40 : i32
      %sub3A_140 = arith.subi %add3A_8, %sub3A_139 : i32
      %sub3A_141 = arith.subi %while3A_125, %sub3A_140 : i32
      "tpu.region"() ({
        %run_scoped3A_149 = tpu.sem_alloc : memref<!tpu.dma_semaphore, #tpu.memory_space<semaphore_mem>>
        %dma_start3A_150 = arith.constant 0 : i32
        %dma_start3A_151 = arith.constant 0 : i32
        %dma_start3A_152 = tpu.memref_slice %arg7[%rem3A_127, %dma_start3A_150, %dma_start3A_151] : memref<2x128x128xf32, #tpu.memory_space<vmem>> -> memref<1x128x128xf32, #tpu.memory_space<vmem>>
        %dma_start3A_153 = tpu.memref_squeeze %dma_start3A_152 : memref<1x128x128xf32, #tpu.memory_space<vmem>> -> memref<128x128xf32, #tpu.memory_space<vmem>>
        %dma_start3A_154 = arith.constant 0 : i32
        %dma_start3A_155 = tpu.memref_slice %arg6[%sub3A_141, %dma_start3A_154] : memref<40x128xi32, #tpu.memory_space<vmem>> -> memref<1x128xi32, #tpu.memory_space<vmem>>
        %dma_start3A_156 = tpu.memref_squeeze %dma_start3A_155 : memref<1x128xi32, #tpu.memory_space<vmem>> -> memref<128xi32, #tpu.memory_space<vmem>>
        %dma_start3A_157 = arith.constant 0 : i32
        %dma_start3A_158 = arith.constant 0 : i32
        %dma_start3A_159 = tpu.memref_slice %arg8[%dma_start3A_157, %dma_start3A_158] : memref<10240x128xf32, #tpu.memory_space<vmem_shared>> -> memref<10240x128xf32, #tpu.memory_space<vmem_shared>>
        tpu.enqueue_indirect_dma source(%dma_start3A_153 : memref<128x128xf32, #tpu.memory_space<vmem>>) target(%dma_start3A_159 : memref<10240x128xf32, #tpu.memory_space<vmem_shared>>) offsets(%dma_start3A_156 : memref<128xi32, #tpu.memory_space<vmem>>) semaphore(%run_scoped3A_149 : memref<!tpu.dma_semaphore, #tpu.memory_space<semaphore_mem>>) {add = true}
        %dma_wait3A_160 = arith.constant 0 : i32
        %dma_wait3A_161 = arith.constant 0 : i32
        %dma_wait3A_162 = tpu.memref_slice %arg7[%rem3A_127, %dma_wait3A_160, %dma_wait3A_161] : memref<2x128x128xf32, #tpu.memory_space<vmem>> -> memref<1x128x128xf32, #tpu.memory_space<vmem>>
        %dma_wait3A_163 = tpu.memref_squeeze %dma_wait3A_162 : memref<1x128x128xf32, #tpu.memory_space<vmem>> -> memref<128x128xf32, #tpu.memory_space<vmem>>
        %dma_wait3A_164 = arith.constant 0 : i32
        %dma_wait3A_165 = tpu.memref_slice %arg6[%sub3A_141, %dma_wait3A_164] : memref<40x128xi32, #tpu.memory_space<vmem>> -> memref<1x128xi32, #tpu.memory_space<vmem>>
        %dma_wait3A_166 = tpu.memref_squeeze %dma_wait3A_165 : memref<1x128xi32, #tpu.memory_space<vmem>> -> memref<128xi32, #tpu.memory_space<vmem>>
        %dma_wait3A_167 = arith.constant 0 : i32
        %dma_wait3A_168 = arith.constant 0 : i32
        %dma_wait3A_169 = tpu.memref_slice %arg8[%dma_wait3A_167, %dma_wait3A_168] : memref<10240x128xf32, #tpu.memory_space<vmem_shared>> -> memref<10240x128xf32, #tpu.memory_space<vmem_shared>>
        tpu.wait_indirect_dma semaphore(%run_scoped3A_149 : memref<!tpu.dma_semaphore, #tpu.memory_space<semaphore_mem>>) src(%dma_wait3A_163 : memref<128x128xf32, #tpu.memory_space<vmem>>) dst(%dma_wait3A_169 : memref<10240x128xf32, #tpu.memory_space<vmem_shared>>)
        tpu.yield
      }) : () -> ()
      %add3A_142 = arith.constant 2 : i32
      %add3A_143 = arith.addi %while3A_125, %add3A_142 : i32
      %lt3A_144 = arith.cmpi slt, %add3A_143, %add3A_8 : i32
      %convert_element_type3A_145 = arith.extui %lt3A_144 : i1 to i32
      %cond3A_146 = arith.constant 0 : i32
      %cond3A_147 = arith.cmpi ne, %convert_element_type3A_145, %cond3A_146 : i32
      scf.if %cond3A_147 {
        %add3A_149 = arith.constant 2 : i32
        %add3A_150 = arith.addi %while3A_125, %add3A_149 : i32
        %dma_start3A_151 = arith.constant 0 : i32
        %dma_start3A_152 = arith.constant 0 : i32
        %dma_start3A_153 = tpu.memref_slice %arg7[%rem3A_127, %dma_start3A_151, %dma_start3A_152] : memref<2x128x128xf32, #tpu.memory_space<vmem>> -> memref<1x128x128xf32, #tpu.memory_space<vmem>>
        %dma_start3A_154 = tpu.memref_squeeze %dma_start3A_153 : memref<1x128x128xf32, #tpu.memory_space<vmem>> -> memref<128x128xf32, #tpu.memory_space<vmem>>
        %dma_start3A_155 = arith.constant 0 : i32
        %dma_start3A_156 = tpu.memref_slice %arg5[%add3A_150, %dma_start3A_155] : memref<79x128xi32, #tpu.memory_space<vmem>> -> memref<1x128xi32, #tpu.memory_space<vmem>>
        %dma_start3A_157 = tpu.memref_squeeze %dma_start3A_156 : memref<1x128xi32, #tpu.memory_space<vmem>> -> memref<128xi32, #tpu.memory_space<vmem>>
        %dma_start3A_158 = arith.constant 0 : i32
        %dma_start3A_159 = arith.constant 0 : i32
        %dma_start3A_160 = tpu.memref_slice %arg2[%dma_start3A_158, %dma_start3A_159] : memref<10240x128xf32, #tpu.memory_space<hbm>> -> memref<10240x128xf32, #tpu.memory_space<hbm>>
        %dma_start3A_161 = tpu.memref_slice %arg9[%rem3A_127] : memref<2x!tpu.dma_semaphore, #tpu.memory_space<semaphore_mem>> -> memref<1x!tpu.dma_semaphore, #tpu.memory_space<semaphore_mem>>
        %dma_start3A_162 = tpu.memref_squeeze %dma_start3A_161 : memref<1x!tpu.dma_semaphore, #tpu.memory_space<semaphore_mem>> -> memref<!tpu.dma_semaphore, #tpu.memory_space<semaphore_mem>>
        tpu.enqueue_indirect_dma source(%dma_start3A_160 : memref<10240x128xf32, #tpu.memory_space<hbm>>) target(%dma_start3A_154 : memref<128x128xf32, #tpu.memory_space<vmem>>) offsets(%dma_start3A_157 : memref<128xi32, #tpu.memory_space<vmem>>) semaphore(%dma_start3A_162 : memref<!tpu.dma_semaphore, #tpu.memory_space<semaphore_mem>>)
      } else {
      }
      %while3A_148 = arith.constant 0 : i32
      scf.yield %while3A_148 : i32
    }
    %while3A_92 = arith.constant 1 : i32
    %while3A_93 = scf.for %while3A_125 = %while3A_89 to %while3A_85 step %while3A_92 iter_args(%while3A_126 = %while3A_91) -> (i32)  : i32 {
      %rem3A = arith.constant 2 : i32
      %rem3A_127 = arith.remsi %while3A_125, %rem3A : i32
      %dma_wait3A = arith.constant 0 : i32
      %dma_wait3A_128 = arith.constant 0 : i32
      %dma_wait3A_129 = tpu.memref_slice %arg7[%rem3A_127, %dma_wait3A, %dma_wait3A_128] : memref<2x128x128xf32, #tpu.memory_space<vmem>> -> memref<1x128x128xf32, #tpu.memory_space<vmem>>
      %dma_wait3A_130 = tpu.memref_squeeze %dma_wait3A_129 : memref<1x128x128xf32, #tpu.memory_space<vmem>> -> memref<128x128xf32, #tpu.memory_space<vmem>>
      %dma_wait3A_131 = arith.constant 0 : i32
      %dma_wait3A_132 = tpu.memref_slice %arg5[%while3A_125, %dma_wait3A_131] : memref<79x128xi32, #tpu.memory_space<vmem>> -> memref<1x128xi32, #tpu.memory_space<vmem>>
      %dma_wait3A_133 = tpu.memref_squeeze %dma_wait3A_132 : memref<1x128xi32, #tpu.memory_space<vmem>> -> memref<128xi32, #tpu.memory_space<vmem>>
      %dma_wait3A_134 = arith.constant 0 : i32
      %dma_wait3A_135 = arith.constant 0 : i32
      %dma_wait3A_136 = tpu.memref_slice %arg2[%dma_wait3A_134, %dma_wait3A_135] : memref<10240x128xf32, #tpu.memory_space<hbm>> -> memref<10240x128xf32, #tpu.memory_space<hbm>>
      %dma_wait3A_137 = tpu.memref_slice %arg9[%rem3A_127] : memref<2x!tpu.dma_semaphore, #tpu.memory_space<semaphore_mem>> -> memref<1x!tpu.dma_semaphore, #tpu.memory_space<semaphore_mem>>
      %dma_wait3A_138 = tpu.memref_squeeze %dma_wait3A_137 : memref<1x!tpu.dma_semaphore, #tpu.memory_space<semaphore_mem>> -> memref<!tpu.dma_semaphore, #tpu.memory_space<semaphore_mem>>
      tpu.wait_indirect_dma semaphore(%dma_wait3A_138 : memref<!tpu.dma_semaphore, #tpu.memory_space<semaphore_mem>>) src(%dma_wait3A_136 : memref<10240x128xf32, #tpu.memory_space<hbm>>) dst(%dma_wait3A_130 : memref<128x128xf32, #tpu.memory_space<vmem>>)
      %sub3A_139 = arith.constant 40 : i32
      %sub3A_140 = arith.subi %add3A_8, %sub3A_139 : i32
      %sub3A_141 = arith.subi %while3A_125, %sub3A_140 : i32
      "tpu.region"() ({
        %run_scoped3A_149 = tpu.sem_alloc : memref<!tpu.dma_semaphore, #tpu.memory_space<semaphore_mem>>
        %dma_start3A_150 = arith.constant 0 : i32
        %dma_start3A_151 = arith.constant 0 : i32
        %dma_start3A_152 = tpu.memref_slice %arg7[%rem3A_127, %dma_start3A_150, %dma_start3A_151] : memref<2x128x128xf32, #tpu.memory_space<vmem>> -> memref<1x128x128xf32, #tpu.memory_space<vmem>>
        %dma_start3A_153 = tpu.memref_squeeze %dma_start3A_152 : memref<1x128x128xf32, #tpu.memory_space<vmem>> -> memref<128x128xf32, #tpu.memory_space<vmem>>
        %dma_start3A_154 = arith.constant 0 : i32
        %dma_start3A_155 = tpu.memref_slice %arg6[%sub3A_141, %dma_start3A_154] : memref<40x128xi32, #tpu.memory_space<vmem>> -> memref<1x128xi32, #tpu.memory_space<vmem>>
        %dma_start3A_156 = tpu.memref_squeeze %dma_start3A_155 : memref<1x128xi32, #tpu.memory_space<vmem>> -> memref<128xi32, #tpu.memory_space<vmem>>
        %dma_start3A_157 = arith.constant 0 : i32
        %dma_start3A_158 = arith.constant 0 : i32
        %dma_start3A_159 = tpu.memref_slice %arg8[%dma_start3A_157, %dma_start3A_158] : memref<10240x128xf32, #tpu.memory_space<vmem_shared>> -> memref<10240x128xf32, #tpu.memory_space<vmem_shared>>
        tpu.enqueue_indirect_dma source(%dma_start3A_153 : memref<128x128xf32, #tpu.memory_space<vmem>>) target(%dma_start3A_159 : memref<10240x128xf32, #tpu.memory_space<vmem_shared>>) offsets(%dma_start3A_156 : memref<128xi32, #tpu.memory_space<vmem>>) semaphore(%run_scoped3A_149 : memref<!tpu.dma_semaphore, #tpu.memory_space<semaphore_mem>>) {add = true}
        %dma_wait3A_160 = arith.constant 0 : i32
        %dma_wait3A_161 = arith.constant 0 : i32
        %dma_wait3A_162 = tpu.memref_slice %arg7[%rem3A_127, %dma_wait3A_160, %dma_wait3A_161] : memref<2x128x128xf32, #tpu.memory_space<vmem>> -> memref<1x128x128xf32, #tpu.memory_space<vmem>>
        %dma_wait3A_163 = tpu.memref_squeeze %dma_wait3A_162 : memref<1x128x128xf32, #tpu.memory_space<vmem>> -> memref<128x128xf32, #tpu.memory_space<vmem>>
        %dma_wait3A_164 = arith.constant 0 : i32
        %dma_wait3A_165 = tpu.memref_slice %arg6[%sub3A_141, %dma_wait3A_164] : memref<40x128xi32, #tpu.memory_space<vmem>> -> memref<1x128xi32, #tpu.memory_space<vmem>>
        %dma_wait3A_166 = tpu.memref_squeeze %dma_wait3A_165 : memref<1x128xi32, #tpu.memory_space<vmem>> -> memref<128xi32, #tpu.memory_space<vmem>>
        %dma_wait3A_167 = arith.constant 0 : i32
        %dma_wait3A_168 = arith.constant 0 : i32
        %dma_wait3A_169 = tpu.memref_slice %arg8[%dma_wait3A_167, %dma_wait3A_168] : memref<10240x128xf32, #tpu.memory_space<vmem_shared>> -> memref<10240x128xf32, #tpu.memory_space<vmem_shared>>
        tpu.wait_indirect_dma semaphore(%run_scoped3A_149 : memref<!tpu.dma_semaphore, #tpu.memory_space<semaphore_mem>>) src(%dma_wait3A_163 : memref<128x128xf32, #tpu.memory_space<vmem>>) dst(%dma_wait3A_169 : memref<10240x128xf32, #tpu.memory_space<vmem_shared>>)
        tpu.yield
      }) : () -> ()
      %add3A_142 = arith.constant 2 : i32
      %add3A_143 = arith.addi %while3A_125, %add3A_142 : i32
      %lt3A_144 = arith.cmpi slt, %add3A_143, %add3A_8 : i32
      %convert_element_type3A_145 = arith.extui %lt3A_144 : i1 to i32
      %cond3A_146 = arith.constant 0 : i32
      %cond3A_147 = arith.cmpi ne, %convert_element_type3A_145, %cond3A_146 : i32
      scf.if %cond3A_147 {
        %add3A_149 = arith.constant 2 : i32
        %add3A_150 = arith.addi %while3A_125, %add3A_149 : i32
        %dma_start3A_151 = arith.constant 0 : i32
        %dma_start3A_152 = arith.constant 0 : i32
        %dma_start3A_153 = tpu.memref_slice %arg7[%rem3A_127, %dma_start3A_151, %dma_start3A_152] : memref<2x128x128xf32, #tpu.memory_space<vmem>> -> memref<1x128x128xf32, #tpu.memory_space<vmem>>
        %dma_start3A_154 = tpu.memref_squeeze %dma_start3A_153 : memref<1x128x128xf32, #tpu.memory_space<vmem>> -> memref<128x128xf32, #tpu.memory_space<vmem>>
        %dma_start3A_155 = arith.constant 0 : i32
        %dma_start3A_156 = tpu.memref_slice %arg5[%add3A_150, %dma_start3A_155] : memref<79x128xi32, #tpu.memory_space<vmem>> -> memref<1x128xi32, #tpu.memory_space<vmem>>
        %dma_start3A_157 = tpu.memref_squeeze %dma_start3A_156 : memref<1x128xi32, #tpu.memory_space<vmem>> -> memref<128xi32, #tpu.memory_space<vmem>>
        %dma_start3A_158 = arith.constant 0 : i32
        %dma_start3A_159 = arith.constant 0 : i32
        %dma_start3A_160 = tpu.memref_slice %arg2[%dma_start3A_158, %dma_start3A_159] : memref<10240x128xf32, #tpu.memory_space<hbm>> -> memref<10240x128xf32, #tpu.memory_space<hbm>>
        %dma_start3A_161 = tpu.memref_slice %arg9[%rem3A_127] : memref<2x!tpu.dma_semaphore, #tpu.memory_space<semaphore_mem>> -> memref<1x!tpu.dma_semaphore, #tpu.memory_space<semaphore_mem>>
        %dma_start3A_162 = tpu.memref_squeeze %dma_start3A_161 : memref<1x!tpu.dma_semaphore, #tpu.memory_space<semaphore_mem>> -> memref<!tpu.dma_semaphore, #tpu.memory_space<semaphore_mem>>
        tpu.enqueue_indirect_dma source(%dma_start3A_160 : memref<10240x128xf32, #tpu.memory_space<hbm>>) target(%dma_start3A_154 : memref<128x128xf32, #tpu.memory_space<vmem>>) offsets(%dma_start3A_157 : memref<128xi32, #tpu.memory_space<vmem>>) semaphore(%dma_start3A_162 : memref<!tpu.dma_semaphore, #tpu.memory_space<semaphore_mem>>)
      } else {
      }
      %while3A_148 = arith.constant 0 : i32
      scf.yield %while3A_148 : i32
    }
    %barrier3A_94 = arith.constant 0 : index
    tpu.barrier barrier_id(%barrier3A_94)
    %mul3A_95 = arith.constant 640 : i32
    %mul3A_96 = arith.muli %arg1, %mul3A_95 : i32
    %add3A_97 = arith.constant 0 : i32
    %add3A_98 = arith.addi %mul3A_96, %add3A_97 : i32
    %run_scoped3A_99 = arith.constant 0 : i32
    "tpu.region"() ({
      %run_scoped3A_125 = tpu.sem_alloc : memref<!tpu.dma_semaphore, #tpu.memory_space<semaphore_mem>>
      %dma_start3A_126 = arith.constant 0 : i32
      %dma_start3A_127 = arith.constant 0 : i32
      %dma_start3A_128 = tpu.memref_slice %arg7[%run_scoped3A_99, %dma_start3A_126, %dma_start3A_127] : memref<2x128x128xf32, #tpu.memory_space<vmem>> -> memref<1x128x128xf32, #tpu.memory_space<vmem>>
      %dma_start3A_129 = tpu.memref_squeeze %dma_start3A_128 : memref<1x128x128xf32, #tpu.memory_space<vmem>> -> memref<128x128xf32, #tpu.memory_space<vmem>>
      %dma_start3A_130 = arith.constant 0 : i32
      %dma_start3A_131 = tpu.memref_slice %arg8[%add3A_98, %dma_start3A_130] : memref<10240x128xf32, #tpu.memory_space<vmem_shared>> -> memref<128x128xf32, #tpu.memory_space<vmem_shared>>
      %dma_start3A_132 = arith.constant 0 : i32
      %dma_start3A_133 = arith.constant 0 : i32
      %dma_start3A_134 = tpu.memref_slice %arg7[%run_scoped3A_99, %dma_start3A_132, %dma_start3A_133] : memref<2x128x128xf32, #tpu.memory_space<vmem>> -> memref<1x128x128xf32, #tpu.memory_space<vmem>>
      %dma_start3A_135 = tpu.memref_squeeze %dma_start3A_134 : memref<1x128x128xf32, #tpu.memory_space<vmem>> -> memref<128x128xf32, #tpu.memory_space<vmem>>
      %dma_start3A_136 = arith.constant 0 : i32
      %dma_start3A_137 = tpu.memref_slice %arg8[%add3A_98, %dma_start3A_136] : memref<10240x128xf32, #tpu.memory_space<vmem_shared>> -> memref<128x128xf32, #tpu.memory_space<vmem_shared>>
      tpu.enqueue_dma source(%dma_start3A_137 : memref<128x128xf32, #tpu.memory_space<vmem_shared>>) target(%dma_start3A_135 : memref<128x128xf32, #tpu.memory_space<vmem>>) target_semaphore(%run_scoped3A_125 : memref<!tpu.dma_semaphore, #tpu.memory_space<semaphore_mem>>)
      %dma_wait3A = arith.constant 0 : i32
      %dma_wait3A_138 = arith.constant 0 : i32
      %dma_wait3A_139 = tpu.memref_slice %arg7[%run_scoped3A_99, %dma_wait3A, %dma_wait3A_138] : memref<2x128x128xf32, #tpu.memory_space<vmem>> -> memref<1x128x128xf32, #tpu.memory_space<vmem>>
      %dma_wait3A_140 = tpu.memref_squeeze %dma_wait3A_139 : memref<1x128x128xf32, #tpu.memory_space<vmem>> -> memref<128x128xf32, #tpu.memory_space<vmem>>
      %dma_wait3A_141 = arith.constant 0 : i32
      %dma_wait3A_142 = tpu.memref_slice %arg8[%add3A_98, %dma_wait3A_141] : memref<10240x128xf32, #tpu.memory_space<vmem_shared>> -> memref<128x128xf32, #tpu.memory_space<vmem_shared>>
      %dma_wait3A_143 = arith.constant 0 : i32
      %dma_wait3A_144 = arith.constant 0 : i32
      %dma_wait3A_145 = tpu.memref_slice %arg7[%run_scoped3A_99, %dma_wait3A_143, %dma_wait3A_144] : memref<2x128x128xf32, #tpu.memory_space<vmem>> -> memref<1x128x128xf32, #tpu.memory_space<vmem>>
      %dma_wait3A_146 = tpu.memref_squeeze %dma_wait3A_145 : memref<1x128x128xf32, #tpu.memory_space<vmem>> -> memref<128x128xf32, #tpu.memory_space<vmem>>
      %dma_wait3A_147 = arith.constant 0 : i32
      %dma_wait3A_148 = tpu.memref_slice %arg8[%add3A_98, %dma_wait3A_147] : memref<10240x128xf32, #tpu.memory_space<vmem_shared>> -> memref<128x128xf32, #tpu.memory_space<vmem_shared>>
      tpu.wait_dma2 semaphore(%run_scoped3A_125 : memref<!tpu.dma_semaphore, #tpu.memory_space<semaphore_mem>>) src(%dma_wait3A_148 : memref<128x128xf32, #tpu.memory_space<vmem_shared>>) dst(%dma_wait3A_146 : memref<128x128xf32, #tpu.memory_space<vmem>>)
      tpu.yield
    }) : () -> ()
    %run_scoped3A_100 = arith.constant 0 : i32
    "tpu.region"() ({
      %run_scoped3A_125 = tpu.sem_alloc : memref<!tpu.dma_semaphore, #tpu.memory_space<semaphore_mem>>
      %dma_start3A_126 = arith.constant 0 : i32
      %dma_start3A_127 = arith.constant 0 : i32
      %dma_start3A_128 = tpu.memref_slice %arg7[%run_scoped3A_100, %dma_start3A_126, %dma_start3A_127] : memref<2x128x128xf32, #tpu.memory_space<vmem>> -> memref<1x128x128xf32, #tpu.memory_space<vmem>>
      %dma_start3A_129 = tpu.memref_squeeze %dma_start3A_128 : memref<1x128x128xf32, #tpu.memory_space<vmem>> -> memref<128x128xf32, #tpu.memory_space<vmem>>
      %dma_start3A_130 = arith.constant 0 : i32
      %dma_start3A_131 = tpu.memref_slice %arg4[%arg0, %add3A_98, %dma_start3A_130] : memref<2x10240x128xf32, #tpu.memory_space<hbm>> -> memref<1x128x128xf32, #tpu.memory_space<hbm>>
      %dma_start3A_132 = tpu.memref_squeeze %dma_start3A_131 : memref<1x128x128xf32, #tpu.memory_space<hbm>> -> memref<128x128xf32, #tpu.memory_space<hbm>>
      %dma_start3A_133 = arith.constant 0 : i32
      %dma_start3A_134 = tpu.memref_slice %arg4[%arg0, %add3A_98, %dma_start3A_133] : memref<2x10240x128xf32, #tpu.memory_space<hbm>> -> memref<1x128x128xf32, #tpu.memory_space<hbm>>
      %dma_start3A_135 = tpu.memref_squeeze %dma_start3A_134 : memref<1x128x128xf32, #tpu.memory_space<hbm>> -> memref<128x128xf32, #tpu.memory_space<hbm>>
      %dma_start3A_136 = arith.constant 0 : i32
      %dma_start3A_137 = arith.constant 0 : i32
      %dma_start3A_138 = tpu.memref_slice %arg7[%run_scoped3A_100, %dma_start3A_136, %dma_start3A_137] : memref<2x128x128xf32, #tpu.memory_space<vmem>> -> memref<1x128x128xf32, #tpu.memory_space<vmem>>
      %dma_start3A_139 = tpu.memref_squeeze %dma_start3A_138 : memref<1x128x128xf32, #tpu.memory_space<vmem>> -> memref<128x128xf32, #tpu.memory_space<vmem>>
      tpu.enqueue_dma source(%dma_start3A_139 : memref<128x128xf32, #tpu.memory_space<vmem>>) target(%dma_start3A_135 : memref<128x128xf32, #tpu.memory_space<hbm>>) target_semaphore(%run_scoped3A_125 : memref<!tpu.dma_semaphore, #tpu.memory_space<semaphore_mem>>)
      %dma_wait3A = arith.constant 0 : i32
      %dma_wait3A_140 = arith.constant 0 : i32
      %dma_wait3A_141 = tpu.memref_slice %arg7[%run_scoped3A_100, %dma_wait3A, %dma_wait3A_140] : memref<2x128x128xf32, #tpu.memory_space<vmem>> -> memref<1x128x128xf32, #tpu.memory_space<vmem>>
      %dma_wait3A_142 = tpu.memref_squeeze %dma_wait3A_141 : memref<1x128x128xf32, #tpu.memory_space<vmem>> -> memref<128x128xf32, #tpu.memory_space<vmem>>
      %dma_wait3A_143 = arith.constant 0 : i32
      %dma_wait3A_144 = tpu.memref_slice %arg4[%arg0, %add3A_98, %dma_wait3A_143] : memref<2x10240x128xf32, #tpu.memory_space<hbm>> -> memref<1x128x128xf32, #tpu.memory_space<hbm>>
      %dma_wait3A_145 = tpu.memref_squeeze %dma_wait3A_144 : memref<1x128x128xf32, #tpu.memory_space<hbm>> -> memref<128x128xf32, #tpu.memory_space<hbm>>
      %dma_wait3A_146 = arith.constant 0 : i32
      %dma_wait3A_147 = tpu.memref_slice %arg4[%arg0, %add3A_98, %dma_wait3A_146] : memref<2x10240x128xf32, #tpu.memory_space<hbm>> -> memref<1x128x128xf32, #tpu.memory_space<hbm>>
      %dma_wait3A_148 = tpu.memref_squeeze %dma_wait3A_147 : memref<1x128x128xf32, #tpu.memory_space<hbm>> -> memref<128x128xf32, #tpu.memory_space<hbm>>
      %dma_wait3A_149 = arith.constant 0 : i32
      %dma_wait3A_150 = arith.constant 0 : i32
      %dma_wait3A_151 = tpu.memref_slice %arg7[%run_scoped3A_100, %dma_wait3A_149, %dma_wait3A_150] : memref<2x128x128xf32, #tpu.memory_space<vmem>> -> memref<1x128x128xf32, #tpu.memory_space<vmem>>
      %dma_wait3A_152 = tpu.memref_squeeze %dma_wait3A_151 : memref<1x128x128xf32, #tpu.memory_space<vmem>> -> memref<128x128xf32, #tpu.memory_space<vmem>>
      tpu.wait_dma2 semaphore(%run_scoped3A_125 : memref<!tpu.dma_semaphore, #tpu.memory_space<semaphore_mem>>) src(%dma_wait3A_152 : memref<128x128xf32, #tpu.memory_space<vmem>>) dst(%dma_wait3A_148 : memref<128x128xf32, #tpu.memory_space<hbm>>)
      tpu.yield
    }) : () -> ()
    %mul3A_101 = arith.constant 640 : i32
    %mul3A_102 = arith.muli %arg1, %mul3A_101 : i32
    %add3A_103 = arith.constant 128 : i32
    %add3A_104 = arith.addi %mul3A_102, %add3A_103 : i32
    %run_scoped3A_105 = arith.constant 0 : i32
    "tpu.region"() ({
      %run_scoped3A_125 = tpu.sem_alloc : memref<!tpu.dma_semaphore, #tpu.memory_space<semaphore_mem>>
      %dma_start3A_126 = arith.constant 0 : i32
      %dma_start3A_127 = arith.constant 0 : i32
      %dma_start3A_128 = tpu.memref_slice %arg7[%run_scoped3A_105, %dma_start3A_126, %dma_start3A_127] : memref<2x128x128xf32, #tpu.memory_space<vmem>> -> memref<1x128x128xf32, #tpu.memory_space<vmem>>
      %dma_start3A_129 = tpu.memref_squeeze %dma_start3A_128 : memref<1x128x128xf32, #tpu.memory_space<vmem>> -> memref<128x128xf32, #tpu.memory_space<vmem>>
      %dma_start3A_130 = arith.constant 0 : i32
      %dma_start3A_131 = tpu.memref_slice %arg8[%add3A_104, %dma_start3A_130] : memref<10240x128xf32, #tpu.memory_space<vmem_shared>> -> memref<128x128xf32, #tpu.memory_space<vmem_shared>>
      %dma_start3A_132 = arith.constant 0 : i32
      %dma_start3A_133 = arith.constant 0 : i32
      %dma_start3A_134 = tpu.memref_slice %arg7[%run_scoped3A_105, %dma_start3A_132, %dma_start3A_133] : memref<2x128x128xf32, #tpu.memory_space<vmem>> -> memref<1x128x128xf32, #tpu.memory_space<vmem>>
      %dma_start3A_135 = tpu.memref_squeeze %dma_start3A_134 : memref<1x128x128xf32, #tpu.memory_space<vmem>> -> memref<128x128xf32, #tpu.memory_space<vmem>>
      %dma_start3A_136 = arith.constant 0 : i32
      %dma_start3A_137 = tpu.memref_slice %arg8[%add3A_104, %dma_start3A_136] : memref<10240x128xf32, #tpu.memory_space<vmem_shared>> -> memref<128x128xf32, #tpu.memory_space<vmem_shared>>
      tpu.enqueue_dma source(%dma_start3A_137 : memref<128x128xf32, #tpu.memory_space<vmem_shared>>) target(%dma_start3A_135 : memref<128x128xf32, #tpu.memory_space<vmem>>) target_semaphore(%run_scoped3A_125 : memref<!tpu.dma_semaphore, #tpu.memory_space<semaphore_mem>>)
      %dma_wait3A = arith.constant 0 : i32
      %dma_wait3A_138 = arith.constant 0 : i32
      %dma_wait3A_139 = tpu.memref_slice %arg7[%run_scoped3A_105, %dma_wait3A, %dma_wait3A_138] : memref<2x128x128xf32, #tpu.memory_space<vmem>> -> memref<1x128x128xf32, #tpu.memory_space<vmem>>
      %dma_wait3A_140 = tpu.memref_squeeze %dma_wait3A_139 : memref<1x128x128xf32, #tpu.memory_space<vmem>> -> memref<128x128xf32, #tpu.memory_space<vmem>>
      %dma_wait3A_141 = arith.constant 0 : i32
      %dma_wait3A_142 = tpu.memref_slice %arg8[%add3A_104, %dma_wait3A_141] : memref<10240x128xf32, #tpu.memory_space<vmem_shared>> -> memref<128x128xf32, #tpu.memory_space<vmem_shared>>
      %dma_wait3A_143 = arith.constant 0 : i32
      %dma_wait3A_144 = arith.constant 0 : i32
      %dma_wait3A_145 = tpu.memref_slice %arg7[%run_scoped3A_105, %dma_wait3A_143, %dma_wait3A_144] : memref<2x128x128xf32, #tpu.memory_space<vmem>> -> memref<1x128x128xf32, #tpu.memory_space<vmem>>
      %dma_wait3A_146 = tpu.memref_squeeze %dma_wait3A_145 : memref<1x128x128xf32, #tpu.memory_space<vmem>> -> memref<128x128xf32, #tpu.memory_space<vmem>>
      %dma_wait3A_147 = arith.constant 0 : i32
      %dma_wait3A_148 = tpu.memref_slice %arg8[%add3A_104, %dma_wait3A_147] : memref<10240x128xf32, #tpu.memory_space<vmem_shared>> -> memref<128x128xf32, #tpu.memory_space<vmem_shared>>
      tpu.wait_dma2 semaphore(%run_scoped3A_125 : memref<!tpu.dma_semaphore, #tpu.memory_space<semaphore_mem>>) src(%dma_wait3A_148 : memref<128x128xf32, #tpu.memory_space<vmem_shared>>) dst(%dma_wait3A_146 : memref<128x128xf32, #tpu.memory_space<vmem>>)
      tpu.yield
    }) : () -> ()
    %run_scoped3A_106 = arith.constant 0 : i32
    "tpu.region"() ({
      %run_scoped3A_125 = tpu.sem_alloc : memref<!tpu.dma_semaphore, #tpu.memory_space<semaphore_mem>>
      %dma_start3A_126 = arith.constant 0 : i32
      %dma_start3A_127 = arith.constant 0 : i32
      %dma_start3A_128 = tpu.memref_slice %arg7[%run_scoped3A_106, %dma_start3A_126, %dma_start3A_127] : memref<2x128x128xf32, #tpu.memory_space<vmem>> -> memref<1x128x128xf32, #tpu.memory_space<vmem>>
      %dma_start3A_129 = tpu.memref_squeeze %dma_start3A_128 : memref<1x128x128xf32, #tpu.memory_space<vmem>> -> memref<128x128xf32, #tpu.memory_space<vmem>>
      %dma_start3A_130 = arith.constant 0 : i32
      %dma_start3A_131 = tpu.memref_slice %arg4[%arg0, %add3A_104, %dma_start3A_130] : memref<2x10240x128xf32, #tpu.memory_space<hbm>> -> memref<1x128x128xf32, #tpu.memory_space<hbm>>
      %dma_start3A_132 = tpu.memref_squeeze %dma_start3A_131 : memref<1x128x128xf32, #tpu.memory_space<hbm>> -> memref<128x128xf32, #tpu.memory_space<hbm>>
      %dma_start3A_133 = arith.constant 0 : i32
      %dma_start3A_134 = tpu.memref_slice %arg4[%arg0, %add3A_104, %dma_start3A_133] : memref<2x10240x128xf32, #tpu.memory_space<hbm>> -> memref<1x128x128xf32, #tpu.memory_space<hbm>>
      %dma_start3A_135 = tpu.memref_squeeze %dma_start3A_134 : memref<1x128x128xf32, #tpu.memory_space<hbm>> -> memref<128x128xf32, #tpu.memory_space<hbm>>
      %dma_start3A_136 = arith.constant 0 : i32
      %dma_start3A_137 = arith.constant 0 : i32
      %dma_start3A_138 = tpu.memref_slice %arg7[%run_scoped3A_106, %dma_start3A_136, %dma_start3A_137] : memref<2x128x128xf32, #tpu.memory_space<vmem>> -> memref<1x128x128xf32, #tpu.memory_space<vmem>>
      %dma_start3A_139 = tpu.memref_squeeze %dma_start3A_138 : memref<1x128x128xf32, #tpu.memory_space<vmem>> -> memref<128x128xf32, #tpu.memory_space<vmem>>
      tpu.enqueue_dma source(%dma_start3A_139 : memref<128x128xf32, #tpu.memory_space<vmem>>) target(%dma_start3A_135 : memref<128x128xf32, #tpu.memory_space<hbm>>) target_semaphore(%run_scoped3A_125 : memref<!tpu.dma_semaphore, #tpu.memory_space<semaphore_mem>>)
      %dma_wait3A = arith.constant 0 : i32
      %dma_wait3A_140 = arith.constant 0 : i32
      %dma_wait3A_141 = tpu.memref_slice %arg7[%run_scoped3A_106, %dma_wait3A, %dma_wait3A_140] : memref<2x128x128xf32, #tpu.memory_space<vmem>> -> memref<1x128x128xf32, #tpu.memory_space<vmem>>
      %dma_wait3A_142 = tpu.memref_squeeze %dma_wait3A_141 : memref<1x128x128xf32, #tpu.memory_space<vmem>> -> memref<128x128xf32, #tpu.memory_space<vmem>>
      %dma_wait3A_143 = arith.constant 0 : i32
      %dma_wait3A_144 = tpu.memref_slice %arg4[%arg0, %add3A_104, %dma_wait3A_143] : memref<2x10240x128xf32, #tpu.memory_space<hbm>> -> memref<1x128x128xf32, #tpu.memory_space<hbm>>
      %dma_wait3A_145 = tpu.memref_squeeze %dma_wait3A_144 : memref<1x128x128xf32, #tpu.memory_space<hbm>> -> memref<128x128xf32, #tpu.memory_space<hbm>>
      %dma_wait3A_146 = arith.constant 0 : i32
      %dma_wait3A_147 = tpu.memref_slice %arg4[%arg0, %add3A_104, %dma_wait3A_146] : memref<2x10240x128xf32, #tpu.memory_space<hbm>> -> memref<1x128x128xf32, #tpu.memory_space<hbm>>
      %dma_wait3A_148 = tpu.memref_squeeze %dma_wait3A_147 : memref<1x128x128xf32, #tpu.memory_space<hbm>> -> memref<128x128xf32, #tpu.memory_space<hbm>>
      %dma_wait3A_149 = arith.constant 0 : i32
      %dma_wait3A_150 = arith.constant 0 : i32
      %dma_wait3A_151 = tpu.memref_slice %arg7[%run_scoped3A_106, %dma_wait3A_149, %dma_wait3A_150] : memref<2x128x128xf32, #tpu.memory_space<vmem>> -> memref<1x128x128xf32, #tpu.memory_space<vmem>>
      %dma_wait3A_152 = tpu.memref_squeeze %dma_wait3A_151 : memref<1x128x128xf32, #tpu.memory_space<vmem>> -> memref<128x128xf32, #tpu.memory_space<vmem>>
      tpu.wait_dma2 semaphore(%run_scoped3A_125 : memref<!tpu.dma_semaphore, #tpu.memory_space<semaphore_mem>>) src(%dma_wait3A_152 : memref<128x128xf32, #tpu.memory_space<vmem>>) dst(%dma_wait3A_148 : memref<128x128xf32, #tpu.memory_space<hbm>>)
      tpu.yield
    }) : () -> ()
    %mul3A_107 = arith.constant 640 : i32
    %mul3A_108 = arith.muli %arg1, %mul3A_107 : i32
    %add3A_109 = arith.constant 256 : i32
    %add3A_110 = arith.addi %mul3A_108, %add3A_109 : i32
    %run_scoped3A_111 = arith.constant 0 : i32
    "tpu.region"() ({
      %run_scoped3A_125 = tpu.sem_alloc : memref<!tpu.dma_semaphore, #tpu.memory_space<semaphore_mem>>
      %dma_start3A_126 = arith.constant 0 : i32
      %dma_start3A_127 = arith.constant 0 : i32
      %dma_start3A_128 = tpu.memref_slice %arg7[%run_scoped3A_111, %dma_start3A_126, %dma_start3A_127] : memref<2x128x128xf32, #tpu.memory_space<vmem>> -> memref<1x128x128xf32, #tpu.memory_space<vmem>>
      %dma_start3A_129 = tpu.memref_squeeze %dma_start3A_128 : memref<1x128x128xf32, #tpu.memory_space<vmem>> -> memref<128x128xf32, #tpu.memory_space<vmem>>
      %dma_start3A_130 = arith.constant 0 : i32
      %dma_start3A_131 = tpu.memref_slice %arg8[%add3A_110, %dma_start3A_130] : memref<10240x128xf32, #tpu.memory_space<vmem_shared>> -> memref<128x128xf32, #tpu.memory_space<vmem_shared>>
      %dma_start3A_132 = arith.constant 0 : i32
      %dma_start3A_133 = arith.constant 0 : i32
      %dma_start3A_134 = tpu.memref_slice %arg7[%run_scoped3A_111, %dma_start3A_132, %dma_start3A_133] : memref<2x128x128xf32, #tpu.memory_space<vmem>> -> memref<1x128x128xf32, #tpu.memory_space<vmem>>
      %dma_start3A_135 = tpu.memref_squeeze %dma_start3A_134 : memref<1x128x128xf32, #tpu.memory_space<vmem>> -> memref<128x128xf32, #tpu.memory_space<vmem>>
      %dma_start3A_136 = arith.constant 0 : i32
      %dma_start3A_137 = tpu.memref_slice %arg8[%add3A_110, %dma_start3A_136] : memref<10240x128xf32, #tpu.memory_space<vmem_shared>> -> memref<128x128xf32, #tpu.memory_space<vmem_shared>>
      tpu.enqueue_dma source(%dma_start3A_137 : memref<128x128xf32, #tpu.memory_space<vmem_shared>>) target(%dma_start3A_135 : memref<128x128xf32, #tpu.memory_space<vmem>>) target_semaphore(%run_scoped3A_125 : memref<!tpu.dma_semaphore, #tpu.memory_space<semaphore_mem>>)
      %dma_wait3A = arith.constant 0 : i32
      %dma_wait3A_138 = arith.constant 0 : i32
      %dma_wait3A_139 = tpu.memref_slice %arg7[%run_scoped3A_111, %dma_wait3A, %dma_wait3A_138] : memref<2x128x128xf32, #tpu.memory_space<vmem>> -> memref<1x128x128xf32, #tpu.memory_space<vmem>>
      %dma_wait3A_140 = tpu.memref_squeeze %dma_wait3A_139 : memref<1x128x128xf32, #tpu.memory_space<vmem>> -> memref<128x128xf32, #tpu.memory_space<vmem>>
      %dma_wait3A_141 = arith.constant 0 : i32
      %dma_wait3A_142 = tpu.memref_slice %arg8[%add3A_110, %dma_wait3A_141] : memref<10240x128xf32, #tpu.memory_space<vmem_shared>> -> memref<128x128xf32, #tpu.memory_space<vmem_shared>>
      %dma_wait3A_143 = arith.constant 0 : i32
      %dma_wait3A_144 = arith.constant 0 : i32
      %dma_wait3A_145 = tpu.memref_slice %arg7[%run_scoped3A_111, %dma_wait3A_143, %dma_wait3A_144] : memref<2x128x128xf32, #tpu.memory_space<vmem>> -> memref<1x128x128xf32, #tpu.memory_space<vmem>>
      %dma_wait3A_146 = tpu.memref_squeeze %dma_wait3A_145 : memref<1x128x128xf32, #tpu.memory_space<vmem>> -> memref<128x128xf32, #tpu.memory_space<vmem>>
      %dma_wait3A_147 = arith.constant 0 : i32
      %dma_wait3A_148 = tpu.memref_slice %arg8[%add3A_110, %dma_wait3A_147] : memref<10240x128xf32, #tpu.memory_space<vmem_shared>> -> memref<128x128xf32, #tpu.memory_space<vmem_shared>>
      tpu.wait_dma2 semaphore(%run_scoped3A_125 : memref<!tpu.dma_semaphore, #tpu.memory_space<semaphore_mem>>) src(%dma_wait3A_148 : memref<128x128xf32, #tpu.memory_space<vmem_shared>>) dst(%dma_wait3A_146 : memref<128x128xf32, #tpu.memory_space<vmem>>)
      tpu.yield
    }) : () -> ()
    %run_scoped3A_112 = arith.constant 0 : i32
    "tpu.region"() ({
      %run_scoped3A_125 = tpu.sem_alloc : memref<!tpu.dma_semaphore, #tpu.memory_space<semaphore_mem>>
      %dma_start3A_126 = arith.constant 0 : i32
      %dma_start3A_127 = arith.constant 0 : i32
      %dma_start3A_128 = tpu.memref_slice %arg7[%run_scoped3A_112, %dma_start3A_126, %dma_start3A_127] : memref<2x128x128xf32, #tpu.memory_space<vmem>> -> memref<1x128x128xf32, #tpu.memory_space<vmem>>
      %dma_start3A_129 = tpu.memref_squeeze %dma_start3A_128 : memref<1x128x128xf32, #tpu.memory_space<vmem>> -> memref<128x128xf32, #tpu.memory_space<vmem>>
      %dma_start3A_130 = arith.constant 0 : i32
      %dma_start3A_131 = tpu.memref_slice %arg4[%arg0, %add3A_110, %dma_start3A_130] : memref<2x10240x128xf32, #tpu.memory_space<hbm>> -> memref<1x128x128xf32, #tpu.memory_space<hbm>>
      %dma_start3A_132 = tpu.memref_squeeze %dma_start3A_131 : memref<1x128x128xf32, #tpu.memory_space<hbm>> -> memref<128x128xf32, #tpu.memory_space<hbm>>
      %dma_start3A_133 = arith.constant 0 : i32
      %dma_start3A_134 = tpu.memref_slice %arg4[%arg0, %add3A_110, %dma_start3A_133] : memref<2x10240x128xf32, #tpu.memory_space<hbm>> -> memref<1x128x128xf32, #tpu.memory_space<hbm>>
      %dma_start3A_135 = tpu.memref_squeeze %dma_start3A_134 : memref<1x128x128xf32, #tpu.memory_space<hbm>> -> memref<128x128xf32, #tpu.memory_space<hbm>>
      %dma_start3A_136 = arith.constant 0 : i32
      %dma_start3A_137 = arith.constant 0 : i32
      %dma_start3A_138 = tpu.memref_slice %arg7[%run_scoped3A_112, %dma_start3A_136, %dma_start3A_137] : memref<2x128x128xf32, #tpu.memory_space<vmem>> -> memref<1x128x128xf32, #tpu.memory_space<vmem>>
      %dma_start3A_139 = tpu.memref_squeeze %dma_start3A_138 : memref<1x128x128xf32, #tpu.memory_space<vmem>> -> memref<128x128xf32, #tpu.memory_space<vmem>>
      tpu.enqueue_dma source(%dma_start3A_139 : memref<128x128xf32, #tpu.memory_space<vmem>>) target(%dma_start3A_135 : memref<128x128xf32, #tpu.memory_space<hbm>>) target_semaphore(%run_scoped3A_125 : memref<!tpu.dma_semaphore, #tpu.memory_space<semaphore_mem>>)
      %dma_wait3A = arith.constant 0 : i32
      %dma_wait3A_140 = arith.constant 0 : i32
      %dma_wait3A_141 = tpu.memref_slice %arg7[%run_scoped3A_112, %dma_wait3A, %dma_wait3A_140] : memref<2x128x128xf32, #tpu.memory_space<vmem>> -> memref<1x128x128xf32, #tpu.memory_space<vmem>>
      %dma_wait3A_142 = tpu.memref_squeeze %dma_wait3A_141 : memref<1x128x128xf32, #tpu.memory_space<vmem>> -> memref<128x128xf32, #tpu.memory_space<vmem>>
      %dma_wait3A_143 = arith.constant 0 : i32
      %dma_wait3A_144 = tpu.memref_slice %arg4[%arg0, %add3A_110, %dma_wait3A_143] : memref<2x10240x128xf32, #tpu.memory_space<hbm>> -> memref<1x128x128xf32, #tpu.memory_space<hbm>>
      %dma_wait3A_145 = tpu.memref_squeeze %dma_wait3A_144 : memref<1x128x128xf32, #tpu.memory_space<hbm>> -> memref<128x128xf32, #tpu.memory_space<hbm>>
      %dma_wait3A_146 = arith.constant 0 : i32
      %dma_wait3A_147 = tpu.memref_slice %arg4[%arg0, %add3A_110, %dma_wait3A_146] : memref<2x10240x128xf32, #tpu.memory_space<hbm>> -> memref<1x128x128xf32, #tpu.memory_space<hbm>>
      %dma_wait3A_148 = tpu.memref_squeeze %dma_wait3A_147 : memref<1x128x128xf32, #tpu.memory_space<hbm>> -> memref<128x128xf32, #tpu.memory_space<hbm>>
      %dma_wait3A_149 = arith.constant 0 : i32
      %dma_wait3A_150 = arith.constant 0 : i32
      %dma_wait3A_151 = tpu.memref_slice %arg7[%run_scoped3A_112, %dma_wait3A_149, %dma_wait3A_150] : memref<2x128x128xf32, #tpu.memory_space<vmem>> -> memref<1x128x128xf32, #tpu.memory_space<vmem>>
      %dma_wait3A_152 = tpu.memref_squeeze %dma_wait3A_151 : memref<1x128x128xf32, #tpu.memory_space<vmem>> -> memref<128x128xf32, #tpu.memory_space<vmem>>
      tpu.wait_dma2 semaphore(%run_scoped3A_125 : memref<!tpu.dma_semaphore, #tpu.memory_space<semaphore_mem>>) src(%dma_wait3A_152 : memref<128x128xf32, #tpu.memory_space<vmem>>) dst(%dma_wait3A_148 : memref<128x128xf32, #tpu.memory_space<hbm>>)
      tpu.yield
    }) : () -> ()
    %mul3A_113 = arith.constant 640 : i32
    %mul3A_114 = arith.muli %arg1, %mul3A_113 : i32
    %add3A_115 = arith.constant 384 : i32
    %add3A_116 = arith.addi %mul3A_114, %add3A_115 : i32
    %run_scoped3A_117 = arith.constant 0 : i32
    "tpu.region"() ({
      %run_scoped3A_125 = tpu.sem_alloc : memref<!tpu.dma_semaphore, #tpu.memory_space<semaphore_mem>>
      %dma_start3A_126 = arith.constant 0 : i32
      %dma_start3A_127 = arith.constant 0 : i32
      %dma_start3A_128 = tpu.memref_slice %arg7[%run_scoped3A_117, %dma_start3A_126, %dma_start3A_127] : memref<2x128x128xf32, #tpu.memory_space<vmem>> -> memref<1x128x128xf32, #tpu.memory_space<vmem>>
      %dma_start3A_129 = tpu.memref_squeeze %dma_start3A_128 : memref<1x128x128xf32, #tpu.memory_space<vmem>> -> memref<128x128xf32, #tpu.memory_space<vmem>>
      %dma_start3A_130 = arith.constant 0 : i32
      %dma_start3A_131 = tpu.memref_slice %arg8[%add3A_116, %dma_start3A_130] : memref<10240x128xf32, #tpu.memory_space<vmem_shared>> -> memref<128x128xf32, #tpu.memory_space<vmem_shared>>
      %dma_start3A_132 = arith.constant 0 : i32
      %dma_start3A_133 = arith.constant 0 : i32
      %dma_start3A_134 = tpu.memref_slice %arg7[%run_scoped3A_117, %dma_start3A_132, %dma_start3A_133] : memref<2x128x128xf32, #tpu.memory_space<vmem>> -> memref<1x128x128xf32, #tpu.memory_space<vmem>>
      %dma_start3A_135 = tpu.memref_squeeze %dma_start3A_134 : memref<1x128x128xf32, #tpu.memory_space<vmem>> -> memref<128x128xf32, #tpu.memory_space<vmem>>
      %dma_start3A_136 = arith.constant 0 : i32
      %dma_start3A_137 = tpu.memref_slice %arg8[%add3A_116, %dma_start3A_136] : memref<10240x128xf32, #tpu.memory_space<vmem_shared>> -> memref<128x128xf32, #tpu.memory_space<vmem_shared>>
      tpu.enqueue_dma source(%dma_start3A_137 : memref<128x128xf32, #tpu.memory_space<vmem_shared>>) target(%dma_start3A_135 : memref<128x128xf32, #tpu.memory_space<vmem>>) target_semaphore(%run_scoped3A_125 : memref<!tpu.dma_semaphore, #tpu.memory_space<semaphore_mem>>)
      %dma_wait3A = arith.constant 0 : i32
      %dma_wait3A_138 = arith.constant 0 : i32
      %dma_wait3A_139 = tpu.memref_slice %arg7[%run_scoped3A_117, %dma_wait3A, %dma_wait3A_138] : memref<2x128x128xf32, #tpu.memory_space<vmem>> -> memref<1x128x128xf32, #tpu.memory_space<vmem>>
      %dma_wait3A_140 = tpu.memref_squeeze %dma_wait3A_139 : memref<1x128x128xf32, #tpu.memory_space<vmem>> -> memref<128x128xf32, #tpu.memory_space<vmem>>
      %dma_wait3A_141 = arith.constant 0 : i32
      %dma_wait3A_142 = tpu.memref_slice %arg8[%add3A_116, %dma_wait3A_141] : memref<10240x128xf32, #tpu.memory_space<vmem_shared>> -> memref<128x128xf32, #tpu.memory_space<vmem_shared>>
      %dma_wait3A_143 = arith.constant 0 : i32
      %dma_wait3A_144 = arith.constant 0 : i32
      %dma_wait3A_145 = tpu.memref_slice %arg7[%run_scoped3A_117, %dma_wait3A_143, %dma_wait3A_144] : memref<2x128x128xf32, #tpu.memory_space<vmem>> -> memref<1x128x128xf32, #tpu.memory_space<vmem>>
      %dma_wait3A_146 = tpu.memref_squeeze %dma_wait3A_145 : memref<1x128x128xf32, #tpu.memory_space<vmem>> -> memref<128x128xf32, #tpu.memory_space<vmem>>
      %dma_wait3A_147 = arith.constant 0 : i32
      %dma_wait3A_148 = tpu.memref_slice %arg8[%add3A_116, %dma_wait3A_147] : memref<10240x128xf32, #tpu.memory_space<vmem_shared>> -> memref<128x128xf32, #tpu.memory_space<vmem_shared>>
      tpu.wait_dma2 semaphore(%run_scoped3A_125 : memref<!tpu.dma_semaphore, #tpu.memory_space<semaphore_mem>>) src(%dma_wait3A_148 : memref<128x128xf32, #tpu.memory_space<vmem_shared>>) dst(%dma_wait3A_146 : memref<128x128xf32, #tpu.memory_space<vmem>>)
      tpu.yield
    }) : () -> ()
    %run_scoped3A_118 = arith.constant 0 : i32
    "tpu.region"() ({
      %run_scoped3A_125 = tpu.sem_alloc : memref<!tpu.dma_semaphore, #tpu.memory_space<semaphore_mem>>
      %dma_start3A_126 = arith.constant 0 : i32
      %dma_start3A_127 = arith.constant 0 : i32
      %dma_start3A_128 = tpu.memref_slice %arg7[%run_scoped3A_118, %dma_start3A_126, %dma_start3A_127] : memref<2x128x128xf32, #tpu.memory_space<vmem>> -> memref<1x128x128xf32, #tpu.memory_space<vmem>>
      %dma_start3A_129 = tpu.memref_squeeze %dma_start3A_128 : memref<1x128x128xf32, #tpu.memory_space<vmem>> -> memref<128x128xf32, #tpu.memory_space<vmem>>
      %dma_start3A_130 = arith.constant 0 : i32
      %dma_start3A_131 = tpu.memref_slice %arg4[%arg0, %add3A_116, %dma_start3A_130] : memref<2x10240x128xf32, #tpu.memory_space<hbm>> -> memref<1x128x128xf32, #tpu.memory_space<hbm>>
      %dma_start3A_132 = tpu.memref_squeeze %dma_start3A_131 : memref<1x128x128xf32, #tpu.memory_space<hbm>> -> memref<128x128xf32, #tpu.memory_space<hbm>>
      %dma_start3A_133 = arith.constant 0 : i32
      %dma_start3A_134 = tpu.memref_slice %arg4[%arg0, %add3A_116, %dma_start3A_133] : memref<2x10240x128xf32, #tpu.memory_space<hbm>> -> memref<1x128x128xf32, #tpu.memory_space<hbm>>
      %dma_start3A_135 = tpu.memref_squeeze %dma_start3A_134 : memref<1x128x128xf32, #tpu.memory_space<hbm>> -> memref<128x128xf32, #tpu.memory_space<hbm>>
      %dma_start3A_136 = arith.constant 0 : i32
      %dma_start3A_137 = arith.constant 0 : i32
      %dma_start3A_138 = tpu.memref_slice %arg7[%run_scoped3A_118, %dma_start3A_136, %dma_start3A_137] : memref<2x128x128xf32, #tpu.memory_space<vmem>> -> memref<1x128x128xf32, #tpu.memory_space<vmem>>
      %dma_start3A_139 = tpu.memref_squeeze %dma_start3A_138 : memref<1x128x128xf32, #tpu.memory_space<vmem>> -> memref<128x128xf32, #tpu.memory_space<vmem>>
      tpu.enqueue_dma source(%dma_start3A_139 : memref<128x128xf32, #tpu.memory_space<vmem>>) target(%dma_start3A_135 : memref<128x128xf32, #tpu.memory_space<hbm>>) target_semaphore(%run_scoped3A_125 : memref<!tpu.dma_semaphore, #tpu.memory_space<semaphore_mem>>)
      %dma_wait3A = arith.constant 0 : i32
      %dma_wait3A_140 = arith.constant 0 : i32
      %dma_wait3A_141 = tpu.memref_slice %arg7[%run_scoped3A_118, %dma_wait3A, %dma_wait3A_140] : memref<2x128x128xf32, #tpu.memory_space<vmem>> -> memref<1x128x128xf32, #tpu.memory_space<vmem>>
      %dma_wait3A_142 = tpu.memref_squeeze %dma_wait3A_141 : memref<1x128x128xf32, #tpu.memory_space<vmem>> -> memref<128x128xf32, #tpu.memory_space<vmem>>
      %dma_wait3A_143 = arith.constant 0 : i32
      %dma_wait3A_144 = tpu.memref_slice %arg4[%arg0, %add3A_116, %dma_wait3A_143] : memref<2x10240x128xf32, #tpu.memory_space<hbm>> -> memref<1x128x128xf32, #tpu.memory_space<hbm>>
      %dma_wait3A_145 = tpu.memref_squeeze %dma_wait3A_144 : memref<1x128x128xf32, #tpu.memory_space<hbm>> -> memref<128x128xf32, #tpu.memory_space<hbm>>
      %dma_wait3A_146 = arith.constant 0 : i32
      %dma_wait3A_147 = tpu.memref_slice %arg4[%arg0, %add3A_116, %dma_wait3A_146] : memref<2x10240x128xf32, #tpu.memory_space<hbm>> -> memref<1x128x128xf32, #tpu.memory_space<hbm>>
      %dma_wait3A_148 = tpu.memref_squeeze %dma_wait3A_147 : memref<1x128x128xf32, #tpu.memory_space<hbm>> -> memref<128x128xf32, #tpu.memory_space<hbm>>
      %dma_wait3A_149 = arith.constant 0 : i32
      %dma_wait3A_150 = arith.constant 0 : i32
      %dma_wait3A_151 = tpu.memref_slice %arg7[%run_scoped3A_118, %dma_wait3A_149, %dma_wait3A_150] : memref<2x128x128xf32, #tpu.memory_space<vmem>> -> memref<1x128x128xf32, #tpu.memory_space<vmem>>
      %dma_wait3A_152 = tpu.memref_squeeze %dma_wait3A_151 : memref<1x128x128xf32, #tpu.memory_space<vmem>> -> memref<128x128xf32, #tpu.memory_space<vmem>>
      tpu.wait_dma2 semaphore(%run_scoped3A_125 : memref<!tpu.dma_semaphore, #tpu.memory_space<semaphore_mem>>) src(%dma_wait3A_152 : memref<128x128xf32, #tpu.memory_space<vmem>>) dst(%dma_wait3A_148 : memref<128x128xf32, #tpu.memory_space<hbm>>)
      tpu.yield
    }) : () -> ()
    %mul3A_119 = arith.constant 640 : i32
    %mul3A_120 = arith.muli %arg1, %mul3A_119 : i32
    %add3A_121 = arith.constant 512 : i32
    %add3A_122 = arith.addi %mul3A_120, %add3A_121 : i32
    %run_scoped3A_123 = arith.constant 0 : i32
    "tpu.region"() ({
      %run_scoped3A_125 = tpu.sem_alloc : memref<!tpu.dma_semaphore, #tpu.memory_space<semaphore_mem>>
      %dma_start3A_126 = arith.constant 0 : i32
      %dma_start3A_127 = arith.constant 0 : i32
      %dma_start3A_128 = tpu.memref_slice %arg7[%run_scoped3A_123, %dma_start3A_126, %dma_start3A_127] : memref<2x128x128xf32, #tpu.memory_space<vmem>> -> memref<1x128x128xf32, #tpu.memory_space<vmem>>
      %dma_start3A_129 = tpu.memref_squeeze %dma_start3A_128 : memref<1x128x128xf32, #tpu.memory_space<vmem>> -> memref<128x128xf32, #tpu.memory_space<vmem>>
      %dma_start3A_130 = arith.constant 0 : i32
      %dma_start3A_131 = tpu.memref_slice %arg8[%add3A_122, %dma_start3A_130] : memref<10240x128xf32, #tpu.memory_space<vmem_shared>> -> memref<128x128xf32, #tpu.memory_space<vmem_shared>>
      %dma_start3A_132 = arith.constant 0 : i32
      %dma_start3A_133 = arith.constant 0 : i32
      %dma_start3A_134 = tpu.memref_slice %arg7[%run_scoped3A_123, %dma_start3A_132, %dma_start3A_133] : memref<2x128x128xf32, #tpu.memory_space<vmem>> -> memref<1x128x128xf32, #tpu.memory_space<vmem>>
      %dma_start3A_135 = tpu.memref_squeeze %dma_start3A_134 : memref<1x128x128xf32, #tpu.memory_space<vmem>> -> memref<128x128xf32, #tpu.memory_space<vmem>>
      %dma_start3A_136 = arith.constant 0 : i32
      %dma_start3A_137 = tpu.memref_slice %arg8[%add3A_122, %dma_start3A_136] : memref<10240x128xf32, #tpu.memory_space<vmem_shared>> -> memref<128x128xf32, #tpu.memory_space<vmem_shared>>
      tpu.enqueue_dma source(%dma_start3A_137 : memref<128x128xf32, #tpu.memory_space<vmem_shared>>) target(%dma_start3A_135 : memref<128x128xf32, #tpu.memory_space<vmem>>) target_semaphore(%run_scoped3A_125 : memref<!tpu.dma_semaphore, #tpu.memory_space<semaphore_mem>>)
      %dma_wait3A = arith.constant 0 : i32
      %dma_wait3A_138 = arith.constant 0 : i32
      %dma_wait3A_139 = tpu.memref_slice %arg7[%run_scoped3A_123, %dma_wait3A, %dma_wait3A_138] : memref<2x128x128xf32, #tpu.memory_space<vmem>> -> memref<1x128x128xf32, #tpu.memory_space<vmem>>
      %dma_wait3A_140 = tpu.memref_squeeze %dma_wait3A_139 : memref<1x128x128xf32, #tpu.memory_space<vmem>> -> memref<128x128xf32, #tpu.memory_space<vmem>>
      %dma_wait3A_141 = arith.constant 0 : i32
      %dma_wait3A_142 = tpu.memref_slice %arg8[%add3A_122, %dma_wait3A_141] : memref<10240x128xf32, #tpu.memory_space<vmem_shared>> -> memref<128x128xf32, #tpu.memory_space<vmem_shared>>
      %dma_wait3A_143 = arith.constant 0 : i32
      %dma_wait3A_144 = arith.constant 0 : i32
      %dma_wait3A_145 = tpu.memref_slice %arg7[%run_scoped3A_123, %dma_wait3A_143, %dma_wait3A_144] : memref<2x128x128xf32, #tpu.memory_space<vmem>> -> memref<1x128x128xf32, #tpu.memory_space<vmem>>
      %dma_wait3A_146 = tpu.memref_squeeze %dma_wait3A_145 : memref<1x128x128xf32, #tpu.memory_space<vmem>> -> memref<128x128xf32, #tpu.memory_space<vmem>>
      %dma_wait3A_147 = arith.constant 0 : i32
      %dma_wait3A_148 = tpu.memref_slice %arg8[%add3A_122, %dma_wait3A_147] : memref<10240x128xf32, #tpu.memory_space<vmem_shared>> -> memref<128x128xf32, #tpu.memory_space<vmem_shared>>
      tpu.wait_dma2 semaphore(%run_scoped3A_125 : memref<!tpu.dma_semaphore, #tpu.memory_space<semaphore_mem>>) src(%dma_wait3A_148 : memref<128x128xf32, #tpu.memory_space<vmem_shared>>) dst(%dma_wait3A_146 : memref<128x128xf32, #tpu.memory_space<vmem>>)
      tpu.yield
    }) : () -> ()
    %run_scoped3A_124 = arith.constant 0 : i32
    "tpu.region"() ({
      %run_scoped3A_125 = tpu.sem_alloc : memref<!tpu.dma_semaphore, #tpu.memory_space<semaphore_mem>>
      %dma_start3A_126 = arith.constant 0 : i32
      %dma_start3A_127 = arith.constant 0 : i32
      %dma_start3A_128 = tpu.memref_slice %arg7[%run_scoped3A_124, %dma_start3A_126, %dma_start3A_127] : memref<2x128x128xf32, #tpu.memory_space<vmem>> -> memref<1x128x128xf32, #tpu.memory_space<vmem>>
      %dma_start3A_129 = tpu.memref_squeeze %dma_start3A_128 : memref<1x128x128xf32, #tpu.memory_space<vmem>> -> memref<128x128xf32, #tpu.memory_space<vmem>>
      %dma_start3A_130 = arith.constant 0 : i32
      %dma_start3A_131 = tpu.memref_slice %arg4[%arg0, %add3A_122, %dma_start3A_130] : memref<2x10240x128xf32, #tpu.memory_space<hbm>> -> memref<1x128x128xf32, #tpu.memory_space<hbm>>
      %dma_start3A_132 = tpu.memref_squeeze %dma_start3A_131 : memref<1x128x128xf32, #tpu.memory_space<hbm>> -> memref<128x128xf32, #tpu.memory_space<hbm>>
      %dma_start3A_133 = arith.constant 0 : i32
      %dma_start3A_134 = tpu.memref_slice %arg4[%arg0, %add3A_122, %dma_start3A_133] : memref<2x10240x128xf32, #tpu.memory_space<hbm>> -> memref<1x128x128xf32, #tpu.memory_space<hbm>>
      %dma_start3A_135 = tpu.memref_squeeze %dma_start3A_134 : memref<1x128x128xf32, #tpu.memory_space<hbm>> -> memref<128x128xf32, #tpu.memory_space<hbm>>
      %dma_start3A_136 = arith.constant 0 : i32
      %dma_start3A_137 = arith.constant 0 : i32
      %dma_start3A_138 = tpu.memref_slice %arg7[%run_scoped3A_124, %dma_start3A_136, %dma_start3A_137] : memref<2x128x128xf32, #tpu.memory_space<vmem>> -> memref<1x128x128xf32, #tpu.memory_space<vmem>>
      %dma_start3A_139 = tpu.memref_squeeze %dma_start3A_138 : memref<1x128x128xf32, #tpu.memory_space<vmem>> -> memref<128x128xf32, #tpu.memory_space<vmem>>
      tpu.enqueue_dma source(%dma_start3A_139 : memref<128x128xf32, #tpu.memory_space<vmem>>) target(%dma_start3A_135 : memref<128x128xf32, #tpu.memory_space<hbm>>) target_semaphore(%run_scoped3A_125 : memref<!tpu.dma_semaphore, #tpu.memory_space<semaphore_mem>>)
      %dma_wait3A = arith.constant 0 : i32
      %dma_wait3A_140 = arith.constant 0 : i32
      %dma_wait3A_141 = tpu.memref_slice %arg7[%run_scoped3A_124, %dma_wait3A, %dma_wait3A_140] : memref<2x128x128xf32, #tpu.memory_space<vmem>> -> memref<1x128x128xf32, #tpu.memory_space<vmem>>
      %dma_wait3A_142 = tpu.memref_squeeze %dma_wait3A_141 : memref<1x128x128xf32, #tpu.memory_space<vmem>> -> memref<128x128xf32, #tpu.memory_space<vmem>>
      %dma_wait3A_143 = arith.constant 0 : i32
      %dma_wait3A_144 = tpu.memref_slice %arg4[%arg0, %add3A_122, %dma_wait3A_143] : memref<2x10240x128xf32, #tpu.memory_space<hbm>> -> memref<1x128x128xf32, #tpu.memory_space<hbm>>
      %dma_wait3A_145 = tpu.memref_squeeze %dma_wait3A_144 : memref<1x128x128xf32, #tpu.memory_space<hbm>> -> memref<128x128xf32, #tpu.memory_space<hbm>>
      %dma_wait3A_146 = arith.constant 0 : i32
      %dma_wait3A_147 = tpu.memref_slice %arg4[%arg0, %add3A_122, %dma_wait3A_146] : memref<2x10240x128xf32, #tpu.memory_space<hbm>> -> memref<1x128x128xf32, #tpu.memory_space<hbm>>
      %dma_wait3A_148 = tpu.memref_squeeze %dma_wait3A_147 : memref<1x128x128xf32, #tpu.memory_space<hbm>> -> memref<128x128xf32, #tpu.memory_space<hbm>>
      %dma_wait3A_149 = arith.constant 0 : i32
      %dma_wait3A_150 = arith.constant 0 : i32
      %dma_wait3A_151 = tpu.memref_slice %arg7[%run_scoped3A_124, %dma_wait3A_149, %dma_wait3A_150] : memref<2x128x128xf32, #tpu.memory_space<vmem>> -> memref<1x128x128xf32, #tpu.memory_space<vmem>>
      %dma_wait3A_152 = tpu.memref_squeeze %dma_wait3A_151 : memref<1x128x128xf32, #tpu.memory_space<vmem>> -> memref<128x128xf32, #tpu.memory_space<vmem>>
      tpu.wait_dma2 semaphore(%run_scoped3A_125 : memref<!tpu.dma_semaphore, #tpu.memory_space<semaphore_mem>>) src(%dma_wait3A_152 : memref<128x128xf32, #tpu.memory_space<vmem>>) dst(%dma_wait3A_148 : memref<128x128xf32, #tpu.memory_space<hbm>>)
      tpu.yield
    }) : () -> ()
    return
  }
}

module attributes {stable_mosaic.version = 14 : i64} {
  func.func @body(%arg0: i32, %arg1: memref<2560x128xf32, #tpu.memory_space<vmem>>, %arg2: memref<128x128xf32, #tpu.memory_space<vmem>>, %arg3: memref<2560x128xf32, #tpu.memory_space<vmem>>) attributes {dimension_semantics = [#tpu.dimension_semantics<arbitrary>], iteration_bounds = array<i64: 4>, scalar_prefetch = 0 : i64, scratch_operands = 0 : i64, tpu.core_type = #tpu.core_type<tc>, window_params = [{transform_indices = @transform_0, window_bounds = array<i64: 2560, 128>}, {pipeline_mode = #tpu.pipeline_mode<synchronous>, transform_indices = @transform_1, window_bounds = array<i64: 128, 128>}, {transform_indices = @transform_2, window_bounds = array<i64: 2560, 128>}]} {
    %get3A = arith.constant 0 : index
    %get3A_0 = arith.constant 0 : index
    %get3A_1 = vector.load %arg1[%get3A, %get3A_0] : memref<2560x128xf32, #tpu.memory_space<vmem>>, vector<2560x128xf32>
    %get3A_2 = arith.constant 0 : index
    %get3A_3 = arith.constant 0 : index
    %get3A_4 = vector.load %arg2[%get3A_2, %get3A_3] : memref<128x128xf32, #tpu.memory_space<vmem>>, vector<128x128xf32>
    %dot_general3A = arith.constant dense<0.000000e+00> : vector<2560x128xf32>
    %dot_general3A_5 = tpu.matmul %get3A_1, %get3A_4, %dot_general3A {dimension_numbers = #tpu.dot_dimension_numbers<[1], [0], [0], [1], [0, 0, 1, 1], [], []>, transpose_lhs_hint = false} : vector<2560x128xf32>, vector<128x128xf32>, vector<2560x128xf32> -> vector<2560x128xf32>
    %iota3A = tpu.iota {dimensions = array<i32: 0>} : vector<2560x1xi32>
    %mul3A = arith.constant 2560 : i32
    %mul3A_6 = arith.muli %arg0, %mul3A : i32
    %add3A = vector.broadcast %mul3A_6 : i32 to vector<2560x1xi32>
    %add3A_7 = arith.addi %iota3A, %add3A : vector<2560x1xi32>
    %lt3A = arith.constant 10000 : i32
    %lt3A_8 = vector.broadcast %lt3A : i32 to vector<2560x1xi32>
    %lt3A_9 = arith.cmpi slt, %add3A_7, %lt3A_8 : vector<2560x1xi32>
    %jit3A = arith.constant 0.000000e+00 : f32
    %broadcast_in_dim3A = vector.shape_cast %lt3A_9 : vector<2560x1xi1> to vector<2560x1xi1>
    %broadcast_in_dim3A_10 = vector.broadcast %broadcast_in_dim3A : vector<2560x1xi1> to vector<2560x128xi1>
    %broadcast_in_dim3A_11 = vector.broadcast %jit3A : f32 to vector<2560x128xf32>
    %select_n3A = arith.select %broadcast_in_dim3A_10, %dot_general3A_5, %broadcast_in_dim3A_11 : vector<2560x128xi1>, vector<2560x128xf32>
    %swap3A = arith.constant 0 : index
    %swap3A_12 = arith.constant 0 : index
    %swap3A_13 = vector.load %arg3[%swap3A, %swap3A_12] : memref<2560x128xf32, #tpu.memory_space<vmem>>, vector<2560x128xf32>
    tpu.vector_store %arg3[%swap3A, %swap3A_12], %select_n3A {strides = array<i32>} : memref<2560x128xf32, #tpu.memory_space<vmem>>, vector<2560x128xf32>,
    return
  }
  func.func @transform_0(%arg0: i32) -> (i32, i32) {
    %c0_i32 = arith.constant 0 : i32
    %c0_i32_0 = arith.constant 0 : i32
    return %arg0, %c0_i32 : i32, i32
  }
  func.func @transform_1(%arg0: i32) -> (i32, i32) {
    %c0_i32 = arith.constant 0 : i32
    %c0_i32_0 = arith.constant 0 : i32
    %c0_i32_1 = arith.constant 0 : i32
    return %c0_i32, %c0_i32_0 : i32, i32
  }
  func.func @transform_2(%arg0: i32) -> (i32, i32) {
    %c0_i32 = arith.constant 0 : i32
    %c0_i32_0 = arith.constant 0 : i32
    return %arg0, %c0_i32 : i32, i32
  }
}

module attributes {stable_mosaic.version = 14 : i64} {
  func.func @body(%arg0: i32, %arg1: memref<2560x128xf32, #tpu.memory_space<vmem>>, %arg2: memref<2x2560xf32, #tpu.memory_space<vmem>>, %arg3: memref<2560x128xf32, #tpu.memory_space<vmem>>, %arg4: memref<2560x1xf32, #tpu.memory_space<vmem>>) attributes {dimension_semantics = [#tpu.dimension_semantics<arbitrary>], iteration_bounds = array<i64: 4>, scalar_prefetch = 0 : i64, scratch_operands = 0 : i64, tpu.core_type = #tpu.core_type<tc>, window_params = [{transform_indices = @transform_0, window_bounds = array<i64: 2560, 128>}, {transform_indices = @transform_1, window_bounds = array<i64: 2, 2560>}, {transform_indices = @transform_2, window_bounds = array<i64: 2560, 128>}, {transform_indices = @transform_3, window_bounds = array<i64: 2560, 1>}]} {
    %get3A = arith.constant 0 : index
    %get3A_0 = arith.constant 0 : index
    %get3A_1 = vector.load %arg2[%get3A, %get3A_0] : memref<2x2560xf32, #tpu.memory_space<vmem>>, vector<1x2560xf32>
    %get3A_2 = vector.shape_cast %get3A_1 : vector<1x2560xf32> to vector<2560xf32>
    %get3A_3 = arith.constant 1 : index
    %get3A_4 = arith.constant 0 : index
    %get3A_5 = vector.load %arg2[%get3A_3, %get3A_4] : memref<2x2560xf32, #tpu.memory_space<vmem>>, vector<1x2560xf32>
    %get3A_6 = vector.shape_cast %get3A_5 : vector<1x2560xf32> to vector<2560xf32>
    %add3A = arith.addf %get3A_2, %get3A_6 : vector<2560xf32>
    %add3A_7 = arith.constant 1.000000e+00 : f32
    %add3A_8 = vector.broadcast %add3A_7 : f32 to vector<2560xf32>
    %add3A_9 = arith.addf %add3A, %add3A_8 : vector<2560xf32>
    %rsqrt3A = math.rsqrt %add3A_9 : vector<2560xf32>
    %reshape3A = vector.shape_cast %rsqrt3A : vector<2560xf32> to vector<2560x1xf32>
    %get3A_10 = arith.constant 0 : index
    %get3A_11 = arith.constant 0 : index
    %get3A_12 = vector.load %arg1[%get3A_10, %get3A_11] : memref<2560x128xf32, #tpu.memory_space<vmem>>, vector<2560x128xf32>
    %mul3A = vector.broadcast %reshape3A : vector<2560x1xf32> to vector<2560x128xf32>
    %mul3A_13 = arith.mulf %get3A_12, %mul3A : vector<2560x128xf32>
    %swap3A = arith.constant 0 : index
    %swap3A_14 = arith.constant 0 : index
    %swap3A_15 = vector.load %arg3[%swap3A, %swap3A_14] : memref<2560x128xf32, #tpu.memory_space<vmem>>, vector<2560x128xf32>
    tpu.vector_store %arg3[%swap3A, %swap3A_14], %mul3A_13 {strides = array<i32>} : memref<2560x128xf32, #tpu.memory_space<vmem>>, vector<2560x128xf32>,
    %swap3A_16 = arith.constant 0 : index
    %swap3A_17 = arith.constant 0 : index
    %swap3A_18 = vector.load %arg4[%swap3A_16, %swap3A_17] : memref<2560x1xf32, #tpu.memory_space<vmem>>, vector<2560x1xf32>
    tpu.vector_store %arg4[%swap3A_16, %swap3A_17], %reshape3A {strides = array<i32>} : memref<2560x1xf32, #tpu.memory_space<vmem>>, vector<2560x1xf32>,
    return
  }
  func.func @transform_0(%arg0: i32) -> (i32, i32) {
    %c0_i32 = arith.constant 0 : i32
    %c0_i32_0 = arith.constant 0 : i32
    return %arg0, %c0_i32 : i32, i32
  }
  func.func @transform_1(%arg0: i32) -> (i32, i32) {
    %c0_i32 = arith.constant 0 : i32
    %c0_i32_0 = arith.constant 0 : i32
    return %c0_i32, %arg0 : i32, i32
  }
  func.func @transform_2(%arg0: i32) -> (i32, i32) {
    %c0_i32 = arith.constant 0 : i32
    %c0_i32_0 = arith.constant 0 : i32
    return %arg0, %c0_i32 : i32, i32
  }
  func.func @transform_3(%arg0: i32) -> (i32, i32) {
    %c0_i32 = arith.constant 0 : i32
    %c0_i32_0 = arith.constant 0 : i32
    return %arg0, %c0_i32 : i32, i32
  }
}

module attributes {stable_mosaic.version = 14 : i64} {
  func.func @body(%arg0: i32, %arg1: memref<2x2560x128xf32, #tpu.memory_space<vmem>>, %arg2: memref<2560x128xf32, #tpu.memory_space<vmem>>, %arg3: memref<2560x1xf32, #tpu.memory_space<vmem>>, %arg4: memref<1x128xf32, #tpu.memory_space<vmem>>, %arg5: memref<128x64xf32, #tpu.memory_space<vmem>>, %arg6: memref<2560x64xf32, #tpu.memory_space<vmem>>) attributes {dimension_semantics = [#tpu.dimension_semantics<arbitrary>], iteration_bounds = array<i64: 4>, scalar_prefetch = 0 : i64, scratch_operands = 0 : i64, tpu.core_type = #tpu.core_type<tc>, window_params = [{transform_indices = @transform_0, window_bounds = array<i64: 2, 2560, 128>}, {transform_indices = @transform_1, window_bounds = array<i64: 2560, 128>}, {transform_indices = @transform_2, window_bounds = array<i64: 2560, 1>}, {pipeline_mode = #tpu.pipeline_mode<synchronous>, transform_indices = @transform_3, window_bounds = array<i64: 1, 128>}, {pipeline_mode = #tpu.pipeline_mode<synchronous>, transform_indices = @transform_4, window_bounds = array<i64: 128, 64>}, {transform_indices = @transform_5, window_bounds = array<i64: 2560, 64>}]} {
    %get3A = arith.constant 0 : index
    %get3A_0 = arith.constant 0 : index
    %get3A_1 = vector.load %arg3[%get3A, %get3A_0] : memref<2560x1xf32, #tpu.memory_space<vmem>>, vector<2560x1xf32>
    %get3A_2 = arith.constant 0 : index
    %get3A_3 = arith.constant 0 : index
    %get3A_4 = arith.constant 0 : index
    %get3A_5 = vector.load %arg1[%get3A_2, %get3A_3, %get3A_4] : memref<2x2560x128xf32, #tpu.memory_space<vmem>>, vector<1x2560x128xf32>
    %get3A_6 = vector.shape_cast %get3A_5 : vector<1x2560x128xf32> to vector<2560x128xf32>
    %get3A_7 = arith.constant 1 : index
    %get3A_8 = arith.constant 0 : index
    %get3A_9 = arith.constant 0 : index
    %get3A_10 = vector.load %arg1[%get3A_7, %get3A_8, %get3A_9] : memref<2x2560x128xf32, #tpu.memory_space<vmem>>, vector<1x2560x128xf32>
    %get3A_11 = vector.shape_cast %get3A_10 : vector<1x2560x128xf32> to vector<2560x128xf32>
    %add3A = arith.addf %get3A_6, %get3A_11 : vector<2560x128xf32>
    %get3A_12 = arith.constant 0 : index
    %get3A_13 = arith.constant 0 : index
    %get3A_14 = vector.load %arg2[%get3A_12, %get3A_13] : memref<2560x128xf32, #tpu.memory_space<vmem>>, vector<2560x128xf32>
    %add3A_15 = arith.addf %add3A, %get3A_14 : vector<2560x128xf32>
    %mul3A = vector.broadcast %get3A_1 : vector<2560x1xf32> to vector<2560x128xf32>
    %mul3A_16 = arith.mulf %mul3A, %add3A_15 : vector<2560x128xf32>
    %get3A_17 = arith.constant 0 : index
    %get3A_18 = arith.constant 0 : index
    %get3A_19 = vector.load %arg4[%get3A_17, %get3A_18] : memref<1x128xf32, #tpu.memory_space<vmem>>, vector<1x128xf32>
    %add3A_20 = vector.broadcast %get3A_19 : vector<1x128xf32> to vector<2560x128xf32>
    %add3A_21 = arith.addf %mul3A_16, %add3A_20 : vector<2560x128xf32>
    %max3A = arith.constant 0.000000e+00 : f32
    %max3A_22 = vector.broadcast %max3A : f32 to vector<2560x128xf32>
    %max3A_23 = arith.maximumf %add3A_21, %max3A_22 : vector<2560x128xf32>
    %get3A_24 = arith.constant 0 : index
    %get3A_25 = arith.constant 0 : index
    %get3A_26 = vector.load %arg5[%get3A_24, %get3A_25] : memref<128x64xf32, #tpu.memory_space<vmem>>, vector<128x64xf32>
    %dot_general3A = arith.constant dense<0.000000e+00> : vector<2560x64xf32>
    %dot_general3A_27 = tpu.matmul %max3A_23, %get3A_26, %dot_general3A {dimension_numbers = #tpu.dot_dimension_numbers<[1], [0], [0], [1], [0, 0, 1, 1], [], []>, transpose_lhs_hint = false} : vector<2560x128xf32>, vector<128x64xf32>, vector<2560x64xf32> -> vector<2560x64xf32>
    %mul3A_28 = vector.broadcast %get3A_1 : vector<2560x1xf32> to vector<2560x64xf32>
    %mul3A_29 = arith.mulf %mul3A_28, %dot_general3A_27 : vector<2560x64xf32>
    %swap3A = arith.constant 0 : index
    %swap3A_30 = arith.constant 0 : index
    %swap3A_31 = vector.load %arg6[%swap3A, %swap3A_30] : memref<2560x64xf32, #tpu.memory_space<vmem>>, vector<2560x64xf32>
    tpu.vector_store %arg6[%swap3A, %swap3A_30], %mul3A_29 {strides = array<i32>} : memref<2560x64xf32, #tpu.memory_space<vmem>>, vector<2560x64xf32>,
    return
  }
  func.func @transform_0(%arg0: i32) -> (i32, i32, i32) {
    %c0_i32 = arith.constant 0 : i32
    %c0_i32_0 = arith.constant 0 : i32
    %c0_i32_1 = arith.constant 0 : i32
    return %c0_i32, %arg0, %c0_i32_0 : i32, i32, i32
  }
  func.func @transform_1(%arg0: i32) -> (i32, i32) {
    %c0_i32 = arith.constant 0 : i32
    %c0_i32_0 = arith.constant 0 : i32
    return %arg0, %c0_i32 : i32, i32
  }
  func.func @transform_2(%arg0: i32) -> (i32, i32) {
    %c0_i32 = arith.constant 0 : i32
    %c0_i32_0 = arith.constant 0 : i32
    return %arg0, %c0_i32 : i32, i32
  }
  func.func @transform_3(%arg0: i32) -> (i32, i32) {
    %c0_i32 = arith.constant 0 : i32
    %c0_i32_0 = arith.constant 0 : i32
    %c0_i32_1 = arith.constant 0 : i32
    return %c0_i32, %c0_i32_0 : i32, i32
  }
  func.func @transform_4(%arg0: i32) -> (i32, i32) {
    %c0_i32 = arith.constant 0 : i32
    %c0_i32_0 = arith.constant 0 : i32
    %c0_i32_1 = arith.constant 0 : i32
    return %c0_i32, %c0_i32_0 : i32, i32
  }
  func.func @transform_5(%arg0: i32) -> (i32, i32) {
    %c0_i32 = arith.constant 0 : i32
    %c0_i32_0 = arith.constant 0 : i32
    return %arg0, %c0_i32 : i32, i32
  }
}

module attributes {stable_mosaic.version = 14 : i64} {
  func.func @body(%arg0: i32, %arg1: memref<2x2560x128xf32, #tpu.memory_space<vmem>>, %arg2: memref<2560x64xf32, #tpu.memory_space<vmem>>, %arg3: memref<2560x1xf32, #tpu.memory_space<vmem>>, %arg4: memref<1x64xf32, #tpu.memory_space<vmem>>, %arg5: memref<1x1x2560xi32, #tpu.memory_space<vmem>>, %arg6: memref<64x10xf32, #tpu.memory_space<vmem>>, %arg7: memref<1x10xf32, #tpu.memory_space<vmem>>, %arg8: memref<64x10xf32, #tpu.memory_space<vmem>>, %arg9: memref<64x64xf32, #tpu.memory_space<vmem>>, %arg10: memref<64x1xf32, #tpu.memory_space<vmem>>) attributes {dimension_semantics = [#tpu.dimension_semantics<arbitrary>], iteration_bounds = array<i64: 4>, scalar_prefetch = 0 : i64, scratch_operands = 2 : i64, tpu.core_type = #tpu.core_type<tc>, window_params = [{transform_indices = @transform_0, window_bounds = array<i64: 2, 2560, 128>}, {transform_indices = @transform_1, window_bounds = array<i64: 2560, 64>}, {transform_indices = @transform_2, window_bounds = array<i64: 2560, 1>}, {pipeline_mode = #tpu.pipeline_mode<synchronous>, transform_indices = @transform_3, window_bounds = array<i64: 1, 64>}, {transform_indices = @transform_4, window_bounds = array<i64: 1, 1, 2560>}, {pipeline_mode = #tpu.pipeline_mode<synchronous>, transform_indices = @transform_5, window_bounds = array<i64: 64, 10>}, {pipeline_mode = #tpu.pipeline_mode<synchronous>, transform_indices = @transform_6, window_bounds = array<i64: 1, 10>}, {pipeline_mode = #tpu.pipeline_mode<synchronous>, transform_indices = @transform_7, window_bounds = array<i64: 64, 10>}]} {
    %eq3A = arith.constant 0 : i32
    %eq3A_0 = arith.cmpi eq, %arg0, %eq3A : i32
    %convert_element_type3A = arith.extui %eq3A_0 : i1 to i32
    %cond3A = arith.constant 0 : i32
    %cond3A_1 = arith.cmpi ne, %convert_element_type3A, %cond3A : i32
    scf.if %cond3A_1 {
      %broadcast_in_dim3A_60 = arith.constant 0.000000e+00 : f32
      %broadcast_in_dim3A_61 = vector.broadcast %broadcast_in_dim3A_60 : f32 to vector<64x64xf32>
      %swap3A_62 = arith.constant 0 : index
      %swap3A_63 = arith.constant 0 : index
      %swap3A_64 = vector.load %arg9[%swap3A_62, %swap3A_63] : memref<64x64xf32, #tpu.memory_space<vmem>>, vector<64x64xf32>
      tpu.vector_store %arg9[%swap3A_62, %swap3A_63], %broadcast_in_dim3A_61 {strides = array<i32>} : memref<64x64xf32, #tpu.memory_space<vmem>>, vector<64x64xf32>,
      %broadcast_in_dim3A_65 = arith.constant 0.000000e+00 : f32
      %broadcast_in_dim3A_66 = vector.broadcast %broadcast_in_dim3A_65 : f32 to vector<64x1xf32>
      %swap3A_67 = arith.constant 0 : index
      %swap3A_68 = arith.constant 0 : index
      %swap3A_69 = vector.load %arg10[%swap3A_67, %swap3A_68] : memref<64x1xf32, #tpu.memory_space<vmem>>, vector<64x1xf32>
      tpu.vector_store %arg10[%swap3A_67, %swap3A_68], %broadcast_in_dim3A_66 {strides = array<i32>} : memref<64x1xf32, #tpu.memory_space<vmem>>, vector<64x1xf32>,
    } else {
    }
    %get3A = arith.constant 0 : index
    %get3A_2 = arith.constant 0 : index
    %get3A_3 = vector.load %arg3[%get3A, %get3A_2] : memref<2560x1xf32, #tpu.memory_space<vmem>>, vector<2560x1xf32>
    %get3A_4 = arith.constant 0 : index
    %get3A_5 = arith.constant 0 : index
    %get3A_6 = arith.constant 0 : index
    %get3A_7 = vector.load %arg1[%get3A_4, %get3A_5, %get3A_6] : memref<2x2560x128xf32, #tpu.memory_space<vmem>>, vector<2x2560x128xf32>
    %slice3A = vector.extract_strided_slice %get3A_7 {offsets = [0, 0, 0], sizes = [1, 2560, 64], strides = [1, 1, 1]} : vector<2x2560x128xf32> to vector<1x2560x64xf32>
    %squeeze3A = vector.shape_cast %slice3A : vector<1x2560x64xf32> to vector<2560x64xf32>
    %slice3A_8 = vector.extract_strided_slice %get3A_7 {offsets = [1, 0, 0], sizes = [1, 2560, 64], strides = [1, 1, 1]} : vector<2x2560x128xf32> to vector<1x2560x64xf32>
    %squeeze3A_9 = vector.shape_cast %slice3A_8 : vector<1x2560x64xf32> to vector<2560x64xf32>
    %add3A = arith.addf %squeeze3A, %squeeze3A_9 : vector<2560x64xf32>
    %get3A_10 = arith.constant 0 : index
    %get3A_11 = arith.constant 0 : index
    %get3A_12 = vector.load %arg2[%get3A_10, %get3A_11] : memref<2560x64xf32, #tpu.memory_space<vmem>>, vector<2560x64xf32>
    %add3A_13 = arith.addf %add3A, %get3A_12 : vector<2560x64xf32>
    %mul3A = vector.broadcast %get3A_3 : vector<2560x1xf32> to vector<2560x64xf32>
    %mul3A_14 = arith.mulf %mul3A, %add3A_13 : vector<2560x64xf32>
    %get3A_15 = arith.constant 0 : index
    %get3A_16 = arith.constant 0 : index
    %get3A_17 = vector.load %arg4[%get3A_15, %get3A_16] : memref<1x64xf32, #tpu.memory_space<vmem>>, vector<1x64xf32>
    %add3A_18 = vector.broadcast %get3A_17 : vector<1x64xf32> to vector<2560x64xf32>
    %add3A_19 = arith.addf %mul3A_14, %add3A_18 : vector<2560x64xf32>
    %max3A = arith.constant 0.000000e+00 : f32
    %max3A_20 = vector.broadcast %max3A : f32 to vector<2560x64xf32>
    %max3A_21 = arith.maximumf %add3A_19, %max3A_20 : vector<2560x64xf32>
    %get3A_22 = arith.constant 0 : index
    %get3A_23 = arith.constant 0 : index
    %get3A_24 = arith.constant 0 : index
    %get3A_25 = vector.load %arg5[%get3A_22, %get3A_23, %get3A_24] : memref<1x1x2560xi32, #tpu.memory_space<vmem>>, vector<1x1x2560xi32>
    %get3A_26 = vector.shape_cast %get3A_25 : vector<1x1x2560xi32> to vector<1x2560xi32>
    %iota3A = tpu.iota {dimensions = array<i32: 0>} : vector<64x2560xi32>
    %iota3A_27 = tpu.iota {dimensions = array<i32: 1>} : vector<64x2560xi32>
    %mul3A_28 = arith.constant 2560 : i32
    %mul3A_29 = arith.muli %arg0, %mul3A_28 : i32
    %add3A_30 = vector.broadcast %mul3A_29 : i32 to vector<64x2560xi32>
    %add3A_31 = arith.addi %iota3A_27, %add3A_30 : vector<64x2560xi32>
    %eq3A_32 = vector.broadcast %get3A_26 : vector<1x2560xi32> to vector<64x2560xi32>
    %eq3A_33 = arith.cmpi eq, %eq3A_32, %iota3A : vector<64x2560xi32>
    %lt3A = arith.constant 10000 : i32
    %lt3A_34 = vector.broadcast %lt3A : i32 to vector<64x2560xi32>
    %lt3A_35 = arith.cmpi slt, %add3A_31, %lt3A_34 : vector<64x2560xi32>
    %and3A = arith.andi %eq3A_33, %lt3A_35 : vector<64x2560xi1>
    %convert_element_type3A_36 = arith.extui %and3A : vector<64x2560xi1> to vector<64x2560xi32>
    %convert_element_type3A_37 = arith.sitofp %convert_element_type3A_36 : vector<64x2560xi32> to vector<64x2560xf32>
    %get3A_38 = arith.constant 0 : index
    %get3A_39 = arith.constant 0 : index
    %get3A_40 = vector.load %arg9[%get3A_38, %get3A_39] : memref<64x64xf32, #tpu.memory_space<vmem>>, vector<64x64xf32>
    %dot_general3A = arith.constant dense<0.000000e+00> : vector<64x64xf32>
    %dot_general3A_41 = tpu.matmul %convert_element_type3A_37, %max3A_21, %dot_general3A {dimension_numbers = #tpu.dot_dimension_numbers<[1], [0], [0], [1], [0, 0, 1, 1], [], []>, precision = #tpu.contract_precision<fp32>, transpose_lhs_hint = false} : vector<64x2560xf32>, vector<2560x64xf32>, vector<64x64xf32> -> vector<64x64xf32>
    %add3A_42 = arith.addf %get3A_40, %dot_general3A_41 : vector<64x64xf32>
    %swap3A = arith.constant 0 : index
    %swap3A_43 = arith.constant 0 : index
    %swap3A_44 = vector.load %arg9[%swap3A, %swap3A_43] : memref<64x64xf32, #tpu.memory_space<vmem>>, vector<64x64xf32>
    tpu.vector_store %arg9[%swap3A, %swap3A_43], %add3A_42 {strides = array<i32>} : memref<64x64xf32, #tpu.memory_space<vmem>>, vector<64x64xf32>,
    %get3A_45 = arith.constant 0 : index
    %get3A_46 = arith.constant 0 : index
    %get3A_47 = vector.load %arg10[%get3A_45, %get3A_46] : memref<64x1xf32, #tpu.memory_space<vmem>>, vector<64x1xf32>
    %broadcast_in_dim3A = arith.constant 1.000000e+00 : f32
    %broadcast_in_dim3A_48 = vector.broadcast %broadcast_in_dim3A : f32 to vector<2560x1xf32>
    %dot_general3A_49 = arith.constant dense<0.000000e+00> : vector<64x1xf32>
    %dot_general3A_50 = tpu.matmul %convert_element_type3A_37, %broadcast_in_dim3A_48, %dot_general3A_49 {dimension_numbers = #tpu.dot_dimension_numbers<[1], [0], [0], [1], [0, 0, 1, 1], [], []>, precision = #tpu.contract_precision<fp32>, transpose_lhs_hint = false} : vector<64x2560xf32>, vector<2560x1xf32>, vector<64x1xf32> -> vector<64x1xf32>
    %add3A_51 = arith.addf %get3A_47, %dot_general3A_50 : vector<64x1xf32>
    %swap3A_52 = arith.constant 0 : index
    %swap3A_53 = arith.constant 0 : index
    %swap3A_54 = vector.load %arg10[%swap3A_52, %swap3A_53] : memref<64x1xf32, #tpu.memory_space<vmem>>, vector<64x1xf32>
    tpu.vector_store %arg10[%swap3A_52, %swap3A_53], %add3A_51 {strides = array<i32>} : memref<64x1xf32, #tpu.memory_space<vmem>>, vector<64x1xf32>,
    %eq3A_55 = arith.constant 3 : i32
    %eq3A_56 = arith.cmpi eq, %arg0, %eq3A_55 : i32
    %convert_element_type3A_57 = arith.extui %eq3A_56 : i1 to i32
    %cond3A_58 = arith.constant 0 : i32
    %cond3A_59 = arith.cmpi ne, %convert_element_type3A_57, %cond3A_58 : i32
    scf.if %cond3A_59 {
      %get3A_60 = arith.constant 0 : index
      %get3A_61 = arith.constant 0 : index
      %get3A_62 = vector.load %arg9[%get3A_60, %get3A_61] : memref<64x64xf32, #tpu.memory_space<vmem>>, vector<64x64xf32>
      %get3A_63 = arith.constant 0 : index
      %get3A_64 = arith.constant 0 : index
      %get3A_65 = vector.load %arg10[%get3A_63, %get3A_64] : memref<64x1xf32, #tpu.memory_space<vmem>>, vector<64x1xf32>
      %max3A_66 = arith.constant 1.000000e+00 : f32
      %max3A_67 = vector.broadcast %max3A_66 : f32 to vector<64x1xf32>
      %max3A_68 = arith.maximumf %get3A_65, %max3A_67 : vector<64x1xf32>
      %div3A = vector.broadcast %max3A_68 : vector<64x1xf32> to vector<64x64xf32>
      %div3A_69 = arith.divf %get3A_62, %div3A : vector<64x64xf32>
      %get3A_70 = arith.constant 0 : index
      %get3A_71 = arith.constant 0 : index
      %get3A_72 = vector.load %arg6[%get3A_70, %get3A_71] : memref<64x10xf32, #tpu.memory_space<vmem>>, vector<64x10xf32>
      %dot_general3A_73 = arith.constant dense<0.000000e+00> : vector<64x10xf32>
      %dot_general3A_74 = tpu.matmul %div3A_69, %get3A_72, %dot_general3A_73 {dimension_numbers = #tpu.dot_dimension_numbers<[1], [0], [0], [1], [0, 0, 1, 1], [], []>, precision = #tpu.contract_precision<fp32>, transpose_lhs_hint = false} : vector<64x64xf32>, vector<64x10xf32>, vector<64x10xf32> -> vector<64x10xf32>
      %get3A_75 = arith.constant 0 : index
      %get3A_76 = arith.constant 0 : index
      %get3A_77 = vector.load %arg7[%get3A_75, %get3A_76] : memref<1x10xf32, #tpu.memory_space<vmem>>, vector<1x10xf32>
      %add3A_78 = vector.broadcast %get3A_77 : vector<1x10xf32> to vector<64x10xf32>
      %add3A_79 = arith.addf %dot_general3A_74, %add3A_78 : vector<64x10xf32>
      %reduce_max3A = arith.constant dense<0xFF800000> : vector<64xf32>
      %reduce_max3A_80 = vector.multi_reduction <maximumf>, %add3A_79, %reduce_max3A [1] : vector<64x10xf32> to vector<64xf32>
      %broadcast_in_dim3A_81 = vector.shape_cast %reduce_max3A_80 : vector<64xf32> to vector<64x1xf32>
      %sub3A = vector.broadcast %broadcast_in_dim3A_81 : vector<64x1xf32> to vector<64x10xf32>
      %sub3A_82 = arith.subf %add3A_79, %sub3A : vector<64x10xf32>
      %exp3A = math.exp %sub3A_82 : vector<64x10xf32>
      %reduce_sum3A = arith.constant dense<0.000000e+00> : vector<64xf32>
      %reduce_sum3A_83 = vector.multi_reduction <add>, %exp3A, %reduce_sum3A [1] : vector<64x10xf32> to vector<64xf32>
      %broadcast_in_dim3A_84 = vector.shape_cast %reduce_sum3A_83 : vector<64xf32> to vector<64x1xf32>
      %div3A_85 = vector.broadcast %broadcast_in_dim3A_84 : vector<64x1xf32> to vector<64x10xf32>
      %div3A_86 = arith.divf %exp3A, %div3A_85 : vector<64x10xf32>
      %swap3A_87 = arith.constant 0 : index
      %swap3A_88 = arith.constant 0 : index
      %swap3A_89 = vector.load %arg8[%swap3A_87, %swap3A_88] : memref<64x10xf32, #tpu.memory_space<vmem>>, vector<64x10xf32>
      tpu.vector_store %arg8[%swap3A_87, %swap3A_88], %div3A_86 {strides = array<i32>} : memref<64x10xf32, #tpu.memory_space<vmem>>, vector<64x10xf32>,
    } else {
    }
    return
  }
  func.func @transform_0(%arg0: i32) -> (i32, i32, i32) {
    %c0_i32 = arith.constant 0 : i32
    %c0_i32_0 = arith.constant 0 : i32
    %c0_i32_1 = arith.constant 0 : i32
    return %c0_i32, %arg0, %c0_i32_0 : i32, i32, i32
  }
  func.func @transform_1(%arg0: i32) -> (i32, i32) {
    %c0_i32 = arith.constant 0 : i32
    %c0_i32_0 = arith.constant 0 : i32
    return %arg0, %c0_i32 : i32, i32
  }
  func.func @transform_2(%arg0: i32) -> (i32, i32) {
    %c0_i32 = arith.constant 0 : i32
    %c0_i32_0 = arith.constant 0 : i32
    return %arg0, %c0_i32 : i32, i32
  }
  func.func @transform_3(%arg0: i32) -> (i32, i32) {
    %c0_i32 = arith.constant 0 : i32
    %c0_i32_0 = arith.constant 0 : i32
    %c0_i32_1 = arith.constant 0 : i32
    return %c0_i32, %c0_i32_0 : i32, i32
  }
  func.func @transform_4(%arg0: i32) -> (i32, i32, i32) {
    %c0_i32 = arith.constant 0 : i32
    %c0_i32_0 = arith.constant 0 : i32
    %c0_i32_1 = arith.constant 0 : i32
    return %c0_i32, %c0_i32_0, %arg0 : i32, i32, i32
  }
  func.func @transform_5(%arg0: i32) -> (i32, i32) {
    %c0_i32 = arith.constant 0 : i32
    %c0_i32_0 = arith.constant 0 : i32
    %c0_i32_1 = arith.constant 0 : i32
    return %c0_i32, %c0_i32_0 : i32, i32
  }
  func.func @transform_6(%arg0: i32) -> (i32, i32) {
    %c0_i32 = arith.constant 0 : i32
    %c0_i32_0 = arith.constant 0 : i32
    %c0_i32_1 = arith.constant 0 : i32
    return %c0_i32, %c0_i32_0 : i32, i32
  }
  func.func @transform_7(%arg0: i32) -> (i32, i32) {
    %c0_i32 = arith.constant 0 : i32
    %c0_i32_0 = arith.constant 0 : i32
    %c0_i32_1 = arith.constant 0 : i32
    return %c0_i32, %c0_i32_0 : i32, i32
  }
}

</mosaic_0001>

<sc_bundles>
// kernel: kernel.12.cloned.1.call-start
scs
__scs_entry_jumppad:
0x0: {  	(pc) =	sbr.rel $0x88, $3  }
0x1: {  	(tag) =	ssettag $0x0;
	lr =	simm.s32 $0x1  }
0x2: {  	[smem:$0x3F98] =	sst lr;
	_ =	strace $0xD0000000  }
0x3: {  	_ = 	snop  }
0x4: {  	_ = 	snop  }
0x5: {  	_ = 	snop  }
0x6: {  	_ = 	snop  }
0x7: {  	_ = 	snop  }
__scs_overlays_trampoline_lowered:
0x8: {  	[smem:$0x3FA7] =	sst s0  }
0x9: {  	[smem:$0x3FA8] =	sst s1  }
0xa: {  	[smem:$0x3FA9] =	sst s2  }
0xb: {  	[smem:$0x3FAA] =	sst s3  }
0xc: {  	[smem:$0x3FAB] =	sst s4  }
0xd: {  	[smem:$0x3FAC] =	sst s5  }
0xe: {  	[smem:$0x3FAD] =	sst s6  }
0xf: {  	[smem:$0x3FAE] =	sst s7  }
0x10: {  	[smem:$0x3FAF] =	sst s8  }
0x11: {  	[smem:$0x3FB0] =	sst s9;
	s0 =	simm.s32 @!p0 $0x0  }
0x12: {  	s1 =	sld [smem:$0x3F96];
	s0 =	simm.s32 @p0 $0x1  }
0x13: {  	[smem:$0x3FB1] =	sst s0;
	s0 =	simm.s32 @!p1 $0x0  }
0x14: {  	s2 =	sld [smem:$0x3F95];
	s0 =	simm.s32 @p1 $0x1  }
0x15: {  	[smem:$0x3FB2] =	sst s0;
	s0 =	simm.s32 @!p2 $0x0  }
0x16: {  	s3 =	sld [smem:$0x3FDB];
	s0 =	simm.s32 @p2 $0x1  }
0x17: {  	s4 =	simm.s32 $0x1BF5;
	[smem:$0x3FB4] =	sst s0  }
0x18: {  	s0 =	sld [smem:$0x3F97];
	_ =	swait.ge [sflag:s4], $0x0  }
0x19: {  	s7 =	sld [smem:$0x3F98]  }
0x1a: {  	s8 =	sadd.s32 $0xFFFFE003, lr  }
0x1b: {  	s9 =	sadd.s32 $0xFFFFFEF7, lr;
	s5 =	simm.s32 $0xFFFFFFFF;
	p2 =	slt.u32 s8, $0xFFFFF086  }
0x1c: {  	p1 =	slt.u32 s9, $0xF7A;
	s5 =	simm.s32 @!p2 $0x0  }
0x1d: {  	s5 =	simm.s32 @p1 $0x1;
	p0 =	seq.s32 s7, s2  }
0x1e: {  	s7 =	smul.u32 @!p0 $0xF7A, s2;
	p2 =	seq.s32 @!p0 s5, $0x0  }
0x1f: {  	s9 =	smul.u32 $0xF7A, s1;
	s8 =	simm.s32 @!p0 $0x1BF5;
	p2 =	por !p2, p0  }
0x20: {  	[sflag:s8] =	ssyncset.s32 @!p0 $0xFFFFF086;
	s6 =	sadd.s32 @!p0 s3, s7;
	s7 =	simm.s32 @!p0 $0x108  }
0x21: {  	s3 =	sadd.s32 s3, s9;
	s6 =	sadd.s32 @!p0 $0x88, s6;
	s7 =	simm.s32 @p2 $0x1082  }
0x22: {  	[simem:s7], [sflag:s8] =	dma.local @!p0 [hbm:s6], $0xF7A  }
0x23: {  	s9 =	sor.u32 $0xD0000000, s2;
	s6 =	simm.s32 $0x108;
	_ =	swait.ge @!p0 [sflag:s8], $0x0  }
0x24: {  	s3 =	sadd.s32 $0x88, s3;
	s6 =	simm.s32 @!p1 $0x1082;
	[sflag:s4] =	ssyncset.s32 $0xFFFFF086  }
0x25: {  	[simem:s6], [sflag:s4] =	dma.local [hbm:s3], $0xF7A  }
0x26: {  	[smem:$0x3F98] =	sst s1;
	(tag) =	ssettag s2;
	_ =	strace s9  }
0x27: {  	s1 =	sld [smem:$0x3FA8]  }
0x28: {  	s2 =	sld [smem:$0x3FA9]  }
0x29: {  	s4 =	sld [smem:$0x3FAB]  }
0x2a: {  	p0 =	seq.s32 s5, $0x0;
	s5 =	sld [smem:$0x3FAC]  }
0x2b: {  	s6 =	sld [smem:$0x3FAD]  }
0x2c: {  	s7 =	sld [smem:$0x3FAE]  }
0x2d: {  	s3 =	simm.s32 $0x108;
	s8 =	sld [smem:$0x3FAF]  }
0x2e: {  	s3 =	simm.s32 @!p0 $0x1082;
	s9 =	sld [smem:$0x3FB0]  }
0x2f: {  	lr =	sadd.s32 s0, s3;
	s0 =	sld [smem:$0x3FA7]  }
0x30: {  	s3 =	sld [smem:$0x3FAA]  }
0x31: {  	[smem:$0x3FB3] =	sst s10  }
0x32: {  	s10 =	sld [smem:$0x3FB1];
	_ =	sdelay $0x3  }
0x33: {  	p0 =	seq.s32 s10, $0x1;
	s10 =	sld [smem:$0x3FB3];
	_ =	sdelay $0x3  }
0x34: {  	[smem:$0x3FB3] =	sst s10  }
0x35: {  	s10 =	sld [smem:$0x3FB2];
	_ =	sdelay $0x3  }
0x36: {  	p1 =	seq.s32 s10, $0x1;
	s10 =	sld [smem:$0x3FB3];
	_ =	sdelay $0x3  }
0x37: {  	[smem:$0x3FB3] =	sst s10  }
0x38: {  	s10 =	sld [smem:$0x3FB4]  }
0x39: {  	_ = 	snop;
	(pc) =	sbr.ind lr, $3  }
0x3a: {  	_ = 	snop  }
0x3b: {  	_ = 	snop  }
0x3c: {  	p2 =	seq.s32 s10, $0x1;
	s10 =	sld [smem:$0x3FB3]  }
0x3d: {  	_ =	shalt  }
0x3e: {  	_ =	shalt  }
0x3f: {  	_ =	shalt  }
0x40: {  	_ =	shalt  }
0x41: {  	_ =	shalt  }
0x42: {  	_ =	shalt  }
0x43: {  	_ =	shalt  }
0x44: {  	_ =	shalt  }
0x45: {  	_ =	shalt  }
0x46: {  	_ =	shalt  }
0x47: {  	_ =	shalt  }
0x48: {  	_ =	shalt  }
0x49: {  	_ =	shalt  }
0x4a: {  	_ =	shalt  }
0x4b: {  	_ =	shalt  }
0x4c: {  	_ =	shalt  }
0x4d: {  	_ =	shalt  }
0x4e: {  	_ =	shalt  }
0x4f: {  	_ =	shalt  }
0x50: {  	_ =	shalt  }
0x51: {  	_ =	shalt  }
0x52: {  	_ =	shalt  }
0x53: {  	_ =	shalt  }
0x54: {  	_ =	shalt  }
0x55: {  	_ =	shalt  }
0x56: {  	_ =	shalt  }
0x57: {  	_ =	shalt  }
0x58: {  	_ =	shalt  }
0x59: {  	_ =	shalt  }
0x5a: {  	_ =	shalt  }
0x5b: {  	_ =	shalt  }
0x5c: {  	_ =	shalt  }
0x5d: {  	_ =	shalt  }
0x5e: {  	_ =	shalt  }
0x5f: {  	_ =	shalt  }
0x60: {  	_ =	shalt  }
0x61: {  	_ =	shalt  }
0x62: {  	_ =	shalt  }
0x63: {  	_ =	shalt  }
0x64: {  	_ =	shalt  }
0x65: {  	_ =	shalt  }
0x66: {  	_ =	shalt  }
0x67: {  	_ =	shalt  }
0x68: {  	_ =	shalt  }
0x69: {  	_ =	shalt  }
0x6a: {  	_ =	shalt  }
0x6b: {  	_ =	shalt  }
0x6c: {  	_ =	shalt  }
0x6d: {  	_ =	shalt  }
0x6e: {  	_ =	shalt  }
0x6f: {  	_ =	shalt  }
0x70: {  	_ =	shalt  }
0x71: {  	_ =	shalt  }
0x72: {  	_ =	shalt  }
0x73: {  	_ =	shalt  }
0x74: {  	_ =	shalt  }
0x75: {  	_ =	shalt  }
0x76: {  	_ =	shalt  }
0x77: {  	_ =	shalt  }
0x78: {  	_ =	shalt  }
0x79: {  	_ =	shalt  }
0x7a: {  	_ =	shalt  }
0x7b: {  	_ =	shalt  }
0x7c: {  	_ =	shalt  }
0x7d: {  	_ =	shalt  }
0x7e: {  	_ =	shalt  }
0x7f: {  	_ =	shalt  }
0x80: {  	_ =	shalt  }
0x81: {  	_ =	shalt  }
0x82: {  	_ =	shalt  }
0x83: {  	_ =	shalt  }
0x84: {  	_ =	shalt  }
0x85: {  	_ =	shalt  }
0x86: {  	_ =	shalt  }
0x87: {  	_ =	shalt  }
.Lfunc_end0:
.L_simem_size_0:
called_computation.1_lowered:
.L_overlay_start_0:
0x88: {  	s2 =	sld [smem:$0x3FD9]  }
0x89: {  	s3 =	sld [smem:$0x3FFE];
	_ =	sdelay $0x1  }
0x8a: {  	s1 =	srdreg.scid  }
0x8b: {  	s0 =	sand.u32 $0x1, s1  }
0x8c: {  	s17 =	sshll.u32 s0, $0xA;
	s2 =	sadd.s32 s3, s2  }
0x8d: {  	s2 =	sadd.s32 s2, s17  }
0x8e: {  	[smem:$0x3FBF] =	sst s2  }
0x8f: {  	_ = 	snop  }
0x90: {  	s2 =	sld [smem:$0x3FC8];
	(tm) =	ssettm $0x1  }
0x91: {  	s18 =	sld [smem:$0x3FFB];
	_ =	sdelay $0x3  }
0x92: {  	_ =	strace s18  }
0x93: {  	s3 =	sld [smem:$0x3FFC];
	_ =	sdelay $0x3  }
0x94: {  	_ =	strace s3  }
0x95: {  	s3 =	sld [smem:$0x3FFD];
	_ =	sdelay $0x3  }
0x96: {  	_ =	strace s3  }
0x97: {  	_ =	strace $0x8FFFFFFF  }
0x98: {  	s19 =	sld [smem:$0x3FDB];
	_ =	sdelay $0x1  }
0x99: {  	s4 =	simm.s32 $_scs_section_size  }
0x9a: {  	s5 =	simm.s32 $_size__tile_overlayer_lowered;
	s6 =	simm.s32 $_tile_overlayer_lowered  }
0x9b: {  	s22 =	simm.s32 $0x1BFF;
	s21 =	sshll.u32 s6, $0x1;
	s3 =	sadd.s32 s4, s19  }
0x9c: {  	s7 =	simm.s32 $0x0;
	s20 =	sshll.u32 s5, $0x1;
	s5 =	sadd.s32 s21, s3  }
0x9d: {  	[timem:s7], [sflag:s22] =	dma.local [hbm:s5], s20  }
0x9e: {  	_ =	swait.ge [sflag:s22], s20  }
0x9f: {  	s4 =	ssub.s32 $0x0, s20;
	[sflag:s22] =	ssyncset.done $0x0  }
0xa0: {  	[sflag:s22] =	ssyncadd.s32 s4;
	_ =	sdelay $0x1  }
0xa1: {  	s23 =	simm.s32 $0x1B8B  }
0xa2: {  	_ =	swait.ge [sflag:s23], $0x1  }
0xa3: {  	[sflag:s23] =	ssyncset.done $0x0  }
0xa4: {  	s25 =	simm.s32 $0x1B8E;
	s24 =	sld [smem:$0x3FFE];
	[sflag:s23] =	ssyncadd.s32 $0xFFFFFFFF  }
0xa5: {  	s26 =	simm.s32 $execute0_lowered;
	[smem:$0x3FD2] =	sst s25  }
0xa6: {  	s5 =	sshll.u32 s26, $0x1;
	_ =	strace $0x80000049;
	[dreg:$0x1] =	wrdreg $0xFFFFFFFF  }
0xa7: {  	s28 =	simm.s32 $_size_execute0_lowered;
	s3 =	sadd.s32 s3, s5;
	[dreg:$0x0] =	wrdreg $0x0  }
0xa8: {  	s5 =	sshll.u32 s28, $0x1;
	[dreg:$0x2] =	wrdreg s3  }
0xa9: {  	[dreg:$0x3] =	wrdreg s5  }
0xaa: {  	[dreg:$0x4] =	wrdreg $0xC0  }
0xab: {  	_ =	task [dreg:s7], $0x5FFFF  }
0xac: {  	[dreg:$0x1] =	wrdreg $0xFFFFFFFF  }
0xad: {  	[dreg:$0x0] =	wrdreg $0x60  }
0xae: {  	[dreg:$0x2] =	wrdreg s24  }
0xaf: {  	[dreg:$0x3] =	wrdreg s2  }
0xb0: {  	[dreg:$0x4] =	wrdreg $0xBB800  }
0xb1: {  	[dreg:$0x5] =	wrdreg $0x9  }
0xb2: {  	_ =	task.clear_ibuf [dreg:s7], $0x6FFFF;
	_ =	strace $0x90000049  }
0xb3: {  	s29 =	simm.s32 $0x9;
	_ =	strace $0x8000004B  }
0xb4: {  	_ =	swait.ge [sflag:s29], $0x1  }
0xb5: {  	[sflag:s29] =	ssyncadd.s32 $0xFFFFFFFF  }
0xb6: {  	_ =	strace $0x9000004B  }
0xb7: {  	_ =	sfence  }
0xb8: {  	s30 =	sld [smem:$0x0];
	_ =	sdelay $0x2  }
0xb9: {  	s31 =	sshll.u32 s1, $0xD;
	s1 =	sshrl.u32 s1, $0x2  }
0xba: {  	s3 =	sand.u32 $0x4000, s31;
	s1 =	sadd.s32 s1, s30  }
0xbb: {  	s0 =	sor.u32 s3, s0;
	s1 =	sshll.u32 s1, $0x11  }
0xbc: {  	s0 =	sor.u32 s1, s0  }
0xbd: {  	s0 =	sadd.s32 $0x8F2B, s0  }
0xbe: {  	[sflag:s0] =	ssyncadd.remote.s32 $0x1  }
0xbf: {  	_ =	sfence.sel $0xFFFF  }
0xc0: {  	[dreg:$0x0] =	wrdreg $0xFFFFFFFF;
	(pc) =	sbr.abs _section_cstart, $3  }
0xc1: {  	[dreg:$0x1] =	wrdreg $0xFFFFFFFF  }
0xc2: {  	_ =	task.clear_ibuf [dreg:s7], $0x2FFFF;
	_ =	strace $0x9FFFFFFF  }
0xc3: {  	(tm) =	ssettm $0x7FFFFFFF  }
tec
execute0_lowered:
.L_overlay_start_1:
0x0: {  	(tag) =	ssettag $0x1  }
0x1: {  	s0 =	rddreg [dreg:$0x0]  }
0x2: {  	s2 =	rddreg [dreg:$0x1]  }
0x3: {  	s1 =	rddreg [dreg:$0x2];
	s3 =	simm.s32 $0x0  }
0x4: {  	s4 =	srdreg.scid;
	s19 =	stileid.u32;
	s28 =	simm.s32 $0x2780  }
0x5: {  	s29 =	simm.s32 $0x1;
	s30 =	simm.s32 $0x2;
	s31 =	simm.s32 $0x0  }
0x6: {  	[smem:$0x7FF] =	sst s3;
	s10 =	sand.u32 $0x1, s4;
	s5 =	sshll.u32 s19, $0x1  }
0x7: {  	s4 =	sadd.s32 $0x2400, s0;
	s0 =	sadd.s32 $0x2A400, s0;
	s12 =	smul.u32 $0x14000, s19  }
0x8: {  	p0 =	slt.u32 s19, $0x2;
	_ =	strace $0x8000004A;
	s6 =	ssub.s32 $0x2, s10  }
0x9: {  	s5 =	sor.u32 s10, s5;
	s10 =	smul.u32 $0x140000, s10;
	s7 =	sshrl.u32 s6, $0x1  }
0xa: {  	s8 =	smul.u32 $0x4E, s5;
	s5 =	smin.u32 s5, $0x4;
	s14 =	sadd.s32 $0x4000, s12  }
0xb: {  	s15 =	sadd.s32 $0x8000, s12;
	s16 =	sadd.s32 $0xC000, s12;
	s18 =	sadd.s32 $0x10000, s12  }
0xc: {  	s13 =	ssub.s32 s6, s7;
	s6 =	sadd.s32 s12, s1;
	s7 =	sadd.s32 s14, s1  }
0xd: {  	s9 =	sadd.s32 s16, s1;
	s14 =	sadd.s32 s10, s14;
	s23 =	sadd.s32 s10, s15  }
0xe: {  	s24 =	sadd.s32 s10, s16;
	s11 =	sadd.s32 s5, s8;
	s5 =	simm.s32 $0x4F  }
0xf: {  	s8 =	sadd.s32 s15, s1;
	s22 =	sshrl.u32 s14, $0x3;
	s14 =	sshrl.u32 s24, $0x3  }
0x10: {  	s24 =	simm.s32 $0x80;
	s5 =	simm.s32 @!p0 $0x4E;
	s25 =	sadd.s32 s0, s14  }
0x11: {  	s17 =	sadd.s32 s5, s11;
	s11 =	sshll.u32 s11, $0x5;
	[dreg:$0xb] =	wrdreg s25  }
0x12: {  	s25 =	simm.s32 $0x100;
	s17 =	sshll.u32 s17, $0x8;
	s20 =	sadd.s32 s2, s11  }
0x13: {  	s17 =	sadd.s32 $0xFFFFD880, s17;
	s21 =	sadd.s32 $0x9C0, s20;
	[dreg:$0x4] =	wrdreg s20  }
0x14: {  	s20 =	sadd.s32 $0x10, s20;
	[dreg:$0x5] =	wrdreg s21;
	s17 =	sshrl.u32 s17, $0x3  }
0x15: {  	[dreg:$0x6] =	wrdreg s20;
	s21 =	sadd.s32 s12, s10;
	s2 =	sadd.s32 s2, s17  }
0x16: {  	s11 =	sadd.s32 s18, s1;
	[dreg:$0x7] =	wrdreg s2;
	s2 =	sshrl.u32 s21, $0x3  }
0x17: {  	s12 =	simm.s32 $0x2800;
	s10 =	sadd.s32 s10, s18;
	s2 =	sadd.s32 s0, s2  }
0x18: {  	s12 =	simm.s32 @!p0 $0x2880;
	[dreg:$0x8] =	wrdreg s2;
	s2 =	sadd.s32 s0, s22  }
0x19: {  	s26 =	sshrl.u32 s10, $0x3;
	[dreg:$0x9] =	wrdreg s2;
	s2 =	sshrl.u32 s23, $0x3  }
0x1a: {  	p0 =	sgt.u32 s19, $0x1;
	s21 =	smax.u32 s13, $0x1;
	s2 =	sadd.s32 s0, s2  }
0x1b: {  	s22 =	simm.s32 $0x3B80;
	s0 =	sadd.s32 s0, s26;
	[dreg:$0xa] =	wrdreg s2  }
0x1c: {  	v0 =	vimm.f32 $0.0e+00;
	s23 =	simm.s32 $0x3;
	s26 =	simm.s32 $0x7B80;
	[dreg:$0xc] =	wrdreg s0  }
.LBB2_1:
0x1d: {  	s0 =	simm.s32 $0x0;
	s2 =	simm.s32 $0x200  }
.LBB2_2:
0x1e: {  	p1 =	sne.s32 s2, $0xFE00;
	[tilespmem:s0+$0x3BF0] =	vst v0  }
0x1f: {  	[tilespmem:s0+$0x3B80] =	vst v0  }
0x20: {  	[tilespmem:s0+$0x3B90] =	vst v0  }
.Ltmp0:
0x21: {  	[tilespmem:s0+$0x3BA0] =	vst v0;
	(pc) =	sbr.rel @p1 .LBB2_2-.Ltmp0, $4  }
0x22: {  	[tilespmem:s0+$0x3BB0] =	vst v0  }
0x23: {  	[tilespmem:s0+$0x3BC0] =	vst v0  }
0x24: {  	[tilespmem:s0+$0x3BD0] =	vst v0  }
0x25: {  	[tilespmem:s0+$0x3BE0] =	vst v0;
	s0 =	sshra.s32 s2, $0x2;
	s2 =	sadd.s32 $0x200, s2  }
0x26: {  	[tilespmem:s0+$0x3BF0] =	vst v0  }
0x27: {  	[tilespmem:s0+$0x3B80] =	vst v0  }
0x28: {  	[tilespmem:s0+$0x3B90] =	vst v0  }
0x29: {  	[tilespmem:s0+$0x3BA0] =	vst v0  }
0x2a: {  	[tilespmem:s0+$0x3BB0] =	vst v0  }
0x2b: {  	[tilespmem:s0+$0x3BC0] =	vst v0  }
0x2c: {  	[tilespmem:s0+$0x3BD0] =	vst v0  }
0x2d: {  	[tilespmem:s0+$0x3BE0] =	vst v0  }
0x2e: {  	[spmem:s6] =	stream.linear.scatter [tilespmem:s22], [sflag:$0x3], $0x4000, $0x38;
	[tilespmem:$0x1FB80] =	vst v63  }
0x2f: {  	_ =	swait.ge [sflag:s23], $0x4000  }
0x30: {  	[sflag:s23] =	ssyncset.done $0x0  }
0x31: {  	[sflag:s23] =	ssyncadd.s32 $0xFFFFC000  }
0x32: {  	[spmem:s7] =	stream.linear.scatter [tilespmem:s22], [sflag:$0x3], $0x4000, $0x38;
	[tilespmem:$0x1FB80] =	vst v63  }
0x33: {  	_ =	swait.ge [sflag:s23], $0x4000  }
0x34: {  	[sflag:s23] =	ssyncset.done $0x0  }
0x35: {  	[sflag:s23] =	ssyncadd.s32 $0xFFFFC000  }
0x36: {  	[spmem:s8] =	stream.linear.scatter [tilespmem:s22], [sflag:$0x3], $0x4000, $0x38;
	[tilespmem:$0x1FB80] =	vst v63  }
0x37: {  	_ =	swait.ge [sflag:s23], $0x4000  }
0x38: {  	[sflag:s23] =	ssyncset.done $0x0  }
0x39: {  	[sflag:s23] =	ssyncadd.s32 $0xFFFFC000  }
0x3a: {  	[spmem:s9] =	stream.linear.scatter [tilespmem:s22], [sflag:$0x3], $0x4000, $0x38;
	[tilespmem:$0x1FB80] =	vst v63  }
0x3b: {  	_ =	swait.ge [sflag:s23], $0x4000  }
0x3c: {  	[sflag:s23] =	ssyncset.done $0x0  }
0x3d: {  	[sflag:s23] =	ssyncadd.s32 $0xFFFFC000  }
0x3e: {  	[spmem:s11] =	stream.linear.scatter [tilespmem:s22], [sflag:$0x3], $0x4000, $0x38;
	[tilespmem:$0x1FB80] =	vst v63  }
0x3f: {  	_ =	swait.ge [sflag:s23], $0x4000  }
0x40: {  	[sflag:s23] =	ssyncset.done $0x0  }
0x41: {  	s15 =	rddreg [dreg:$0x4];
	[sflag:s23] =	ssyncadd.s32 $0xFFFFC000  }
0x42: {  	[tilespmem:s3], [sflag:$0x3] =	stream.strided.gather [hbm4b:s15+s24], $0x2700, s25, s24, $0x38;
	[tilespmem:$0x1FB80] =	vst v63  }
0x43: {  	_ =	swait.ge [sflag:s23], $0x2700  }
0x44: {  	s0 =	simm.s32 @!p0 $0x0;
	[sflag:s23] =	ssyncset.done $0x0  }
0x45: {  	s2 =	simm.s32 @!p0 $0x2700;
	s10 =	rddreg [dreg:$0x5];
	[sflag:s23] =	ssyncadd.s32 $0xFFFFD900  }
0x46: {  	[tilespmem:s2], [sflag:$0x3] =	stream.linear.gather @!p0 [hbm4b:s10+s0], $0x80, $0x38;
	[tilespmem:$0x1FB80] =	vst v63  }
0x47: {  	s0 =	simm.s32 @!p0 $0x3  }
0x48: {  	_ =	swait.ge @!p0 [sflag:s0], $0x80  }
0x49: {  	[sflag:s0] =	ssyncset.done @!p0 $0x0  }
0x4a: {  	s16 =	simm.s32 $0x0;
	[sflag:s0] =	ssyncadd.s32 @!p0 $0xFFFFFF80  }
0x4b: {  	[tilespmem:s22], [sflag:$0x1] =	stream.indirect.gather [hbm4b:s4+s24], $0x80, s16, s24, $0xb8;
	[tilespmem:$0x1FB80] =	vst v63  }
0x4c: {  	_ = 	snop  }
0x4d: {  	[tilespmem:s26], [sflag:$0x2] =	stream.indirect.gather [hbm4b:s4+s24], $0x80, s24, s24, $0xb8;
	[tilespmem:$0x1FB80] =	vst v63  }
0x4e: {  	[bflag:$0x0] =	sbarrier.arrive $0xFFFF  }
0x4f: {  	s17 =	rddreg [dreg:$0x6]  }
0x50: {  	[tilespmem:s28], [sflag:$0x3] =	stream.strided.gather [hbm4b:s17+s24], $0x1400, s25, s24, $0x38;
	[tilespmem:$0x1FB80] =	vst v63  }
0x51: {  	_ =	swait.ge [sflag:s23], $0x1400  }
0x52: {  	[sflag:s23] =	ssyncset.done $0x0  }
0x53: {  	[sflag:s23] =	ssyncadd.s32 $0xFFFFEC00  }
0x54: {  	_ =	swait.ge [sflag:s29], $0x4000  }
0x55: {  	[sflag:s29] =	ssyncset.done $0x0  }
0x56: {  	s18 =	simm.s32 $0x2780;
	[sflag:s29] =	ssyncadd.s32 $0xFFFFC000  }
0x57: {  	[spmem:s1] =	stream.indirect.scatter.add.f32 [tilespmem:s22], [sflag:$0x3], $0x80, s18, s24, $0xb8;
	[tilespmem:$0x1FB80] =	vst v63  }
0x58: {  	_ =	swait.ge [sflag:s23], $0x4000  }
0x59: {  	[sflag:s23] =	ssyncset.done $0x0  }
0x5a: {  	s19 =	simm.s32 $0x100;
	[sflag:s23] =	ssyncadd.s32 $0xFFFFC000  }
0x5b: {  	[tilespmem:s22], [sflag:$0x1] =	stream.indirect.gather [hbm4b:s4+s24], $0x80, s19, s24, $0xb8;
	[tilespmem:$0x1FB80] =	vst v63  }
0x5c: {  	_ =	swait.ge [sflag:s30], $0x4000  }
0x5d: {  	[sflag:s30] =	ssyncset.done $0x0  }
0x5e: {  	s20 =	simm.s32 $0x2800;
	[sflag:s30] =	ssyncadd.s32 $0xFFFFC000  }
0x5f: {  	[spmem:s1] =	stream.indirect.scatter.add.f32 [tilespmem:s26], [sflag:$0x3], $0x80, s20, s24, $0xb8;
	[tilespmem:$0x1FB80] =	vst v63  }
0x60: {  	_ =	swait.ge [sflag:s23], $0x4000  }
0x61: {  	[sflag:s23] =	ssyncset.done $0x0  }
0x62: {  	s2 =	simm.s32 $0x180;
	s0 =	simm.s32 $0x400;
	[sflag:s23] =	ssyncadd.s32 $0xFFFFC000  }
.LBB2_4:
0x63: {  	[tilespmem:s26], [sflag:$0x2] =	stream.indirect.gather [hbm4b:s4+s24], $0x80, s2, s24, $0xb8;
	[tilespmem:$0x1FB80] =	vst v63  }
0x64: {  	s2 =	smov.u32 s0  }
0x65: {  	p1 =	sne.s32 s0, $0x4C00;
	s0 =	sadd.s32 $0x400, s0;
	_ =	swait.ge [sflag:s29], $0x4000  }
0x66: {  	s2 =	sshra.s32 s2, $0x2;
	[sflag:s29] =	ssyncset.done $0x0  }
0x67: {  	s10 =	sadd.s32 $0x2780, s2;
	[sflag:s29] =	ssyncadd.s32 $0xFFFFC000  }
0x68: {  	[spmem:s1] =	stream.indirect.scatter.add.f32 [tilespmem:s22], [sflag:$0x3], $0x80, s10, s24, $0xb8;
	[tilespmem:$0x1FB80] =	vst v63  }
0x69: {  	_ =	swait.ge [sflag:s23], $0x4000  }
0x6a: {  	[sflag:s23] =	ssyncset.done $0x0  }
0x6b: {  	s10 =	sadd.s32 $0x100, s2;
	[sflag:s23] =	ssyncadd.s32 $0xFFFFC000  }
0x6c: {  	[tilespmem:s22], [sflag:$0x1] =	stream.indirect.gather [hbm4b:s4+s24], $0x80, s10, s24, $0xb8;
	[tilespmem:$0x1FB80] =	vst v63  }
0x6d: {  	_ =	swait.ge [sflag:s30], $0x4000  }
0x6e: {  	[sflag:s30] =	ssyncset.done $0x0  }
.Ltmp1:
0x6f: {  	s10 =	sadd.s32 $0x2800, s2;
	[sflag:s30] =	ssyncadd.s32 $0xFFFFC000;
	(pc) =	sbr.rel @p1 .LBB2_4-.Ltmp1, $4  }
0x70: {  	[spmem:s1] =	stream.indirect.scatter.add.f32 [tilespmem:s26], [sflag:$0x3], $0x80, s10, s24, $0xb8;
	[tilespmem:$0x1FB80] =	vst v63  }
0x71: {  	_ =	swait.ge [sflag:s23], $0x4000  }
0x72: {  	[sflag:s23] =	ssyncset.done $0x0  }
0x73: {  	s2 =	sadd.s32 $0x180, s2;
	[sflag:s23] =	ssyncadd.s32 $0xFFFFC000  }
0x74: {  	[tilespmem:s26], [sflag:$0x2] =	stream.indirect.gather [hbm4b:s4+s24], $0x80, s2, s24, $0xb8;
	[tilespmem:$0x1FB80] =	vst v63  }
0x75: {  	p2 =	sne.s32 s5, $0x29  }
.Ltmp2:
0x76: {  	s0 =	rddreg [dreg:$0x7];
	(pc) =	sbr.rel @!p2 .LBB2_6-.Ltmp2, $4  }
0x77: {  	[tilespmem:s28], [sflag:$0x3] =	stream.strided.gather [hbm4b:s0+s24], $0x1400, s25, s24, $0x38;
	[tilespmem:$0x1FB80] =	vst v63  }
0x78: {  	s18 =	simm.s32 $0x1500;
	s0 =	simm.s32 $0x28;
	_ =	swait.ge [sflag:s23], $0x1400  }
0x79: {  	s13 =	simm.s32 $0x29;
	s16 =	sand.u32 $0x1, s0;
	[sflag:s23] =	ssyncset.done $0x0  }
0x7a: {  	p1 =	por $0x0, $0x0;
	s10 =	sshll.u32 s16, $0xE;
	[sflag:s23] =	ssyncadd.s32 $0xFFFFEC00  }
0x7b: {  	s2 =	sadd.s32 $0x1, s16  }
0x7c: {  	s14 =	sor.u32 $0x3B80, s10;
	_ =	swait.ge [sflag:s2], $0x4000  }
0x7d: {  	s16 =	sand.u32 $0x1, s13;
	p3 =	sne.s32 s5, $0x2A;
	[sflag:s2] =	ssyncset.done $0x0  }
.Ltmp3:
0x7e: {  	s17 =	simm.s32 $0x2A;
	[sflag:s2] =	ssyncadd.s32 $0xFFFFC000;
	(pc) =	sbr.rel @!p3 .LBB2_8-.Ltmp3, $4  }
0x7f: {  	[spmem:s1] =	stream.indirect.scatter.add.f32 [tilespmem:s14], [sflag:$0x3], $0x80, s12, s24, $0xb8;
	[tilespmem:$0x1FB80] =	vst v63  }
0x80: {  	p2 =	sle.u32 s5, $0x2A;
	s15 =	sadd.s32 $0x80, s12;
	_ =	swait.ge [sflag:s23], $0x4000  }
0x81: {  	s0 =	simm.s32 $0x1580;
	p1 =	por $0x1, $0x1;
	[sflag:s23] =	ssyncset.done $0x0  }
0x82: {  	s10 =	sshll.u32 s16, $0xE;
	s19 =	simm.s32 @!p2 $0x80;
	[sflag:s23] =	ssyncadd.s32 $0xFFFFC000  }
.LBB2_9:
0x83: {  	[tilespmem:s14], [sflag:s2] =	stream.indirect.gather @!p2 [hbm4b:s4+s19], $0x80, s18, s19, $0xb8;
	[tilespmem:$0x1FB80] =	vst v63  }
0x84: {  	s19 =	smov.u32 s17;
	s14 =	smov.u32 s10;
	s18 =	smov.u32 s0  }
0x85: {  	s17 =	sadd.s32 $0x1, s17;
	s2 =	sadd.s32 $0x1, s16;
	s16 =	sand.u32 $0x1, s19  }
0x86: {  	p3 =	sne.s32 s5, s17;
	s10 =	sshll.u32 s16, $0xE;
	_ =	swait.ge [sflag:s2], $0x4000  }
0x87: {  	[sflag:s2] =	ssyncset.done $0x0  }
.Ltmp4:
0x88: {  	s14 =	sor.u32 $0x3B80, s14;
	[sflag:s2] =	ssyncadd.s32 $0xFFFFC000;
	(pc) =	sbr.rel @p3 .LBB2_9-.Ltmp4, $4  }
0x89: {  	[spmem:s1] =	stream.indirect.scatter.add.f32 [tilespmem:s14], [sflag:$0x3], $0x80, s15, s24, $0xb8;
	[tilespmem:$0x1FB80] =	vst v63  }
0x8a: {  	s20 =	sadd.s32 $0x2, s13;
	s13 =	smov.u32 s19;
	_ =	swait.ge [sflag:s23], $0x4000  }
0x8b: {  	p2 =	sge.u32 s20, s5;
	s15 =	sadd.s32 $0x80, s15;
	[sflag:s23] =	ssyncset.done $0x0  }
0x8c: {  	s0 =	sadd.s32 $0x80, s0;
	s19 =	simm.s32 @!p2 $0x80;
	[sflag:s23] =	ssyncadd.s32 $0xFFFFC000  }
0x8d: {  	s17 =	smov.u32 s18;
	s18 =	smov.u32 s0;
	s0 =	smov.u32 s13  }
.LBB2_11:
0x8e: {  	p1 =	por p2, !p1  }
0x8f: {  	[tilespmem:s14], [sflag:s2] =	stream.indirect.gather @!p1 [hbm4b:s4+s19], $0x80, s17, s19, $0xb8;
	[tilespmem:$0x1FB80] =	vst v63  }
0x90: {  	s2 =	sadd.s32 $0x1, s16  }
0x91: {  	_ =	swait.ge [sflag:s2], $0x4000  }
0x92: {  	[sflag:s2] =	ssyncset.done $0x0  }
0x93: {  	s10 =	sor.u32 $0x3B80, s10;
	[sflag:s2] =	ssyncadd.s32 $0xFFFFC000  }
0x94: {  	[spmem:s1] =	stream.indirect.scatter.add.f32 [tilespmem:s10], [sflag:$0x3], $0x80, s15, s24, $0xb8;
	[tilespmem:$0x1FB80] =	vst v63  }
0x95: {  	s0 =	sadd.s32 $0x2, s0;
	_ =	swait.ge [sflag:s23], $0x4000  }
0x96: {  	p1 =	sge.u32 s0, s5;
	[sflag:s23] =	ssyncset.done $0x0  }
0x97: {  	s0 =	simm.s32 @!p1 $0x80;
	[sflag:s23] =	ssyncadd.s32 $0xFFFFC000  }
0x98: {  	[tilespmem:s10], [sflag:s2] =	stream.indirect.gather @!p1 [hbm4b:s4+s0], $0x80, s18, s0, $0xb8;
	[tilespmem:$0x1FB80] =	vst v63  }
0x99: {  	[bflag:$0x0] =	sbarrier.arrive $0xFFFF  }
0x9a: {  	[tilespmem:s22], [sflag:$0x3] =	stream.linear.gather [spmem:s6], $0x4000, $0x38;
	[tilespmem:$0x1FB80] =	vst v63  }
0x9b: {  	_ =	swait.ge [sflag:s23], $0x4000  }
0x9c: {  	[sflag:s23] =	ssyncset.done $0x0  }
0x9d: {  	s16 =	rddreg [dreg:$0x8];
	[sflag:s23] =	ssyncadd.s32 $0xFFFFC000  }
0x9e: {  	[hbm4b:s16+s3] =	stream.linear.scatter [tilespmem:s22], [sflag:$0x3], $0x4000, $0x38;
	[tilespmem:$0x1FB80] =	vst v63  }
0x9f: {  	_ =	swait.ge [sflag:s23], $0x4000  }
0xa0: {  	[sflag:s23] =	ssyncset.done $0x0  }
0xa1: {  	[sflag:s23] =	ssyncadd.s32 $0xFFFFC000  }
0xa2: {  	[tilespmem:s22], [sflag:$0x3] =	stream.linear.gather [spmem:s7], $0x4000, $0x38;
	[tilespmem:$0x1FB80] =	vst v63  }
0xa3: {  	_ =	swait.ge [sflag:s23], $0x4000  }
0xa4: {  	[sflag:s23] =	ssyncset.done $0x0  }
0xa5: {  	s17 =	rddreg [dreg:$0x9];
	[sflag:s23] =	ssyncadd.s32 $0xFFFFC000  }
0xa6: {  	[hbm4b:s17+s3] =	stream.linear.scatter [tilespmem:s22], [sflag:$0x3], $0x4000, $0x38;
	[tilespmem:$0x1FB80] =	vst v63  }
0xa7: {  	_ =	swait.ge [sflag:s23], $0x4000  }
0xa8: {  	[sflag:s23] =	ssyncset.done $0x0  }
0xa9: {  	[sflag:s23] =	ssyncadd.s32 $0xFFFFC000  }
0xaa: {  	[tilespmem:s22], [sflag:$0x3] =	stream.linear.gather [spmem:s8], $0x4000, $0x38;
	[tilespmem:$0x1FB80] =	vst v63  }
0xab: {  	_ =	swait.ge [sflag:s23], $0x4000  }
0xac: {  	[sflag:s23] =	ssyncset.done $0x0  }
0xad: {  	s18 =	rddreg [dreg:$0xa];
	[sflag:s23] =	ssyncadd.s32 $0xFFFFC000  }
0xae: {  	[hbm4b:s18+s3] =	stream.linear.scatter [tilespmem:s22], [sflag:$0x3], $0x4000, $0x38;
	[tilespmem:$0x1FB80] =	vst v63  }
0xaf: {  	_ =	swait.ge [sflag:s23], $0x4000  }
0xb0: {  	[sflag:s23] =	ssyncset.done $0x0  }
0xb1: {  	[sflag:s23] =	ssyncadd.s32 $0xFFFFC000  }
0xb2: {  	[tilespmem:s22], [sflag:$0x3] =	stream.linear.gather [spmem:s9], $0x4000, $0x38;
	[tilespmem:$0x1FB80] =	vst v63  }
0xb3: {  	_ =	swait.ge [sflag:s23], $0x4000  }
0xb4: {  	[sflag:s23] =	ssyncset.done $0x0  }
0xb5: {  	s19 =	rddreg [dreg:$0xb];
	[sflag:s23] =	ssyncadd.s32 $0xFFFFC000  }
0xb6: {  	[hbm4b:s19+s3] =	stream.linear.scatter [tilespmem:s22], [sflag:$0x3], $0x4000, $0x38;
	[tilespmem:$0x1FB80] =	vst v63  }
0xb7: {  	_ =	swait.ge [sflag:s23], $0x4000  }
0xb8: {  	[sflag:s23] =	ssyncset.done $0x0  }
0xb9: {  	[sflag:s23] =	ssyncadd.s32 $0xFFFFC000  }
0xba: {  	[tilespmem:s22], [sflag:$0x3] =	stream.linear.gather [spmem:s11], $0x4000, $0x38;
	[tilespmem:$0x1FB80] =	vst v63  }
0xbb: {  	_ =	swait.ge [sflag:s23], $0x4000  }
0xbc: {  	s31 =	sadd.s32 $0x1, s31;
	[sflag:s23] =	ssyncset.done $0x0  }
0xbd: {  	p1 =	sne.s32 s31, s21;
	s20 =	rddreg [dreg:$0xc];
	[sflag:s23] =	ssyncadd.s32 $0xFFFFC000  }
0xbe: {  	[hbm4b:s20+s3] =	stream.linear.scatter [tilespmem:s22], [sflag:$0x3], $0x4000, $0x38;
	[tilespmem:$0x1FB80] =	vst v63  }
.Ltmp5:
0xbf: {  	_ = 	snop;
	(pc) =	sbr.rel @p1 .LBB2_1-.Ltmp5, $4  }
.Ltmp6:
0xc0: {  	_ = 	snop;
	(pc) =	sbr.rel @!p1 .LBB2_12-.Ltmp6, $4  }
0xc1: {  	_ =	swait.ge [sflag:s23], $0x4000  }
0xc2: {  	[sflag:s23] =	ssyncset.done $0x0  }
0xc3: {  	[sflag:s23] =	ssyncadd.s32 $0xFFFFC000  }
0xc4: {  	_ = 	snop  }
.LBB2_6:
.Ltmp7:
0xc5: {  	(pc) =	sbr.rel .LBB2_11-.Ltmp7, $2  }
0xc6: {  	_ =	sdelay $0x2  }
0xc7: {  	s15 =	smov.u32 s12  }
.LBB2_8:
.Ltmp8:
0xc8: {  	(pc) =	sbr.rel .LBB2_11-.Ltmp8, $2  }
0xc9: {  	_ =	sdelay $0x2  }
0xca: {  	s17 =	simm.s32 $0x1500;
	s18 =	simm.s32 $0x1580;
	s0 =	simm.s32 $0x29  }
.LBB2_12:
0xcb: {  	_ =	sfence.sel $0x180000  }
0xcc: {  	[bflag:$0x0] =	sbarrier.arrive $0xFFFF  }
0xcd: {  	_ =	strace $0x9000004A  }
0xce: {  	s0 =	stileid.u32;
	[bflag:$0x2] =	sbarrier.arrive $0xFFFF  }
0xcf: {  	p0 =	sne.s32 s0, $0x0;
	s0 =	rddreg [dreg:$0x3]  }
0xd0: {  	s0 =	sadd.s32 @!p0 $0x100000, s0  }
0xd1: {  	[sflag:s0] =	ssyncadd.tile.s32 @!p0 $0x1;
	_ =	shalt  }
.Lfunc_end2:
_tile_overlayer_lowered:
.L_overlay_start_2:
0xd2: {  	(tag) =	ssettag $0x2  }
0xd3: {  	s0 =	rddreg [dreg:$0x0];
	s2 =	stileid.u32  }
0xd4: {  	s1 =	rddreg [dreg:$0x1];
	p0 =	sne.s32 s2, $0x0  }
0xd5: {  	s3 =	rddreg [dreg:$0x2];
	[bflag:$0x3] =	sbarrier.arrive $0xFFFF;
	s2 =	simm.s32 @!p0 $0x1C03  }
0xd6: {  	[timem:s3], [sflag:s2] =	dma.local @!p0 [hbm:s0], s1  }
0xd7: {  	s0 =	simm.s32 @!p0 $0x3  }
0xd8: {  	_ =	swait.ge @!p0 [sflag:s0], s1  }
0xd9: {  	s1 =	ssub.s32 @!p0 $0x0, s1;
	[sflag:s0] =	ssyncset.done @!p0 $0x0  }
0xda: {  	[sflag:s0] =	ssyncadd.s32 @!p0 s1  }
0xdb: {  	[bflag:$0x3] =	sbarrier.arrive $0xFFFF  }
0xdc: {  	_ =	shalt  }

// kernel: kernel.15.cloned.1.call-start
scs
__scs_entry_jumppad:
0x0: {  	(pc) =	sbr.rel $0x88, $3  }
0x1: {  	(tag) =	ssettag $0x0;
	lr =	simm.s32 $0x1  }
0x2: {  	[smem:$0x3F98] =	sst lr;
	_ =	strace $0xD0000000  }
0x3: {  	_ = 	snop  }
0x4: {  	_ = 	snop  }
0x5: {  	_ = 	snop  }
0x6: {  	_ = 	snop  }
0x7: {  	_ = 	snop  }
__scs_overlays_trampoline_lowered:
0x8: {  	[smem:$0x3FA7] =	sst s0  }
0x9: {  	[smem:$0x3FA8] =	sst s1  }
0xa: {  	[smem:$0x3FA9] =	sst s2  }
0xb: {  	[smem:$0x3FAA] =	sst s3  }
0xc: {  	[smem:$0x3FAB] =	sst s4  }
0xd: {  	[smem:$0x3FAC] =	sst s5  }
0xe: {  	[smem:$0x3FAD] =	sst s6  }
0xf: {  	[smem:$0x3FAE] =	sst s7  }
0x10: {  	[smem:$0x3FAF] =	sst s8  }
0x11: {  	[smem:$0x3FB0] =	sst s9;
	s0 =	simm.s32 @!p0 $0x0  }
0x12: {  	s1 =	sld [smem:$0x3F96];
	s0 =	simm.s32 @p0 $0x1  }
0x13: {  	[smem:$0x3FB1] =	sst s0;
	s0 =	simm.s32 @!p1 $0x0  }
0x14: {  	s2 =	sld [smem:$0x3F95];
	s0 =	simm.s32 @p1 $0x1  }
0x15: {  	[smem:$0x3FB2] =	sst s0;
	s0 =	simm.s32 @!p2 $0x0  }
0x16: {  	s3 =	sld [smem:$0x3FDB];
	s0 =	simm.s32 @p2 $0x1  }
0x17: {  	s4 =	simm.s32 $0x1BF5;
	[smem:$0x3FB4] =	sst s0  }
0x18: {  	s0 =	sld [smem:$0x3F97];
	_ =	swait.ge [sflag:s4], $0x0  }
0x19: {  	s7 =	sld [smem:$0x3F98]  }
0x1a: {  	s8 =	sadd.s32 $0xFFFFE003, lr  }
0x1b: {  	s9 =	sadd.s32 $0xFFFFFEF7, lr;
	s5 =	simm.s32 $0xFFFFFFFF;
	p2 =	slt.u32 s8, $0xFFFFF086  }
0x1c: {  	p1 =	slt.u32 s9, $0xF7A;
	s5 =	simm.s32 @!p2 $0x0  }
0x1d: {  	s5 =	simm.s32 @p1 $0x1;
	p0 =	seq.s32 s7, s2  }
0x1e: {  	s7 =	smul.u32 @!p0 $0xF7A, s2;
	p2 =	seq.s32 @!p0 s5, $0x0  }
0x1f: {  	s9 =	smul.u32 $0xF7A, s1;
	s8 =	simm.s32 @!p0 $0x1BF5;
	p2 =	por !p2, p0  }
0x20: {  	[sflag:s8] =	ssyncset.s32 @!p0 $0xFFFFF086;
	s6 =	sadd.s32 @!p0 s3, s7;
	s7 =	simm.s32 @!p0 $0x108  }
0x21: {  	s3 =	sadd.s32 s3, s9;
	s6 =	sadd.s32 @!p0 $0x88, s6;
	s7 =	simm.s32 @p2 $0x1082  }
0x22: {  	[simem:s7], [sflag:s8] =	dma.local @!p0 [hbm:s6], $0xF7A  }
0x23: {  	s9 =	sor.u32 $0xD0000000, s2;
	s6 =	simm.s32 $0x108;
	_ =	swait.ge @!p0 [sflag:s8], $0x0  }
0x24: {  	s3 =	sadd.s32 $0x88, s3;
	s6 =	simm.s32 @!p1 $0x1082;
	[sflag:s4] =	ssyncset.s32 $0xFFFFF086  }
0x25: {  	[simem:s6], [sflag:s4] =	dma.local [hbm:s3], $0xF7A  }
0x26: {  	[smem:$0x3F98] =	sst s1;
	(tag) =	ssettag s2;
	_ =	strace s9  }
0x27: {  	s1 =	sld [smem:$0x3FA8]  }
0x28: {  	s2 =	sld [smem:$0x3FA9]  }
0x29: {  	s4 =	sld [smem:$0x3FAB]  }
0x2a: {  	p0 =	seq.s32 s5, $0x0;
	s5 =	sld [smem:$0x3FAC]  }
0x2b: {  	s6 =	sld [smem:$0x3FAD]  }
0x2c: {  	s7 =	sld [smem:$0x3FAE]  }
0x2d: {  	s3 =	simm.s32 $0x108;
	s8 =	sld [smem:$0x3FAF]  }
0x2e: {  	s3 =	simm.s32 @!p0 $0x1082;
	s9 =	sld [smem:$0x3FB0]  }
0x2f: {  	lr =	sadd.s32 s0, s3;
	s0 =	sld [smem:$0x3FA7]  }
0x30: {  	s3 =	sld [smem:$0x3FAA]  }
0x31: {  	[smem:$0x3FB3] =	sst s10  }
0x32: {  	s10 =	sld [smem:$0x3FB1];
	_ =	sdelay $0x3  }
0x33: {  	p0 =	seq.s32 s10, $0x1;
	s10 =	sld [smem:$0x3FB3];
	_ =	sdelay $0x3  }
0x34: {  	[smem:$0x3FB3] =	sst s10  }
0x35: {  	s10 =	sld [smem:$0x3FB2];
	_ =	sdelay $0x3  }
0x36: {  	p1 =	seq.s32 s10, $0x1;
	s10 =	sld [smem:$0x3FB3];
	_ =	sdelay $0x3  }
0x37: {  	[smem:$0x3FB3] =	sst s10  }
0x38: {  	s10 =	sld [smem:$0x3FB4]  }
0x39: {  	_ = 	snop;
	(pc) =	sbr.ind lr, $3  }
0x3a: {  	_ = 	snop  }
0x3b: {  	_ = 	snop  }
0x3c: {  	p2 =	seq.s32 s10, $0x1;
	s10 =	sld [smem:$0x3FB3]  }
0x3d: {  	_ =	shalt  }
0x3e: {  	_ =	shalt  }
0x3f: {  	_ =	shalt  }
0x40: {  	_ =	shalt  }
0x41: {  	_ =	shalt  }
0x42: {  	_ =	shalt  }
0x43: {  	_ =	shalt  }
0x44: {  	_ =	shalt  }
0x45: {  	_ =	shalt  }
0x46: {  	_ =	shalt  }
0x47: {  	_ =	shalt  }
0x48: {  	_ =	shalt  }
0x49: {  	_ =	shalt  }
0x4a: {  	_ =	shalt  }
0x4b: {  	_ =	shalt  }
0x4c: {  	_ =	shalt  }
0x4d: {  	_ =	shalt  }
0x4e: {  	_ =	shalt  }
0x4f: {  	_ =	shalt  }
0x50: {  	_ =	shalt  }
0x51: {  	_ =	shalt  }
0x52: {  	_ =	shalt  }
0x53: {  	_ =	shalt  }
0x54: {  	_ =	shalt  }
0x55: {  	_ =	shalt  }
0x56: {  	_ =	shalt  }
0x57: {  	_ =	shalt  }
0x58: {  	_ =	shalt  }
0x59: {  	_ =	shalt  }
0x5a: {  	_ =	shalt  }
0x5b: {  	_ =	shalt  }
0x5c: {  	_ =	shalt  }
0x5d: {  	_ =	shalt  }
0x5e: {  	_ =	shalt  }
0x5f: {  	_ =	shalt  }
0x60: {  	_ =	shalt  }
0x61: {  	_ =	shalt  }
0x62: {  	_ =	shalt  }
0x63: {  	_ =	shalt  }
0x64: {  	_ =	shalt  }
0x65: {  	_ =	shalt  }
0x66: {  	_ =	shalt  }
0x67: {  	_ =	shalt  }
0x68: {  	_ =	shalt  }
0x69: {  	_ =	shalt  }
0x6a: {  	_ =	shalt  }
0x6b: {  	_ =	shalt  }
0x6c: {  	_ =	shalt  }
0x6d: {  	_ =	shalt  }
0x6e: {  	_ =	shalt  }
0x6f: {  	_ =	shalt  }
0x70: {  	_ =	shalt  }
0x71: {  	_ =	shalt  }
0x72: {  	_ =	shalt  }
0x73: {  	_ =	shalt  }
0x74: {  	_ =	shalt  }
0x75: {  	_ =	shalt  }
0x76: {  	_ =	shalt  }
0x77: {  	_ =	shalt  }
0x78: {  	_ =	shalt  }
0x79: {  	_ =	shalt  }
0x7a: {  	_ =	shalt  }
0x7b: {  	_ =	shalt  }
0x7c: {  	_ =	shalt  }
0x7d: {  	_ =	shalt  }
0x7e: {  	_ =	shalt  }
0x7f: {  	_ =	shalt  }
0x80: {  	_ =	shalt  }
0x81: {  	_ =	shalt  }
0x82: {  	_ =	shalt  }
0x83: {  	_ =	shalt  }
0x84: {  	_ =	shalt  }
0x85: {  	_ =	shalt  }
0x86: {  	_ =	shalt  }
0x87: {  	_ =	shalt  }
.Lfunc_end0:
.L_simem_size_0:
called_computation.2_lowered:
.L_overlay_start_0:
0x88: {  	s2 =	sld [smem:$0x3FD9]  }
0x89: {  	s3 =	sld [smem:$0x3FFE];
	_ =	sdelay $0x1  }
0x8a: {  	s1 =	srdreg.scid  }
0x8b: {  	s0 =	sand.u32 $0x1, s1  }
0x8c: {  	s17 =	sshll.u32 s0, $0xA;
	s2 =	sadd.s32 s3, s2  }
0x8d: {  	s2 =	sadd.s32 s2, s17  }
0x8e: {  	[smem:$0x3FBF] =	sst s2  }
0x8f: {  	_ = 	snop  }
0x90: {  	s2 =	sld [smem:$0x3FC8];
	(tm) =	ssettm $0x1  }
0x91: {  	s18 =	sld [smem:$0x3FFB];
	_ =	sdelay $0x3  }
0x92: {  	_ =	strace s18  }
0x93: {  	s3 =	sld [smem:$0x3FFC];
	_ =	sdelay $0x3  }
0x94: {  	_ =	strace s3  }
0x95: {  	s3 =	sld [smem:$0x3FFD];
	_ =	sdelay $0x3  }
0x96: {  	_ =	strace s3  }
0x97: {  	_ =	strace $0x8FFFFFFF  }
0x98: {  	s19 =	sld [smem:$0x3FDB];
	_ =	sdelay $0x1  }
0x99: {  	s4 =	simm.s32 $_scs_section_size  }
0x9a: {  	s5 =	simm.s32 $_size__tile_overlayer_lowered;
	s6 =	simm.s32 $_tile_overlayer_lowered  }
0x9b: {  	s22 =	simm.s32 $0x1BFF;
	s21 =	sshll.u32 s6, $0x1;
	s3 =	sadd.s32 s4, s19  }
0x9c: {  	s7 =	simm.s32 $0x0;
	s20 =	sshll.u32 s5, $0x1;
	s5 =	sadd.s32 s21, s3  }
0x9d: {  	[timem:s7], [sflag:s22] =	dma.local [hbm:s5], s20  }
0x9e: {  	_ =	swait.ge [sflag:s22], s20  }
0x9f: {  	s4 =	ssub.s32 $0x0, s20;
	[sflag:s22] =	ssyncset.done $0x0  }
0xa0: {  	[sflag:s22] =	ssyncadd.s32 s4;
	_ =	sdelay $0x1  }
0xa1: {  	s23 =	simm.s32 $0x1B8B  }
0xa2: {  	_ =	swait.ge [sflag:s23], $0x1  }
0xa3: {  	[sflag:s23] =	ssyncset.done $0x0  }
0xa4: {  	s25 =	simm.s32 $0x1B8E;
	s24 =	sld [smem:$0x3FFE];
	[sflag:s23] =	ssyncadd.s32 $0xFFFFFFFF  }
0xa5: {  	s26 =	simm.s32 $execute0_lowered;
	[smem:$0x3FD2] =	sst s25  }
0xa6: {  	s5 =	sshll.u32 s26, $0x1;
	_ =	strace $0x8000004C;
	[dreg:$0x1] =	wrdreg $0xFFFFFFFF  }
0xa7: {  	s28 =	simm.s32 $_size_execute0_lowered;
	s3 =	sadd.s32 s3, s5;
	[dreg:$0x0] =	wrdreg $0x0  }
0xa8: {  	s5 =	sshll.u32 s28, $0x1;
	[dreg:$0x2] =	wrdreg s3  }
0xa9: {  	[dreg:$0x3] =	wrdreg s5  }
0xaa: {  	[dreg:$0x4] =	wrdreg $0xC0  }
0xab: {  	_ =	task [dreg:s7], $0x5FFFF  }
0xac: {  	[dreg:$0x1] =	wrdreg $0xFFFFFFFF  }
0xad: {  	[dreg:$0x0] =	wrdreg $0x60  }
0xae: {  	[dreg:$0x2] =	wrdreg s24  }
0xaf: {  	[dreg:$0x3] =	wrdreg s2  }
0xb0: {  	[dreg:$0x4] =	wrdreg $0xBB800  }
0xb1: {  	[dreg:$0x5] =	wrdreg $0x9  }
0xb2: {  	_ =	task.clear_ibuf [dreg:s7], $0x6FFFF;
	_ =	strace $0x9000004C  }
0xb3: {  	s29 =	simm.s32 $0x9;
	_ =	strace $0x8000004E  }
0xb4: {  	_ =	swait.ge [sflag:s29], $0x1  }
0xb5: {  	[sflag:s29] =	ssyncadd.s32 $0xFFFFFFFF  }
0xb6: {  	_ =	strace $0x9000004E  }
0xb7: {  	_ =	sfence  }
0xb8: {  	s30 =	sld [smem:$0x0];
	_ =	sdelay $0x2  }
0xb9: {  	s31 =	sshll.u32 s1, $0xD;
	s1 =	sshrl.u32 s1, $0x2  }
0xba: {  	s3 =	sand.u32 $0x4000, s31;
	s1 =	sadd.s32 s1, s30  }
0xbb: {  	s0 =	sor.u32 s3, s0;
	s1 =	sshll.u32 s1, $0x11  }
0xbc: {  	s0 =	sor.u32 s1, s0  }
0xbd: {  	s0 =	sadd.s32 $0x8F2B, s0  }
0xbe: {  	[sflag:s0] =	ssyncadd.remote.s32 $0x1  }
0xbf: {  	_ =	sfence.sel $0xFFFF  }
0xc0: {  	[dreg:$0x0] =	wrdreg $0xFFFFFFFF;
	(pc) =	sbr.abs _section_cstart, $3  }
0xc1: {  	[dreg:$0x1] =	wrdreg $0xFFFFFFFF  }
0xc2: {  	_ =	task.clear_ibuf [dreg:s7], $0x2FFFF;
	_ =	strace $0x9FFFFFFF  }
0xc3: {  	(tm) =	ssettm $0x7FFFFFFF  }
tec
execute0_lowered:
.L_overlay_start_1:
0x0: {  	(tag) =	ssettag $0x1  }
0x1: {  	s0 =	rddreg [dreg:$0x0]  }
0x2: {  	s1 =	rddreg [dreg:$0x1]  }
0x3: {  	s2 =	rddreg [dreg:$0x2];
	s4 =	simm.s32 $0x0  }
0x4: {  	s3 =	srdreg.scid;
	s18 =	stileid.u32;
	s28 =	simm.s32 $0x7B80  }
0x5: {  	s30 =	simm.s32 $0x9B80;
	s29 =	simm.s32 $0x4;
	[smem:$0x7FF] =	sst s4  }
0x6: {  	s3 =	sand.u32 $0x1, s3;
	s5 =	sshll.u32 s18, $0x1;
	s9 =	smul.u32 $0x280, s18  }
0x7: {  	s4 =	sadd.s32 $0x2400, s0;
	s0 =	sadd.s32 $0x16400, s0;
	s20 =	smul.u32 $0x28000, s18  }
0x8: {  	p0 =	slt.u32 s18, $0x2;
	s26 =	smul.u32 $0x14000, s18;
	_ =	strace $0x8000004D  }
0x9: {  	s5 =	sor.u32 s3, s5;
	s6 =	ssub.s32 $0x2, s3;
	s3 =	smul.u32 $0x140000, s3  }
0xa: {  	s7 =	smul.u32 $0x4E, s5;
	s8 =	sshrl.u32 s6, $0x1;
	s5 =	smin.u32 s5, $0x4  }
0xb: {  	s12 =	sadd.s32 $0x80, s9;
	s13 =	sadd.s32 $0x100, s9;
	s14 =	sadd.s32 $0x180, s9  }
0xc: {  	s15 =	sadd.s32 $0x200, s9;
	s6 =	ssub.s32 s6, s8;
	s21 =	sshll.u32 s12, $0x6  }
0xd: {  	s22 =	sshll.u32 s13, $0x6;
	s23 =	sshll.u32 s14, $0x6;
	s10 =	sshll.u32 s15, $0x6  }
0xe: {  	s11 =	sadd.s32 s5, s7;
	s5 =	simm.s32 $0x4F;
	s7 =	sshrl.u32 s20, $0x2  }
0xf: {  	s19 =	sadd.s32 s21, s2;
	s8 =	sadd.s32 s22, s2;
	s20 =	sadd.s32 s23, s2  }
0x10: {  	s17 =	sadd.s32 s10, s2;
	s22 =	sshll.u32 s13, $0x7;
	s5 =	simm.s32 @!p0 $0x4E  }
0x11: {  	s23 =	sshll.u32 s14, $0x7;
	s16 =	sadd.s32 s5, s11;
	s11 =	sshll.u32 s11, $0x5  }
0x12: {  	s13 =	simm.s32 $0x0;
	s16 =	sshll.u32 s16, $0x8;
	s24 =	sadd.s32 s1, s11  }
0x13: {  	s7 =	sadd.s32 s7, s2;
	s25 =	sadd.s32 $0xFFFFD880, s16;
	s31 =	sadd.s32 $0x9C0, s24  }
0x14: {  	[dreg:$0x4] =	wrdreg s24;
	s9 =	sadd.s32 $0x10, s24;
	s16 =	sshll.u32 s12, $0x7  }
0x15: {  	s24 =	sshll.u32 s15, $0x7;
	s15 =	simm.s32 $0x100;
	[dreg:$0x5] =	wrdreg s31  }
0x16: {  	s12 =	simm.s32 $0x40;
	[dreg:$0x6] =	wrdreg s9;
	s11 =	sshrl.u32 s25, $0x3  }
0x17: {  	s9 =	simm.s32 $0x2800;
	s31 =	smax.u32 s6, $0x1;
	s1 =	sadd.s32 s1, s11  }
0x18: {  	s11 =	sadd.s32 s26, s3;
	s9 =	simm.s32 @!p0 $0x2880;
	[dreg:$0xe] =	wrdreg s31  }
0x19: {  	p0 =	sgt.u32 s18, $0x1;
	s18 =	simm.s32 $0x2780;
	[dreg:$0x7] =	wrdreg s1  }
0x1a: {  	s1 =	sshrl.u32 s11, $0x3;
	s11 =	sadd.s32 s3, s16;
	[dreg:$0x8] =	wrdreg s9  }
0x1b: {  	s1 =	sadd.s32 s0, s1;
	s21 =	sshrl.u32 s11, $0x3;
	s11 =	sadd.s32 s3, s23  }
0x1c: {  	s23 =	simm.s32 $0x5;
	[dreg:$0x9] =	wrdreg s1;
	s1 =	sadd.s32 s0, s21  }
0x1d: {  	s11 =	sshrl.u32 s11, $0x3;
	[dreg:$0xa] =	wrdreg s1;
	s1 =	sadd.s32 s3, s22  }
0x1e: {  	s3 =	sadd.s32 s3, s24;
	s25 =	sadd.s32 s0, s11;
	s22 =	simm.s32 $0x3B80  }
0x1f: {  	s24 =	simm.s32 $0x80;
	s1 =	sshrl.u32 s1, $0x3;
	[dreg:$0xc] =	wrdreg s25  }
0x20: {  	s26 =	sshrl.u32 s3, $0x3;
	s3 =	simm.s32 $0x3;
	s1 =	sadd.s32 s0, s1  }
0x21: {  	s0 =	sadd.s32 s0, s26;
	s26 =	simm.s32 $0x5B80;
	[dreg:$0xb] =	wrdreg s1  }
0x22: {  	v0 =	vimm.f32 $0.0e+00;
	[dreg:$0xd] =	wrdreg s0;
	s0 =	simm.s32 $0x1;
	s1 =	simm.s32 $0x2  }
.LBB2_1:
0x23: {  	s11 =	simm.s32 $0x100;
	s6 =	simm.s32 $0x0  }
.LBB2_2:
0x24: {  	p1 =	sne.s32 s11, $0x7F00;
	[tilespmem:s6+$0x3BB0] =	vst v0;
	s14 =	smov.u32 s11;
	s11 =	sadd.s32 $0x100, s11  }
.Ltmp0:
0x25: {  	[tilespmem:s6+$0x3BA0] =	vst v0;
	(pc) =	sbr.rel @p1 .LBB2_2-.Ltmp0, $3  }
0x26: {  	[tilespmem:s6+$0x3B80] =	vst v0  }
0x27: {  	[tilespmem:s6+$0x3B90] =	vst v0;
	_ =	sdelay $0x1  }
0x28: {  	s6 =	sshra.s32 s14, $0x2  }
0x29: {  	[tilespmem:s6+$0x3BB0] =	vst v0  }
0x2a: {  	[tilespmem:s6+$0x3BA0] =	vst v0  }
0x2b: {  	[tilespmem:s6+$0x3B80] =	vst v0  }
0x2c: {  	[tilespmem:s6+$0x3B90] =	vst v0  }
0x2d: {  	[spmem:s7] =	stream.linear.scatter [tilespmem:s22], [sflag:$0x5], $0x2000, $0x38;
	[tilespmem:$0x15B80] =	vst v63  }
0x2e: {  	_ =	swait.ge [sflag:s23], $0x2000  }
0x2f: {  	[sflag:s23] =	ssyncset.done $0x0  }
0x30: {  	[sflag:s23] =	ssyncadd.s32 $0xFFFFE000  }
0x31: {  	[spmem:s19] =	stream.linear.scatter [tilespmem:s22], [sflag:$0x5], $0x2000, $0x38;
	[tilespmem:$0x15B80] =	vst v63  }
0x32: {  	_ =	swait.ge [sflag:s23], $0x2000  }
0x33: {  	[sflag:s23] =	ssyncset.done $0x0  }
0x34: {  	[sflag:s23] =	ssyncadd.s32 $0xFFFFE000  }
0x35: {  	[spmem:s8] =	stream.linear.scatter [tilespmem:s22], [sflag:$0x5], $0x2000, $0x38;
	[tilespmem:$0x15B80] =	vst v63  }
0x36: {  	_ =	swait.ge [sflag:s23], $0x2000  }
0x37: {  	[sflag:s23] =	ssyncset.done $0x0  }
0x38: {  	[sflag:s23] =	ssyncadd.s32 $0xFFFFE000  }
0x39: {  	[spmem:s20] =	stream.linear.scatter [tilespmem:s22], [sflag:$0x5], $0x2000, $0x38;
	[tilespmem:$0x15B80] =	vst v63  }
0x3a: {  	_ =	swait.ge [sflag:s23], $0x2000  }
0x3b: {  	[sflag:s23] =	ssyncset.done $0x0  }
0x3c: {  	[sflag:s23] =	ssyncadd.s32 $0xFFFFE000  }
0x3d: {  	[spmem:s17] =	stream.linear.scatter [tilespmem:s22], [sflag:$0x5], $0x2000, $0x38;
	[tilespmem:$0x15B80] =	vst v63  }
0x3e: {  	_ =	swait.ge [sflag:s23], $0x2000  }
0x3f: {  	s9 =	smov.u32 s19;
	s25 =	smov.u32 s17;
	[sflag:s23] =	ssyncset.done $0x0  }
0x40: {  	s17 =	simm.s32 $0x0;
	s19 =	rddreg [dreg:$0x4];
	[sflag:s23] =	ssyncadd.s32 $0xFFFFE000  }
0x41: {  	[tilespmem:s17], [sflag:$0x5] =	stream.strided.gather [hbm4b:s19+s24], $0x2700, s15, s24, $0x38;
	[tilespmem:$0x15B80] =	vst v63  }
0x42: {  	_ =	swait.ge [sflag:s23], $0x2700  }
0x43: {  	s10 =	smov.u32 s8;
	s6 =	simm.s32 @!p0 $0x0;
	[sflag:s23] =	ssyncset.done $0x0  }
0x44: {  	s11 =	simm.s32 @!p0 $0x2700;
	s8 =	rddreg [dreg:$0x5];
	[sflag:s23] =	ssyncadd.s32 $0xFFFFD900  }
0x45: {  	[tilespmem:s11], [sflag:$0x5] =	stream.linear.gather @!p0 [hbm4b:s8+s6], $0x80, $0x38;
	[tilespmem:$0x15B80] =	vst v63  }
0x46: {  	s6 =	simm.s32 @!p0 $0x5  }
0x47: {  	_ =	swait.ge @!p0 [sflag:s6], $0x80  }
0x48: {  	[sflag:s6] =	ssyncset.done @!p0 $0x0  }
0x49: {  	s21 =	simm.s32 $0x0;
	[sflag:s6] =	ssyncadd.s32 @!p0 $0xFFFFFF80  }
0x4a: {  	[tilespmem:s22], [sflag:$0x1] =	stream.indirect.gather [hbm4b:s4+s24], $0x40, s21, s24, $0xb8;
	[tilespmem:$0x15B80] =	vst v63  }
0x4b: {  	_ = 	snop  }
0x4c: {  	[tilespmem:s26], [sflag:$0x2] =	stream.indirect.gather [hbm4b:s4+s24], $0x40, s24, s24, $0xb8;
	[tilespmem:$0x15B80] =	vst v63  }
0x4d: {  	_ = 	snop  }
0x4e: {  	[tilespmem:s28], [sflag:$0x3] =	stream.indirect.gather [hbm4b:s4+s24], $0x40, s15, s24, $0xb8;
	[tilespmem:$0x15B80] =	vst v63  }
0x4f: {  	s31 =	simm.s32 $0x180  }
0x50: {  	[tilespmem:s30], [sflag:$0x4] =	stream.indirect.gather [hbm4b:s4+s24], $0x40, s31, s24, $0xb8;
	[tilespmem:$0x15B80] =	vst v63  }
0x51: {  	[bflag:$0x0] =	sbarrier.arrive $0xFFFF  }
0x52: {  	s8 =	rddreg [dreg:$0x6]  }
0x53: {  	[tilespmem:s18], [sflag:$0x5] =	stream.strided.gather [hbm4b:s8+s24], $0x1400, s15, s24, $0x38;
	[tilespmem:$0x15B80] =	vst v63  }
0x54: {  	_ =	swait.ge [sflag:s23], $0x1400  }
0x55: {  	[sflag:s23] =	ssyncset.done $0x0  }
0x56: {  	[sflag:s23] =	ssyncadd.s32 $0xFFFFEC00  }
0x57: {  	_ =	swait.ge [sflag:s0], $0x2000  }
0x58: {  	[sflag:s0] =	ssyncset.done $0x0  }
0x59: {  	s11 =	simm.s32 $0x2780;
	[sflag:s0] =	ssyncadd.s32 $0xFFFFE000  }
0x5a: {  	[spmem:s2] =	stream.indirect.scatter.add.f32 [tilespmem:s22], [sflag:$0x5], $0x40, s11, s24, $0xb8;
	[tilespmem:$0x15B80] =	vst v63  }
0x5b: {  	_ =	swait.ge [sflag:s23], $0x2000  }
0x5c: {  	[sflag:s23] =	ssyncset.done $0x0  }
0x5d: {  	s14 =	simm.s32 $0x200;
	[sflag:s23] =	ssyncadd.s32 $0xFFFFE000  }
0x5e: {  	[tilespmem:s22], [sflag:$0x1] =	stream.indirect.gather [hbm4b:s4+s24], $0x40, s14, s24, $0xb8;
	[tilespmem:$0x15B80] =	vst v63  }
0x5f: {  	_ =	swait.ge [sflag:s1], $0x2000  }
0x60: {  	[sflag:s1] =	ssyncset.done $0x0  }
0x61: {  	s16 =	simm.s32 $0x2800;
	[sflag:s1] =	ssyncadd.s32 $0xFFFFE000  }
0x62: {  	[spmem:s2] =	stream.indirect.scatter.add.f32 [tilespmem:s26], [sflag:$0x5], $0x40, s16, s24, $0xb8;
	[tilespmem:$0x15B80] =	vst v63  }
0x63: {  	_ =	swait.ge [sflag:s23], $0x2000  }
0x64: {  	[sflag:s23] =	ssyncset.done $0x0  }
0x65: {  	s17 =	simm.s32 $0x280;
	[sflag:s23] =	ssyncadd.s32 $0xFFFFE000  }
0x66: {  	[tilespmem:s26], [sflag:$0x2] =	stream.indirect.gather [hbm4b:s4+s24], $0x40, s17, s24, $0xb8;
	[tilespmem:$0x15B80] =	vst v63  }
0x67: {  	_ =	swait.ge [sflag:s3], $0x2000  }
0x68: {  	[sflag:s3] =	ssyncset.done $0x0  }
0x69: {  	s19 =	simm.s32 $0x2880;
	[sflag:s3] =	ssyncadd.s32 $0xFFFFE000  }
0x6a: {  	[spmem:s2] =	stream.indirect.scatter.add.f32 [tilespmem:s28], [sflag:$0x5], $0x40, s19, s24, $0xb8;
	[tilespmem:$0x15B80] =	vst v63  }
0x6b: {  	_ =	swait.ge [sflag:s23], $0x2000  }
0x6c: {  	[sflag:s23] =	ssyncset.done $0x0  }
0x6d: {  	s21 =	simm.s32 $0x300;
	[sflag:s23] =	ssyncadd.s32 $0xFFFFE000  }
0x6e: {  	[tilespmem:s28], [sflag:$0x3] =	stream.indirect.gather [hbm4b:s4+s24], $0x40, s21, s24, $0xb8;
	[tilespmem:$0x15B80] =	vst v63  }
0x6f: {  	_ =	swait.ge [sflag:s29], $0x2000  }
0x70: {  	[sflag:s29] =	ssyncset.done $0x0  }
0x71: {  	s31 =	simm.s32 $0x2900;
	[sflag:s29] =	ssyncadd.s32 $0xFFFFE000  }
0x72: {  	[spmem:s2] =	stream.indirect.scatter.add.f32 [tilespmem:s30], [sflag:$0x5], $0x40, s31, s24, $0xb8;
	[tilespmem:$0x15B80] =	vst v63  }
0x73: {  	_ =	swait.ge [sflag:s23], $0x2000  }
0x74: {  	[sflag:s23] =	ssyncset.done $0x0  }
0x75: {  	s6 =	simm.s32 $0x380;
	s14 =	simm.s32 $0x800;
	[sflag:s23] =	ssyncadd.s32 $0xFFFFE000  }
.LBB2_4:
0x76: {  	[tilespmem:s30], [sflag:$0x4] =	stream.indirect.gather [hbm4b:s4+s24], $0x40, s6, s24, $0xb8;
	[tilespmem:$0x15B80] =	vst v63  }
0x77: {  	s6 =	smov.u32 s14  }
0x78: {  	p1 =	sne.s32 s14, $0x4800;
	s14 =	sadd.s32 $0x800, s14;
	_ =	swait.ge [sflag:s0], $0x2000  }
0x79: {  	s16 =	sshra.s32 s6, $0x2;
	[sflag:s0] =	ssyncset.done $0x0  }
0x7a: {  	s6 =	sadd.s32 $0x2780, s16;
	[sflag:s0] =	ssyncadd.s32 $0xFFFFE000  }
0x7b: {  	[spmem:s2] =	stream.indirect.scatter.add.f32 [tilespmem:s22], [sflag:$0x5], $0x40, s6, s24, $0xb8;
	[tilespmem:$0x15B80] =	vst v63  }
0x7c: {  	_ =	swait.ge [sflag:s23], $0x2000  }
0x7d: {  	[sflag:s23] =	ssyncset.done $0x0  }
0x7e: {  	s6 =	sadd.s32 $0x200, s16;
	[sflag:s23] =	ssyncadd.s32 $0xFFFFE000  }
0x7f: {  	[tilespmem:s22], [sflag:$0x1] =	stream.indirect.gather [hbm4b:s4+s24], $0x40, s6, s24, $0xb8;
	[tilespmem:$0x15B80] =	vst v63  }
0x80: {  	_ =	swait.ge [sflag:s1], $0x2000  }
0x81: {  	[sflag:s1] =	ssyncset.done $0x0  }
0x82: {  	s6 =	sadd.s32 $0x2800, s16;
	[sflag:s1] =	ssyncadd.s32 $0xFFFFE000  }
0x83: {  	[spmem:s2] =	stream.indirect.scatter.add.f32 [tilespmem:s26], [sflag:$0x5], $0x40, s6, s24, $0xb8;
	[tilespmem:$0x15B80] =	vst v63  }
0x84: {  	_ =	swait.ge [sflag:s23], $0x2000  }
0x85: {  	[sflag:s23] =	ssyncset.done $0x0  }
0x86: {  	s6 =	sadd.s32 $0x280, s16;
	[sflag:s23] =	ssyncadd.s32 $0xFFFFE000  }
0x87: {  	[tilespmem:s26], [sflag:$0x2] =	stream.indirect.gather [hbm4b:s4+s24], $0x40, s6, s24, $0xb8;
	[tilespmem:$0x15B80] =	vst v63  }
0x88: {  	_ =	swait.ge [sflag:s3], $0x2000  }
0x89: {  	[sflag:s3] =	ssyncset.done $0x0  }
0x8a: {  	s6 =	sadd.s32 $0x2880, s16;
	[sflag:s3] =	ssyncadd.s32 $0xFFFFE000  }
0x8b: {  	[spmem:s2] =	stream.indirect.scatter.add.f32 [tilespmem:s28], [sflag:$0x5], $0x40, s6, s24, $0xb8;
	[tilespmem:$0x15B80] =	vst v63  }
0x8c: {  	_ =	swait.ge [sflag:s23], $0x2000  }
0x8d: {  	[sflag:s23] =	ssyncset.done $0x0  }
0x8e: {  	s6 =	sadd.s32 $0x300, s16;
	[sflag:s23] =	ssyncadd.s32 $0xFFFFE000  }
0x8f: {  	[tilespmem:s28], [sflag:$0x3] =	stream.indirect.gather [hbm4b:s4+s24], $0x40, s6, s24, $0xb8;
	[tilespmem:$0x15B80] =	vst v63  }
0x90: {  	_ =	swait.ge [sflag:s29], $0x2000  }
0x91: {  	[sflag:s29] =	ssyncset.done $0x0  }
.Ltmp1:
0x92: {  	s6 =	sadd.s32 $0x2900, s16;
	[sflag:s29] =	ssyncadd.s32 $0xFFFFE000;
	(pc) =	sbr.rel @p1 .LBB2_4-.Ltmp1, $4  }
0x93: {  	[spmem:s2] =	stream.indirect.scatter.add.f32 [tilespmem:s30], [sflag:$0x5], $0x40, s6, s24, $0xb8;
	[tilespmem:$0x15B80] =	vst v63  }
0x94: {  	_ =	swait.ge [sflag:s23], $0x2000  }
0x95: {  	[sflag:s23] =	ssyncset.done $0x0  }
0x96: {  	s6 =	sadd.s32 $0x380, s16;
	[sflag:s23] =	ssyncadd.s32 $0xFFFFE000  }
0x97: {  	[tilespmem:s30], [sflag:$0x4] =	stream.indirect.gather [hbm4b:s4+s24], $0x40, s6, s24, $0xb8;
	[tilespmem:$0x15B80] =	vst v63  }
0x98: {  	s17 =	smov.u32 s20;
	p2 =	sne.s32 s5, $0x29  }
.Ltmp2:
0x99: {  	s8 =	smov.u32 s7;
	s21 =	rddreg [dreg:$0x7];
	(pc) =	sbr.rel @!p2 .LBB2_6-.Ltmp2, $4  }
0x9a: {  	[tilespmem:s18], [sflag:$0x5] =	stream.strided.gather [hbm4b:s21+s24], $0x1400, s15, s24, $0x38;
	[tilespmem:$0x15B80] =	vst v63  }
0x9b: {  	s14 =	simm.s32 $0x28;
	s31 =	simm.s32 $0x1600;
	_ =	swait.ge [sflag:s23], $0x1400  }
0x9c: {  	s11 =	simm.s32 $0x29;
	s19 =	sand.u32 $0x3, s14;
	[sflag:s23] =	ssyncset.done $0x0  }
0x9d: {  	p1 =	por $0x0, $0x0;
	s21 =	sshll.u32 s19, $0xD;
	[sflag:s23] =	ssyncadd.s32 $0xFFFFEC00  }
0x9e: {  	s16 =	sadd.s32 $0x1, s19  }
0x9f: {  	s18 =	sadd.s32 $0x3B80, s21;
	s19 =	sand.u32 $0x3, s11;
	_ =	swait.ge [sflag:s16], $0x2000  }
0xa0: {  	s20 =	simm.s32 $0x2A;
	p3 =	sne.s32 s5, $0x2A;
	[sflag:s16] =	ssyncset.done $0x0  }
.Ltmp3:
0xa1: {  	s6 =	rddreg [dreg:$0x8];
	[sflag:s16] =	ssyncadd.s32 $0xFFFFE000;
	(pc) =	sbr.rel @!p3 .LBB2_8-.Ltmp3, $4  }
0xa2: {  	[spmem:s2] =	stream.indirect.scatter.add.f32 [tilespmem:s18], [sflag:$0x5], $0x40, s6, s24, $0xb8;
	[tilespmem:$0x15B80] =	vst v63  }
0xa3: {  	p2 =	sle.u32 s5, $0x2C;
	s14 =	simm.s32 $0x1680;
	_ =	swait.ge [sflag:s23], $0x2000  }
0xa4: {  	p1 =	por $0x1, $0x1;
	s21 =	sshll.u32 s19, $0xD;
	[sflag:s23] =	ssyncset.done $0x0  }
0xa5: {  	s15 =	sadd.s32 $0x80, s6;
	s6 =	simm.s32 @!p2 $0x80;
	[sflag:s23] =	ssyncadd.s32 $0xFFFFE000  }
.LBB2_9:
0xa6: {  	[tilespmem:s18], [sflag:s16] =	stream.indirect.gather @!p2 [hbm4b:s4+s6], $0x40, s31, s6, $0xb8;
	[tilespmem:$0x15B80] =	vst v63  }
0xa7: {  	s6 =	smov.u32 s20;
	s18 =	smov.u32 s21;
	s31 =	smov.u32 s14  }
0xa8: {  	s20 =	sadd.s32 $0x1, s20;
	s16 =	sadd.s32 $0x1, s19;
	s19 =	sand.u32 $0x3, s6  }
0xa9: {  	p3 =	sne.s32 s5, s20;
	s21 =	sshll.u32 s19, $0xD;
	_ =	swait.ge [sflag:s16], $0x2000  }
0xaa: {  	[sflag:s16] =	ssyncset.done $0x0  }
.Ltmp4:
0xab: {  	s18 =	sadd.s32 $0x3B80, s18;
	[sflag:s16] =	ssyncadd.s32 $0xFFFFE000;
	(pc) =	sbr.rel @p3 .LBB2_9-.Ltmp4, $4  }
0xac: {  	[spmem:s2] =	stream.indirect.scatter.add.f32 [tilespmem:s18], [sflag:$0x5], $0x40, s15, s24, $0xb8;
	[tilespmem:$0x15B80] =	vst v63  }
0xad: {  	s7 =	sadd.s32 $0x4, s11;
	s11 =	smov.u32 s6;
	_ =	swait.ge [sflag:s23], $0x2000  }
0xae: {  	p2 =	sge.u32 s7, s5;
	s15 =	sadd.s32 $0x80, s15;
	[sflag:s23] =	ssyncset.done $0x0  }
0xaf: {  	s14 =	sadd.s32 $0x80, s14;
	s6 =	simm.s32 @!p2 $0x80;
	[sflag:s23] =	ssyncadd.s32 $0xFFFFE000  }
0xb0: {  	s20 =	smov.u32 s31;
	s31 =	smov.u32 s14;
	s14 =	smov.u32 s11  }
.LBB2_11:
0xb1: {  	p1 =	por p2, !p1  }
0xb2: {  	[tilespmem:s18], [sflag:s16] =	stream.indirect.gather @!p1 [hbm4b:s4+s6], $0x40, s20, s6, $0xb8;
	[tilespmem:$0x15B80] =	vst v63  }
0xb3: {  	s6 =	sadd.s32 $0x1, s19  }
0xb4: {  	_ =	swait.ge [sflag:s6], $0x2000  }
0xb5: {  	[sflag:s6] =	ssyncset.done $0x0  }
0xb6: {  	s7 =	sadd.s32 $0x3B80, s21;
	[sflag:s6] =	ssyncadd.s32 $0xFFFFE000  }
0xb7: {  	[spmem:s2] =	stream.indirect.scatter.add.f32 [tilespmem:s7], [sflag:$0x5], $0x40, s15, s24, $0xb8;
	[tilespmem:$0x15B80] =	vst v63  }
0xb8: {  	s11 =	sadd.s32 $0x4, s14;
	_ =	swait.ge [sflag:s23], $0x2000  }
0xb9: {  	p1 =	sge.u32 s11, s5;
	[sflag:s23] =	ssyncset.done $0x0  }
0xba: {  	s11 =	simm.s32 @!p1 $0x80;
	[sflag:s23] =	ssyncadd.s32 $0xFFFFE000  }
0xbb: {  	[tilespmem:s7], [sflag:s6] =	stream.indirect.gather @!p1 [hbm4b:s4+s11], $0x40, s31, s11, $0xb8;
	[tilespmem:$0x15B80] =	vst v63  }
0xbc: {  	[bflag:$0x0] =	sbarrier.arrive $0xFFFF  }
0xbd: {  	[tilespmem:s22], [sflag:$0x5] =	stream.linear.gather [spmem:s8], $0x2000, $0x38;
	[tilespmem:$0x15B80] =	vst v63  }
0xbe: {  	_ =	swait.ge [sflag:s23], $0x2000  }
0xbf: {  	[sflag:s23] =	ssyncset.done $0x0  }
0xc0: {  	s16 =	rddreg [dreg:$0x9];
	[sflag:s23] =	ssyncadd.s32 $0xFFFFE000  }
0xc1: {  	[hbm4b:s16+s12] =	stream.strided.scatter [tilespmem:s22], [sflag:$0x5], $0x2000, s24, s12, $0x38;
	[tilespmem:$0x15B80] =	vst v63  }
0xc2: {  	_ =	swait.ge [sflag:s23], $0x2000  }
0xc3: {  	[sflag:s23] =	ssyncset.done $0x0  }
0xc4: {  	[sflag:s23] =	ssyncadd.s32 $0xFFFFE000  }
0xc5: {  	[tilespmem:s22], [sflag:$0x5] =	stream.linear.gather [spmem:s9], $0x2000, $0x38;
	[tilespmem:$0x15B80] =	vst v63  }
0xc6: {  	_ =	swait.ge [sflag:s23], $0x2000  }
0xc7: {  	[sflag:s23] =	ssyncset.done $0x0  }
0xc8: {  	s18 =	rddreg [dreg:$0xa];
	[sflag:s23] =	ssyncadd.s32 $0xFFFFE000  }
0xc9: {  	[hbm4b:s18+s12] =	stream.strided.scatter [tilespmem:s22], [sflag:$0x5], $0x2000, s24, s12, $0x38;
	[tilespmem:$0x15B80] =	vst v63  }
0xca: {  	_ =	swait.ge [sflag:s23], $0x2000  }
0xcb: {  	[sflag:s23] =	ssyncset.done $0x0  }
0xcc: {  	[sflag:s23] =	ssyncadd.s32 $0xFFFFE000  }
0xcd: {  	[tilespmem:s22], [sflag:$0x5] =	stream.linear.gather [spmem:s10], $0x2000, $0x38;
	[tilespmem:$0x15B80] =	vst v63  }
0xce: {  	_ =	swait.ge [sflag:s23], $0x2000  }
0xcf: {  	[sflag:s23] =	ssyncset.done $0x0  }
0xd0: {  	s20 =	rddreg [dreg:$0xb];
	[sflag:s23] =	ssyncadd.s32 $0xFFFFE000  }
0xd1: {  	[hbm4b:s20+s12] =	stream.strided.scatter [tilespmem:s22], [sflag:$0x5], $0x2000, s24, s12, $0x38;
	[tilespmem:$0x15B80] =	vst v63  }
0xd2: {  	_ =	swait.ge [sflag:s23], $0x2000  }
0xd3: {  	[sflag:s23] =	ssyncset.done $0x0  }
0xd4: {  	[sflag:s23] =	ssyncadd.s32 $0xFFFFE000  }
0xd5: {  	[tilespmem:s22], [sflag:$0x5] =	stream.linear.gather [spmem:s17], $0x2000, $0x38;
	[tilespmem:$0x15B80] =	vst v63  }
0xd6: {  	_ =	swait.ge [sflag:s23], $0x2000  }
0xd7: {  	[sflag:s23] =	ssyncset.done $0x0  }
0xd8: {  	s21 =	rddreg [dreg:$0xc];
	[sflag:s23] =	ssyncadd.s32 $0xFFFFE000  }
0xd9: {  	[hbm4b:s21+s12] =	stream.strided.scatter [tilespmem:s22], [sflag:$0x5], $0x2000, s24, s12, $0x38;
	[tilespmem:$0x15B80] =	vst v63  }
0xda: {  	_ =	swait.ge [sflag:s23], $0x2000  }
0xdb: {  	[sflag:s23] =	ssyncset.done $0x0  }
0xdc: {  	[sflag:s23] =	ssyncadd.s32 $0xFFFFE000  }
0xdd: {  	[tilespmem:s22], [sflag:$0x5] =	stream.linear.gather [spmem:s25], $0x2000, $0x38;
	[tilespmem:$0x15B80] =	vst v63  }
0xde: {  	_ =	swait.ge [sflag:s23], $0x2000  }
0xdf: {  	s20 =	smov.u32 s17;
	[sflag:s23] =	ssyncset.done $0x0  }
0xe0: {  	s17 =	smov.u32 s25;
	s25 =	rddreg [dreg:$0xd];
	[sflag:s23] =	ssyncadd.s32 $0xFFFFE000  }
0xe1: {  	[hbm4b:s25+s12] =	stream.strided.scatter [tilespmem:s22], [sflag:$0x5], $0x2000, s24, s12, $0x38;
	[tilespmem:$0x15B80] =	vst v63  }
0xe2: {  	_ =	swait.ge [sflag:s23], $0x2000  }
0xe3: {  	s13 =	sadd.s32 $0x1, s13;
	s31 =	rddreg [dreg:$0xe]  }
0xe4: {  	p1 =	sne.s32 s13, s31  }
.Ltmp5:
0xe5: {  	_ = 	snop;
	(pc) =	sbr.rel @p1 .LBB2_1-.Ltmp5, $4  }
.Ltmp6:
0xe6: {  	_ = 	snop;
	(pc) =	sbr.rel @!p1 .LBB2_12-.Ltmp6, $4  }
0xe7: {  	s19 =	smov.u32 s9  }
0xe8: {  	s15 =	simm.s32 $0x100;
	s7 =	smov.u32 s8;
	[sflag:s23] =	ssyncset.done $0x0  }
0xe9: {  	s8 =	smov.u32 s10;
	s18 =	simm.s32 $0x2780;
	[sflag:s23] =	ssyncadd.s32 $0xFFFFE000  }
0xea: {  	_ = 	snop  }
.LBB2_6:
.Ltmp7:
0xeb: {  	(pc) =	sbr.rel .LBB2_11-.Ltmp7, $2  }
0xec: {  	_ =	sdelay $0x2  }
0xed: {  	s15 =	rddreg [dreg:$0x8]  }
.LBB2_8:
.Ltmp8:
0xee: {  	(pc) =	sbr.rel .LBB2_11-.Ltmp8, $2  }
0xef: {  	_ =	sdelay $0x2  }
0xf0: {  	s20 =	simm.s32 $0x1600;
	s31 =	simm.s32 $0x1680;
	s14 =	simm.s32 $0x29  }
.LBB2_12:
0xf1: {  	_ =	sfence.sel $0x180000  }
0xf2: {  	[bflag:$0x0] =	sbarrier.arrive $0xFFFF  }
0xf3: {  	_ =	strace $0x9000004D  }
0xf4: {  	s0 =	stileid.u32;
	[bflag:$0x2] =	sbarrier.arrive $0xFFFF  }
0xf5: {  	p0 =	sne.s32 s0, $0x0;
	s0 =	rddreg [dreg:$0x3]  }
0xf6: {  	s0 =	sadd.s32 @!p0 $0x100000, s0  }
0xf7: {  	[sflag:s0] =	ssyncadd.tile.s32 @!p0 $0x1;
	_ =	shalt  }
.Lfunc_end2:
_tile_overlayer_lowered:
.L_overlay_start_2:
0xf8: {  	(tag) =	ssettag $0x2  }
0xf9: {  	s0 =	rddreg [dreg:$0x0];
	s2 =	stileid.u32  }
0xfa: {  	s1 =	rddreg [dreg:$0x1];
	p0 =	sne.s32 s2, $0x0  }
0xfb: {  	s3 =	rddreg [dreg:$0x2];
	[bflag:$0x3] =	sbarrier.arrive $0xFFFF;
	s2 =	simm.s32 @!p0 $0x1C05  }
0xfc: {  	[timem:s3], [sflag:s2] =	dma.local @!p0 [hbm:s0], s1  }
0xfd: {  	s0 =	simm.s32 @!p0 $0x5  }
0xfe: {  	_ =	swait.ge @!p0 [sflag:s0], s1  }
0xff: {  	s1 =	ssub.s32 @!p0 $0x0, s1;
	[sflag:s0] =	ssyncset.done @!p0 $0x0  }
0x100: {  	[sflag:s0] =	ssyncadd.s32 @!p0 s1  }
0x101: {  	[bflag:$0x3] =	sbarrier.arrive $0xFFFF  }
0x102: {  	_ =	shalt  }

// kernel: kernel.9.cloned.1.call-start
scs
__scs_entry_jumppad:
0x0: {  	(pc) =	sbr.rel $0x88, $3  }
0x1: {  	(tag) =	ssettag $0x0;
	lr =	simm.s32 $0x1  }
0x2: {  	[smem:$0x3F98] =	sst lr;
	_ =	strace $0xD0000000  }
0x3: {  	_ = 	snop  }
0x4: {  	_ = 	snop  }
0x5: {  	_ = 	snop  }
0x6: {  	_ = 	snop  }
0x7: {  	_ = 	snop  }
__scs_overlays_trampoline_lowered:
0x8: {  	[smem:$0x3FA7] =	sst s0  }
0x9: {  	[smem:$0x3FA8] =	sst s1  }
0xa: {  	[smem:$0x3FA9] =	sst s2  }
0xb: {  	[smem:$0x3FAA] =	sst s3  }
0xc: {  	[smem:$0x3FAB] =	sst s4  }
0xd: {  	[smem:$0x3FAC] =	sst s5  }
0xe: {  	[smem:$0x3FAD] =	sst s6  }
0xf: {  	[smem:$0x3FAE] =	sst s7  }
0x10: {  	[smem:$0x3FAF] =	sst s8  }
0x11: {  	[smem:$0x3FB0] =	sst s9;
	s0 =	simm.s32 @!p0 $0x0  }
0x12: {  	s1 =	sld [smem:$0x3F96];
	s0 =	simm.s32 @p0 $0x1  }
0x13: {  	[smem:$0x3FB1] =	sst s0;
	s0 =	simm.s32 @!p1 $0x0  }
0x14: {  	s2 =	sld [smem:$0x3F95];
	s0 =	simm.s32 @p1 $0x1  }
0x15: {  	[smem:$0x3FB2] =	sst s0;
	s0 =	simm.s32 @!p2 $0x0  }
0x16: {  	s3 =	sld [smem:$0x3FDB];
	s0 =	simm.s32 @p2 $0x1  }
0x17: {  	s4 =	simm.s32 $0x1BF5;
	[smem:$0x3FB4] =	sst s0  }
0x18: {  	s0 =	sld [smem:$0x3F97];
	_ =	swait.ge [sflag:s4], $0x0  }
0x19: {  	s7 =	sld [smem:$0x3F98]  }
0x1a: {  	s8 =	sadd.s32 $0xFFFFE003, lr  }
0x1b: {  	s9 =	sadd.s32 $0xFFFFFEF7, lr;
	s5 =	simm.s32 $0xFFFFFFFF;
	p2 =	slt.u32 s8, $0xFFFFF086  }
0x1c: {  	p1 =	slt.u32 s9, $0xF7A;
	s5 =	simm.s32 @!p2 $0x0  }
0x1d: {  	s5 =	simm.s32 @p1 $0x1;
	p0 =	seq.s32 s7, s2  }
0x1e: {  	s7 =	smul.u32 @!p0 $0xF7A, s2;
	p2 =	seq.s32 @!p0 s5, $0x0  }
0x1f: {  	s9 =	smul.u32 $0xF7A, s1;
	s8 =	simm.s32 @!p0 $0x1BF5;
	p2 =	por !p2, p0  }
0x20: {  	[sflag:s8] =	ssyncset.s32 @!p0 $0xFFFFF086;
	s6 =	sadd.s32 @!p0 s3, s7;
	s7 =	simm.s32 @!p0 $0x108  }
0x21: {  	s3 =	sadd.s32 s3, s9;
	s6 =	sadd.s32 @!p0 $0x88, s6;
	s7 =	simm.s32 @p2 $0x1082  }
0x22: {  	[simem:s7], [sflag:s8] =	dma.local @!p0 [hbm:s6], $0xF7A  }
0x23: {  	s9 =	sor.u32 $0xD0000000, s2;
	s6 =	simm.s32 $0x108;
	_ =	swait.ge @!p0 [sflag:s8], $0x0  }
0x24: {  	s3 =	sadd.s32 $0x88, s3;
	s6 =	simm.s32 @!p1 $0x1082;
	[sflag:s4] =	ssyncset.s32 $0xFFFFF086  }
0x25: {  	[simem:s6], [sflag:s4] =	dma.local [hbm:s3], $0xF7A  }
0x26: {  	[smem:$0x3F98] =	sst s1;
	(tag) =	ssettag s2;
	_ =	strace s9  }
0x27: {  	s1 =	sld [smem:$0x3FA8]  }
0x28: {  	s2 =	sld [smem:$0x3FA9]  }
0x29: {  	s4 =	sld [smem:$0x3FAB]  }
0x2a: {  	p0 =	seq.s32 s5, $0x0;
	s5 =	sld [smem:$0x3FAC]  }
0x2b: {  	s6 =	sld [smem:$0x3FAD]  }
0x2c: {  	s7 =	sld [smem:$0x3FAE]  }
0x2d: {  	s3 =	simm.s32 $0x108;
	s8 =	sld [smem:$0x3FAF]  }
0x2e: {  	s3 =	simm.s32 @!p0 $0x1082;
	s9 =	sld [smem:$0x3FB0]  }
0x2f: {  	lr =	sadd.s32 s0, s3;
	s0 =	sld [smem:$0x3FA7]  }
0x30: {  	s3 =	sld [smem:$0x3FAA]  }
0x31: {  	[smem:$0x3FB3] =	sst s10  }
0x32: {  	s10 =	sld [smem:$0x3FB1];
	_ =	sdelay $0x3  }
0x33: {  	p0 =	seq.s32 s10, $0x1;
	s10 =	sld [smem:$0x3FB3];
	_ =	sdelay $0x3  }
0x34: {  	[smem:$0x3FB3] =	sst s10  }
0x35: {  	s10 =	sld [smem:$0x3FB2];
	_ =	sdelay $0x3  }
0x36: {  	p1 =	seq.s32 s10, $0x1;
	s10 =	sld [smem:$0x3FB3];
	_ =	sdelay $0x3  }
0x37: {  	[smem:$0x3FB3] =	sst s10  }
0x38: {  	s10 =	sld [smem:$0x3FB4]  }
0x39: {  	_ = 	snop;
	(pc) =	sbr.ind lr, $3  }
0x3a: {  	_ = 	snop  }
0x3b: {  	_ = 	snop  }
0x3c: {  	p2 =	seq.s32 s10, $0x1;
	s10 =	sld [smem:$0x3FB3]  }
0x3d: {  	_ =	shalt  }
0x3e: {  	_ =	shalt  }
0x3f: {  	_ =	shalt  }
0x40: {  	_ =	shalt  }
0x41: {  	_ =	shalt  }
0x42: {  	_ =	shalt  }
0x43: {  	_ =	shalt  }
0x44: {  	_ =	shalt  }
0x45: {  	_ =	shalt  }
0x46: {  	_ =	shalt  }
0x47: {  	_ =	shalt  }
0x48: {  	_ =	shalt  }
0x49: {  	_ =	shalt  }
0x4a: {  	_ =	shalt  }
0x4b: {  	_ =	shalt  }
0x4c: {  	_ =	shalt  }
0x4d: {  	_ =	shalt  }
0x4e: {  	_ =	shalt  }
0x4f: {  	_ =	shalt  }
0x50: {  	_ =	shalt  }
0x51: {  	_ =	shalt  }
0x52: {  	_ =	shalt  }
0x53: {  	_ =	shalt  }
0x54: {  	_ =	shalt  }
0x55: {  	_ =	shalt  }
0x56: {  	_ =	shalt  }
0x57: {  	_ =	shalt  }
0x58: {  	_ =	shalt  }
0x59: {  	_ =	shalt  }
0x5a: {  	_ =	shalt  }
0x5b: {  	_ =	shalt  }
0x5c: {  	_ =	shalt  }
0x5d: {  	_ =	shalt  }
0x5e: {  	_ =	shalt  }
0x5f: {  	_ =	shalt  }
0x60: {  	_ =	shalt  }
0x61: {  	_ =	shalt  }
0x62: {  	_ =	shalt  }
0x63: {  	_ =	shalt  }
0x64: {  	_ =	shalt  }
0x65: {  	_ =	shalt  }
0x66: {  	_ =	shalt  }
0x67: {  	_ =	shalt  }
0x68: {  	_ =	shalt  }
0x69: {  	_ =	shalt  }
0x6a: {  	_ =	shalt  }
0x6b: {  	_ =	shalt  }
0x6c: {  	_ =	shalt  }
0x6d: {  	_ =	shalt  }
0x6e: {  	_ =	shalt  }
0x6f: {  	_ =	shalt  }
0x70: {  	_ =	shalt  }
0x71: {  	_ =	shalt  }
0x72: {  	_ =	shalt  }
0x73: {  	_ =	shalt  }
0x74: {  	_ =	shalt  }
0x75: {  	_ =	shalt  }
0x76: {  	_ =	shalt  }
0x77: {  	_ =	shalt  }
0x78: {  	_ =	shalt  }
0x79: {  	_ =	shalt  }
0x7a: {  	_ =	shalt  }
0x7b: {  	_ =	shalt  }
0x7c: {  	_ =	shalt  }
0x7d: {  	_ =	shalt  }
0x7e: {  	_ =	shalt  }
0x7f: {  	_ =	shalt  }
0x80: {  	_ =	shalt  }
0x81: {  	_ =	shalt  }
0x82: {  	_ =	shalt  }
0x83: {  	_ =	shalt  }
0x84: {  	_ =	shalt  }
0x85: {  	_ =	shalt  }
0x86: {  	_ =	shalt  }
0x87: {  	_ =	shalt  }
.Lfunc_end0:
.L_simem_size_0:
called_computation_lowered:
.L_overlay_start_0:
0x88: {  	s2 =	sld [smem:$0x3FD9]  }
0x89: {  	s3 =	sld [smem:$0x3FFE];
	_ =	sdelay $0x1  }
0x8a: {  	s1 =	srdreg.scid  }
0x8b: {  	s0 =	sand.u32 $0x1, s1  }
0x8c: {  	s17 =	sshll.u32 s0, $0xA;
	s2 =	sadd.s32 s3, s2  }
0x8d: {  	s2 =	sadd.s32 s2, s17  }
0x8e: {  	[smem:$0x3FBF] =	sst s2  }
0x8f: {  	_ = 	snop  }
0x90: {  	s2 =	sld [smem:$0x3FC8];
	(tm) =	ssettm $0x1  }
0x91: {  	s18 =	sld [smem:$0x3FFB];
	_ =	sdelay $0x3  }
0x92: {  	_ =	strace s18  }
0x93: {  	s3 =	sld [smem:$0x3FFC];
	_ =	sdelay $0x3  }
0x94: {  	_ =	strace s3  }
0x95: {  	s3 =	sld [smem:$0x3FFD];
	_ =	sdelay $0x3  }
0x96: {  	_ =	strace s3  }
0x97: {  	_ =	strace $0x8FFFFFFF  }
0x98: {  	s19 =	sld [smem:$0x3FDB];
	_ =	sdelay $0x1  }
0x99: {  	s4 =	simm.s32 $_scs_section_size  }
0x9a: {  	s5 =	simm.s32 $_size__tile_overlayer_lowered;
	s6 =	simm.s32 $_tile_overlayer_lowered  }
0x9b: {  	s22 =	simm.s32 $0x1BFF;
	s21 =	sshll.u32 s6, $0x1;
	s3 =	sadd.s32 s4, s19  }
0x9c: {  	s7 =	simm.s32 $0x0;
	s20 =	sshll.u32 s5, $0x1;
	s5 =	sadd.s32 s21, s3  }
0x9d: {  	[timem:s7], [sflag:s22] =	dma.local [hbm:s5], s20  }
0x9e: {  	_ =	swait.ge [sflag:s22], s20  }
0x9f: {  	s4 =	ssub.s32 $0x0, s20;
	[sflag:s22] =	ssyncset.done $0x0  }
0xa0: {  	[sflag:s22] =	ssyncadd.s32 s4;
	_ =	sdelay $0x1  }
0xa1: {  	s23 =	simm.s32 $0x1B8B  }
0xa2: {  	_ =	swait.ge [sflag:s23], $0x1  }
0xa3: {  	[sflag:s23] =	ssyncset.done $0x0  }
0xa4: {  	s25 =	simm.s32 $0x1B8E;
	s24 =	sld [smem:$0x3FFE];
	[sflag:s23] =	ssyncadd.s32 $0xFFFFFFFF  }
0xa5: {  	s26 =	simm.s32 $execute0_lowered;
	[smem:$0x3FD2] =	sst s25  }
0xa6: {  	s5 =	sshll.u32 s26, $0x1;
	_ =	strace $0x80000046;
	[dreg:$0x1] =	wrdreg $0xFFFFFFFF  }
0xa7: {  	s28 =	simm.s32 $_size_execute0_lowered;
	s3 =	sadd.s32 s3, s5;
	[dreg:$0x0] =	wrdreg $0x0  }
0xa8: {  	s5 =	sshll.u32 s28, $0x1;
	[dreg:$0x2] =	wrdreg s3  }
0xa9: {  	[dreg:$0x3] =	wrdreg s5  }
0xaa: {  	[dreg:$0x4] =	wrdreg $0xC0  }
0xab: {  	_ =	task [dreg:s7], $0x5FFFF  }
0xac: {  	[dreg:$0x1] =	wrdreg $0xFFFFFFFF  }
0xad: {  	[dreg:$0x0] =	wrdreg $0x60  }
0xae: {  	[dreg:$0x2] =	wrdreg s2  }
0xaf: {  	[dreg:$0x3] =	wrdreg s24  }
0xb0: {  	[dreg:$0x4] =	wrdreg $0x2A800  }
0xb1: {  	[dreg:$0x5] =	wrdreg $0x9  }
0xb2: {  	_ =	task.clear_ibuf [dreg:s7], $0x6FFFF;
	_ =	strace $0x90000046  }
0xb3: {  	s29 =	simm.s32 $0x9;
	_ =	strace $0x80000048  }
0xb4: {  	_ =	swait.ge [sflag:s29], $0x1  }
0xb5: {  	[sflag:s29] =	ssyncadd.s32 $0xFFFFFFFF  }
0xb6: {  	_ =	strace $0x90000048  }
0xb7: {  	_ =	sfence  }
0xb8: {  	s30 =	sld [smem:$0x0];
	_ =	sdelay $0x2  }
0xb9: {  	s31 =	sshll.u32 s1, $0xD;
	s1 =	sshrl.u32 s1, $0x2  }
0xba: {  	s3 =	sand.u32 $0x4000, s31;
	s1 =	sadd.s32 s1, s30  }
0xbb: {  	s0 =	sor.u32 s3, s0;
	s1 =	sshll.u32 s1, $0x11  }
0xbc: {  	s0 =	sor.u32 s1, s0  }
0xbd: {  	s0 =	sadd.s32 $0x8F2B, s0  }
0xbe: {  	[sflag:s0] =	ssyncadd.remote.s32 $0x1  }
0xbf: {  	_ =	sfence.sel $0xFFFF  }
0xc0: {  	[dreg:$0x0] =	wrdreg $0xFFFFFFFF;
	(pc) =	sbr.abs _section_cstart, $3  }
0xc1: {  	[dreg:$0x1] =	wrdreg $0xFFFFFFFF  }
0xc2: {  	_ =	task.clear_ibuf [dreg:s7], $0x2FFFF;
	_ =	strace $0x9FFFFFFF  }
0xc3: {  	(tm) =	ssettm $0x7FFFFFFF  }
tec
execute0_lowered:
.L_overlay_start_1:
0x0: {  	(tag) =	ssettag $0x1  }
0x1: {  	s5 =	rddreg [dreg:$0x0]  }
0x2: {  	s4 =	rddreg [dreg:$0x1]  }
0x3: {  	s2 =	rddreg [dreg:$0x2];
	s3 =	srdreg.scid  }
0x4: {  	s1 =	stileid.u32;
	s0 =	rddreg [dreg:$0x3];
	s12 =	simm.s32 $0x80  }
0x5: {  	s13 =	simm.s32 $0x100;
	s14 =	simm.s32 $0x2780;
	s15 =	simm.s32 $0x0  }
0x6: {  	s6 =	sand.u32 $0x1, s3;
	s7 =	smul.u32 $0x280, s1;
	s3 =	simm.s32 $0x0  }
0x7: {  	s9 =	sshll.u32 s1, $0x1;
	p0 =	slt.u32 s1, $0x2;
	s8 =	smul.u32 $0x2800, s6  }
0x8: {  	[smem:$0x7FF] =	sst s3;
	s9 =	sor.u32 s6, s9;
	s6 =	ssub.s32 $0x2, s6  }
0x9: {  	_ =	strace $0x80000047;
	s10 =	smul.u32 $0x4E, s9;
	s11 =	sshrl.u32 s6, $0x1  }
0xa: {  	s9 =	smin.u32 s9, $0x4;
	s8 =	sadd.s32 s7, s8;
	s31 =	ssub.s32 s6, s11  }
0xb: {  	s11 =	simm.s32 $0x1;
	s8 =	sshrl.u32 s8, $0x3;
	s9 =	sadd.s32 s9, s10  }
0xc: {  	s8 =	sadd.s32 s8, s4;
	s4 =	simm.s32 $0x4F;
	s9 =	sshll.u32 s9, $0x5  }
0xd: {  	s10 =	simm.s32 $0x2800;
	s4 =	simm.s32 @!p0 $0x4E;
	s9 =	sadd.s32 s9, s5  }
0xe: {  	s5 =	sadd.s32 s7, s2;
	s8 =	sadd.s32 $0x2400, s8;
	p0 =	sgt.u32 s1, $0x1  }
0xf: {  	v0 =	vimm.f32 $0.0e+00;
	v1 =	vimm.f32 $1.000000000e+00;
	s6 =	sadd.s32 $0x10, s9;
	s7 =	sadd.s32 $0x9D0, s9;
	s9 =	smax.u32 s31, $0x1  }
.LBB2_1:
0x10: {  	[tilespmem:$0x2800] =	vst v0  }
0x11: {  	[tilespmem:$0x2810] =	vst v0  }
0x12: {  	[tilespmem:$0x2820] =	vst v0  }
0x13: {  	[tilespmem:$0x2830] =	vst v0  }
0x14: {  	[tilespmem:$0x2840] =	vst v0  }
0x15: {  	[tilespmem:$0x2850] =	vst v0  }
0x16: {  	[tilespmem:$0x2860] =	vst v0  }
0x17: {  	[tilespmem:$0x2870] =	vst v0  }
0x18: {  	[tilespmem:$0x2880] =	vst v0  }
0x19: {  	[tilespmem:$0x2890] =	vst v0  }
0x1a: {  	[tilespmem:$0x28A0] =	vst v0  }
0x1b: {  	[tilespmem:$0x28B0] =	vst v0  }
0x1c: {  	[tilespmem:$0x28C0] =	vst v0  }
0x1d: {  	[tilespmem:$0x28D0] =	vst v0  }
0x1e: {  	[tilespmem:$0x28E0] =	vst v0  }
0x1f: {  	[tilespmem:$0x28F0] =	vst v0  }
0x20: {  	[tilespmem:$0x2900] =	vst v0  }
0x21: {  	[tilespmem:$0x2910] =	vst v0  }
0x22: {  	[tilespmem:$0x2920] =	vst v0  }
0x23: {  	[tilespmem:$0x2930] =	vst v0  }
0x24: {  	[tilespmem:$0x2940] =	vst v0  }
0x25: {  	[tilespmem:$0x2950] =	vst v0  }
0x26: {  	[tilespmem:$0x2960] =	vst v0  }
0x27: {  	[tilespmem:$0x2970] =	vst v0  }
0x28: {  	[tilespmem:$0x2980] =	vst v0  }
0x29: {  	[tilespmem:$0x2990] =	vst v0  }
0x2a: {  	[tilespmem:$0x29A0] =	vst v0  }
0x2b: {  	[tilespmem:$0x29B0] =	vst v0  }
0x2c: {  	[tilespmem:$0x29C0] =	vst v0  }
0x2d: {  	[tilespmem:$0x29D0] =	vst v0  }
0x2e: {  	[tilespmem:$0x29E0] =	vst v0  }
0x2f: {  	[tilespmem:$0x29F0] =	vst v0  }
0x30: {  	[tilespmem:$0x2A00] =	vst v0  }
0x31: {  	[tilespmem:$0x2A10] =	vst v0  }
0x32: {  	[tilespmem:$0x2A20] =	vst v0  }
0x33: {  	[tilespmem:$0x2A30] =	vst v0  }
0x34: {  	[tilespmem:$0x2A40] =	vst v0  }
0x35: {  	[tilespmem:$0x2A50] =	vst v0  }
0x36: {  	[tilespmem:$0x2A60] =	vst v0  }
0x37: {  	[tilespmem:$0x2A70] =	vst v0  }
0x38: {  	[tilespmem:$0x2780] =	vst v1  }
0x39: {  	[tilespmem:$0x2790] =	vst v1  }
0x3a: {  	[tilespmem:$0x27A0] =	vst v1  }
0x3b: {  	[tilespmem:$0x27B0] =	vst v1  }
0x3c: {  	[tilespmem:$0x27C0] =	vst v1  }
0x3d: {  	[tilespmem:$0x27D0] =	vst v1  }
0x3e: {  	[tilespmem:$0x27E0] =	vst v1  }
0x3f: {  	[tilespmem:$0x27F0] =	vst v1  }
0x40: {  	[spmem:s5] =	stream.linear.scatter [tilespmem:s10], [sflag:$0x1], $0x280, $0x38;
	[tilespmem:$0x2D00] =	vst v63  }
0x41: {  	_ =	swait.ge [sflag:s11], $0x280  }
0x42: {  	[sflag:s11] =	ssyncset.done $0x0  }
0x43: {  	[sflag:s11] =	ssyncadd.s32 $0xFFFFFD80  }
0x44: {  	[tilespmem:s3], [sflag:$0x1] =	stream.strided.gather [hbm4b:s6+s12], $0x2700, s13, s12, $0x38;
	[tilespmem:$0x2D00] =	vst v63  }
0x45: {  	_ =	swait.ge [sflag:s11], $0x2700  }
0x46: {  	[sflag:s11] =	ssyncset.done $0x0  }
0x47: {  	s16 =	simm.s32 @!p0 $0x0;
	s17 =	simm.s32 @!p0 $0x2700;
	[sflag:s11] =	ssyncadd.s32 $0xFFFFD900  }
0x48: {  	[tilespmem:s17], [sflag:$0x1] =	stream.linear.gather @!p0 [hbm4b:s7+s16], $0x80, $0x38;
	[tilespmem:$0x2D00] =	vst v63  }
0x49: {  	s16 =	simm.s32 @!p0 $0x1  }
0x4a: {  	_ =	swait.ge @!p0 [sflag:s16], $0x80  }
0x4b: {  	p1 =	sne.s32 s4, $0x1;
	[sflag:s16] =	ssyncset.done @!p0 $0x0  }
.Ltmp0:
0x4c: {  	[sflag:s16] =	ssyncadd.s32 @!p0 $0xFFFFFF80;
	(pc) =	sbr.rel @!p1 .LBB2_3-.Ltmp0, $4  }
0x4d: {  	[bflag:$0x0] =	sbarrier.arrive $0xFFFF  }
0x4e: {  	[spmem:s2] =	stream.indirect.scatter.add.f32 [tilespmem:s14], [sflag:$0x1], $0x1, s3, s12, $0xb8;
	[tilespmem:$0x2D00] =	vst v63  }
0x4f: {  	_ =	swait.ge [sflag:s11], $0x80  }
0x50: {  	s17 =	simm.s32 $0x0;
	s16 =	sadd.s32 $0xFFFFFFFF, s4;
	[sflag:s11] =	ssyncset.done $0x0  }
.LBB2_2:
0x51: {  	p1 =	sne.s32 s16, $0x1;
	[sflag:s11] =	ssyncadd.s32 $0xFFFFFF80;
	s17 =	sadd.s32 $0x80, s17  }
.Ltmp1:
0x52: {  	s16 =	sadd.s32 $0xFFFFFFFF, s16;
	(pc) =	sbr.rel @p1 .LBB2_2-.Ltmp1, $4  }
0x53: {  	_ = 	snop  }
0x54: {  	[spmem:s2] =	stream.indirect.scatter.add.f32 [tilespmem:s14], [sflag:$0x1], $0x1, s17, s12, $0xb8;
	[tilespmem:$0x2D00] =	vst v63  }
0x55: {  	_ =	swait.ge [sflag:s11], $0x80  }
0x56: {  	[sflag:s11] =	ssyncset.done $0x0  }
.LBB2_3:
0x57: {  	[sflag:s11] =	ssyncadd.s32 $0xFFFFFF80  }
0x58: {  	[bflag:$0x0] =	sbarrier.arrive $0xFFFF  }
0x59: {  	[tilespmem:s10], [sflag:$0x1] =	stream.linear.gather [spmem:s5], $0x280, $0x38;
	[tilespmem:$0x2D00] =	vst v63  }
0x5a: {  	s15 =	sadd.s32 $0x1, s15;
	_ =	swait.ge [sflag:s11], $0x280  }
0x5b: {  	p1 =	sne.s32 s15, s9;
	[sflag:s11] =	ssyncset.done $0x0  }
.Ltmp2:
0x5c: {  	[sflag:s11] =	ssyncadd.s32 $0xFFFFFD80;
	(pc) =	sbr.rel @p1 .LBB2_1-.Ltmp2, $4  }
0x5d: {  	[hbm4b:s8+s3] =	stream.linear.scatter [tilespmem:s10], [sflag:$0x1], $0x280, $0x38;
	[tilespmem:$0x2D00] =	vst v63  }
0x5e: {  	_ =	swait.ge [sflag:s11], $0x280  }
0x5f: {  	[sflag:s11] =	ssyncset.done $0x0  }
0x60: {  	[sflag:s11] =	ssyncadd.s32 $0xFFFFFD80  }
0x61: {  	_ =	sfence.sel $0x180000  }
0x62: {  	[bflag:$0x0] =	sbarrier.arrive $0xFFFF  }
0x63: {  	p0 =	sne.s32 s1, $0x0;
	_ =	strace $0x90000047  }
0x64: {  	s0 =	sadd.s32 @!p0 $0x100000, s0;
	[bflag:$0x2] =	sbarrier.arrive $0xFFFF  }
0x65: {  	[sflag:s0] =	ssyncadd.tile.s32 @!p0 $0x1;
	_ =	shalt  }
.Lfunc_end2:
_tile_overlayer_lowered:
.L_overlay_start_2:
0x66: {  	(tag) =	ssettag $0x2  }
0x67: {  	s0 =	rddreg [dreg:$0x0];
	s2 =	stileid.u32  }
0x68: {  	s1 =	rddreg [dreg:$0x1];
	p0 =	sne.s32 s2, $0x0  }
0x69: {  	s3 =	rddreg [dreg:$0x2];
	[bflag:$0x3] =	sbarrier.arrive $0xFFFF;
	s2 =	simm.s32 @!p0 $0x1C01  }
0x6a: {  	[timem:s3], [sflag:s2] =	dma.local @!p0 [hbm:s0], s1  }
0x6b: {  	s0 =	simm.s32 @!p0 $0x1  }
0x6c: {  	_ =	swait.ge @!p0 [sflag:s0], s1  }
0x6d: {  	s1 =	ssub.s32 @!p0 $0x0, s1;
	[sflag:s0] =	ssyncset.done @!p0 $0x0  }
0x6e: {  	[sflag:s0] =	ssyncadd.s32 @!p0 s1  }
0x6f: {  	[bflag:$0x3] =	sbarrier.arrive $0xFFFF  }
0x70: {  	_ =	shalt  }

</sc_bundles>
